<compile_context>
chip_gen: v7x
topology: tpu7x:2x2x1
jax: 0.10.2.dev20260603
libtpu: 0.0.44.dev20260713+nightly
codegen_flags: <defaults>
</compile_context>

<pallas_src>
import functools
import math

import jax
import jax.numpy as jnp
from jax import lax
from jax.experimental import pallas as pl
from jax.experimental.pallas import tpu as pltpu
from jax.experimental.pallas import tpu_sc as plsc

N = 10000
E = 320000
D = 128
B = 8
A = 32
H = 8
DH = D // H

NC = 2
NS = 16
NW = NC * NS
EW = E // NW
K = 80
NCHUNK = EW // K
NP = 10240
RPT = NP // NS



_SC_MESH = plsc.VectorSubcoreMesh(core_axis_name="c", subcore_axis_name="s")


def _make_spmm(W):
    @functools.partial(
        pl.kernel, mesh=_SC_MESH,
        out_type=jax.ShapeDtypeStruct((NC, NP, W), jnp.float32),
        scratch_types=[
            pltpu.VMEM_SHARED((NP, W), jnp.float32),
            pltpu.VMEM((EW,), jnp.int32),
            pltpu.VMEM((EW,), jnp.int32),
            pltpu.VMEM((K, W), jnp.float32),
            pltpu.VMEM((K, W), jnp.float32),
            pltpu.SemaphoreType.DMA,
            pltpu.SemaphoreType.DMA,
        ])
    def spmm(x_hbm, src_hbm, dst_hbm, zrow_hbm, out_hbm,
             acc_sh, srcv, dstv, rows0, rows1, sem0, sem1):
        cid = lax.axis_index("c")
        sid = lax.axis_index("s")
        row0 = sid * RPT
        pltpu.sync_copy(zrow_hbm, acc_sh.at[pl.ds(row0, RPT)])
        base = pl.multiple_of((cid * NS + sid) * EW, 8)
        pltpu.sync_copy(src_hbm.at[pl.ds(base, EW)], srcv)
        pltpu.sync_copy(dst_hbm.at[pl.ds(base, EW)], dstv)
        plsc.subcore_barrier()

        pltpu.async_copy(x_hbm.at[srcv.at[pl.ds(0, K)]], rows0, sem0)

        def body(j, carry):
            c = 2 * j
            pltpu.make_async_copy(
                x_hbm.at[srcv.at[pl.ds(c * K, K)]], rows0, sem0).wait()
            pltpu.async_copy(
                x_hbm.at[srcv.at[pl.ds((c + 1) * K, K)]], rows1, sem1)
            pltpu.sync_copy(rows0, acc_sh.at[dstv.at[pl.ds(c * K, K)]],
                            add=True)
            pltpu.make_async_copy(
                x_hbm.at[srcv.at[pl.ds((c + 1) * K, K)]], rows1,
                sem1).wait()
            pltpu.async_copy(
                x_hbm.at[srcv.at[pl.ds((c + 2) * K, K)]], rows0, sem0)
            pltpu.sync_copy(rows1,
                            acc_sh.at[dstv.at[pl.ds((c + 1) * K, K)]],
                            add=True)
            return carry

        lax.fori_loop(0, (NCHUNK - 1) // 2, body, 0)
        c_last = NCHUNK - 1
        pltpu.make_async_copy(
            x_hbm.at[srcv.at[pl.ds(c_last * K, K)]], rows0, sem0).wait()
        pltpu.sync_copy(rows0, acc_sh.at[dstv.at[pl.ds(c_last * K, K)]],
                        add=True)
        plsc.subcore_barrier()
        pltpu.sync_copy(acc_sh.at[pl.ds(row0, RPT)],
                        out_hbm.at[cid, pl.ds(row0, RPT)])

    return spmm


_sc_spmm = _make_spmm(D)


@functools.partial(
    pl.kernel, mesh=_SC_MESH,
    out_type=jax.ShapeDtypeStruct((NC, NP, D), jnp.float32),
    scratch_types=[
        pltpu.VMEM_SHARED((NP, D), jnp.float32),
        pltpu.VMEM((EW,), jnp.int32),
        pltpu.VMEM((K, D), jnp.float32),
    ])
def _sc_deg(dst_hbm, zrow_hbm, ones_hbm, out_hbm, acc_sh, dstv, ones_v):
    cid = lax.axis_index("c")
    sid = lax.axis_index("s")
    row0 = sid * RPT
    pltpu.sync_copy(zrow_hbm, acc_sh.at[pl.ds(row0, RPT)])
    pltpu.sync_copy(ones_hbm, ones_v)
    base = pl.multiple_of((cid * NS + sid) * EW, 8)
    pltpu.sync_copy(dst_hbm.at[pl.ds(base, EW)], dstv)
    plsc.subcore_barrier()

    def body(i, carry):
        pltpu.sync_copy(ones_v, acc_sh.at[dstv.at[pl.ds(i * K, K)]],
                        add=True)
        return carry

    lax.fori_loop(0, NCHUNK, body, 0)
    plsc.subcore_barrier()
    pltpu.sync_copy(acc_sh.at[pl.ds(row0, RPT)],
                    out_hbm.at[cid, pl.ds(row0, RPT)])


def _sc_aggregate(x, src, dst):
    zrow = jnp.zeros((RPT, D), jnp.float32)
    return _sc_spmm(x, src, dst, zrow)


def _sc_degree(dst):
    zrow = jnp.zeros((RPT, D), jnp.float32)
    ones = jnp.ones((K, D), jnp.float32)
    return _sc_deg(dst, zrow, ones)



_ROWS = 1000
_GRID = N // _ROWS


def _views_body(a_ref, d_ref, we_ref, be_ref, v0_ref, v1_ref, v2_ref):
    s = a_ref[0] + a_ref[1]
    deg = jnp.maximum(d_ref[0, :, 0:1] + d_ref[1, :, 0:1], 1.0)
    agg = s / deg
    outs = (v0_ref, v1_ref, v2_ref)
    for i in range(3):
        vi = jnp.dot(agg, we_ref[i], preferred_element_type=jnp.float32)
        outs[i][...] = jax.nn.relu(vi + be_ref[i:i + 1, :])


def _tc_views(agg_parts, deg_parts, W_e, b_e):
    return pl.pallas_call(
        _views_body,
        grid=(_GRID,),
        in_specs=[
            pl.BlockSpec((NC, _ROWS, D), lambda i: (0, i, 0)),
            pl.BlockSpec((NC, _ROWS, D), lambda i: (0, i, 0)),
            pl.BlockSpec((3, D, D), lambda i: (0, 0, 0)),
            pl.BlockSpec((3, D), lambda i: (0, 0)),
        ],
        out_specs=[pl.BlockSpec((_ROWS, D), lambda i: (i, 0))] * 3,
        out_shape=[jax.ShapeDtypeStruct((N, D), jnp.float32)] * 3,
    )(agg_parts, deg_parts, W_e, b_e)



def _hs_body(m0_ref, m1_ref, m2_ref, d_ref, wa_ref, ba_ref, q_ref,
             h_ref, s_ref):
    deg = jnp.maximum(d_ref[0, :, 0:1] + d_ref[1, :, 0:1], 1.0)
    scale = 1.0 / math.sqrt(D)
    hs = []
    ss = []
    for m_ref in (m0_ref, m1_ref, m2_ref):
        mi = (m_ref[0] + m_ref[1]) / deg
        hi = jax.nn.relu(
            jnp.dot(mi, wa_ref[...], preferred_element_type=jnp.float32)
            + ba_ref[...])
        si = lax.dot_general(hi, q_ref[...], (((1,), (1,)), ((), ())),
                             preferred_element_type=jnp.float32) * scale
        hs.append(hi)
        ss.append(si)
    h_ref[...] = jnp.concatenate(hs, axis=1)
    s_ref[...] = jnp.concatenate(ss, axis=1)


def _tc_hs(m_parts, deg_parts, W_a, b_a, Q):
    return pl.pallas_call(
        _hs_body,
        grid=(_GRID,),
        in_specs=[
            pl.BlockSpec((NC, _ROWS, D), lambda i: (0, i, 0)),
            pl.BlockSpec((NC, _ROWS, D), lambda i: (0, i, 0)),
            pl.BlockSpec((NC, _ROWS, D), lambda i: (0, i, 0)),
            pl.BlockSpec((NC, _ROWS, D), lambda i: (0, i, 0)),
            pl.BlockSpec((D, D), lambda i: (0, 0)),
            pl.BlockSpec((1, D), lambda i: (0, 0)),
            pl.BlockSpec((A, D), lambda i: (0, 0)),
        ],
        out_specs=[
            pl.BlockSpec((_ROWS, 3 * D), lambda i: (i, 0)),
            pl.BlockSpec((_ROWS, 3 * A), lambda i: (i, 0)),
        ],
        out_shape=[
            jax.ShapeDtypeStruct((N, 3 * D), jnp.float32),
            jax.ShapeDtypeStruct((N, 3 * A), jnp.float32),
        ],
    )(m_parts[0], m_parts[1], m_parts[2], deg_parts, W_a, b_a, Q)



def _smax_body(s_ref, b_ref, smax_ref):
    i = pl.program_id(0)
    s = s_ref[...]
    bid = b_ref[...]
    gids = lax.broadcasted_iota(jnp.int32, (_ROWS, B), 1)
    onehot = bid == gids
    neg_inf = jnp.float32(-jnp.inf)
    rows = []
    for g in range(B):
        mg = onehot[:, g:g + 1]
        rows.append(jnp.max(jnp.where(mg, s, neg_inf), axis=0, keepdims=True))
    blockmax = jnp.concatenate(rows, axis=0)
    prev = jnp.where(i == 0, neg_inf, smax_ref[...])
    smax_ref[...] = jnp.maximum(prev, blockmax)


def _tc_smax(s, batch2d):
    return pl.pallas_call(
        _smax_body,
        grid=(_GRID,),
        in_specs=[
            pl.BlockSpec((_ROWS, 3 * A), lambda i: (i, 0)),
            pl.BlockSpec((_ROWS, 1), lambda i: (i, 0)),
        ],
        out_specs=pl.BlockSpec((B, 3 * A), lambda i: (0, 0)),
        out_shape=jax.ShapeDtypeStruct((B, 3 * A), jnp.float32),
    )(s, batch2d)


def _pool_body(h_ref, s_ref, b_ref, smax_ref, sub_ref, den_scr, num_scr):
    i = pl.program_id(0)
    smax = smax_ref[...]
    smax = jnp.where(jnp.isfinite(smax), smax, 0.0)
    h = h_ref[...]
    s = s_ref[...]
    bid = b_ref[...]
    gids = lax.broadcasted_iota(jnp.int32, (_ROWS, B), 1)
    onehot = (bid == gids).astype(jnp.float32)
    sb = jnp.dot(onehot, smax, preferred_element_type=jnp.float32)
    w = jnp.exp(s - sb)
    dprev = jnp.where(i == 0, 0.0, den_scr[...])
    den_scr[...] = dprev + lax.dot_general(
        onehot, w, (((0,), (0,)), ((), ())),
        preferred_element_type=jnp.float32)
    for g in range(B):
        wg = w * onehot[:, g:g + 1]
        c = lax.dot_general(wg, h, (((0,), (0,)), ((), ())),
                            preferred_element_type=jnp.float32)
        nprev = jnp.where(i == 0, 0.0, num_scr[g])
        num_scr[g] = nprev + c

    @pl.when(i == _GRID - 1)
    def _():
        den = den_scr[...]
        total = jnp.zeros((B, A, D), jnp.float32)
        for v in range(3):
            numv = num_scr[:, A * v:A * (v + 1), D * v:D * (v + 1)]
            denv = den[:, A * v:A * (v + 1)]
            total = total + numv / (denv[:, :, None] + 1e-9)
        sub_ref[...] = total


def _tc_pool(h, s, batch2d, smax):
    return pl.pallas_call(
        _pool_body,
        grid=(_GRID,),
        in_specs=[
            pl.BlockSpec((_ROWS, 3 * D), lambda i: (i, 0)),
            pl.BlockSpec((_ROWS, 3 * A), lambda i: (i, 0)),
            pl.BlockSpec((_ROWS, 1), lambda i: (i, 0)),
            pl.BlockSpec((B, 3 * A), lambda i: (0, 0)),
        ],
        out_specs=pl.BlockSpec((B, A, D), lambda i: (0, 0, 0)),
        out_shape=jax.ShapeDtypeStruct((B, A, D), jnp.float32),
        scratch_shapes=[
            pltpu.VMEM((B, 3 * A), jnp.float32),
            pltpu.VMEM((B, 3 * A, 3 * D), jnp.float32),
        ],
    )(h, s, batch2d, smax)



def _attend(cls_q, cls_kv, slots_flat, wq, wk, wv, wo, hsel, rsel):
    scale = 1.0 / math.sqrt(DH)
    q = jnp.dot(cls_q, wq, preferred_element_type=jnp.float32)
    kc = jnp.dot(cls_kv, wk, preferred_element_type=jnp.float32)
    vc = jnp.dot(cls_kv, wv, preferred_element_type=jnp.float32)
    ks = jnp.dot(slots_flat, wk, preferred_element_type=jnp.float32)
    vs = jnp.dot(slots_flat, wv, preferred_element_type=jnp.float32)
    qrep = jnp.dot(rsel, q, preferred_element_type=jnp.float32)
    lc = jnp.dot(q * kc, hsel, preferred_element_type=jnp.float32) * scale
    ls = jnp.dot(qrep * ks, hsel, preferred_element_type=jnp.float32) * scale
    rows = []
    for g in range(B):
        rows.append(jnp.max(ls[A * g:A * (g + 1), :], axis=0, keepdims=True))
    m_slots = jnp.concatenate(rows, axis=0)
    m = jnp.maximum(m_slots, lc)
    wc = jnp.exp(lc - m)
    mrep = jnp.dot(rsel, m, preferred_element_type=jnp.float32)
    ws = jnp.exp(ls - mrep)
    den = wc + lax.dot_general(rsel, ws, (((0,), (0,)), ((), ())),
                               preferred_element_type=jnp.float32)
    hselt_ws = jnp.dot(ws, hsel.T, preferred_element_type=jnp.float32)
    p = hselt_ws * vs
    o_slots = lax.dot_general(rsel, p, (((0,), (0,)), ((), ())),
                              preferred_element_type=jnp.float32)
    o = (jnp.dot(wc, hsel.T, preferred_element_type=jnp.float32) * vc
         + o_slots) / jnp.dot(den, hsel.T, preferred_element_type=jnp.float32)
    return jnp.dot(o, wo, preferred_element_type=jnp.float32)


def _mha_body(s1_ref, s2_ref, wq_ref, wk_ref, wv_ref, wo_ref,
              o1_ref, o2_ref):
    s1 = s1_ref[...]
    s2 = s2_ref[...]
    f1 = s1.reshape(B * A, D)
    f2 = s2.reshape(B * A, D)
    rsel = (lax.broadcasted_iota(jnp.int32, (B * A, B), 0) // A
            == lax.broadcasted_iota(jnp.int32, (B * A, B), 1)
            ).astype(jnp.float32)
    hsel = (lax.broadcasted_iota(jnp.int32, (D, H), 0) // DH
            == lax.broadcasted_iota(jnp.int32, (D, H), 1)
            ).astype(jnp.float32)
    sum1 = lax.dot_general(rsel, f1, (((0,), (0,)), ((), ())),
                           preferred_element_type=jnp.float32)
    sum2 = lax.dot_general(rsel, f2, (((0,), (0,)), ((), ())),
                           preferred_element_type=jnp.float32)
    cls1 = sum1 - sum2
    cls2 = -cls1
    wq = wq_ref[...]
    wk = wk_ref[...]
    wv = wv_ref[...]
    wo = wo_ref[...]
    o1_ref[...] = _attend(cls1, cls2, f2, wq, wk, wv, wo, hsel, rsel)
    o2_ref[...] = _attend(cls2, cls1, f1, wq, wk, wv, wo, hsel, rsel)


def _tc_mha(sub1, sub2, Wq, Wk, Wv, Wo):
    return pl.pallas_call(
        _mha_body,
        out_shape=[jax.ShapeDtypeStruct((B, D), jnp.float32)] * 2,
    )(sub1, sub2, Wq, Wk, Wv, Wo)



def _encode_align(x, edge_index, batch, W_e, b_e, W_a, b_a, Q, token):
    src = edge_index[0]
    dst = edge_index[1]
    dst, _ = lax.optimization_barrier((dst, token))
    deg_parts = _sc_degree(dst)
    x, _ = lax.optimization_barrier((x, deg_parts))
    agg_parts = _sc_aggregate(x, src, dst)
    v0, v1, v2 = _tc_views(agg_parts, deg_parts, W_e, b_e)
    m_parts = []
    prev = v0
    for v in (v0, v1, v2):
        v, _ = lax.optimization_barrier((v, prev))
        prev = _sc_aggregate(v, src, dst)
        m_parts.append(prev)
    h, s = _tc_hs(m_parts, deg_parts, W_a, b_a.reshape(1, D), Q)
    batch2d = batch.reshape(N, 1)
    smax = _tc_smax(s, batch2d)
    return _tc_pool(h, s, batch2d, smax), prev


def kernel(x1, edge_index1, batch1, x2, edge_index2, batch2,
           W_e1, b_e1, W_a1, b_a1, Q1,
           W_e2, b_e2, W_a2, b_a2, Q2,
           Wq, Wk, Wv, Wo):
    token = jnp.zeros((8, 128), jnp.float32)
    sub1, token = _encode_align(x1, edge_index1, batch1,
                                W_e1, b_e1, W_a1, b_a1, Q1, token)
    sub2, _ = _encode_align(x2, edge_index2, batch2,
                            W_e2, b_e2, W_a2, b_a2, Q2, token)
    out1, out2 = _tc_mha(sub1, sub2, Wq, Wk, Wv, Wo)
    return out1, out2

# --- scband reference (transcript-rebuilt; emitter-appended) ---
"""Pipeline reference for scband-my-model-5403068858794 (READ-ONLY COPY).

The authoritative reference and input builder live on the scoring server;
editing this copy changes nothing except your own understanding.
"""

import jax, jax.numpy as jnp
import numpy as np

N = 10000
E = 320000
D = 128
B = 8
A = 32
H = 8


def mean_agg(x, edge_index):
    src = edge_index[0]
    dst = edge_index[1]
    agg = jax.ops.segment_sum(x[src], dst, num_segments=x.shape[0])
    deg = jax.ops.segment_sum(jnp.ones((src.shape[0],), x.dtype), dst, num_segments=x.shape[0])
    return agg / jnp.maximum(deg, 1.0)[:, None]


def simple_align(x, edge_index, batch, W, b, Q):
    # one GNN pass (mean neighbor aggregation) + linear, then attention pooling
    # onto A learned query slots per graph (segment softmax over nodes).
    m = mean_agg(x, edge_index)
    h = jax.nn.relu(m @ W + b)
    scores = (h @ Q.T) / jnp.sqrt(jnp.asarray(h.shape[-1], jnp.float32))  # [N, A]
    smax = jax.ops.segment_max(scores, batch, num_segments=B)  # [B, A]
    smax = jnp.where(jnp.isfinite(smax), smax, 0.0)
    w = jnp.exp(scores - smax[batch])  # [N, A]
    denom = jax.ops.segment_sum(w, batch, num_segments=B)  # [B, A]
    num = jax.ops.segment_sum(w[:, :, None] * h[:, None, :], batch, num_segments=B)  # [B, A, D]
    return num / (denom[:, :, None] + 1e-9)


def encode_and_align(x, edge_index, batch, W_e, b_e, W_a, b_a, Q):
    # SubEncoder: mean-aggregate once, produce 3 subgraph feature views; each
    # view is aligned to [B, A, D] and the three aligned views are summed.
    agg = mean_agg(x, edge_index)
    sub = jnp.zeros((B, A, D), jnp.float32)
    for i in range(3):
        v = jax.nn.relu(agg @ W_e[i] + b_e[i])
        sub = sub + simple_align(v, edge_index, batch, W_a, b_a, Q)
    return sub


def mha(q_in, kv_in, Wq, Wk, Wv, Wo):
    Bq, Lq, d = q_in.shape
    Lk = kv_in.shape[1]
    dh = d // H
    q = (q_in @ Wq).reshape(Bq, Lq, H, dh).transpose(0, 2, 1, 3)
    k = (kv_in @ Wk).reshape(Bq, Lk, H, dh).transpose(0, 2, 1, 3)
    v = (kv_in @ Wv).reshape(Bq, Lk, H, dh).transpose(0, 2, 1, 3)
    att = jax.nn.softmax(jnp.einsum('bhqd,bhkd->bhqk', q, k) / jnp.sqrt(jnp.asarray(dh, jnp.float32)), axis=-1)
    o = jnp.einsum('bhqk,bhkd->bhqd', att, v).transpose(0, 2, 1, 3).reshape(Bq, Lq, d)
    return o @ Wo


def setup_inputs(seed: int = 0) -> dict:
    key = jax.random.key(seed)
    ks = jax.random.split(key, 20)
    s = 0.05
    inp = {}
    inp['x1'] = jax.random.normal(ks[0], (N, D), jnp.float32)
    inp['edge_index1'] = jax.random.randint(ks[1], (2, E), 0, N)
    inp['batch1'] = jnp.sort(jax.random.randint(ks[2], (N,), 0, B))
    inp['x2'] = jax.random.normal(ks[3], (N, D), jnp.float32)
    inp['edge_index2'] = jax.random.randint(ks[4], (2, E), 0, N)
    inp['batch2'] = jnp.sort(jax.random.randint(ks[5], (N,), 0, B))
    inp['W_e1'] = jax.random.normal(ks[6], (3, D, D), jnp.float32) * s
    inp['b_e1'] = jnp.zeros((3, D), jnp.float32)
    inp['W_a1'] = jax.random.normal(ks[7], (D, D), jnp.float32) * s
    inp['b_a1'] = jnp.zeros((D,), jnp.float32)
    inp['Q1'] = jax.random.normal(ks[8], (A, D), jnp.float32) * s
    inp['W_e2'] = jax.random.normal(ks[9], (3, D, D), jnp.float32) * s
    inp['b_e2'] = jnp.zeros((3, D), jnp.float32)
    inp['W_a2'] = jax.random.normal(ks[10], (D, D), jnp.float32) * s
    inp['b_a2'] = jnp.zeros((D,), jnp.float32)
    inp['Q2'] = jax.random.normal(ks[11], (A, D), jnp.float32) * s
    inp['Wq'] = jax.random.normal(ks[12], (D, D), jnp.float32) * s
    inp['Wk'] = jax.random.normal(ks[13], (D, D), jnp.float32) * s
    inp['Wv'] = jax.random.normal(ks[14], (D, D), jnp.float32) * s
    inp['Wo'] = jax.random.normal(ks[15], (D, D), jnp.float32) * s
    return inp


def reference(x1, edge_index1, batch1, x2, edge_index2, batch2,
              W_e1, b_e1, W_a1, b_a1, Q1,
              W_e2, b_e2, W_a2, b_a2, Q2,
              Wq, Wk, Wv, Wo):
    sub1 = encode_and_align(x1, edge_index1, batch1, W_e1, b_e1, W_a1, b_a1, Q1)
    sub2 = encode_and_align(x2, edge_index2, batch2, W_e2, b_e2, W_a2, b_a2, Q2)
    cls1 = jnp.sum(sub1, axis=1, keepdims=True) - jnp.sum(sub2, axis=1, keepdims=True)
    cls2 = -cls1
    s1 = jnp.concatenate([cls1, sub1], axis=1)
    s2 = jnp.concatenate([cls2, sub2], axis=1)
    out1 = mha(s1, s2, Wq, Wk, Wv, Wo)
    out2 = mha(s2, s1, Wq, Wk, Wv, Wo)
    return out1[:, 0, :], out2[:, 0, :]

if __name__ == "__main__":
    import jax
    _d = setup_inputs()
    print(jax.jit(kernel)(*tuple(_d.values())))

</pallas_src>

<mosaic_0001>
#map = affine_map<(d0, d1) -> (0, 0)>
#map1 = affine_map<(d0, d1) -> (0)>
#map2 = affine_map<(d0, d1) -> (0, 0, 0)>
module attributes {stable_mosaic.version = 14 : i64} {
  func.func @spmm(%arg0: i32, %arg1: i32, %arg2: memref<10000x128xf32, #tpu.memory_space<hbm>>, %arg3: memref<320000xi32, #tpu.memory_space<hbm>>, %arg4: memref<320000xi32, #tpu.memory_space<hbm>>, %arg5: memref<640x128xf32, #tpu.memory_space<hbm>>, %arg6: memref<2x10240x128xf32, #tpu.memory_space<hbm>>, %arg7: memref<10240x128xf32, #tpu.memory_space<vmem_shared>>, %arg8: memref<10000xi32, #tpu.memory_space<vmem>>, %arg9: memref<10000xi32, #tpu.memory_space<vmem>>, %arg10: memref<80x128xf32, #tpu.memory_space<vmem>>, %arg11: memref<80x128xf32, #tpu.memory_space<vmem>>, %arg12: memref<!tpu.dma_semaphore, #tpu.memory_space<semaphore_mem>>, %arg13: memref<!tpu.dma_semaphore, #tpu.memory_space<semaphore_mem>>) attributes {dimension_semantics = [#tpu.dimension_semantics<core_parallel>, #tpu.dimension_semantics<subcore_parallel>], iteration_bounds = array<i64: 2, 16>, scalar_prefetch = 0 : i64, scratch_operands = 7 : i64, tpu.core_type = #tpu.core_type<sc_vector_subcore>, window_params = [{transform_indices = #map}, {transform_indices = #map1}, {transform_indices = #map1}, {transform_indices = #map}, {transform_indices = #map2}]} {
    %mul3A = arith.constant 640 : i32
    %mul3A_0 = arith.muli %arg1, %mul3A : i32
    "tpu.region"() ({
      %run_scoped3A = tpu.sem_alloc : memref<!tpu.dma_semaphore, #tpu.memory_space<semaphore_mem>>
      %dma_start3A_19 = arith.constant 0 : i32
      %dma_start3A_20 = tpu.memref_slice %arg7[%mul3A_0, %dma_start3A_19] : memref<10240x128xf32, #tpu.memory_space<vmem_shared>> -> memref<640x128xf32, #tpu.memory_space<vmem_shared>>
      tpu.enqueue_dma source(%arg5 : memref<640x128xf32, #tpu.memory_space<hbm>>) target(%dma_start3A_20 : memref<640x128xf32, #tpu.memory_space<vmem_shared>>) target_semaphore(%run_scoped3A : memref<!tpu.dma_semaphore, #tpu.memory_space<semaphore_mem>>)
      %dma_wait3A_21 = arith.constant 0 : i32
      %dma_wait3A_22 = tpu.memref_slice %arg7[%mul3A_0, %dma_wait3A_21] : memref<10240x128xf32, #tpu.memory_space<vmem_shared>> -> memref<640x128xf32, #tpu.memory_space<vmem_shared>>
      tpu.wait_dma2 semaphore(%run_scoped3A : memref<!tpu.dma_semaphore, #tpu.memory_space<semaphore_mem>>) src(%arg5 : memref<640x128xf32, #tpu.memory_space<hbm>>) dst(%dma_wait3A_22 : memref<640x128xf32, #tpu.memory_space<vmem_shared>>)
      tpu.yield
    }) : () -> ()
    %mul3A_1 = arith.constant 16 : i32
    %mul3A_2 = arith.muli %arg0, %mul3A_1 : i32
    %add3A = arith.addi %mul3A_2, %arg1 : i32
    %mul3A_3 = arith.constant 10000 : i32
    %mul3A_4 = arith.muli %add3A, %mul3A_3 : i32
    %multiple_of3A = tpu.assume_multiple %mul3A_4, 8 : i32
    "tpu.region"() ({
      %run_scoped3A = tpu.sem_alloc : memref<!tpu.dma_semaphore, #tpu.memory_space<semaphore_mem>>
      %dma_start3A_19 = tpu.memref_slice %arg3[%multiple_of3A] : memref<320000xi32, #tpu.memory_space<hbm>> -> memref<10000xi32, #tpu.memory_space<hbm>>
      %dma_start3A_20 = tpu.memref_slice %arg3[%multiple_of3A] : memref<320000xi32, #tpu.memory_space<hbm>> -> memref<10000xi32, #tpu.memory_space<hbm>>
      tpu.enqueue_dma source(%dma_start3A_20 : memref<10000xi32, #tpu.memory_space<hbm>>) target(%arg8 : memref<10000xi32, #tpu.memory_space<vmem>>) target_semaphore(%run_scoped3A : memref<!tpu.dma_semaphore, #tpu.memory_space<semaphore_mem>>)
      %dma_wait3A_21 = tpu.memref_slice %arg3[%multiple_of3A] : memref<320000xi32, #tpu.memory_space<hbm>> -> memref<10000xi32, #tpu.memory_space<hbm>>
      %dma_wait3A_22 = tpu.memref_slice %arg3[%multiple_of3A] : memref<320000xi32, #tpu.memory_space<hbm>> -> memref<10000xi32, #tpu.memory_space<hbm>>
      tpu.wait_dma2 semaphore(%run_scoped3A : memref<!tpu.dma_semaphore, #tpu.memory_space<semaphore_mem>>) src(%dma_wait3A_22 : memref<10000xi32, #tpu.memory_space<hbm>>) dst(%arg8 : memref<10000xi32, #tpu.memory_space<vmem>>)
      tpu.yield
    }) : () -> ()
    "tpu.region"() ({
      %run_scoped3A = tpu.sem_alloc : memref<!tpu.dma_semaphore, #tpu.memory_space<semaphore_mem>>
      %dma_start3A_19 = tpu.memref_slice %arg4[%multiple_of3A] : memref<320000xi32, #tpu.memory_space<hbm>> -> memref<10000xi32, #tpu.memory_space<hbm>>
      %dma_start3A_20 = tpu.memref_slice %arg4[%multiple_of3A] : memref<320000xi32, #tpu.memory_space<hbm>> -> memref<10000xi32, #tpu.memory_space<hbm>>
      tpu.enqueue_dma source(%dma_start3A_20 : memref<10000xi32, #tpu.memory_space<hbm>>) target(%arg9 : memref<10000xi32, #tpu.memory_space<vmem>>) target_semaphore(%run_scoped3A : memref<!tpu.dma_semaphore, #tpu.memory_space<semaphore_mem>>)
      %dma_wait3A_21 = tpu.memref_slice %arg4[%multiple_of3A] : memref<320000xi32, #tpu.memory_space<hbm>> -> memref<10000xi32, #tpu.memory_space<hbm>>
      %dma_wait3A_22 = tpu.memref_slice %arg4[%multiple_of3A] : memref<320000xi32, #tpu.memory_space<hbm>> -> memref<10000xi32, #tpu.memory_space<hbm>>
      tpu.wait_dma2 semaphore(%run_scoped3A : memref<!tpu.dma_semaphore, #tpu.memory_space<semaphore_mem>>) src(%dma_wait3A_22 : memref<10000xi32, #tpu.memory_space<hbm>>) dst(%arg9 : memref<10000xi32, #tpu.memory_space<vmem>>)
      tpu.yield
    }) : () -> ()
    %barrier3A = arith.constant 0 : index
    tpu.barrier barrier_id(%barrier3A)
    %dma_start3A = arith.constant 0 : i32
    %dma_start3A_5 = tpu.memref_slice %arg8[%dma_start3A] : memref<10000xi32, #tpu.memory_space<vmem>> -> memref<80xi32, #tpu.memory_space<vmem>>
    %dma_start3A_6 = arith.constant 0 : i32
    %dma_start3A_7 = arith.constant 0 : i32
    %dma_start3A_8 = tpu.memref_slice %arg2[%dma_start3A_6, %dma_start3A_7] : memref<10000x128xf32, #tpu.memory_space<hbm>> -> memref<10000x128xf32, #tpu.memory_space<hbm>>
    tpu.enqueue_indirect_dma source(%dma_start3A_8 : memref<10000x128xf32, #tpu.memory_space<hbm>>) target(%arg10 : memref<80x128xf32, #tpu.memory_space<vmem>>) offsets(%dma_start3A_5 : memref<80xi32, #tpu.memory_space<vmem>>) semaphore(%arg12 : memref<!tpu.dma_semaphore, #tpu.memory_space<semaphore_mem>>)
    %scan3A = arith.constant 0 : i32
    %scan3A_9 = arith.constant 0 : i32
    %scan3A_10 = arith.constant 62 : i32
    %scan3A_11 = arith.addi %scan3A_9, %scan3A_10 : i32
    %scan3A_12 = arith.constant 1 : i32
    scf.for %scan3A_19 = %scan3A_9 to %scan3A_11 step %scan3A_12  : i32 {
      %mul3A_20 = arith.constant 2 : i32
      %mul3A_21 = arith.muli %mul3A_20, %scan3A_19 : i32
      %mul3A_22 = arith.constant 80 : i32
      %mul3A_23 = arith.muli %mul3A_21, %mul3A_22 : i32
      %dma_wait3A_24 = tpu.memref_slice %arg8[%mul3A_23] : memref<10000xi32, #tpu.memory_space<vmem>> -> memref<80xi32, #tpu.memory_space<vmem>>
      %dma_wait3A_25 = arith.constant 0 : i32
      %dma_wait3A_26 = arith.constant 0 : i32
      %dma_wait3A_27 = tpu.memref_slice %arg2[%dma_wait3A_25, %dma_wait3A_26] : memref<10000x128xf32, #tpu.memory_space<hbm>> -> memref<10000x128xf32, #tpu.memory_space<hbm>>
      tpu.wait_indirect_dma semaphore(%arg12 : memref<!tpu.dma_semaphore, #tpu.memory_space<semaphore_mem>>) src(%dma_wait3A_27 : memref<10000x128xf32, #tpu.memory_space<hbm>>) dst(%arg10 : memref<80x128xf32, #tpu.memory_space<vmem>>)
      %add3A_28 = arith.constant 1 : i32
      %add3A_29 = arith.addi %mul3A_21, %add3A_28 : i32
      %mul3A_30 = arith.constant 80 : i32
      %mul3A_31 = arith.muli %add3A_29, %mul3A_30 : i32
      %dma_start3A_32 = tpu.memref_slice %arg8[%mul3A_31] : memref<10000xi32, #tpu.memory_space<vmem>> -> memref<80xi32, #tpu.memory_space<vmem>>
      %dma_start3A_33 = arith.constant 0 : i32
      %dma_start3A_34 = arith.constant 0 : i32
      %dma_start3A_35 = tpu.memref_slice %arg2[%dma_start3A_33, %dma_start3A_34] : memref<10000x128xf32, #tpu.memory_space<hbm>> -> memref<10000x128xf32, #tpu.memory_space<hbm>>
      tpu.enqueue_indirect_dma source(%dma_start3A_35 : memref<10000x128xf32, #tpu.memory_space<hbm>>) target(%arg11 : memref<80x128xf32, #tpu.memory_space<vmem>>) offsets(%dma_start3A_32 : memref<80xi32, #tpu.memory_space<vmem>>) semaphore(%arg13 : memref<!tpu.dma_semaphore, #tpu.memory_space<semaphore_mem>>)
      %mul3A_36 = arith.constant 80 : i32
      %mul3A_37 = arith.muli %mul3A_21, %mul3A_36 : i32
      "tpu.region"() ({
        %run_scoped3A = tpu.sem_alloc : memref<!tpu.dma_semaphore, #tpu.memory_space<semaphore_mem>>
        %dma_start3A_58 = tpu.memref_slice %arg9[%mul3A_37] : memref<10000xi32, #tpu.memory_space<vmem>> -> memref<80xi32, #tpu.memory_space<vmem>>
        %dma_start3A_59 = arith.constant 0 : i32
        %dma_start3A_60 = arith.constant 0 : i32
        %dma_start3A_61 = tpu.memref_slice %arg7[%dma_start3A_59, %dma_start3A_60] : memref<10240x128xf32, #tpu.memory_space<vmem_shared>> -> memref<10240x128xf32, #tpu.memory_space<vmem_shared>>
        tpu.enqueue_indirect_dma source(%arg10 : memref<80x128xf32, #tpu.memory_space<vmem>>) target(%dma_start3A_61 : memref<10240x128xf32, #tpu.memory_space<vmem_shared>>) offsets(%dma_start3A_58 : memref<80xi32, #tpu.memory_space<vmem>>) semaphore(%run_scoped3A : memref<!tpu.dma_semaphore, #tpu.memory_space<semaphore_mem>>) {add = true}
        %dma_wait3A_62 = tpu.memref_slice %arg9[%mul3A_37] : memref<10000xi32, #tpu.memory_space<vmem>> -> memref<80xi32, #tpu.memory_space<vmem>>
        %dma_wait3A_63 = arith.constant 0 : i32
        %dma_wait3A_64 = arith.constant 0 : i32
        %dma_wait3A_65 = tpu.memref_slice %arg7[%dma_wait3A_63, %dma_wait3A_64] : memref<10240x128xf32, #tpu.memory_space<vmem_shared>> -> memref<10240x128xf32, #tpu.memory_space<vmem_shared>>
        tpu.wait_indirect_dma semaphore(%run_scoped3A : memref<!tpu.dma_semaphore, #tpu.memory_space<semaphore_mem>>) src(%arg10 : memref<80x128xf32, #tpu.memory_space<vmem>>) dst(%dma_wait3A_65 : memref<10240x128xf32, #tpu.memory_space<vmem_shared>>)
        tpu.yield
      }) : () -> ()
      %add3A_38 = arith.constant 1 : i32
      %add3A_39 = arith.addi %mul3A_21, %add3A_38 : i32
      %mul3A_40 = arith.constant 80 : i32
      %mul3A_41 = arith.muli %add3A_39, %mul3A_40 : i32
      %dma_wait3A_42 = tpu.memref_slice %arg8[%mul3A_41] : memref<10000xi32, #tpu.memory_space<vmem>> -> memref<80xi32, #tpu.memory_space<vmem>>
      %dma_wait3A_43 = arith.constant 0 : i32
      %dma_wait3A_44 = arith.constant 0 : i32
      %dma_wait3A_45 = tpu.memref_slice %arg2[%dma_wait3A_43, %dma_wait3A_44] : memref<10000x128xf32, #tpu.memory_space<hbm>> -> memref<10000x128xf32, #tpu.memory_space<hbm>>
      tpu.wait_indirect_dma semaphore(%arg13 : memref<!tpu.dma_semaphore, #tpu.memory_space<semaphore_mem>>) src(%dma_wait3A_45 : memref<10000x128xf32, #tpu.memory_space<hbm>>) dst(%arg11 : memref<80x128xf32, #tpu.memory_space<vmem>>)
      %add3A_46 = arith.constant 2 : i32
      %add3A_47 = arith.addi %mul3A_21, %add3A_46 : i32
      %mul3A_48 = arith.constant 80 : i32
      %mul3A_49 = arith.muli %add3A_47, %mul3A_48 : i32
      %dma_start3A_50 = tpu.memref_slice %arg8[%mul3A_49] : memref<10000xi32, #tpu.memory_space<vmem>> -> memref<80xi32, #tpu.memory_space<vmem>>
      %dma_start3A_51 = arith.constant 0 : i32
      %dma_start3A_52 = arith.constant 0 : i32
      %dma_start3A_53 = tpu.memref_slice %arg2[%dma_start3A_51, %dma_start3A_52] : memref<10000x128xf32, #tpu.memory_space<hbm>> -> memref<10000x128xf32, #tpu.memory_space<hbm>>
      tpu.enqueue_indirect_dma source(%dma_start3A_53 : memref<10000x128xf32, #tpu.memory_space<hbm>>) target(%arg10 : memref<80x128xf32, #tpu.memory_space<vmem>>) offsets(%dma_start3A_50 : memref<80xi32, #tpu.memory_space<vmem>>) semaphore(%arg12 : memref<!tpu.dma_semaphore, #tpu.memory_space<semaphore_mem>>)
      %add3A_54 = arith.constant 1 : i32
      %add3A_55 = arith.addi %mul3A_21, %add3A_54 : i32
      %mul3A_56 = arith.constant 80 : i32
      %mul3A_57 = arith.muli %add3A_55, %mul3A_56 : i32
      "tpu.region"() ({
        %run_scoped3A = tpu.sem_alloc : memref<!tpu.dma_semaphore, #tpu.memory_space<semaphore_mem>>
        %dma_start3A_58 = tpu.memref_slice %arg9[%mul3A_57] : memref<10000xi32, #tpu.memory_space<vmem>> -> memref<80xi32, #tpu.memory_space<vmem>>
        %dma_start3A_59 = arith.constant 0 : i32
        %dma_start3A_60 = arith.constant 0 : i32
        %dma_start3A_61 = tpu.memref_slice %arg7[%dma_start3A_59, %dma_start3A_60] : memref<10240x128xf32, #tpu.memory_space<vmem_shared>> -> memref<10240x128xf32, #tpu.memory_space<vmem_shared>>
        tpu.enqueue_indirect_dma source(%arg11 : memref<80x128xf32, #tpu.memory_space<vmem>>) target(%dma_start3A_61 : memref<10240x128xf32, #tpu.memory_space<vmem_shared>>) offsets(%dma_start3A_58 : memref<80xi32, #tpu.memory_space<vmem>>) semaphore(%run_scoped3A : memref<!tpu.dma_semaphore, #tpu.memory_space<semaphore_mem>>) {add = true}
        %dma_wait3A_62 = tpu.memref_slice %arg9[%mul3A_57] : memref<10000xi32, #tpu.memory_space<vmem>> -> memref<80xi32, #tpu.memory_space<vmem>>
        %dma_wait3A_63 = arith.constant 0 : i32
        %dma_wait3A_64 = arith.constant 0 : i32
        %dma_wait3A_65 = tpu.memref_slice %arg7[%dma_wait3A_63, %dma_wait3A_64] : memref<10240x128xf32, #tpu.memory_space<vmem_shared>> -> memref<10240x128xf32, #tpu.memory_space<vmem_shared>>
        tpu.wait_indirect_dma semaphore(%run_scoped3A : memref<!tpu.dma_semaphore, #tpu.memory_space<semaphore_mem>>) src(%arg11 : memref<80x128xf32, #tpu.memory_space<vmem>>) dst(%dma_wait3A_65 : memref<10240x128xf32, #tpu.memory_space<vmem_shared>>)
        tpu.yield
      }) : () -> ()
    }
    %scan3A_13 = arith.constant 62 : i32
    %dma_wait3A = arith.constant 9920 : i32
    %dma_wait3A_14 = tpu.memref_slice %arg8[%dma_wait3A] : memref<10000xi32, #tpu.memory_space<vmem>> -> memref<80xi32, #tpu.memory_space<vmem>>
    %dma_wait3A_15 = arith.constant 0 : i32
    %dma_wait3A_16 = arith.constant 0 : i32
    %dma_wait3A_17 = tpu.memref_slice %arg2[%dma_wait3A_15, %dma_wait3A_16] : memref<10000x128xf32, #tpu.memory_space<hbm>> -> memref<10000x128xf32, #tpu.memory_space<hbm>>
    tpu.wait_indirect_dma semaphore(%arg12 : memref<!tpu.dma_semaphore, #tpu.memory_space<semaphore_mem>>) src(%dma_wait3A_17 : memref<10000x128xf32, #tpu.memory_space<hbm>>) dst(%arg10 : memref<80x128xf32, #tpu.memory_space<vmem>>)
    "tpu.region"() ({
      %run_scoped3A = tpu.sem_alloc : memref<!tpu.dma_semaphore, #tpu.memory_space<semaphore_mem>>
      %dma_start3A_19 = arith.constant 9920 : i32
      %dma_start3A_20 = tpu.memref_slice %arg9[%dma_start3A_19] : memref<10000xi32, #tpu.memory_space<vmem>> -> memref<80xi32, #tpu.memory_space<vmem>>
      %dma_start3A_21 = arith.constant 0 : i32
      %dma_start3A_22 = arith.constant 0 : i32
      %dma_start3A_23 = tpu.memref_slice %arg7[%dma_start3A_21, %dma_start3A_22] : memref<10240x128xf32, #tpu.memory_space<vmem_shared>> -> memref<10240x128xf32, #tpu.memory_space<vmem_shared>>
      tpu.enqueue_indirect_dma source(%arg10 : memref<80x128xf32, #tpu.memory_space<vmem>>) target(%dma_start3A_23 : memref<10240x128xf32, #tpu.memory_space<vmem_shared>>) offsets(%dma_start3A_20 : memref<80xi32, #tpu.memory_space<vmem>>) semaphore(%run_scoped3A : memref<!tpu.dma_semaphore, #tpu.memory_space<semaphore_mem>>) {add = true}
      %dma_wait3A_24 = arith.constant 9920 : i32
      %dma_wait3A_25 = tpu.memref_slice %arg9[%dma_wait3A_24] : memref<10000xi32, #tpu.memory_space<vmem>> -> memref<80xi32, #tpu.memory_space<vmem>>
      %dma_wait3A_26 = arith.constant 0 : i32
      %dma_wait3A_27 = arith.constant 0 : i32
      %dma_wait3A_28 = tpu.memref_slice %arg7[%dma_wait3A_26, %dma_wait3A_27] : memref<10240x128xf32, #tpu.memory_space<vmem_shared>> -> memref<10240x128xf32, #tpu.memory_space<vmem_shared>>
      tpu.wait_indirect_dma semaphore(%run_scoped3A : memref<!tpu.dma_semaphore, #tpu.memory_space<semaphore_mem>>) src(%arg10 : memref<80x128xf32, #tpu.memory_space<vmem>>) dst(%dma_wait3A_28 : memref<10240x128xf32, #tpu.memory_space<vmem_shared>>)
      tpu.yield
    }) : () -> ()
    %barrier3A_18 = arith.constant 0 : index
    tpu.barrier barrier_id(%barrier3A_18)
    "tpu.region"() ({
      %run_scoped3A = tpu.sem_alloc : memref<!tpu.dma_semaphore, #tpu.memory_space<semaphore_mem>>
      %dma_start3A_19 = arith.constant 0 : i32
      %dma_start3A_20 = tpu.memref_slice %arg6[%arg0, %mul3A_0, %dma_start3A_19] : memref<2x10240x128xf32, #tpu.memory_space<hbm>> -> memref<1x640x128xf32, #tpu.memory_space<hbm>>
      %dma_start3A_21 = tpu.memref_squeeze %dma_start3A_20 : memref<1x640x128xf32, #tpu.memory_space<hbm>> -> memref<640x128xf32, #tpu.memory_space<hbm>>
      %dma_start3A_22 = arith.constant 0 : i32
      %dma_start3A_23 = tpu.memref_slice %arg7[%mul3A_0, %dma_start3A_22] : memref<10240x128xf32, #tpu.memory_space<vmem_shared>> -> memref<640x128xf32, #tpu.memory_space<vmem_shared>>
      tpu.enqueue_dma source(%dma_start3A_23 : memref<640x128xf32, #tpu.memory_space<vmem_shared>>) target(%dma_start3A_21 : memref<640x128xf32, #tpu.memory_space<hbm>>) target_semaphore(%run_scoped3A : memref<!tpu.dma_semaphore, #tpu.memory_space<semaphore_mem>>)
      %dma_wait3A_24 = arith.constant 0 : i32
      %dma_wait3A_25 = tpu.memref_slice %arg6[%arg0, %mul3A_0, %dma_wait3A_24] : memref<2x10240x128xf32, #tpu.memory_space<hbm>> -> memref<1x640x128xf32, #tpu.memory_space<hbm>>
      %dma_wait3A_26 = tpu.memref_squeeze %dma_wait3A_25 : memref<1x640x128xf32, #tpu.memory_space<hbm>> -> memref<640x128xf32, #tpu.memory_space<hbm>>
      %dma_wait3A_27 = arith.constant 0 : i32
      %dma_wait3A_28 = tpu.memref_slice %arg7[%mul3A_0, %dma_wait3A_27] : memref<10240x128xf32, #tpu.memory_space<vmem_shared>> -> memref<640x128xf32, #tpu.memory_space<vmem_shared>>
      tpu.wait_dma2 semaphore(%run_scoped3A : memref<!tpu.dma_semaphore, #tpu.memory_space<semaphore_mem>>) src(%dma_wait3A_28 : memref<640x128xf32, #tpu.memory_space<vmem_shared>>) dst(%dma_wait3A_26 : memref<640x128xf32, #tpu.memory_space<hbm>>)
      tpu.yield
    }) : () -> ()
    return
  }
}

#map = affine_map<(d0, d1) -> (0)>
#map1 = affine_map<(d0, d1) -> (0, 0)>
#map2 = affine_map<(d0, d1) -> (0, 0, 0)>
module attributes {stable_mosaic.version = 14 : i64} {
  func.func @_sc_deg(%arg0: i32, %arg1: i32, %arg2: memref<320000xi32, #tpu.memory_space<hbm>>, %arg3: memref<640x128xf32, #tpu.memory_space<hbm>>, %arg4: memref<80x128xf32, #tpu.memory_space<hbm>>, %arg5: memref<2x10240x128xf32, #tpu.memory_space<hbm>>, %arg6: memref<10240x128xf32, #tpu.memory_space<vmem_shared>>, %arg7: memref<10000xi32, #tpu.memory_space<vmem>>, %arg8: memref<80x128xf32, #tpu.memory_space<vmem>>) attributes {dimension_semantics = [#tpu.dimension_semantics<core_parallel>, #tpu.dimension_semantics<subcore_parallel>], iteration_bounds = array<i64: 2, 16>, scalar_prefetch = 0 : i64, scratch_operands = 3 : i64, tpu.core_type = #tpu.core_type<sc_vector_subcore>, window_params = [{transform_indices = #map}, {transform_indices = #map1}, {transform_indices = #map1}, {transform_indices = #map2}]} {
    %mul3A = arith.constant 640 : i32
    %mul3A_0 = arith.muli %arg1, %mul3A : i32
    "tpu.region"() ({
      %run_scoped3A = tpu.sem_alloc : memref<!tpu.dma_semaphore, #tpu.memory_space<semaphore_mem>>
      %dma_start3A = arith.constant 0 : i32
      %dma_start3A_11 = tpu.memref_slice %arg6[%mul3A_0, %dma_start3A] : memref<10240x128xf32, #tpu.memory_space<vmem_shared>> -> memref<640x128xf32, #tpu.memory_space<vmem_shared>>
      tpu.enqueue_dma source(%arg3 : memref<640x128xf32, #tpu.memory_space<hbm>>) target(%dma_start3A_11 : memref<640x128xf32, #tpu.memory_space<vmem_shared>>) target_semaphore(%run_scoped3A : memref<!tpu.dma_semaphore, #tpu.memory_space<semaphore_mem>>)
      %dma_wait3A = arith.constant 0 : i32
      %dma_wait3A_12 = tpu.memref_slice %arg6[%mul3A_0, %dma_wait3A] : memref<10240x128xf32, #tpu.memory_space<vmem_shared>> -> memref<640x128xf32, #tpu.memory_space<vmem_shared>>
      tpu.wait_dma2 semaphore(%run_scoped3A : memref<!tpu.dma_semaphore, #tpu.memory_space<semaphore_mem>>) src(%arg3 : memref<640x128xf32, #tpu.memory_space<hbm>>) dst(%dma_wait3A_12 : memref<640x128xf32, #tpu.memory_space<vmem_shared>>)
      tpu.yield
    }) : () -> ()
    "tpu.region"() ({
      %run_scoped3A = tpu.sem_alloc : memref<!tpu.dma_semaphore, #tpu.memory_space<semaphore_mem>>
      tpu.enqueue_dma source(%arg4 : memref<80x128xf32, #tpu.memory_space<hbm>>) target(%arg8 : memref<80x128xf32, #tpu.memory_space<vmem>>) target_semaphore(%run_scoped3A : memref<!tpu.dma_semaphore, #tpu.memory_space<semaphore_mem>>)
      tpu.wait_dma2 semaphore(%run_scoped3A : memref<!tpu.dma_semaphore, #tpu.memory_space<semaphore_mem>>) src(%arg4 : memref<80x128xf32, #tpu.memory_space<hbm>>) dst(%arg8 : memref<80x128xf32, #tpu.memory_space<vmem>>)
      tpu.yield
    }) : () -> ()
    %mul3A_1 = arith.constant 16 : i32
    %mul3A_2 = arith.muli %arg0, %mul3A_1 : i32
    %add3A = arith.addi %mul3A_2, %arg1 : i32
    %mul3A_3 = arith.constant 10000 : i32
    %mul3A_4 = arith.muli %add3A, %mul3A_3 : i32
    %multiple_of3A = tpu.assume_multiple %mul3A_4, 8 : i32
    "tpu.region"() ({
      %run_scoped3A = tpu.sem_alloc : memref<!tpu.dma_semaphore, #tpu.memory_space<semaphore_mem>>
      %dma_start3A = tpu.memref_slice %arg2[%multiple_of3A] : memref<320000xi32, #tpu.memory_space<hbm>> -> memref<10000xi32, #tpu.memory_space<hbm>>
      %dma_start3A_11 = tpu.memref_slice %arg2[%multiple_of3A] : memref<320000xi32, #tpu.memory_space<hbm>> -> memref<10000xi32, #tpu.memory_space<hbm>>
      tpu.enqueue_dma source(%dma_start3A_11 : memref<10000xi32, #tpu.memory_space<hbm>>) target(%arg7 : memref<10000xi32, #tpu.memory_space<vmem>>) target_semaphore(%run_scoped3A : memref<!tpu.dma_semaphore, #tpu.memory_space<semaphore_mem>>)
      %dma_wait3A = tpu.memref_slice %arg2[%multiple_of3A] : memref<320000xi32, #tpu.memory_space<hbm>> -> memref<10000xi32, #tpu.memory_space<hbm>>
      %dma_wait3A_12 = tpu.memref_slice %arg2[%multiple_of3A] : memref<320000xi32, #tpu.memory_space<hbm>> -> memref<10000xi32, #tpu.memory_space<hbm>>
      tpu.wait_dma2 semaphore(%run_scoped3A : memref<!tpu.dma_semaphore, #tpu.memory_space<semaphore_mem>>) src(%dma_wait3A_12 : memref<10000xi32, #tpu.memory_space<hbm>>) dst(%arg7 : memref<10000xi32, #tpu.memory_space<vmem>>)
      tpu.yield
    }) : () -> ()
    %barrier3A = arith.constant 0 : index
    tpu.barrier barrier_id(%barrier3A)
    %scan3A = arith.constant 0 : i32
    %scan3A_5 = arith.constant 0 : i32
    %scan3A_6 = arith.constant 125 : i32
    %scan3A_7 = arith.addi %scan3A_5, %scan3A_6 : i32
    %scan3A_8 = arith.constant 1 : i32
    scf.for %scan3A_11 = %scan3A_5 to %scan3A_7 step %scan3A_8  : i32 {
      %mul3A_12 = arith.constant 80 : i32
      %mul3A_13 = arith.muli %scan3A_11, %mul3A_12 : i32
      "tpu.region"() ({
        %run_scoped3A = tpu.sem_alloc : memref<!tpu.dma_semaphore, #tpu.memory_space<semaphore_mem>>
        %dma_start3A = tpu.memref_slice %arg7[%mul3A_13] : memref<10000xi32, #tpu.memory_space<vmem>> -> memref<80xi32, #tpu.memory_space<vmem>>
        %dma_start3A_14 = arith.constant 0 : i32
        %dma_start3A_15 = arith.constant 0 : i32
        %dma_start3A_16 = tpu.memref_slice %arg6[%dma_start3A_14, %dma_start3A_15] : memref<10240x128xf32, #tpu.memory_space<vmem_shared>> -> memref<10240x128xf32, #tpu.memory_space<vmem_shared>>
        tpu.enqueue_indirect_dma source(%arg8 : memref<80x128xf32, #tpu.memory_space<vmem>>) target(%dma_start3A_16 : memref<10240x128xf32, #tpu.memory_space<vmem_shared>>) offsets(%dma_start3A : memref<80xi32, #tpu.memory_space<vmem>>) semaphore(%run_scoped3A : memref<!tpu.dma_semaphore, #tpu.memory_space<semaphore_mem>>) {add = true}
        %dma_wait3A = tpu.memref_slice %arg7[%mul3A_13] : memref<10000xi32, #tpu.memory_space<vmem>> -> memref<80xi32, #tpu.memory_space<vmem>>
        %dma_wait3A_17 = arith.constant 0 : i32
        %dma_wait3A_18 = arith.constant 0 : i32
        %dma_wait3A_19 = tpu.memref_slice %arg6[%dma_wait3A_17, %dma_wait3A_18] : memref<10240x128xf32, #tpu.memory_space<vmem_shared>> -> memref<10240x128xf32, #tpu.memory_space<vmem_shared>>
        tpu.wait_indirect_dma semaphore(%run_scoped3A : memref<!tpu.dma_semaphore, #tpu.memory_space<semaphore_mem>>) src(%arg8 : memref<80x128xf32, #tpu.memory_space<vmem>>) dst(%dma_wait3A_19 : memref<10240x128xf32, #tpu.memory_space<vmem_shared>>)
        tpu.yield
      }) : () -> ()
    }
    %scan3A_9 = arith.constant 125 : i32
    %barrier3A_10 = arith.constant 0 : index
    tpu.barrier barrier_id(%barrier3A_10)
    "tpu.region"() ({
      %run_scoped3A = tpu.sem_alloc : memref<!tpu.dma_semaphore, #tpu.memory_space<semaphore_mem>>
      %dma_start3A = arith.constant 0 : i32
      %dma_start3A_11 = tpu.memref_slice %arg5[%arg0, %mul3A_0, %dma_start3A] : memref<2x10240x128xf32, #tpu.memory_space<hbm>> -> memref<1x640x128xf32, #tpu.memory_space<hbm>>
      %dma_start3A_12 = tpu.memref_squeeze %dma_start3A_11 : memref<1x640x128xf32, #tpu.memory_space<hbm>> -> memref<640x128xf32, #tpu.memory_space<hbm>>
      %dma_start3A_13 = arith.constant 0 : i32
      %dma_start3A_14 = tpu.memref_slice %arg6[%mul3A_0, %dma_start3A_13] : memref<10240x128xf32, #tpu.memory_space<vmem_shared>> -> memref<640x128xf32, #tpu.memory_space<vmem_shared>>
      tpu.enqueue_dma source(%dma_start3A_14 : memref<640x128xf32, #tpu.memory_space<vmem_shared>>) target(%dma_start3A_12 : memref<640x128xf32, #tpu.memory_space<hbm>>) target_semaphore(%run_scoped3A : memref<!tpu.dma_semaphore, #tpu.memory_space<semaphore_mem>>)
      %dma_wait3A = arith.constant 0 : i32
      %dma_wait3A_15 = tpu.memref_slice %arg5[%arg0, %mul3A_0, %dma_wait3A] : memref<2x10240x128xf32, #tpu.memory_space<hbm>> -> memref<1x640x128xf32, #tpu.memory_space<hbm>>
      %dma_wait3A_16 = tpu.memref_squeeze %dma_wait3A_15 : memref<1x640x128xf32, #tpu.memory_space<hbm>> -> memref<640x128xf32, #tpu.memory_space<hbm>>
      %dma_wait3A_17 = arith.constant 0 : i32
      %dma_wait3A_18 = tpu.memref_slice %arg6[%mul3A_0, %dma_wait3A_17] : memref<10240x128xf32, #tpu.memory_space<vmem_shared>> -> memref<640x128xf32, #tpu.memory_space<vmem_shared>>
      tpu.wait_dma2 semaphore(%run_scoped3A : memref<!tpu.dma_semaphore, #tpu.memory_space<semaphore_mem>>) src(%dma_wait3A_18 : memref<640x128xf32, #tpu.memory_space<vmem_shared>>) dst(%dma_wait3A_16 : memref<640x128xf32, #tpu.memory_space<hbm>>)
      tpu.yield
    }) : () -> ()
    return
  }
}

#map = affine_map<(d0, d1) -> (0, 0)>
#map1 = affine_map<(d0, d1) -> (0)>
#map2 = affine_map<(d0, d1) -> (0, 0, 0)>
module attributes {stable_mosaic.version = 14 : i64} {
  func.func @spmm(%arg0: i32, %arg1: i32, %arg2: memref<10000x128xf32, #tpu.memory_space<hbm>>, %arg3: memref<320000xi32, #tpu.memory_space<hbm>>, %arg4: memref<320000xi32, #tpu.memory_space<hbm>>, %arg5: memref<640x128xf32, #tpu.memory_space<hbm>>, %arg6: memref<2x10240x128xf32, #tpu.memory_space<hbm>>, %arg7: memref<10240x128xf32, #tpu.memory_space<vmem_shared>>, %arg8: memref<10000xi32, #tpu.memory_space<vmem>>, %arg9: memref<10000xi32, #tpu.memory_space<vmem>>, %arg10: memref<80x128xf32, #tpu.memory_space<vmem>>, %arg11: memref<80x128xf32, #tpu.memory_space<vmem>>, %arg12: memref<!tpu.dma_semaphore, #tpu.memory_space<semaphore_mem>>, %arg13: memref<!tpu.dma_semaphore, #tpu.memory_space<semaphore_mem>>) attributes {dimension_semantics = [#tpu.dimension_semantics<core_parallel>, #tpu.dimension_semantics<subcore_parallel>], iteration_bounds = array<i64: 2, 16>, scalar_prefetch = 0 : i64, scratch_operands = 7 : i64, tpu.core_type = #tpu.core_type<sc_vector_subcore>, window_params = [{transform_indices = #map}, {transform_indices = #map1}, {transform_indices = #map1}, {transform_indices = #map}, {transform_indices = #map2}]} {
    %mul3A = arith.constant 640 : i32
    %mul3A_0 = arith.muli %arg1, %mul3A : i32
    "tpu.region"() ({
      %run_scoped3A = tpu.sem_alloc : memref<!tpu.dma_semaphore, #tpu.memory_space<semaphore_mem>>
      %dma_start3A_19 = arith.constant 0 : i32
      %dma_start3A_20 = tpu.memref_slice %arg7[%mul3A_0, %dma_start3A_19] : memref<10240x128xf32, #tpu.memory_space<vmem_shared>> -> memref<640x128xf32, #tpu.memory_space<vmem_shared>>
      tpu.enqueue_dma source(%arg5 : memref<640x128xf32, #tpu.memory_space<hbm>>) target(%dma_start3A_20 : memref<640x128xf32, #tpu.memory_space<vmem_shared>>) target_semaphore(%run_scoped3A : memref<!tpu.dma_semaphore, #tpu.memory_space<semaphore_mem>>)
      %dma_wait3A_21 = arith.constant 0 : i32
      %dma_wait3A_22 = tpu.memref_slice %arg7[%mul3A_0, %dma_wait3A_21] : memref<10240x128xf32, #tpu.memory_space<vmem_shared>> -> memref<640x128xf32, #tpu.memory_space<vmem_shared>>
      tpu.wait_dma2 semaphore(%run_scoped3A : memref<!tpu.dma_semaphore, #tpu.memory_space<semaphore_mem>>) src(%arg5 : memref<640x128xf32, #tpu.memory_space<hbm>>) dst(%dma_wait3A_22 : memref<640x128xf32, #tpu.memory_space<vmem_shared>>)
      tpu.yield
    }) : () -> ()
    %mul3A_1 = arith.constant 16 : i32
    %mul3A_2 = arith.muli %arg0, %mul3A_1 : i32
    %add3A = arith.addi %mul3A_2, %arg1 : i32
    %mul3A_3 = arith.constant 10000 : i32
    %mul3A_4 = arith.muli %add3A, %mul3A_3 : i32
    %multiple_of3A = tpu.assume_multiple %mul3A_4, 8 : i32
    "tpu.region"() ({
      %run_scoped3A = tpu.sem_alloc : memref<!tpu.dma_semaphore, #tpu.memory_space<semaphore_mem>>
      %dma_start3A_19 = tpu.memref_slice %arg3[%multiple_of3A] : memref<320000xi32, #tpu.memory_space<hbm>> -> memref<10000xi32, #tpu.memory_space<hbm>>
      %dma_start3A_20 = tpu.memref_slice %arg3[%multiple_of3A] : memref<320000xi32, #tpu.memory_space<hbm>> -> memref<10000xi32, #tpu.memory_space<hbm>>
      tpu.enqueue_dma source(%dma_start3A_20 : memref<10000xi32, #tpu.memory_space<hbm>>) target(%arg8 : memref<10000xi32, #tpu.memory_space<vmem>>) target_semaphore(%run_scoped3A : memref<!tpu.dma_semaphore, #tpu.memory_space<semaphore_mem>>)
      %dma_wait3A_21 = tpu.memref_slice %arg3[%multiple_of3A] : memref<320000xi32, #tpu.memory_space<hbm>> -> memref<10000xi32, #tpu.memory_space<hbm>>
      %dma_wait3A_22 = tpu.memref_slice %arg3[%multiple_of3A] : memref<320000xi32, #tpu.memory_space<hbm>> -> memref<10000xi32, #tpu.memory_space<hbm>>
      tpu.wait_dma2 semaphore(%run_scoped3A : memref<!tpu.dma_semaphore, #tpu.memory_space<semaphore_mem>>) src(%dma_wait3A_22 : memref<10000xi32, #tpu.memory_space<hbm>>) dst(%arg8 : memref<10000xi32, #tpu.memory_space<vmem>>)
      tpu.yield
    }) : () -> ()
    "tpu.region"() ({
      %run_scoped3A = tpu.sem_alloc : memref<!tpu.dma_semaphore, #tpu.memory_space<semaphore_mem>>
      %dma_start3A_19 = tpu.memref_slice %arg4[%multiple_of3A] : memref<320000xi32, #tpu.memory_space<hbm>> -> memref<10000xi32, #tpu.memory_space<hbm>>
      %dma_start3A_20 = tpu.memref_slice %arg4[%multiple_of3A] : memref<320000xi32, #tpu.memory_space<hbm>> -> memref<10000xi32, #tpu.memory_space<hbm>>
      tpu.enqueue_dma source(%dma_start3A_20 : memref<10000xi32, #tpu.memory_space<hbm>>) target(%arg9 : memref<10000xi32, #tpu.memory_space<vmem>>) target_semaphore(%run_scoped3A : memref<!tpu.dma_semaphore, #tpu.memory_space<semaphore_mem>>)
      %dma_wait3A_21 = tpu.memref_slice %arg4[%multiple_of3A] : memref<320000xi32, #tpu.memory_space<hbm>> -> memref<10000xi32, #tpu.memory_space<hbm>>
      %dma_wait3A_22 = tpu.memref_slice %arg4[%multiple_of3A] : memref<320000xi32, #tpu.memory_space<hbm>> -> memref<10000xi32, #tpu.memory_space<hbm>>
      tpu.wait_dma2 semaphore(%run_scoped3A : memref<!tpu.dma_semaphore, #tpu.memory_space<semaphore_mem>>) src(%dma_wait3A_22 : memref<10000xi32, #tpu.memory_space<hbm>>) dst(%arg9 : memref<10000xi32, #tpu.memory_space<vmem>>)
      tpu.yield
    }) : () -> ()
    %barrier3A = arith.constant 0 : index
    tpu.barrier barrier_id(%barrier3A)
    %dma_start3A = arith.constant 0 : i32
    %dma_start3A_5 = tpu.memref_slice %arg8[%dma_start3A] : memref<10000xi32, #tpu.memory_space<vmem>> -> memref<80xi32, #tpu.memory_space<vmem>>
    %dma_start3A_6 = arith.constant 0 : i32
    %dma_start3A_7 = arith.constant 0 : i32
    %dma_start3A_8 = tpu.memref_slice %arg2[%dma_start3A_6, %dma_start3A_7] : memref<10000x128xf32, #tpu.memory_space<hbm>> -> memref<10000x128xf32, #tpu.memory_space<hbm>>
    tpu.enqueue_indirect_dma source(%dma_start3A_8 : memref<10000x128xf32, #tpu.memory_space<hbm>>) target(%arg10 : memref<80x128xf32, #tpu.memory_space<vmem>>) offsets(%dma_start3A_5 : memref<80xi32, #tpu.memory_space<vmem>>) semaphore(%arg12 : memref<!tpu.dma_semaphore, #tpu.memory_space<semaphore_mem>>)
    %scan3A = arith.constant 0 : i32
    %scan3A_9 = arith.constant 0 : i32
    %scan3A_10 = arith.constant 62 : i32
    %scan3A_11 = arith.addi %scan3A_9, %scan3A_10 : i32
    %scan3A_12 = arith.constant 1 : i32
    scf.for %scan3A_19 = %scan3A_9 to %scan3A_11 step %scan3A_12  : i32 {
      %mul3A_20 = arith.constant 2 : i32
      %mul3A_21 = arith.muli %mul3A_20, %scan3A_19 : i32
      %mul3A_22 = arith.constant 80 : i32
      %mul3A_23 = arith.muli %mul3A_21, %mul3A_22 : i32
      %dma_wait3A_24 = tpu.memref_slice %arg8[%mul3A_23] : memref<10000xi32, #tpu.memory_space<vmem>> -> memref<80xi32, #tpu.memory_space<vmem>>
      %dma_wait3A_25 = arith.constant 0 : i32
      %dma_wait3A_26 = arith.constant 0 : i32
      %dma_wait3A_27 = tpu.memref_slice %arg2[%dma_wait3A_25, %dma_wait3A_26] : memref<10000x128xf32, #tpu.memory_space<hbm>> -> memref<10000x128xf32, #tpu.memory_space<hbm>>
      tpu.wait_indirect_dma semaphore(%arg12 : memref<!tpu.dma_semaphore, #tpu.memory_space<semaphore_mem>>) src(%dma_wait3A_27 : memref<10000x128xf32, #tpu.memory_space<hbm>>) dst(%arg10 : memref<80x128xf32, #tpu.memory_space<vmem>>)
      %add3A_28 = arith.constant 1 : i32
      %add3A_29 = arith.addi %mul3A_21, %add3A_28 : i32
      %mul3A_30 = arith.constant 80 : i32
      %mul3A_31 = arith.muli %add3A_29, %mul3A_30 : i32
      %dma_start3A_32 = tpu.memref_slice %arg8[%mul3A_31] : memref<10000xi32, #tpu.memory_space<vmem>> -> memref<80xi32, #tpu.memory_space<vmem>>
      %dma_start3A_33 = arith.constant 0 : i32
      %dma_start3A_34 = arith.constant 0 : i32
      %dma_start3A_35 = tpu.memref_slice %arg2[%dma_start3A_33, %dma_start3A_34] : memref<10000x128xf32, #tpu.memory_space<hbm>> -> memref<10000x128xf32, #tpu.memory_space<hbm>>
      tpu.enqueue_indirect_dma source(%dma_start3A_35 : memref<10000x128xf32, #tpu.memory_space<hbm>>) target(%arg11 : memref<80x128xf32, #tpu.memory_space<vmem>>) offsets(%dma_start3A_32 : memref<80xi32, #tpu.memory_space<vmem>>) semaphore(%arg13 : memref<!tpu.dma_semaphore, #tpu.memory_space<semaphore_mem>>)
      %mul3A_36 = arith.constant 80 : i32
      %mul3A_37 = arith.muli %mul3A_21, %mul3A_36 : i32
      "tpu.region"() ({
        %run_scoped3A = tpu.sem_alloc : memref<!tpu.dma_semaphore, #tpu.memory_space<semaphore_mem>>
        %dma_start3A_58 = tpu.memref_slice %arg9[%mul3A_37] : memref<10000xi32, #tpu.memory_space<vmem>> -> memref<80xi32, #tpu.memory_space<vmem>>
        %dma_start3A_59 = arith.constant 0 : i32
        %dma_start3A_60 = arith.constant 0 : i32
        %dma_start3A_61 = tpu.memref_slice %arg7[%dma_start3A_59, %dma_start3A_60] : memref<10240x128xf32, #tpu.memory_space<vmem_shared>> -> memref<10240x128xf32, #tpu.memory_space<vmem_shared>>
        tpu.enqueue_indirect_dma source(%arg10 : memref<80x128xf32, #tpu.memory_space<vmem>>) target(%dma_start3A_61 : memref<10240x128xf32, #tpu.memory_space<vmem_shared>>) offsets(%dma_start3A_58 : memref<80xi32, #tpu.memory_space<vmem>>) semaphore(%run_scoped3A : memref<!tpu.dma_semaphore, #tpu.memory_space<semaphore_mem>>) {add = true}
        %dma_wait3A_62 = tpu.memref_slice %arg9[%mul3A_37] : memref<10000xi32, #tpu.memory_space<vmem>> -> memref<80xi32, #tpu.memory_space<vmem>>
        %dma_wait3A_63 = arith.constant 0 : i32
        %dma_wait3A_64 = arith.constant 0 : i32
        %dma_wait3A_65 = tpu.memref_slice %arg7[%dma_wait3A_63, %dma_wait3A_64] : memref<10240x128xf32, #tpu.memory_space<vmem_shared>> -> memref<10240x128xf32, #tpu.memory_space<vmem_shared>>
        tpu.wait_indirect_dma semaphore(%run_scoped3A : memref<!tpu.dma_semaphore, #tpu.memory_space<semaphore_mem>>) src(%arg10 : memref<80x128xf32, #tpu.memory_space<vmem>>) dst(%dma_wait3A_65 : memref<10240x128xf32, #tpu.memory_space<vmem_shared>>)
        tpu.yield
      }) : () -> ()
      %add3A_38 = arith.constant 1 : i32
      %add3A_39 = arith.addi %mul3A_21, %add3A_38 : i32
      %mul3A_40 = arith.constant 80 : i32
      %mul3A_41 = arith.muli %add3A_39, %mul3A_40 : i32
      %dma_wait3A_42 = tpu.memref_slice %arg8[%mul3A_41] : memref<10000xi32, #tpu.memory_space<vmem>> -> memref<80xi32, #tpu.memory_space<vmem>>
      %dma_wait3A_43 = arith.constant 0 : i32
      %dma_wait3A_44 = arith.constant 0 : i32
      %dma_wait3A_45 = tpu.memref_slice %arg2[%dma_wait3A_43, %dma_wait3A_44] : memref<10000x128xf32, #tpu.memory_space<hbm>> -> memref<10000x128xf32, #tpu.memory_space<hbm>>
      tpu.wait_indirect_dma semaphore(%arg13 : memref<!tpu.dma_semaphore, #tpu.memory_space<semaphore_mem>>) src(%dma_wait3A_45 : memref<10000x128xf32, #tpu.memory_space<hbm>>) dst(%arg11 : memref<80x128xf32, #tpu.memory_space<vmem>>)
      %add3A_46 = arith.constant 2 : i32
      %add3A_47 = arith.addi %mul3A_21, %add3A_46 : i32
      %mul3A_48 = arith.constant 80 : i32
      %mul3A_49 = arith.muli %add3A_47, %mul3A_48 : i32
      %dma_start3A_50 = tpu.memref_slice %arg8[%mul3A_49] : memref<10000xi32, #tpu.memory_space<vmem>> -> memref<80xi32, #tpu.memory_space<vmem>>
      %dma_start3A_51 = arith.constant 0 : i32
      %dma_start3A_52 = arith.constant 0 : i32
      %dma_start3A_53 = tpu.memref_slice %arg2[%dma_start3A_51, %dma_start3A_52] : memref<10000x128xf32, #tpu.memory_space<hbm>> -> memref<10000x128xf32, #tpu.memory_space<hbm>>
      tpu.enqueue_indirect_dma source(%dma_start3A_53 : memref<10000x128xf32, #tpu.memory_space<hbm>>) target(%arg10 : memref<80x128xf32, #tpu.memory_space<vmem>>) offsets(%dma_start3A_50 : memref<80xi32, #tpu.memory_space<vmem>>) semaphore(%arg12 : memref<!tpu.dma_semaphore, #tpu.memory_space<semaphore_mem>>)
      %add3A_54 = arith.constant 1 : i32
      %add3A_55 = arith.addi %mul3A_21, %add3A_54 : i32
      %mul3A_56 = arith.constant 80 : i32
      %mul3A_57 = arith.muli %add3A_55, %mul3A_56 : i32
      "tpu.region"() ({
        %run_scoped3A = tpu.sem_alloc : memref<!tpu.dma_semaphore, #tpu.memory_space<semaphore_mem>>
        %dma_start3A_58 = tpu.memref_slice %arg9[%mul3A_57] : memref<10000xi32, #tpu.memory_space<vmem>> -> memref<80xi32, #tpu.memory_space<vmem>>
        %dma_start3A_59 = arith.constant 0 : i32
        %dma_start3A_60 = arith.constant 0 : i32
        %dma_start3A_61 = tpu.memref_slice %arg7[%dma_start3A_59, %dma_start3A_60] : memref<10240x128xf32, #tpu.memory_space<vmem_shared>> -> memref<10240x128xf32, #tpu.memory_space<vmem_shared>>
        tpu.enqueue_indirect_dma source(%arg11 : memref<80x128xf32, #tpu.memory_space<vmem>>) target(%dma_start3A_61 : memref<10240x128xf32, #tpu.memory_space<vmem_shared>>) offsets(%dma_start3A_58 : memref<80xi32, #tpu.memory_space<vmem>>) semaphore(%run_scoped3A : memref<!tpu.dma_semaphore, #tpu.memory_space<semaphore_mem>>) {add = true}
        %dma_wait3A_62 = tpu.memref_slice %arg9[%mul3A_57] : memref<10000xi32, #tpu.memory_space<vmem>> -> memref<80xi32, #tpu.memory_space<vmem>>
        %dma_wait3A_63 = arith.constant 0 : i32
        %dma_wait3A_64 = arith.constant 0 : i32
        %dma_wait3A_65 = tpu.memref_slice %arg7[%dma_wait3A_63, %dma_wait3A_64] : memref<10240x128xf32, #tpu.memory_space<vmem_shared>> -> memref<10240x128xf32, #tpu.memory_space<vmem_shared>>
        tpu.wait_indirect_dma semaphore(%run_scoped3A : memref<!tpu.dma_semaphore, #tpu.memory_space<semaphore_mem>>) src(%arg11 : memref<80x128xf32, #tpu.memory_space<vmem>>) dst(%dma_wait3A_65 : memref<10240x128xf32, #tpu.memory_space<vmem_shared>>)
        tpu.yield
      }) : () -> ()
    }
    %scan3A_13 = arith.constant 62 : i32
    %dma_wait3A = arith.constant 9920 : i32
    %dma_wait3A_14 = tpu.memref_slice %arg8[%dma_wait3A] : memref<10000xi32, #tpu.memory_space<vmem>> -> memref<80xi32, #tpu.memory_space<vmem>>
    %dma_wait3A_15 = arith.constant 0 : i32
    %dma_wait3A_16 = arith.constant 0 : i32
    %dma_wait3A_17 = tpu.memref_slice %arg2[%dma_wait3A_15, %dma_wait3A_16] : memref<10000x128xf32, #tpu.memory_space<hbm>> -> memref<10000x128xf32, #tpu.memory_space<hbm>>
    tpu.wait_indirect_dma semaphore(%arg12 : memref<!tpu.dma_semaphore, #tpu.memory_space<semaphore_mem>>) src(%dma_wait3A_17 : memref<10000x128xf32, #tpu.memory_space<hbm>>) dst(%arg10 : memref<80x128xf32, #tpu.memory_space<vmem>>)
    "tpu.region"() ({
      %run_scoped3A = tpu.sem_alloc : memref<!tpu.dma_semaphore, #tpu.memory_space<semaphore_mem>>
      %dma_start3A_19 = arith.constant 9920 : i32
      %dma_start3A_20 = tpu.memref_slice %arg9[%dma_start3A_19] : memref<10000xi32, #tpu.memory_space<vmem>> -> memref<80xi32, #tpu.memory_space<vmem>>
      %dma_start3A_21 = arith.constant 0 : i32
      %dma_start3A_22 = arith.constant 0 : i32
      %dma_start3A_23 = tpu.memref_slice %arg7[%dma_start3A_21, %dma_start3A_22] : memref<10240x128xf32, #tpu.memory_space<vmem_shared>> -> memref<10240x128xf32, #tpu.memory_space<vmem_shared>>
      tpu.enqueue_indirect_dma source(%arg10 : memref<80x128xf32, #tpu.memory_space<vmem>>) target(%dma_start3A_23 : memref<10240x128xf32, #tpu.memory_space<vmem_shared>>) offsets(%dma_start3A_20 : memref<80xi32, #tpu.memory_space<vmem>>) semaphore(%run_scoped3A : memref<!tpu.dma_semaphore, #tpu.memory_space<semaphore_mem>>) {add = true}
      %dma_wait3A_24 = arith.constant 9920 : i32
      %dma_wait3A_25 = tpu.memref_slice %arg9[%dma_wait3A_24] : memref<10000xi32, #tpu.memory_space<vmem>> -> memref<80xi32, #tpu.memory_space<vmem>>
      %dma_wait3A_26 = arith.constant 0 : i32
      %dma_wait3A_27 = arith.constant 0 : i32
      %dma_wait3A_28 = tpu.memref_slice %arg7[%dma_wait3A_26, %dma_wait3A_27] : memref<10240x128xf32, #tpu.memory_space<vmem_shared>> -> memref<10240x128xf32, #tpu.memory_space<vmem_shared>>
      tpu.wait_indirect_dma semaphore(%run_scoped3A : memref<!tpu.dma_semaphore, #tpu.memory_space<semaphore_mem>>) src(%arg10 : memref<80x128xf32, #tpu.memory_space<vmem>>) dst(%dma_wait3A_28 : memref<10240x128xf32, #tpu.memory_space<vmem_shared>>)
      tpu.yield
    }) : () -> ()
    %barrier3A_18 = arith.constant 0 : index
    tpu.barrier barrier_id(%barrier3A_18)
    "tpu.region"() ({
      %run_scoped3A = tpu.sem_alloc : memref<!tpu.dma_semaphore, #tpu.memory_space<semaphore_mem>>
      %dma_start3A_19 = arith.constant 0 : i32
      %dma_start3A_20 = tpu.memref_slice %arg6[%arg0, %mul3A_0, %dma_start3A_19] : memref<2x10240x128xf32, #tpu.memory_space<hbm>> -> memref<1x640x128xf32, #tpu.memory_space<hbm>>
      %dma_start3A_21 = tpu.memref_squeeze %dma_start3A_20 : memref<1x640x128xf32, #tpu.memory_space<hbm>> -> memref<640x128xf32, #tpu.memory_space<hbm>>
      %dma_start3A_22 = arith.constant 0 : i32
      %dma_start3A_23 = tpu.memref_slice %arg7[%mul3A_0, %dma_start3A_22] : memref<10240x128xf32, #tpu.memory_space<vmem_shared>> -> memref<640x128xf32, #tpu.memory_space<vmem_shared>>
      tpu.enqueue_dma source(%dma_start3A_23 : memref<640x128xf32, #tpu.memory_space<vmem_shared>>) target(%dma_start3A_21 : memref<640x128xf32, #tpu.memory_space<hbm>>) target_semaphore(%run_scoped3A : memref<!tpu.dma_semaphore, #tpu.memory_space<semaphore_mem>>)
      %dma_wait3A_24 = arith.constant 0 : i32
      %dma_wait3A_25 = tpu.memref_slice %arg6[%arg0, %mul3A_0, %dma_wait3A_24] : memref<2x10240x128xf32, #tpu.memory_space<hbm>> -> memref<1x640x128xf32, #tpu.memory_space<hbm>>
      %dma_wait3A_26 = tpu.memref_squeeze %dma_wait3A_25 : memref<1x640x128xf32, #tpu.memory_space<hbm>> -> memref<640x128xf32, #tpu.memory_space<hbm>>
      %dma_wait3A_27 = arith.constant 0 : i32
      %dma_wait3A_28 = tpu.memref_slice %arg7[%mul3A_0, %dma_wait3A_27] : memref<10240x128xf32, #tpu.memory_space<vmem_shared>> -> memref<640x128xf32, #tpu.memory_space<vmem_shared>>
      tpu.wait_dma2 semaphore(%run_scoped3A : memref<!tpu.dma_semaphore, #tpu.memory_space<semaphore_mem>>) src(%dma_wait3A_28 : memref<640x128xf32, #tpu.memory_space<vmem_shared>>) dst(%dma_wait3A_26 : memref<640x128xf32, #tpu.memory_space<hbm>>)
      tpu.yield
    }) : () -> ()
    return
  }
}

#map = affine_map<(d0, d1) -> (0, 0)>
#map1 = affine_map<(d0, d1) -> (0)>
#map2 = affine_map<(d0, d1) -> (0, 0, 0)>
module attributes {stable_mosaic.version = 14 : i64} {
  func.func @spmm(%arg0: i32, %arg1: i32, %arg2: memref<10000x128xf32, #tpu.memory_space<hbm>>, %arg3: memref<320000xi32, #tpu.memory_space<hbm>>, %arg4: memref<320000xi32, #tpu.memory_space<hbm>>, %arg5: memref<640x128xf32, #tpu.memory_space<hbm>>, %arg6: memref<2x10240x128xf32, #tpu.memory_space<hbm>>, %arg7: memref<10240x128xf32, #tpu.memory_space<vmem_shared>>, %arg8: memref<10000xi32, #tpu.memory_space<vmem>>, %arg9: memref<10000xi32, #tpu.memory_space<vmem>>, %arg10: memref<80x128xf32, #tpu.memory_space<vmem>>, %arg11: memref<80x128xf32, #tpu.memory_space<vmem>>, %arg12: memref<!tpu.dma_semaphore, #tpu.memory_space<semaphore_mem>>, %arg13: memref<!tpu.dma_semaphore, #tpu.memory_space<semaphore_mem>>) attributes {dimension_semantics = [#tpu.dimension_semantics<core_parallel>, #tpu.dimension_semantics<subcore_parallel>], iteration_bounds = array<i64: 2, 16>, scalar_prefetch = 0 : i64, scratch_operands = 7 : i64, tpu.core_type = #tpu.core_type<sc_vector_subcore>, window_params = [{transform_indices = #map}, {transform_indices = #map1}, {transform_indices = #map1}, {transform_indices = #map}, {transform_indices = #map2}]} {
    %mul3A = arith.constant 640 : i32
    %mul3A_0 = arith.muli %arg1, %mul3A : i32
    "tpu.region"() ({
      %run_scoped3A = tpu.sem_alloc : memref<!tpu.dma_semaphore, #tpu.memory_space<semaphore_mem>>
      %dma_start3A_19 = arith.constant 0 : i32
      %dma_start3A_20 = tpu.memref_slice %arg7[%mul3A_0, %dma_start3A_19] : memref<10240x128xf32, #tpu.memory_space<vmem_shared>> -> memref<640x128xf32, #tpu.memory_space<vmem_shared>>
      tpu.enqueue_dma source(%arg5 : memref<640x128xf32, #tpu.memory_space<hbm>>) target(%dma_start3A_20 : memref<640x128xf32, #tpu.memory_space<vmem_shared>>) target_semaphore(%run_scoped3A : memref<!tpu.dma_semaphore, #tpu.memory_space<semaphore_mem>>)
      %dma_wait3A_21 = arith.constant 0 : i32
      %dma_wait3A_22 = tpu.memref_slice %arg7[%mul3A_0, %dma_wait3A_21] : memref<10240x128xf32, #tpu.memory_space<vmem_shared>> -> memref<640x128xf32, #tpu.memory_space<vmem_shared>>
      tpu.wait_dma2 semaphore(%run_scoped3A : memref<!tpu.dma_semaphore, #tpu.memory_space<semaphore_mem>>) src(%arg5 : memref<640x128xf32, #tpu.memory_space<hbm>>) dst(%dma_wait3A_22 : memref<640x128xf32, #tpu.memory_space<vmem_shared>>)
      tpu.yield
    }) : () -> ()
    %mul3A_1 = arith.constant 16 : i32
    %mul3A_2 = arith.muli %arg0, %mul3A_1 : i32
    %add3A = arith.addi %mul3A_2, %arg1 : i32
    %mul3A_3 = arith.constant 10000 : i32
    %mul3A_4 = arith.muli %add3A, %mul3A_3 : i32
    %multiple_of3A = tpu.assume_multiple %mul3A_4, 8 : i32
    "tpu.region"() ({
      %run_scoped3A = tpu.sem_alloc : memref<!tpu.dma_semaphore, #tpu.memory_space<semaphore_mem>>
      %dma_start3A_19 = tpu.memref_slice %arg3[%multiple_of3A] : memref<320000xi32, #tpu.memory_space<hbm>> -> memref<10000xi32, #tpu.memory_space<hbm>>
      %dma_start3A_20 = tpu.memref_slice %arg3[%multiple_of3A] : memref<320000xi32, #tpu.memory_space<hbm>> -> memref<10000xi32, #tpu.memory_space<hbm>>
      tpu.enqueue_dma source(%dma_start3A_20 : memref<10000xi32, #tpu.memory_space<hbm>>) target(%arg8 : memref<10000xi32, #tpu.memory_space<vmem>>) target_semaphore(%run_scoped3A : memref<!tpu.dma_semaphore, #tpu.memory_space<semaphore_mem>>)
      %dma_wait3A_21 = tpu.memref_slice %arg3[%multiple_of3A] : memref<320000xi32, #tpu.memory_space<hbm>> -> memref<10000xi32, #tpu.memory_space<hbm>>
      %dma_wait3A_22 = tpu.memref_slice %arg3[%multiple_of3A] : memref<320000xi32, #tpu.memory_space<hbm>> -> memref<10000xi32, #tpu.memory_space<hbm>>
      tpu.wait_dma2 semaphore(%run_scoped3A : memref<!tpu.dma_semaphore, #tpu.memory_space<semaphore_mem>>) src(%dma_wait3A_22 : memref<10000xi32, #tpu.memory_space<hbm>>) dst(%arg8 : memref<10000xi32, #tpu.memory_space<vmem>>)
      tpu.yield
    }) : () -> ()
    "tpu.region"() ({
      %run_scoped3A = tpu.sem_alloc : memref<!tpu.dma_semaphore, #tpu.memory_space<semaphore_mem>>
      %dma_start3A_19 = tpu.memref_slice %arg4[%multiple_of3A] : memref<320000xi32, #tpu.memory_space<hbm>> -> memref<10000xi32, #tpu.memory_space<hbm>>
      %dma_start3A_20 = tpu.memref_slice %arg4[%multiple_of3A] : memref<320000xi32, #tpu.memory_space<hbm>> -> memref<10000xi32, #tpu.memory_space<hbm>>
      tpu.enqueue_dma source(%dma_start3A_20 : memref<10000xi32, #tpu.memory_space<hbm>>) target(%arg9 : memref<10000xi32, #tpu.memory_space<vmem>>) target_semaphore(%run_scoped3A : memref<!tpu.dma_semaphore, #tpu.memory_space<semaphore_mem>>)
      %dma_wait3A_21 = tpu.memref_slice %arg4[%multiple_of3A] : memref<320000xi32, #tpu.memory_space<hbm>> -> memref<10000xi32, #tpu.memory_space<hbm>>
      %dma_wait3A_22 = tpu.memref_slice %arg4[%multiple_of3A] : memref<320000xi32, #tpu.memory_space<hbm>> -> memref<10000xi32, #tpu.memory_space<hbm>>
      tpu.wait_dma2 semaphore(%run_scoped3A : memref<!tpu.dma_semaphore, #tpu.memory_space<semaphore_mem>>) src(%dma_wait3A_22 : memref<10000xi32, #tpu.memory_space<hbm>>) dst(%arg9 : memref<10000xi32, #tpu.memory_space<vmem>>)
      tpu.yield
    }) : () -> ()
    %barrier3A = arith.constant 0 : index
    tpu.barrier barrier_id(%barrier3A)
    %dma_start3A = arith.constant 0 : i32
    %dma_start3A_5 = tpu.memref_slice %arg8[%dma_start3A] : memref<10000xi32, #tpu.memory_space<vmem>> -> memref<80xi32, #tpu.memory_space<vmem>>
    %dma_start3A_6 = arith.constant 0 : i32
    %dma_start3A_7 = arith.constant 0 : i32
    %dma_start3A_8 = tpu.memref_slice %arg2[%dma_start3A_6, %dma_start3A_7] : memref<10000x128xf32, #tpu.memory_space<hbm>> -> memref<10000x128xf32, #tpu.memory_space<hbm>>
    tpu.enqueue_indirect_dma source(%dma_start3A_8 : memref<10000x128xf32, #tpu.memory_space<hbm>>) target(%arg10 : memref<80x128xf32, #tpu.memory_space<vmem>>) offsets(%dma_start3A_5 : memref<80xi32, #tpu.memory_space<vmem>>) semaphore(%arg12 : memref<!tpu.dma_semaphore, #tpu.memory_space<semaphore_mem>>)
    %scan3A = arith.constant 0 : i32
    %scan3A_9 = arith.constant 0 : i32
    %scan3A_10 = arith.constant 62 : i32
    %scan3A_11 = arith.addi %scan3A_9, %scan3A_10 : i32
    %scan3A_12 = arith.constant 1 : i32
    scf.for %scan3A_19 = %scan3A_9 to %scan3A_11 step %scan3A_12  : i32 {
      %mul3A_20 = arith.constant 2 : i32
      %mul3A_21 = arith.muli %mul3A_20, %scan3A_19 : i32
      %mul3A_22 = arith.constant 80 : i32
      %mul3A_23 = arith.muli %mul3A_21, %mul3A_22 : i32
      %dma_wait3A_24 = tpu.memref_slice %arg8[%mul3A_23] : memref<10000xi32, #tpu.memory_space<vmem>> -> memref<80xi32, #tpu.memory_space<vmem>>
      %dma_wait3A_25 = arith.constant 0 : i32
      %dma_wait3A_26 = arith.constant 0 : i32
      %dma_wait3A_27 = tpu.memref_slice %arg2[%dma_wait3A_25, %dma_wait3A_26] : memref<10000x128xf32, #tpu.memory_space<hbm>> -> memref<10000x128xf32, #tpu.memory_space<hbm>>
      tpu.wait_indirect_dma semaphore(%arg12 : memref<!tpu.dma_semaphore, #tpu.memory_space<semaphore_mem>>) src(%dma_wait3A_27 : memref<10000x128xf32, #tpu.memory_space<hbm>>) dst(%arg10 : memref<80x128xf32, #tpu.memory_space<vmem>>)
      %add3A_28 = arith.constant 1 : i32
      %add3A_29 = arith.addi %mul3A_21, %add3A_28 : i32
      %mul3A_30 = arith.constant 80 : i32
      %mul3A_31 = arith.muli %add3A_29, %mul3A_30 : i32
      %dma_start3A_32 = tpu.memref_slice %arg8[%mul3A_31] : memref<10000xi32, #tpu.memory_space<vmem>> -> memref<80xi32, #tpu.memory_space<vmem>>
      %dma_start3A_33 = arith.constant 0 : i32
      %dma_start3A_34 = arith.constant 0 : i32
      %dma_start3A_35 = tpu.memref_slice %arg2[%dma_start3A_33, %dma_start3A_34] : memref<10000x128xf32, #tpu.memory_space<hbm>> -> memref<10000x128xf32, #tpu.memory_space<hbm>>
      tpu.enqueue_indirect_dma source(%dma_start3A_35 : memref<10000x128xf32, #tpu.memory_space<hbm>>) target(%arg11 : memref<80x128xf32, #tpu.memory_space<vmem>>) offsets(%dma_start3A_32 : memref<80xi32, #tpu.memory_space<vmem>>) semaphore(%arg13 : memref<!tpu.dma_semaphore, #tpu.memory_space<semaphore_mem>>)
      %mul3A_36 = arith.constant 80 : i32
      %mul3A_37 = arith.muli %mul3A_21, %mul3A_36 : i32
      "tpu.region"() ({
        %run_scoped3A = tpu.sem_alloc : memref<!tpu.dma_semaphore, #tpu.memory_space<semaphore_mem>>
        %dma_start3A_58 = tpu.memref_slice %arg9[%mul3A_37] : memref<10000xi32, #tpu.memory_space<vmem>> -> memref<80xi32, #tpu.memory_space<vmem>>
        %dma_start3A_59 = arith.constant 0 : i32
        %dma_start3A_60 = arith.constant 0 : i32
        %dma_start3A_61 = tpu.memref_slice %arg7[%dma_start3A_59, %dma_start3A_60] : memref<10240x128xf32, #tpu.memory_space<vmem_shared>> -> memref<10240x128xf32, #tpu.memory_space<vmem_shared>>
        tpu.enqueue_indirect_dma source(%arg10 : memref<80x128xf32, #tpu.memory_space<vmem>>) target(%dma_start3A_61 : memref<10240x128xf32, #tpu.memory_space<vmem_shared>>) offsets(%dma_start3A_58 : memref<80xi32, #tpu.memory_space<vmem>>) semaphore(%run_scoped3A : memref<!tpu.dma_semaphore, #tpu.memory_space<semaphore_mem>>) {add = true}
        %dma_wait3A_62 = tpu.memref_slice %arg9[%mul3A_37] : memref<10000xi32, #tpu.memory_space<vmem>> -> memref<80xi32, #tpu.memory_space<vmem>>
        %dma_wait3A_63 = arith.constant 0 : i32
        %dma_wait3A_64 = arith.constant 0 : i32
        %dma_wait3A_65 = tpu.memref_slice %arg7[%dma_wait3A_63, %dma_wait3A_64] : memref<10240x128xf32, #tpu.memory_space<vmem_shared>> -> memref<10240x128xf32, #tpu.memory_space<vmem_shared>>
        tpu.wait_indirect_dma semaphore(%run_scoped3A : memref<!tpu.dma_semaphore, #tpu.memory_space<semaphore_mem>>) src(%arg10 : memref<80x128xf32, #tpu.memory_space<vmem>>) dst(%dma_wait3A_65 : memref<10240x128xf32, #tpu.memory_space<vmem_shared>>)
        tpu.yield
      }) : () -> ()
      %add3A_38 = arith.constant 1 : i32
      %add3A_39 = arith.addi %mul3A_21, %add3A_38 : i32
      %mul3A_40 = arith.constant 80 : i32
      %mul3A_41 = arith.muli %add3A_39, %mul3A_40 : i32
      %dma_wait3A_42 = tpu.memref_slice %arg8[%mul3A_41] : memref<10000xi32, #tpu.memory_space<vmem>> -> memref<80xi32, #tpu.memory_space<vmem>>
      %dma_wait3A_43 = arith.constant 0 : i32
      %dma_wait3A_44 = arith.constant 0 : i32
      %dma_wait3A_45 = tpu.memref_slice %arg2[%dma_wait3A_43, %dma_wait3A_44] : memref<10000x128xf32, #tpu.memory_space<hbm>> -> memref<10000x128xf32, #tpu.memory_space<hbm>>
      tpu.wait_indirect_dma semaphore(%arg13 : memref<!tpu.dma_semaphore, #tpu.memory_space<semaphore_mem>>) src(%dma_wait3A_45 : memref<10000x128xf32, #tpu.memory_space<hbm>>) dst(%arg11 : memref<80x128xf32, #tpu.memory_space<vmem>>)
      %add3A_46 = arith.constant 2 : i32
      %add3A_47 = arith.addi %mul3A_21, %add3A_46 : i32
      %mul3A_48 = arith.constant 80 : i32
      %mul3A_49 = arith.muli %add3A_47, %mul3A_48 : i32
      %dma_start3A_50 = tpu.memref_slice %arg8[%mul3A_49] : memref<10000xi32, #tpu.memory_space<vmem>> -> memref<80xi32, #tpu.memory_space<vmem>>
      %dma_start3A_51 = arith.constant 0 : i32
      %dma_start3A_52 = arith.constant 0 : i32
      %dma_start3A_53 = tpu.memref_slice %arg2[%dma_start3A_51, %dma_start3A_52] : memref<10000x128xf32, #tpu.memory_space<hbm>> -> memref<10000x128xf32, #tpu.memory_space<hbm>>
      tpu.enqueue_indirect_dma source(%dma_start3A_53 : memref<10000x128xf32, #tpu.memory_space<hbm>>) target(%arg10 : memref<80x128xf32, #tpu.memory_space<vmem>>) offsets(%dma_start3A_50 : memref<80xi32, #tpu.memory_space<vmem>>) semaphore(%arg12 : memref<!tpu.dma_semaphore, #tpu.memory_space<semaphore_mem>>)
      %add3A_54 = arith.constant 1 : i32
      %add3A_55 = arith.addi %mul3A_21, %add3A_54 : i32
      %mul3A_56 = arith.constant 80 : i32
      %mul3A_57 = arith.muli %add3A_55, %mul3A_56 : i32
      "tpu.region"() ({
        %run_scoped3A = tpu.sem_alloc : memref<!tpu.dma_semaphore, #tpu.memory_space<semaphore_mem>>
        %dma_start3A_58 = tpu.memref_slice %arg9[%mul3A_57] : memref<10000xi32, #tpu.memory_space<vmem>> -> memref<80xi32, #tpu.memory_space<vmem>>
        %dma_start3A_59 = arith.constant 0 : i32
        %dma_start3A_60 = arith.constant 0 : i32
        %dma_start3A_61 = tpu.memref_slice %arg7[%dma_start3A_59, %dma_start3A_60] : memref<10240x128xf32, #tpu.memory_space<vmem_shared>> -> memref<10240x128xf32, #tpu.memory_space<vmem_shared>>
        tpu.enqueue_indirect_dma source(%arg11 : memref<80x128xf32, #tpu.memory_space<vmem>>) target(%dma_start3A_61 : memref<10240x128xf32, #tpu.memory_space<vmem_shared>>) offsets(%dma_start3A_58 : memref<80xi32, #tpu.memory_space<vmem>>) semaphore(%run_scoped3A : memref<!tpu.dma_semaphore, #tpu.memory_space<semaphore_mem>>) {add = true}
        %dma_wait3A_62 = tpu.memref_slice %arg9[%mul3A_57] : memref<10000xi32, #tpu.memory_space<vmem>> -> memref<80xi32, #tpu.memory_space<vmem>>
        %dma_wait3A_63 = arith.constant 0 : i32
        %dma_wait3A_64 = arith.constant 0 : i32
        %dma_wait3A_65 = tpu.memref_slice %arg7[%dma_wait3A_63, %dma_wait3A_64] : memref<10240x128xf32, #tpu.memory_space<vmem_shared>> -> memref<10240x128xf32, #tpu.memory_space<vmem_shared>>
        tpu.wait_indirect_dma semaphore(%run_scoped3A : memref<!tpu.dma_semaphore, #tpu.memory_space<semaphore_mem>>) src(%arg11 : memref<80x128xf32, #tpu.memory_space<vmem>>) dst(%dma_wait3A_65 : memref<10240x128xf32, #tpu.memory_space<vmem_shared>>)
        tpu.yield
      }) : () -> ()
    }
    %scan3A_13 = arith.constant 62 : i32
    %dma_wait3A = arith.constant 9920 : i32
    %dma_wait3A_14 = tpu.memref_slice %arg8[%dma_wait3A] : memref<10000xi32, #tpu.memory_space<vmem>> -> memref<80xi32, #tpu.memory_space<vmem>>
    %dma_wait3A_15 = arith.constant 0 : i32
    %dma_wait3A_16 = arith.constant 0 : i32
    %dma_wait3A_17 = tpu.memref_slice %arg2[%dma_wait3A_15, %dma_wait3A_16] : memref<10000x128xf32, #tpu.memory_space<hbm>> -> memref<10000x128xf32, #tpu.memory_space<hbm>>
    tpu.wait_indirect_dma semaphore(%arg12 : memref<!tpu.dma_semaphore, #tpu.memory_space<semaphore_mem>>) src(%dma_wait3A_17 : memref<10000x128xf32, #tpu.memory_space<hbm>>) dst(%arg10 : memref<80x128xf32, #tpu.memory_space<vmem>>)
    "tpu.region"() ({
      %run_scoped3A = tpu.sem_alloc : memref<!tpu.dma_semaphore, #tpu.memory_space<semaphore_mem>>
      %dma_start3A_19 = arith.constant 9920 : i32
      %dma_start3A_20 = tpu.memref_slice %arg9[%dma_start3A_19] : memref<10000xi32, #tpu.memory_space<vmem>> -> memref<80xi32, #tpu.memory_space<vmem>>
      %dma_start3A_21 = arith.constant 0 : i32
      %dma_start3A_22 = arith.constant 0 : i32
      %dma_start3A_23 = tpu.memref_slice %arg7[%dma_start3A_21, %dma_start3A_22] : memref<10240x128xf32, #tpu.memory_space<vmem_shared>> -> memref<10240x128xf32, #tpu.memory_space<vmem_shared>>
      tpu.enqueue_indirect_dma source(%arg10 : memref<80x128xf32, #tpu.memory_space<vmem>>) target(%dma_start3A_23 : memref<10240x128xf32, #tpu.memory_space<vmem_shared>>) offsets(%dma_start3A_20 : memref<80xi32, #tpu.memory_space<vmem>>) semaphore(%run_scoped3A : memref<!tpu.dma_semaphore, #tpu.memory_space<semaphore_mem>>) {add = true}
      %dma_wait3A_24 = arith.constant 9920 : i32
      %dma_wait3A_25 = tpu.memref_slice %arg9[%dma_wait3A_24] : memref<10000xi32, #tpu.memory_space<vmem>> -> memref<80xi32, #tpu.memory_space<vmem>>
      %dma_wait3A_26 = arith.constant 0 : i32
      %dma_wait3A_27 = arith.constant 0 : i32
      %dma_wait3A_28 = tpu.memref_slice %arg7[%dma_wait3A_26, %dma_wait3A_27] : memref<10240x128xf32, #tpu.memory_space<vmem_shared>> -> memref<10240x128xf32, #tpu.memory_space<vmem_shared>>
      tpu.wait_indirect_dma semaphore(%run_scoped3A : memref<!tpu.dma_semaphore, #tpu.memory_space<semaphore_mem>>) src(%arg10 : memref<80x128xf32, #tpu.memory_space<vmem>>) dst(%dma_wait3A_28 : memref<10240x128xf32, #tpu.memory_space<vmem_shared>>)
      tpu.yield
    }) : () -> ()
    %barrier3A_18 = arith.constant 0 : index
    tpu.barrier barrier_id(%barrier3A_18)
    "tpu.region"() ({
      %run_scoped3A = tpu.sem_alloc : memref<!tpu.dma_semaphore, #tpu.memory_space<semaphore_mem>>
      %dma_start3A_19 = arith.constant 0 : i32
      %dma_start3A_20 = tpu.memref_slice %arg6[%arg0, %mul3A_0, %dma_start3A_19] : memref<2x10240x128xf32, #tpu.memory_space<hbm>> -> memref<1x640x128xf32, #tpu.memory_space<hbm>>
      %dma_start3A_21 = tpu.memref_squeeze %dma_start3A_20 : memref<1x640x128xf32, #tpu.memory_space<hbm>> -> memref<640x128xf32, #tpu.memory_space<hbm>>
      %dma_start3A_22 = arith.constant 0 : i32
      %dma_start3A_23 = tpu.memref_slice %arg7[%mul3A_0, %dma_start3A_22] : memref<10240x128xf32, #tpu.memory_space<vmem_shared>> -> memref<640x128xf32, #tpu.memory_space<vmem_shared>>
      tpu.enqueue_dma source(%dma_start3A_23 : memref<640x128xf32, #tpu.memory_space<vmem_shared>>) target(%dma_start3A_21 : memref<640x128xf32, #tpu.memory_space<hbm>>) target_semaphore(%run_scoped3A : memref<!tpu.dma_semaphore, #tpu.memory_space<semaphore_mem>>)
      %dma_wait3A_24 = arith.constant 0 : i32
      %dma_wait3A_25 = tpu.memref_slice %arg6[%arg0, %mul3A_0, %dma_wait3A_24] : memref<2x10240x128xf32, #tpu.memory_space<hbm>> -> memref<1x640x128xf32, #tpu.memory_space<hbm>>
      %dma_wait3A_26 = tpu.memref_squeeze %dma_wait3A_25 : memref<1x640x128xf32, #tpu.memory_space<hbm>> -> memref<640x128xf32, #tpu.memory_space<hbm>>
      %dma_wait3A_27 = arith.constant 0 : i32
      %dma_wait3A_28 = tpu.memref_slice %arg7[%mul3A_0, %dma_wait3A_27] : memref<10240x128xf32, #tpu.memory_space<vmem_shared>> -> memref<640x128xf32, #tpu.memory_space<vmem_shared>>
      tpu.wait_dma2 semaphore(%run_scoped3A : memref<!tpu.dma_semaphore, #tpu.memory_space<semaphore_mem>>) src(%dma_wait3A_28 : memref<640x128xf32, #tpu.memory_space<vmem_shared>>) dst(%dma_wait3A_26 : memref<640x128xf32, #tpu.memory_space<hbm>>)
      tpu.yield
    }) : () -> ()
    return
  }
}

#map = affine_map<(d0, d1) -> (0, 0)>
#map1 = affine_map<(d0, d1) -> (0)>
#map2 = affine_map<(d0, d1) -> (0, 0, 0)>
module attributes {stable_mosaic.version = 14 : i64} {
  func.func @spmm(%arg0: i32, %arg1: i32, %arg2: memref<10000x128xf32, #tpu.memory_space<hbm>>, %arg3: memref<320000xi32, #tpu.memory_space<hbm>>, %arg4: memref<320000xi32, #tpu.memory_space<hbm>>, %arg5: memref<640x128xf32, #tpu.memory_space<hbm>>, %arg6: memref<2x10240x128xf32, #tpu.memory_space<hbm>>, %arg7: memref<10240x128xf32, #tpu.memory_space<vmem_shared>>, %arg8: memref<10000xi32, #tpu.memory_space<vmem>>, %arg9: memref<10000xi32, #tpu.memory_space<vmem>>, %arg10: memref<80x128xf32, #tpu.memory_space<vmem>>, %arg11: memref<80x128xf32, #tpu.memory_space<vmem>>, %arg12: memref<!tpu.dma_semaphore, #tpu.memory_space<semaphore_mem>>, %arg13: memref<!tpu.dma_semaphore, #tpu.memory_space<semaphore_mem>>) attributes {dimension_semantics = [#tpu.dimension_semantics<core_parallel>, #tpu.dimension_semantics<subcore_parallel>], iteration_bounds = array<i64: 2, 16>, scalar_prefetch = 0 : i64, scratch_operands = 7 : i64, tpu.core_type = #tpu.core_type<sc_vector_subcore>, window_params = [{transform_indices = #map}, {transform_indices = #map1}, {transform_indices = #map1}, {transform_indices = #map}, {transform_indices = #map2}]} {
    %mul3A = arith.constant 640 : i32
    %mul3A_0 = arith.muli %arg1, %mul3A : i32
    "tpu.region"() ({
      %run_scoped3A = tpu.sem_alloc : memref<!tpu.dma_semaphore, #tpu.memory_space<semaphore_mem>>
      %dma_start3A_19 = arith.constant 0 : i32
      %dma_start3A_20 = tpu.memref_slice %arg7[%mul3A_0, %dma_start3A_19] : memref<10240x128xf32, #tpu.memory_space<vmem_shared>> -> memref<640x128xf32, #tpu.memory_space<vmem_shared>>
      tpu.enqueue_dma source(%arg5 : memref<640x128xf32, #tpu.memory_space<hbm>>) target(%dma_start3A_20 : memref<640x128xf32, #tpu.memory_space<vmem_shared>>) target_semaphore(%run_scoped3A : memref<!tpu.dma_semaphore, #tpu.memory_space<semaphore_mem>>)
      %dma_wait3A_21 = arith.constant 0 : i32
      %dma_wait3A_22 = tpu.memref_slice %arg7[%mul3A_0, %dma_wait3A_21] : memref<10240x128xf32, #tpu.memory_space<vmem_shared>> -> memref<640x128xf32, #tpu.memory_space<vmem_shared>>
      tpu.wait_dma2 semaphore(%run_scoped3A : memref<!tpu.dma_semaphore, #tpu.memory_space<semaphore_mem>>) src(%arg5 : memref<640x128xf32, #tpu.memory_space<hbm>>) dst(%dma_wait3A_22 : memref<640x128xf32, #tpu.memory_space<vmem_shared>>)
      tpu.yield
    }) : () -> ()
    %mul3A_1 = arith.constant 16 : i32
    %mul3A_2 = arith.muli %arg0, %mul3A_1 : i32
    %add3A = arith.addi %mul3A_2, %arg1 : i32
    %mul3A_3 = arith.constant 10000 : i32
    %mul3A_4 = arith.muli %add3A, %mul3A_3 : i32
    %multiple_of3A = tpu.assume_multiple %mul3A_4, 8 : i32
    "tpu.region"() ({
      %run_scoped3A = tpu.sem_alloc : memref<!tpu.dma_semaphore, #tpu.memory_space<semaphore_mem>>
      %dma_start3A_19 = tpu.memref_slice %arg3[%multiple_of3A] : memref<320000xi32, #tpu.memory_space<hbm>> -> memref<10000xi32, #tpu.memory_space<hbm>>
      %dma_start3A_20 = tpu.memref_slice %arg3[%multiple_of3A] : memref<320000xi32, #tpu.memory_space<hbm>> -> memref<10000xi32, #tpu.memory_space<hbm>>
      tpu.enqueue_dma source(%dma_start3A_20 : memref<10000xi32, #tpu.memory_space<hbm>>) target(%arg8 : memref<10000xi32, #tpu.memory_space<vmem>>) target_semaphore(%run_scoped3A : memref<!tpu.dma_semaphore, #tpu.memory_space<semaphore_mem>>)
      %dma_wait3A_21 = tpu.memref_slice %arg3[%multiple_of3A] : memref<320000xi32, #tpu.memory_space<hbm>> -> memref<10000xi32, #tpu.memory_space<hbm>>
      %dma_wait3A_22 = tpu.memref_slice %arg3[%multiple_of3A] : memref<320000xi32, #tpu.memory_space<hbm>> -> memref<10000xi32, #tpu.memory_space<hbm>>
      tpu.wait_dma2 semaphore(%run_scoped3A : memref<!tpu.dma_semaphore, #tpu.memory_space<semaphore_mem>>) src(%dma_wait3A_22 : memref<10000xi32, #tpu.memory_space<hbm>>) dst(%arg8 : memref<10000xi32, #tpu.memory_space<vmem>>)
      tpu.yield
    }) : () -> ()
    "tpu.region"() ({
      %run_scoped3A = tpu.sem_alloc : memref<!tpu.dma_semaphore, #tpu.memory_space<semaphore_mem>>
      %dma_start3A_19 = tpu.memref_slice %arg4[%multiple_of3A] : memref<320000xi32, #tpu.memory_space<hbm>> -> memref<10000xi32, #tpu.memory_space<hbm>>
      %dma_start3A_20 = tpu.memref_slice %arg4[%multiple_of3A] : memref<320000xi32, #tpu.memory_space<hbm>> -> memref<10000xi32, #tpu.memory_space<hbm>>
      tpu.enqueue_dma source(%dma_start3A_20 : memref<10000xi32, #tpu.memory_space<hbm>>) target(%arg9 : memref<10000xi32, #tpu.memory_space<vmem>>) target_semaphore(%run_scoped3A : memref<!tpu.dma_semaphore, #tpu.memory_space<semaphore_mem>>)
      %dma_wait3A_21 = tpu.memref_slice %arg4[%multiple_of3A] : memref<320000xi32, #tpu.memory_space<hbm>> -> memref<10000xi32, #tpu.memory_space<hbm>>
      %dma_wait3A_22 = tpu.memref_slice %arg4[%multiple_of3A] : memref<320000xi32, #tpu.memory_space<hbm>> -> memref<10000xi32, #tpu.memory_space<hbm>>
      tpu.wait_dma2 semaphore(%run_scoped3A : memref<!tpu.dma_semaphore, #tpu.memory_space<semaphore_mem>>) src(%dma_wait3A_22 : memref<10000xi32, #tpu.memory_space<hbm>>) dst(%arg9 : memref<10000xi32, #tpu.memory_space<vmem>>)
      tpu.yield
    }) : () -> ()
    %barrier3A = arith.constant 0 : index
    tpu.barrier barrier_id(%barrier3A)
    %dma_start3A = arith.constant 0 : i32
    %dma_start3A_5 = tpu.memref_slice %arg8[%dma_start3A] : memref<10000xi32, #tpu.memory_space<vmem>> -> memref<80xi32, #tpu.memory_space<vmem>>
    %dma_start3A_6 = arith.constant 0 : i32
    %dma_start3A_7 = arith.constant 0 : i32
    %dma_start3A_8 = tpu.memref_slice %arg2[%dma_start3A_6, %dma_start3A_7] : memref<10000x128xf32, #tpu.memory_space<hbm>> -> memref<10000x128xf32, #tpu.memory_space<hbm>>
    tpu.enqueue_indirect_dma source(%dma_start3A_8 : memref<10000x128xf32, #tpu.memory_space<hbm>>) target(%arg10 : memref<80x128xf32, #tpu.memory_space<vmem>>) offsets(%dma_start3A_5 : memref<80xi32, #tpu.memory_space<vmem>>) semaphore(%arg12 : memref<!tpu.dma_semaphore, #tpu.memory_space<semaphore_mem>>)
    %scan3A = arith.constant 0 : i32
    %scan3A_9 = arith.constant 0 : i32
    %scan3A_10 = arith.constant 62 : i32
    %scan3A_11 = arith.addi %scan3A_9, %scan3A_10 : i32
    %scan3A_12 = arith.constant 1 : i32
    scf.for %scan3A_19 = %scan3A_9 to %scan3A_11 step %scan3A_12  : i32 {
      %mul3A_20 = arith.constant 2 : i32
      %mul3A_21 = arith.muli %mul3A_20, %scan3A_19 : i32
      %mul3A_22 = arith.constant 80 : i32
      %mul3A_23 = arith.muli %mul3A_21, %mul3A_22 : i32
      %dma_wait3A_24 = tpu.memref_slice %arg8[%mul3A_23] : memref<10000xi32, #tpu.memory_space<vmem>> -> memref<80xi32, #tpu.memory_space<vmem>>
      %dma_wait3A_25 = arith.constant 0 : i32
      %dma_wait3A_26 = arith.constant 0 : i32
      %dma_wait3A_27 = tpu.memref_slice %arg2[%dma_wait3A_25, %dma_wait3A_26] : memref<10000x128xf32, #tpu.memory_space<hbm>> -> memref<10000x128xf32, #tpu.memory_space<hbm>>
      tpu.wait_indirect_dma semaphore(%arg12 : memref<!tpu.dma_semaphore, #tpu.memory_space<semaphore_mem>>) src(%dma_wait3A_27 : memref<10000x128xf32, #tpu.memory_space<hbm>>) dst(%arg10 : memref<80x128xf32, #tpu.memory_space<vmem>>)
      %add3A_28 = arith.constant 1 : i32
      %add3A_29 = arith.addi %mul3A_21, %add3A_28 : i32
      %mul3A_30 = arith.constant 80 : i32
      %mul3A_31 = arith.muli %add3A_29, %mul3A_30 : i32
      %dma_start3A_32 = tpu.memref_slice %arg8[%mul3A_31] : memref<10000xi32, #tpu.memory_space<vmem>> -> memref<80xi32, #tpu.memory_space<vmem>>
      %dma_start3A_33 = arith.constant 0 : i32
      %dma_start3A_34 = arith.constant 0 : i32
      %dma_start3A_35 = tpu.memref_slice %arg2[%dma_start3A_33, %dma_start3A_34] : memref<10000x128xf32, #tpu.memory_space<hbm>> -> memref<10000x128xf32, #tpu.memory_space<hbm>>
      tpu.enqueue_indirect_dma source(%dma_start3A_35 : memref<10000x128xf32, #tpu.memory_space<hbm>>) target(%arg11 : memref<80x128xf32, #tpu.memory_space<vmem>>) offsets(%dma_start3A_32 : memref<80xi32, #tpu.memory_space<vmem>>) semaphore(%arg13 : memref<!tpu.dma_semaphore, #tpu.memory_space<semaphore_mem>>)
      %mul3A_36 = arith.constant 80 : i32
      %mul3A_37 = arith.muli %mul3A_21, %mul3A_36 : i32
      "tpu.region"() ({
        %run_scoped3A = tpu.sem_alloc : memref<!tpu.dma_semaphore, #tpu.memory_space<semaphore_mem>>
        %dma_start3A_58 = tpu.memref_slice %arg9[%mul3A_37] : memref<10000xi32, #tpu.memory_space<vmem>> -> memref<80xi32, #tpu.memory_space<vmem>>
        %dma_start3A_59 = arith.constant 0 : i32
        %dma_start3A_60 = arith.constant 0 : i32
        %dma_start3A_61 = tpu.memref_slice %arg7[%dma_start3A_59, %dma_start3A_60] : memref<10240x128xf32, #tpu.memory_space<vmem_shared>> -> memref<10240x128xf32, #tpu.memory_space<vmem_shared>>
        tpu.enqueue_indirect_dma source(%arg10 : memref<80x128xf32, #tpu.memory_space<vmem>>) target(%dma_start3A_61 : memref<10240x128xf32, #tpu.memory_space<vmem_shared>>) offsets(%dma_start3A_58 : memref<80xi32, #tpu.memory_space<vmem>>) semaphore(%run_scoped3A : memref<!tpu.dma_semaphore, #tpu.memory_space<semaphore_mem>>) {add = true}
        %dma_wait3A_62 = tpu.memref_slice %arg9[%mul3A_37] : memref<10000xi32, #tpu.memory_space<vmem>> -> memref<80xi32, #tpu.memory_space<vmem>>
        %dma_wait3A_63 = arith.constant 0 : i32
        %dma_wait3A_64 = arith.constant 0 : i32
        %dma_wait3A_65 = tpu.memref_slice %arg7[%dma_wait3A_63, %dma_wait3A_64] : memref<10240x128xf32, #tpu.memory_space<vmem_shared>> -> memref<10240x128xf32, #tpu.memory_space<vmem_shared>>
        tpu.wait_indirect_dma semaphore(%run_scoped3A : memref<!tpu.dma_semaphore, #tpu.memory_space<semaphore_mem>>) src(%arg10 : memref<80x128xf32, #tpu.memory_space<vmem>>) dst(%dma_wait3A_65 : memref<10240x128xf32, #tpu.memory_space<vmem_shared>>)
        tpu.yield
      }) : () -> ()
      %add3A_38 = arith.constant 1 : i32
      %add3A_39 = arith.addi %mul3A_21, %add3A_38 : i32
      %mul3A_40 = arith.constant 80 : i32
      %mul3A_41 = arith.muli %add3A_39, %mul3A_40 : i32
      %dma_wait3A_42 = tpu.memref_slice %arg8[%mul3A_41] : memref<10000xi32, #tpu.memory_space<vmem>> -> memref<80xi32, #tpu.memory_space<vmem>>
      %dma_wait3A_43 = arith.constant 0 : i32
      %dma_wait3A_44 = arith.constant 0 : i32
      %dma_wait3A_45 = tpu.memref_slice %arg2[%dma_wait3A_43, %dma_wait3A_44] : memref<10000x128xf32, #tpu.memory_space<hbm>> -> memref<10000x128xf32, #tpu.memory_space<hbm>>
      tpu.wait_indirect_dma semaphore(%arg13 : memref<!tpu.dma_semaphore, #tpu.memory_space<semaphore_mem>>) src(%dma_wait3A_45 : memref<10000x128xf32, #tpu.memory_space<hbm>>) dst(%arg11 : memref<80x128xf32, #tpu.memory_space<vmem>>)
      %add3A_46 = arith.constant 2 : i32
      %add3A_47 = arith.addi %mul3A_21, %add3A_46 : i32
      %mul3A_48 = arith.constant 80 : i32
      %mul3A_49 = arith.muli %add3A_47, %mul3A_48 : i32
      %dma_start3A_50 = tpu.memref_slice %arg8[%mul3A_49] : memref<10000xi32, #tpu.memory_space<vmem>> -> memref<80xi32, #tpu.memory_space<vmem>>
      %dma_start3A_51 = arith.constant 0 : i32
      %dma_start3A_52 = arith.constant 0 : i32
      %dma_start3A_53 = tpu.memref_slice %arg2[%dma_start3A_51, %dma_start3A_52] : memref<10000x128xf32, #tpu.memory_space<hbm>> -> memref<10000x128xf32, #tpu.memory_space<hbm>>
      tpu.enqueue_indirect_dma source(%dma_start3A_53 : memref<10000x128xf32, #tpu.memory_space<hbm>>) target(%arg10 : memref<80x128xf32, #tpu.memory_space<vmem>>) offsets(%dma_start3A_50 : memref<80xi32, #tpu.memory_space<vmem>>) semaphore(%arg12 : memref<!tpu.dma_semaphore, #tpu.memory_space<semaphore_mem>>)
      %add3A_54 = arith.constant 1 : i32
      %add3A_55 = arith.addi %mul3A_21, %add3A_54 : i32
      %mul3A_56 = arith.constant 80 : i32
      %mul3A_57 = arith.muli %add3A_55, %mul3A_56 : i32
      "tpu.region"() ({
        %run_scoped3A = tpu.sem_alloc : memref<!tpu.dma_semaphore, #tpu.memory_space<semaphore_mem>>
        %dma_start3A_58 = tpu.memref_slice %arg9[%mul3A_57] : memref<10000xi32, #tpu.memory_space<vmem>> -> memref<80xi32, #tpu.memory_space<vmem>>
        %dma_start3A_59 = arith.constant 0 : i32
        %dma_start3A_60 = arith.constant 0 : i32
        %dma_start3A_61 = tpu.memref_slice %arg7[%dma_start3A_59, %dma_start3A_60] : memref<10240x128xf32, #tpu.memory_space<vmem_shared>> -> memref<10240x128xf32, #tpu.memory_space<vmem_shared>>
        tpu.enqueue_indirect_dma source(%arg11 : memref<80x128xf32, #tpu.memory_space<vmem>>) target(%dma_start3A_61 : memref<10240x128xf32, #tpu.memory_space<vmem_shared>>) offsets(%dma_start3A_58 : memref<80xi32, #tpu.memory_space<vmem>>) semaphore(%run_scoped3A : memref<!tpu.dma_semaphore, #tpu.memory_space<semaphore_mem>>) {add = true}
        %dma_wait3A_62 = tpu.memref_slice %arg9[%mul3A_57] : memref<10000xi32, #tpu.memory_space<vmem>> -> memref<80xi32, #tpu.memory_space<vmem>>
        %dma_wait3A_63 = arith.constant 0 : i32
        %dma_wait3A_64 = arith.constant 0 : i32
        %dma_wait3A_65 = tpu.memref_slice %arg7[%dma_wait3A_63, %dma_wait3A_64] : memref<10240x128xf32, #tpu.memory_space<vmem_shared>> -> memref<10240x128xf32, #tpu.memory_space<vmem_shared>>
        tpu.wait_indirect_dma semaphore(%run_scoped3A : memref<!tpu.dma_semaphore, #tpu.memory_space<semaphore_mem>>) src(%arg11 : memref<80x128xf32, #tpu.memory_space<vmem>>) dst(%dma_wait3A_65 : memref<10240x128xf32, #tpu.memory_space<vmem_shared>>)
        tpu.yield
      }) : () -> ()
    }
    %scan3A_13 = arith.constant 62 : i32
    %dma_wait3A = arith.constant 9920 : i32
    %dma_wait3A_14 = tpu.memref_slice %arg8[%dma_wait3A] : memref<10000xi32, #tpu.memory_space<vmem>> -> memref<80xi32, #tpu.memory_space<vmem>>
    %dma_wait3A_15 = arith.constant 0 : i32
    %dma_wait3A_16 = arith.constant 0 : i32
    %dma_wait3A_17 = tpu.memref_slice %arg2[%dma_wait3A_15, %dma_wait3A_16] : memref<10000x128xf32, #tpu.memory_space<hbm>> -> memref<10000x128xf32, #tpu.memory_space<hbm>>
    tpu.wait_indirect_dma semaphore(%arg12 : memref<!tpu.dma_semaphore, #tpu.memory_space<semaphore_mem>>) src(%dma_wait3A_17 : memref<10000x128xf32, #tpu.memory_space<hbm>>) dst(%arg10 : memref<80x128xf32, #tpu.memory_space<vmem>>)
    "tpu.region"() ({
      %run_scoped3A = tpu.sem_alloc : memref<!tpu.dma_semaphore, #tpu.memory_space<semaphore_mem>>
      %dma_start3A_19 = arith.constant 9920 : i32
      %dma_start3A_20 = tpu.memref_slice %arg9[%dma_start3A_19] : memref<10000xi32, #tpu.memory_space<vmem>> -> memref<80xi32, #tpu.memory_space<vmem>>
      %dma_start3A_21 = arith.constant 0 : i32
      %dma_start3A_22 = arith.constant 0 : i32
      %dma_start3A_23 = tpu.memref_slice %arg7[%dma_start3A_21, %dma_start3A_22] : memref<10240x128xf32, #tpu.memory_space<vmem_shared>> -> memref<10240x128xf32, #tpu.memory_space<vmem_shared>>
      tpu.enqueue_indirect_dma source(%arg10 : memref<80x128xf32, #tpu.memory_space<vmem>>) target(%dma_start3A_23 : memref<10240x128xf32, #tpu.memory_space<vmem_shared>>) offsets(%dma_start3A_20 : memref<80xi32, #tpu.memory_space<vmem>>) semaphore(%run_scoped3A : memref<!tpu.dma_semaphore, #tpu.memory_space<semaphore_mem>>) {add = true}
      %dma_wait3A_24 = arith.constant 9920 : i32
      %dma_wait3A_25 = tpu.memref_slice %arg9[%dma_wait3A_24] : memref<10000xi32, #tpu.memory_space<vmem>> -> memref<80xi32, #tpu.memory_space<vmem>>
      %dma_wait3A_26 = arith.constant 0 : i32
      %dma_wait3A_27 = arith.constant 0 : i32
      %dma_wait3A_28 = tpu.memref_slice %arg7[%dma_wait3A_26, %dma_wait3A_27] : memref<10240x128xf32, #tpu.memory_space<vmem_shared>> -> memref<10240x128xf32, #tpu.memory_space<vmem_shared>>
      tpu.wait_indirect_dma semaphore(%run_scoped3A : memref<!tpu.dma_semaphore, #tpu.memory_space<semaphore_mem>>) src(%arg10 : memref<80x128xf32, #tpu.memory_space<vmem>>) dst(%dma_wait3A_28 : memref<10240x128xf32, #tpu.memory_space<vmem_shared>>)
      tpu.yield
    }) : () -> ()
    %barrier3A_18 = arith.constant 0 : index
    tpu.barrier barrier_id(%barrier3A_18)
    "tpu.region"() ({
      %run_scoped3A = tpu.sem_alloc : memref<!tpu.dma_semaphore, #tpu.memory_space<semaphore_mem>>
      %dma_start3A_19 = arith.constant 0 : i32
      %dma_start3A_20 = tpu.memref_slice %arg6[%arg0, %mul3A_0, %dma_start3A_19] : memref<2x10240x128xf32, #tpu.memory_space<hbm>> -> memref<1x640x128xf32, #tpu.memory_space<hbm>>
      %dma_start3A_21 = tpu.memref_squeeze %dma_start3A_20 : memref<1x640x128xf32, #tpu.memory_space<hbm>> -> memref<640x128xf32, #tpu.memory_space<hbm>>
      %dma_start3A_22 = arith.constant 0 : i32
      %dma_start3A_23 = tpu.memref_slice %arg7[%mul3A_0, %dma_start3A_22] : memref<10240x128xf32, #tpu.memory_space<vmem_shared>> -> memref<640x128xf32, #tpu.memory_space<vmem_shared>>
      tpu.enqueue_dma source(%dma_start3A_23 : memref<640x128xf32, #tpu.memory_space<vmem_shared>>) target(%dma_start3A_21 : memref<640x128xf32, #tpu.memory_space<hbm>>) target_semaphore(%run_scoped3A : memref<!tpu.dma_semaphore, #tpu.memory_space<semaphore_mem>>)
      %dma_wait3A_24 = arith.constant 0 : i32
      %dma_wait3A_25 = tpu.memref_slice %arg6[%arg0, %mul3A_0, %dma_wait3A_24] : memref<2x10240x128xf32, #tpu.memory_space<hbm>> -> memref<1x640x128xf32, #tpu.memory_space<hbm>>
      %dma_wait3A_26 = tpu.memref_squeeze %dma_wait3A_25 : memref<1x640x128xf32, #tpu.memory_space<hbm>> -> memref<640x128xf32, #tpu.memory_space<hbm>>
      %dma_wait3A_27 = arith.constant 0 : i32
      %dma_wait3A_28 = tpu.memref_slice %arg7[%mul3A_0, %dma_wait3A_27] : memref<10240x128xf32, #tpu.memory_space<vmem_shared>> -> memref<640x128xf32, #tpu.memory_space<vmem_shared>>
      tpu.wait_dma2 semaphore(%run_scoped3A : memref<!tpu.dma_semaphore, #tpu.memory_space<semaphore_mem>>) src(%dma_wait3A_28 : memref<640x128xf32, #tpu.memory_space<vmem_shared>>) dst(%dma_wait3A_26 : memref<640x128xf32, #tpu.memory_space<hbm>>)
      tpu.yield
    }) : () -> ()
    return
  }
}

#map = affine_map<(d0, d1) -> (0)>
#map1 = affine_map<(d0, d1) -> (0, 0)>
#map2 = affine_map<(d0, d1) -> (0, 0, 0)>
module attributes {stable_mosaic.version = 14 : i64} {
  func.func @_sc_deg(%arg0: i32, %arg1: i32, %arg2: memref<320000xi32, #tpu.memory_space<hbm>>, %arg3: memref<640x128xf32, #tpu.memory_space<hbm>>, %arg4: memref<80x128xf32, #tpu.memory_space<hbm>>, %arg5: memref<2x10240x128xf32, #tpu.memory_space<hbm>>, %arg6: memref<10240x128xf32, #tpu.memory_space<vmem_shared>>, %arg7: memref<10000xi32, #tpu.memory_space<vmem>>, %arg8: memref<80x128xf32, #tpu.memory_space<vmem>>) attributes {dimension_semantics = [#tpu.dimension_semantics<core_parallel>, #tpu.dimension_semantics<subcore_parallel>], iteration_bounds = array<i64: 2, 16>, scalar_prefetch = 0 : i64, scratch_operands = 3 : i64, tpu.core_type = #tpu.core_type<sc_vector_subcore>, window_params = [{transform_indices = #map}, {transform_indices = #map1}, {transform_indices = #map1}, {transform_indices = #map2}]} {
    %mul3A = arith.constant 640 : i32
    %mul3A_0 = arith.muli %arg1, %mul3A : i32
    "tpu.region"() ({
      %run_scoped3A = tpu.sem_alloc : memref<!tpu.dma_semaphore, #tpu.memory_space<semaphore_mem>>
      %dma_start3A = arith.constant 0 : i32
      %dma_start3A_11 = tpu.memref_slice %arg6[%mul3A_0, %dma_start3A] : memref<10240x128xf32, #tpu.memory_space<vmem_shared>> -> memref<640x128xf32, #tpu.memory_space<vmem_shared>>
      tpu.enqueue_dma source(%arg3 : memref<640x128xf32, #tpu.memory_space<hbm>>) target(%dma_start3A_11 : memref<640x128xf32, #tpu.memory_space<vmem_shared>>) target_semaphore(%run_scoped3A : memref<!tpu.dma_semaphore, #tpu.memory_space<semaphore_mem>>)
      %dma_wait3A = arith.constant 0 : i32
      %dma_wait3A_12 = tpu.memref_slice %arg6[%mul3A_0, %dma_wait3A] : memref<10240x128xf32, #tpu.memory_space<vmem_shared>> -> memref<640x128xf32, #tpu.memory_space<vmem_shared>>
      tpu.wait_dma2 semaphore(%run_scoped3A : memref<!tpu.dma_semaphore, #tpu.memory_space<semaphore_mem>>) src(%arg3 : memref<640x128xf32, #tpu.memory_space<hbm>>) dst(%dma_wait3A_12 : memref<640x128xf32, #tpu.memory_space<vmem_shared>>)
      tpu.yield
    }) : () -> ()
    "tpu.region"() ({
      %run_scoped3A = tpu.sem_alloc : memref<!tpu.dma_semaphore, #tpu.memory_space<semaphore_mem>>
      tpu.enqueue_dma source(%arg4 : memref<80x128xf32, #tpu.memory_space<hbm>>) target(%arg8 : memref<80x128xf32, #tpu.memory_space<vmem>>) target_semaphore(%run_scoped3A : memref<!tpu.dma_semaphore, #tpu.memory_space<semaphore_mem>>)
      tpu.wait_dma2 semaphore(%run_scoped3A : memref<!tpu.dma_semaphore, #tpu.memory_space<semaphore_mem>>) src(%arg4 : memref<80x128xf32, #tpu.memory_space<hbm>>) dst(%arg8 : memref<80x128xf32, #tpu.memory_space<vmem>>)
      tpu.yield
    }) : () -> ()
    %mul3A_1 = arith.constant 16 : i32
    %mul3A_2 = arith.muli %arg0, %mul3A_1 : i32
    %add3A = arith.addi %mul3A_2, %arg1 : i32
    %mul3A_3 = arith.constant 10000 : i32
    %mul3A_4 = arith.muli %add3A, %mul3A_3 : i32
    %multiple_of3A = tpu.assume_multiple %mul3A_4, 8 : i32
    "tpu.region"() ({
      %run_scoped3A = tpu.sem_alloc : memref<!tpu.dma_semaphore, #tpu.memory_space<semaphore_mem>>
      %dma_start3A = tpu.memref_slice %arg2[%multiple_of3A] : memref<320000xi32, #tpu.memory_space<hbm>> -> memref<10000xi32, #tpu.memory_space<hbm>>
      %dma_start3A_11 = tpu.memref_slice %arg2[%multiple_of3A] : memref<320000xi32, #tpu.memory_space<hbm>> -> memref<10000xi32, #tpu.memory_space<hbm>>
      tpu.enqueue_dma source(%dma_start3A_11 : memref<10000xi32, #tpu.memory_space<hbm>>) target(%arg7 : memref<10000xi32, #tpu.memory_space<vmem>>) target_semaphore(%run_scoped3A : memref<!tpu.dma_semaphore, #tpu.memory_space<semaphore_mem>>)
      %dma_wait3A = tpu.memref_slice %arg2[%multiple_of3A] : memref<320000xi32, #tpu.memory_space<hbm>> -> memref<10000xi32, #tpu.memory_space<hbm>>
      %dma_wait3A_12 = tpu.memref_slice %arg2[%multiple_of3A] : memref<320000xi32, #tpu.memory_space<hbm>> -> memref<10000xi32, #tpu.memory_space<hbm>>
      tpu.wait_dma2 semaphore(%run_scoped3A : memref<!tpu.dma_semaphore, #tpu.memory_space<semaphore_mem>>) src(%dma_wait3A_12 : memref<10000xi32, #tpu.memory_space<hbm>>) dst(%arg7 : memref<10000xi32, #tpu.memory_space<vmem>>)
      tpu.yield
    }) : () -> ()
    %barrier3A = arith.constant 0 : index
    tpu.barrier barrier_id(%barrier3A)
    %scan3A = arith.constant 0 : i32
    %scan3A_5 = arith.constant 0 : i32
    %scan3A_6 = arith.constant 125 : i32
    %scan3A_7 = arith.addi %scan3A_5, %scan3A_6 : i32
    %scan3A_8 = arith.constant 1 : i32
    scf.for %scan3A_11 = %scan3A_5 to %scan3A_7 step %scan3A_8  : i32 {
      %mul3A_12 = arith.constant 80 : i32
      %mul3A_13 = arith.muli %scan3A_11, %mul3A_12 : i32
      "tpu.region"() ({
        %run_scoped3A = tpu.sem_alloc : memref<!tpu.dma_semaphore, #tpu.memory_space<semaphore_mem>>
        %dma_start3A = tpu.memref_slice %arg7[%mul3A_13] : memref<10000xi32, #tpu.memory_space<vmem>> -> memref<80xi32, #tpu.memory_space<vmem>>
        %dma_start3A_14 = arith.constant 0 : i32
        %dma_start3A_15 = arith.constant 0 : i32
        %dma_start3A_16 = tpu.memref_slice %arg6[%dma_start3A_14, %dma_start3A_15] : memref<10240x128xf32, #tpu.memory_space<vmem_shared>> -> memref<10240x128xf32, #tpu.memory_space<vmem_shared>>
        tpu.enqueue_indirect_dma source(%arg8 : memref<80x128xf32, #tpu.memory_space<vmem>>) target(%dma_start3A_16 : memref<10240x128xf32, #tpu.memory_space<vmem_shared>>) offsets(%dma_start3A : memref<80xi32, #tpu.memory_space<vmem>>) semaphore(%run_scoped3A : memref<!tpu.dma_semaphore, #tpu.memory_space<semaphore_mem>>) {add = true}
        %dma_wait3A = tpu.memref_slice %arg7[%mul3A_13] : memref<10000xi32, #tpu.memory_space<vmem>> -> memref<80xi32, #tpu.memory_space<vmem>>
        %dma_wait3A_17 = arith.constant 0 : i32
        %dma_wait3A_18 = arith.constant 0 : i32
        %dma_wait3A_19 = tpu.memref_slice %arg6[%dma_wait3A_17, %dma_wait3A_18] : memref<10240x128xf32, #tpu.memory_space<vmem_shared>> -> memref<10240x128xf32, #tpu.memory_space<vmem_shared>>
        tpu.wait_indirect_dma semaphore(%run_scoped3A : memref<!tpu.dma_semaphore, #tpu.memory_space<semaphore_mem>>) src(%arg8 : memref<80x128xf32, #tpu.memory_space<vmem>>) dst(%dma_wait3A_19 : memref<10240x128xf32, #tpu.memory_space<vmem_shared>>)
        tpu.yield
      }) : () -> ()
    }
    %scan3A_9 = arith.constant 125 : i32
    %barrier3A_10 = arith.constant 0 : index
    tpu.barrier barrier_id(%barrier3A_10)
    "tpu.region"() ({
      %run_scoped3A = tpu.sem_alloc : memref<!tpu.dma_semaphore, #tpu.memory_space<semaphore_mem>>
      %dma_start3A = arith.constant 0 : i32
      %dma_start3A_11 = tpu.memref_slice %arg5[%arg0, %mul3A_0, %dma_start3A] : memref<2x10240x128xf32, #tpu.memory_space<hbm>> -> memref<1x640x128xf32, #tpu.memory_space<hbm>>
      %dma_start3A_12 = tpu.memref_squeeze %dma_start3A_11 : memref<1x640x128xf32, #tpu.memory_space<hbm>> -> memref<640x128xf32, #tpu.memory_space<hbm>>
      %dma_start3A_13 = arith.constant 0 : i32
      %dma_start3A_14 = tpu.memref_slice %arg6[%mul3A_0, %dma_start3A_13] : memref<10240x128xf32, #tpu.memory_space<vmem_shared>> -> memref<640x128xf32, #tpu.memory_space<vmem_shared>>
      tpu.enqueue_dma source(%dma_start3A_14 : memref<640x128xf32, #tpu.memory_space<vmem_shared>>) target(%dma_start3A_12 : memref<640x128xf32, #tpu.memory_space<hbm>>) target_semaphore(%run_scoped3A : memref<!tpu.dma_semaphore, #tpu.memory_space<semaphore_mem>>)
      %dma_wait3A = arith.constant 0 : i32
      %dma_wait3A_15 = tpu.memref_slice %arg5[%arg0, %mul3A_0, %dma_wait3A] : memref<2x10240x128xf32, #tpu.memory_space<hbm>> -> memref<1x640x128xf32, #tpu.memory_space<hbm>>
      %dma_wait3A_16 = tpu.memref_squeeze %dma_wait3A_15 : memref<1x640x128xf32, #tpu.memory_space<hbm>> -> memref<640x128xf32, #tpu.memory_space<hbm>>
      %dma_wait3A_17 = arith.constant 0 : i32
      %dma_wait3A_18 = tpu.memref_slice %arg6[%mul3A_0, %dma_wait3A_17] : memref<10240x128xf32, #tpu.memory_space<vmem_shared>> -> memref<640x128xf32, #tpu.memory_space<vmem_shared>>
      tpu.wait_dma2 semaphore(%run_scoped3A : memref<!tpu.dma_semaphore, #tpu.memory_space<semaphore_mem>>) src(%dma_wait3A_18 : memref<640x128xf32, #tpu.memory_space<vmem_shared>>) dst(%dma_wait3A_16 : memref<640x128xf32, #tpu.memory_space<hbm>>)
      tpu.yield
    }) : () -> ()
    return
  }
}

#map = affine_map<(d0, d1) -> (0, 0)>
#map1 = affine_map<(d0, d1) -> (0)>
#map2 = affine_map<(d0, d1) -> (0, 0, 0)>
module attributes {stable_mosaic.version = 14 : i64} {
  func.func @spmm(%arg0: i32, %arg1: i32, %arg2: memref<10000x128xf32, #tpu.memory_space<hbm>>, %arg3: memref<320000xi32, #tpu.memory_space<hbm>>, %arg4: memref<320000xi32, #tpu.memory_space<hbm>>, %arg5: memref<640x128xf32, #tpu.memory_space<hbm>>, %arg6: memref<2x10240x128xf32, #tpu.memory_space<hbm>>, %arg7: memref<10240x128xf32, #tpu.memory_space<vmem_shared>>, %arg8: memref<10000xi32, #tpu.memory_space<vmem>>, %arg9: memref<10000xi32, #tpu.memory_space<vmem>>, %arg10: memref<80x128xf32, #tpu.memory_space<vmem>>, %arg11: memref<80x128xf32, #tpu.memory_space<vmem>>, %arg12: memref<!tpu.dma_semaphore, #tpu.memory_space<semaphore_mem>>, %arg13: memref<!tpu.dma_semaphore, #tpu.memory_space<semaphore_mem>>) attributes {dimension_semantics = [#tpu.dimension_semantics<core_parallel>, #tpu.dimension_semantics<subcore_parallel>], iteration_bounds = array<i64: 2, 16>, scalar_prefetch = 0 : i64, scratch_operands = 7 : i64, tpu.core_type = #tpu.core_type<sc_vector_subcore>, window_params = [{transform_indices = #map}, {transform_indices = #map1}, {transform_indices = #map1}, {transform_indices = #map}, {transform_indices = #map2}]} {
    %mul3A = arith.constant 640 : i32
    %mul3A_0 = arith.muli %arg1, %mul3A : i32
    "tpu.region"() ({
      %run_scoped3A = tpu.sem_alloc : memref<!tpu.dma_semaphore, #tpu.memory_space<semaphore_mem>>
      %dma_start3A_19 = arith.constant 0 : i32
      %dma_start3A_20 = tpu.memref_slice %arg7[%mul3A_0, %dma_start3A_19] : memref<10240x128xf32, #tpu.memory_space<vmem_shared>> -> memref<640x128xf32, #tpu.memory_space<vmem_shared>>
      tpu.enqueue_dma source(%arg5 : memref<640x128xf32, #tpu.memory_space<hbm>>) target(%dma_start3A_20 : memref<640x128xf32, #tpu.memory_space<vmem_shared>>) target_semaphore(%run_scoped3A : memref<!tpu.dma_semaphore, #tpu.memory_space<semaphore_mem>>)
      %dma_wait3A_21 = arith.constant 0 : i32
      %dma_wait3A_22 = tpu.memref_slice %arg7[%mul3A_0, %dma_wait3A_21] : memref<10240x128xf32, #tpu.memory_space<vmem_shared>> -> memref<640x128xf32, #tpu.memory_space<vmem_shared>>
      tpu.wait_dma2 semaphore(%run_scoped3A : memref<!tpu.dma_semaphore, #tpu.memory_space<semaphore_mem>>) src(%arg5 : memref<640x128xf32, #tpu.memory_space<hbm>>) dst(%dma_wait3A_22 : memref<640x128xf32, #tpu.memory_space<vmem_shared>>)
      tpu.yield
    }) : () -> ()
    %mul3A_1 = arith.constant 16 : i32
    %mul3A_2 = arith.muli %arg0, %mul3A_1 : i32
    %add3A = arith.addi %mul3A_2, %arg1 : i32
    %mul3A_3 = arith.constant 10000 : i32
    %mul3A_4 = arith.muli %add3A, %mul3A_3 : i32
    %multiple_of3A = tpu.assume_multiple %mul3A_4, 8 : i32
    "tpu.region"() ({
      %run_scoped3A = tpu.sem_alloc : memref<!tpu.dma_semaphore, #tpu.memory_space<semaphore_mem>>
      %dma_start3A_19 = tpu.memref_slice %arg3[%multiple_of3A] : memref<320000xi32, #tpu.memory_space<hbm>> -> memref<10000xi32, #tpu.memory_space<hbm>>
      %dma_start3A_20 = tpu.memref_slice %arg3[%multiple_of3A] : memref<320000xi32, #tpu.memory_space<hbm>> -> memref<10000xi32, #tpu.memory_space<hbm>>
      tpu.enqueue_dma source(%dma_start3A_20 : memref<10000xi32, #tpu.memory_space<hbm>>) target(%arg8 : memref<10000xi32, #tpu.memory_space<vmem>>) target_semaphore(%run_scoped3A : memref<!tpu.dma_semaphore, #tpu.memory_space<semaphore_mem>>)
      %dma_wait3A_21 = tpu.memref_slice %arg3[%multiple_of3A] : memref<320000xi32, #tpu.memory_space<hbm>> -> memref<10000xi32, #tpu.memory_space<hbm>>
      %dma_wait3A_22 = tpu.memref_slice %arg3[%multiple_of3A] : memref<320000xi32, #tpu.memory_space<hbm>> -> memref<10000xi32, #tpu.memory_space<hbm>>
      tpu.wait_dma2 semaphore(%run_scoped3A : memref<!tpu.dma_semaphore, #tpu.memory_space<semaphore_mem>>) src(%dma_wait3A_22 : memref<10000xi32, #tpu.memory_space<hbm>>) dst(%arg8 : memref<10000xi32, #tpu.memory_space<vmem>>)
      tpu.yield
    }) : () -> ()
    "tpu.region"() ({
      %run_scoped3A = tpu.sem_alloc : memref<!tpu.dma_semaphore, #tpu.memory_space<semaphore_mem>>
      %dma_start3A_19 = tpu.memref_slice %arg4[%multiple_of3A] : memref<320000xi32, #tpu.memory_space<hbm>> -> memref<10000xi32, #tpu.memory_space<hbm>>
      %dma_start3A_20 = tpu.memref_slice %arg4[%multiple_of3A] : memref<320000xi32, #tpu.memory_space<hbm>> -> memref<10000xi32, #tpu.memory_space<hbm>>
      tpu.enqueue_dma source(%dma_start3A_20 : memref<10000xi32, #tpu.memory_space<hbm>>) target(%arg9 : memref<10000xi32, #tpu.memory_space<vmem>>) target_semaphore(%run_scoped3A : memref<!tpu.dma_semaphore, #tpu.memory_space<semaphore_mem>>)
      %dma_wait3A_21 = tpu.memref_slice %arg4[%multiple_of3A] : memref<320000xi32, #tpu.memory_space<hbm>> -> memref<10000xi32, #tpu.memory_space<hbm>>
      %dma_wait3A_22 = tpu.memref_slice %arg4[%multiple_of3A] : memref<320000xi32, #tpu.memory_space<hbm>> -> memref<10000xi32, #tpu.memory_space<hbm>>
      tpu.wait_dma2 semaphore(%run_scoped3A : memref<!tpu.dma_semaphore, #tpu.memory_space<semaphore_mem>>) src(%dma_wait3A_22 : memref<10000xi32, #tpu.memory_space<hbm>>) dst(%arg9 : memref<10000xi32, #tpu.memory_space<vmem>>)
      tpu.yield
    }) : () -> ()
    %barrier3A = arith.constant 0 : index
    tpu.barrier barrier_id(%barrier3A)
    %dma_start3A = arith.constant 0 : i32
    %dma_start3A_5 = tpu.memref_slice %arg8[%dma_start3A] : memref<10000xi32, #tpu.memory_space<vmem>> -> memref<80xi32, #tpu.memory_space<vmem>>
    %dma_start3A_6 = arith.constant 0 : i32
    %dma_start3A_7 = arith.constant 0 : i32
    %dma_start3A_8 = tpu.memref_slice %arg2[%dma_start3A_6, %dma_start3A_7] : memref<10000x128xf32, #tpu.memory_space<hbm>> -> memref<10000x128xf32, #tpu.memory_space<hbm>>
    tpu.enqueue_indirect_dma source(%dma_start3A_8 : memref<10000x128xf32, #tpu.memory_space<hbm>>) target(%arg10 : memref<80x128xf32, #tpu.memory_space<vmem>>) offsets(%dma_start3A_5 : memref<80xi32, #tpu.memory_space<vmem>>) semaphore(%arg12 : memref<!tpu.dma_semaphore, #tpu.memory_space<semaphore_mem>>)
    %scan3A = arith.constant 0 : i32
    %scan3A_9 = arith.constant 0 : i32
    %scan3A_10 = arith.constant 62 : i32
    %scan3A_11 = arith.addi %scan3A_9, %scan3A_10 : i32
    %scan3A_12 = arith.constant 1 : i32
    scf.for %scan3A_19 = %scan3A_9 to %scan3A_11 step %scan3A_12  : i32 {
      %mul3A_20 = arith.constant 2 : i32
      %mul3A_21 = arith.muli %mul3A_20, %scan3A_19 : i32
      %mul3A_22 = arith.constant 80 : i32
      %mul3A_23 = arith.muli %mul3A_21, %mul3A_22 : i32
      %dma_wait3A_24 = tpu.memref_slice %arg8[%mul3A_23] : memref<10000xi32, #tpu.memory_space<vmem>> -> memref<80xi32, #tpu.memory_space<vmem>>
      %dma_wait3A_25 = arith.constant 0 : i32
      %dma_wait3A_26 = arith.constant 0 : i32
      %dma_wait3A_27 = tpu.memref_slice %arg2[%dma_wait3A_25, %dma_wait3A_26] : memref<10000x128xf32, #tpu.memory_space<hbm>> -> memref<10000x128xf32, #tpu.memory_space<hbm>>
      tpu.wait_indirect_dma semaphore(%arg12 : memref<!tpu.dma_semaphore, #tpu.memory_space<semaphore_mem>>) src(%dma_wait3A_27 : memref<10000x128xf32, #tpu.memory_space<hbm>>) dst(%arg10 : memref<80x128xf32, #tpu.memory_space<vmem>>)
      %add3A_28 = arith.constant 1 : i32
      %add3A_29 = arith.addi %mul3A_21, %add3A_28 : i32
      %mul3A_30 = arith.constant 80 : i32
      %mul3A_31 = arith.muli %add3A_29, %mul3A_30 : i32
      %dma_start3A_32 = tpu.memref_slice %arg8[%mul3A_31] : memref<10000xi32, #tpu.memory_space<vmem>> -> memref<80xi32, #tpu.memory_space<vmem>>
      %dma_start3A_33 = arith.constant 0 : i32
      %dma_start3A_34 = arith.constant 0 : i32
      %dma_start3A_35 = tpu.memref_slice %arg2[%dma_start3A_33, %dma_start3A_34] : memref<10000x128xf32, #tpu.memory_space<hbm>> -> memref<10000x128xf32, #tpu.memory_space<hbm>>
      tpu.enqueue_indirect_dma source(%dma_start3A_35 : memref<10000x128xf32, #tpu.memory_space<hbm>>) target(%arg11 : memref<80x128xf32, #tpu.memory_space<vmem>>) offsets(%dma_start3A_32 : memref<80xi32, #tpu.memory_space<vmem>>) semaphore(%arg13 : memref<!tpu.dma_semaphore, #tpu.memory_space<semaphore_mem>>)
      %mul3A_36 = arith.constant 80 : i32
      %mul3A_37 = arith.muli %mul3A_21, %mul3A_36 : i32
      "tpu.region"() ({
        %run_scoped3A = tpu.sem_alloc : memref<!tpu.dma_semaphore, #tpu.memory_space<semaphore_mem>>
        %dma_start3A_58 = tpu.memref_slice %arg9[%mul3A_37] : memref<10000xi32, #tpu.memory_space<vmem>> -> memref<80xi32, #tpu.memory_space<vmem>>
        %dma_start3A_59 = arith.constant 0 : i32
        %dma_start3A_60 = arith.constant 0 : i32
        %dma_start3A_61 = tpu.memref_slice %arg7[%dma_start3A_59, %dma_start3A_60] : memref<10240x128xf32, #tpu.memory_space<vmem_shared>> -> memref<10240x128xf32, #tpu.memory_space<vmem_shared>>
        tpu.enqueue_indirect_dma source(%arg10 : memref<80x128xf32, #tpu.memory_space<vmem>>) target(%dma_start3A_61 : memref<10240x128xf32, #tpu.memory_space<vmem_shared>>) offsets(%dma_start3A_58 : memref<80xi32, #tpu.memory_space<vmem>>) semaphore(%run_scoped3A : memref<!tpu.dma_semaphore, #tpu.memory_space<semaphore_mem>>) {add = true}
        %dma_wait3A_62 = tpu.memref_slice %arg9[%mul3A_37] : memref<10000xi32, #tpu.memory_space<vmem>> -> memref<80xi32, #tpu.memory_space<vmem>>
        %dma_wait3A_63 = arith.constant 0 : i32
        %dma_wait3A_64 = arith.constant 0 : i32
        %dma_wait3A_65 = tpu.memref_slice %arg7[%dma_wait3A_63, %dma_wait3A_64] : memref<10240x128xf32, #tpu.memory_space<vmem_shared>> -> memref<10240x128xf32, #tpu.memory_space<vmem_shared>>
        tpu.wait_indirect_dma semaphore(%run_scoped3A : memref<!tpu.dma_semaphore, #tpu.memory_space<semaphore_mem>>) src(%arg10 : memref<80x128xf32, #tpu.memory_space<vmem>>) dst(%dma_wait3A_65 : memref<10240x128xf32, #tpu.memory_space<vmem_shared>>)
        tpu.yield
      }) : () -> ()
      %add3A_38 = arith.constant 1 : i32
      %add3A_39 = arith.addi %mul3A_21, %add3A_38 : i32
      %mul3A_40 = arith.constant 80 : i32
      %mul3A_41 = arith.muli %add3A_39, %mul3A_40 : i32
      %dma_wait3A_42 = tpu.memref_slice %arg8[%mul3A_41] : memref<10000xi32, #tpu.memory_space<vmem>> -> memref<80xi32, #tpu.memory_space<vmem>>
      %dma_wait3A_43 = arith.constant 0 : i32
      %dma_wait3A_44 = arith.constant 0 : i32
      %dma_wait3A_45 = tpu.memref_slice %arg2[%dma_wait3A_43, %dma_wait3A_44] : memref<10000x128xf32, #tpu.memory_space<hbm>> -> memref<10000x128xf32, #tpu.memory_space<hbm>>
      tpu.wait_indirect_dma semaphore(%arg13 : memref<!tpu.dma_semaphore, #tpu.memory_space<semaphore_mem>>) src(%dma_wait3A_45 : memref<10000x128xf32, #tpu.memory_space<hbm>>) dst(%arg11 : memref<80x128xf32, #tpu.memory_space<vmem>>)
      %add3A_46 = arith.constant 2 : i32
      %add3A_47 = arith.addi %mul3A_21, %add3A_46 : i32
      %mul3A_48 = arith.constant 80 : i32
      %mul3A_49 = arith.muli %add3A_47, %mul3A_48 : i32
      %dma_start3A_50 = tpu.memref_slice %arg8[%mul3A_49] : memref<10000xi32, #tpu.memory_space<vmem>> -> memref<80xi32, #tpu.memory_space<vmem>>
      %dma_start3A_51 = arith.constant 0 : i32
      %dma_start3A_52 = arith.constant 0 : i32
      %dma_start3A_53 = tpu.memref_slice %arg2[%dma_start3A_51, %dma_start3A_52] : memref<10000x128xf32, #tpu.memory_space<hbm>> -> memref<10000x128xf32, #tpu.memory_space<hbm>>
      tpu.enqueue_indirect_dma source(%dma_start3A_53 : memref<10000x128xf32, #tpu.memory_space<hbm>>) target(%arg10 : memref<80x128xf32, #tpu.memory_space<vmem>>) offsets(%dma_start3A_50 : memref<80xi32, #tpu.memory_space<vmem>>) semaphore(%arg12 : memref<!tpu.dma_semaphore, #tpu.memory_space<semaphore_mem>>)
      %add3A_54 = arith.constant 1 : i32
      %add3A_55 = arith.addi %mul3A_21, %add3A_54 : i32
      %mul3A_56 = arith.constant 80 : i32
      %mul3A_57 = arith.muli %add3A_55, %mul3A_56 : i32
      "tpu.region"() ({
        %run_scoped3A = tpu.sem_alloc : memref<!tpu.dma_semaphore, #tpu.memory_space<semaphore_mem>>
        %dma_start3A_58 = tpu.memref_slice %arg9[%mul3A_57] : memref<10000xi32, #tpu.memory_space<vmem>> -> memref<80xi32, #tpu.memory_space<vmem>>
        %dma_start3A_59 = arith.constant 0 : i32
        %dma_start3A_60 = arith.constant 0 : i32
        %dma_start3A_61 = tpu.memref_slice %arg7[%dma_start3A_59, %dma_start3A_60] : memref<10240x128xf32, #tpu.memory_space<vmem_shared>> -> memref<10240x128xf32, #tpu.memory_space<vmem_shared>>
        tpu.enqueue_indirect_dma source(%arg11 : memref<80x128xf32, #tpu.memory_space<vmem>>) target(%dma_start3A_61 : memref<10240x128xf32, #tpu.memory_space<vmem_shared>>) offsets(%dma_start3A_58 : memref<80xi32, #tpu.memory_space<vmem>>) semaphore(%run_scoped3A : memref<!tpu.dma_semaphore, #tpu.memory_space<semaphore_mem>>) {add = true}
        %dma_wait3A_62 = tpu.memref_slice %arg9[%mul3A_57] : memref<10000xi32, #tpu.memory_space<vmem>> -> memref<80xi32, #tpu.memory_space<vmem>>
        %dma_wait3A_63 = arith.constant 0 : i32
        %dma_wait3A_64 = arith.constant 0 : i32
        %dma_wait3A_65 = tpu.memref_slice %arg7[%dma_wait3A_63, %dma_wait3A_64] : memref<10240x128xf32, #tpu.memory_space<vmem_shared>> -> memref<10240x128xf32, #tpu.memory_space<vmem_shared>>
        tpu.wait_indirect_dma semaphore(%run_scoped3A : memref<!tpu.dma_semaphore, #tpu.memory_space<semaphore_mem>>) src(%arg11 : memref<80x128xf32, #tpu.memory_space<vmem>>) dst(%dma_wait3A_65 : memref<10240x128xf32, #tpu.memory_space<vmem_shared>>)
        tpu.yield
      }) : () -> ()
    }
    %scan3A_13 = arith.constant 62 : i32
    %dma_wait3A = arith.constant 9920 : i32
    %dma_wait3A_14 = tpu.memref_slice %arg8[%dma_wait3A] : memref<10000xi32, #tpu.memory_space<vmem>> -> memref<80xi32, #tpu.memory_space<vmem>>
    %dma_wait3A_15 = arith.constant 0 : i32
    %dma_wait3A_16 = arith.constant 0 : i32
    %dma_wait3A_17 = tpu.memref_slice %arg2[%dma_wait3A_15, %dma_wait3A_16] : memref<10000x128xf32, #tpu.memory_space<hbm>> -> memref<10000x128xf32, #tpu.memory_space<hbm>>
    tpu.wait_indirect_dma semaphore(%arg12 : memref<!tpu.dma_semaphore, #tpu.memory_space<semaphore_mem>>) src(%dma_wait3A_17 : memref<10000x128xf32, #tpu.memory_space<hbm>>) dst(%arg10 : memref<80x128xf32, #tpu.memory_space<vmem>>)
    "tpu.region"() ({
      %run_scoped3A = tpu.sem_alloc : memref<!tpu.dma_semaphore, #tpu.memory_space<semaphore_mem>>
      %dma_start3A_19 = arith.constant 9920 : i32
      %dma_start3A_20 = tpu.memref_slice %arg9[%dma_start3A_19] : memref<10000xi32, #tpu.memory_space<vmem>> -> memref<80xi32, #tpu.memory_space<vmem>>
      %dma_start3A_21 = arith.constant 0 : i32
      %dma_start3A_22 = arith.constant 0 : i32
      %dma_start3A_23 = tpu.memref_slice %arg7[%dma_start3A_21, %dma_start3A_22] : memref<10240x128xf32, #tpu.memory_space<vmem_shared>> -> memref<10240x128xf32, #tpu.memory_space<vmem_shared>>
      tpu.enqueue_indirect_dma source(%arg10 : memref<80x128xf32, #tpu.memory_space<vmem>>) target(%dma_start3A_23 : memref<10240x128xf32, #tpu.memory_space<vmem_shared>>) offsets(%dma_start3A_20 : memref<80xi32, #tpu.memory_space<vmem>>) semaphore(%run_scoped3A : memref<!tpu.dma_semaphore, #tpu.memory_space<semaphore_mem>>) {add = true}
      %dma_wait3A_24 = arith.constant 9920 : i32
      %dma_wait3A_25 = tpu.memref_slice %arg9[%dma_wait3A_24] : memref<10000xi32, #tpu.memory_space<vmem>> -> memref<80xi32, #tpu.memory_space<vmem>>
      %dma_wait3A_26 = arith.constant 0 : i32
      %dma_wait3A_27 = arith.constant 0 : i32
      %dma_wait3A_28 = tpu.memref_slice %arg7[%dma_wait3A_26, %dma_wait3A_27] : memref<10240x128xf32, #tpu.memory_space<vmem_shared>> -> memref<10240x128xf32, #tpu.memory_space<vmem_shared>>
      tpu.wait_indirect_dma semaphore(%run_scoped3A : memref<!tpu.dma_semaphore, #tpu.memory_space<semaphore_mem>>) src(%arg10 : memref<80x128xf32, #tpu.memory_space<vmem>>) dst(%dma_wait3A_28 : memref<10240x128xf32, #tpu.memory_space<vmem_shared>>)
      tpu.yield
    }) : () -> ()
    %barrier3A_18 = arith.constant 0 : index
    tpu.barrier barrier_id(%barrier3A_18)
    "tpu.region"() ({
      %run_scoped3A = tpu.sem_alloc : memref<!tpu.dma_semaphore, #tpu.memory_space<semaphore_mem>>
      %dma_start3A_19 = arith.constant 0 : i32
      %dma_start3A_20 = tpu.memref_slice %arg6[%arg0, %mul3A_0, %dma_start3A_19] : memref<2x10240x128xf32, #tpu.memory_space<hbm>> -> memref<1x640x128xf32, #tpu.memory_space<hbm>>
      %dma_start3A_21 = tpu.memref_squeeze %dma_start3A_20 : memref<1x640x128xf32, #tpu.memory_space<hbm>> -> memref<640x128xf32, #tpu.memory_space<hbm>>
      %dma_start3A_22 = arith.constant 0 : i32
      %dma_start3A_23 = tpu.memref_slice %arg7[%mul3A_0, %dma_start3A_22] : memref<10240x128xf32, #tpu.memory_space<vmem_shared>> -> memref<640x128xf32, #tpu.memory_space<vmem_shared>>
      tpu.enqueue_dma source(%dma_start3A_23 : memref<640x128xf32, #tpu.memory_space<vmem_shared>>) target(%dma_start3A_21 : memref<640x128xf32, #tpu.memory_space<hbm>>) target_semaphore(%run_scoped3A : memref<!tpu.dma_semaphore, #tpu.memory_space<semaphore_mem>>)
      %dma_wait3A_24 = arith.constant 0 : i32
      %dma_wait3A_25 = tpu.memref_slice %arg6[%arg0, %mul3A_0, %dma_wait3A_24] : memref<2x10240x128xf32, #tpu.memory_space<hbm>> -> memref<1x640x128xf32, #tpu.memory_space<hbm>>
      %dma_wait3A_26 = tpu.memref_squeeze %dma_wait3A_25 : memref<1x640x128xf32, #tpu.memory_space<hbm>> -> memref<640x128xf32, #tpu.memory_space<hbm>>
      %dma_wait3A_27 = arith.constant 0 : i32
      %dma_wait3A_28 = tpu.memref_slice %arg7[%mul3A_0, %dma_wait3A_27] : memref<10240x128xf32, #tpu.memory_space<vmem_shared>> -> memref<640x128xf32, #tpu.memory_space<vmem_shared>>
      tpu.wait_dma2 semaphore(%run_scoped3A : memref<!tpu.dma_semaphore, #tpu.memory_space<semaphore_mem>>) src(%dma_wait3A_28 : memref<640x128xf32, #tpu.memory_space<vmem_shared>>) dst(%dma_wait3A_26 : memref<640x128xf32, #tpu.memory_space<hbm>>)
      tpu.yield
    }) : () -> ()
    return
  }
}

#map = affine_map<(d0, d1) -> (0, 0)>
#map1 = affine_map<(d0, d1) -> (0)>
#map2 = affine_map<(d0, d1) -> (0, 0, 0)>
module attributes {stable_mosaic.version = 14 : i64} {
  func.func @spmm(%arg0: i32, %arg1: i32, %arg2: memref<10000x128xf32, #tpu.memory_space<hbm>>, %arg3: memref<320000xi32, #tpu.memory_space<hbm>>, %arg4: memref<320000xi32, #tpu.memory_space<hbm>>, %arg5: memref<640x128xf32, #tpu.memory_space<hbm>>, %arg6: memref<2x10240x128xf32, #tpu.memory_space<hbm>>, %arg7: memref<10240x128xf32, #tpu.memory_space<vmem_shared>>, %arg8: memref<10000xi32, #tpu.memory_space<vmem>>, %arg9: memref<10000xi32, #tpu.memory_space<vmem>>, %arg10: memref<80x128xf32, #tpu.memory_space<vmem>>, %arg11: memref<80x128xf32, #tpu.memory_space<vmem>>, %arg12: memref<!tpu.dma_semaphore, #tpu.memory_space<semaphore_mem>>, %arg13: memref<!tpu.dma_semaphore, #tpu.memory_space<semaphore_mem>>) attributes {dimension_semantics = [#tpu.dimension_semantics<core_parallel>, #tpu.dimension_semantics<subcore_parallel>], iteration_bounds = array<i64: 2, 16>, scalar_prefetch = 0 : i64, scratch_operands = 7 : i64, tpu.core_type = #tpu.core_type<sc_vector_subcore>, window_params = [{transform_indices = #map}, {transform_indices = #map1}, {transform_indices = #map1}, {transform_indices = #map}, {transform_indices = #map2}]} {
    %mul3A = arith.constant 640 : i32
    %mul3A_0 = arith.muli %arg1, %mul3A : i32
    "tpu.region"() ({
      %run_scoped3A = tpu.sem_alloc : memref<!tpu.dma_semaphore, #tpu.memory_space<semaphore_mem>>
      %dma_start3A_19 = arith.constant 0 : i32
      %dma_start3A_20 = tpu.memref_slice %arg7[%mul3A_0, %dma_start3A_19] : memref<10240x128xf32, #tpu.memory_space<vmem_shared>> -> memref<640x128xf32, #tpu.memory_space<vmem_shared>>
      tpu.enqueue_dma source(%arg5 : memref<640x128xf32, #tpu.memory_space<hbm>>) target(%dma_start3A_20 : memref<640x128xf32, #tpu.memory_space<vmem_shared>>) target_semaphore(%run_scoped3A : memref<!tpu.dma_semaphore, #tpu.memory_space<semaphore_mem>>)
      %dma_wait3A_21 = arith.constant 0 : i32
      %dma_wait3A_22 = tpu.memref_slice %arg7[%mul3A_0, %dma_wait3A_21] : memref<10240x128xf32, #tpu.memory_space<vmem_shared>> -> memref<640x128xf32, #tpu.memory_space<vmem_shared>>
      tpu.wait_dma2 semaphore(%run_scoped3A : memref<!tpu.dma_semaphore, #tpu.memory_space<semaphore_mem>>) src(%arg5 : memref<640x128xf32, #tpu.memory_space<hbm>>) dst(%dma_wait3A_22 : memref<640x128xf32, #tpu.memory_space<vmem_shared>>)
      tpu.yield
    }) : () -> ()
    %mul3A_1 = arith.constant 16 : i32
    %mul3A_2 = arith.muli %arg0, %mul3A_1 : i32
    %add3A = arith.addi %mul3A_2, %arg1 : i32
    %mul3A_3 = arith.constant 10000 : i32
    %mul3A_4 = arith.muli %add3A, %mul3A_3 : i32
    %multiple_of3A = tpu.assume_multiple %mul3A_4, 8 : i32
    "tpu.region"() ({
      %run_scoped3A = tpu.sem_alloc : memref<!tpu.dma_semaphore, #tpu.memory_space<semaphore_mem>>
      %dma_start3A_19 = tpu.memref_slice %arg3[%multiple_of3A] : memref<320000xi32, #tpu.memory_space<hbm>> -> memref<10000xi32, #tpu.memory_space<hbm>>
      %dma_start3A_20 = tpu.memref_slice %arg3[%multiple_of3A] : memref<320000xi32, #tpu.memory_space<hbm>> -> memref<10000xi32, #tpu.memory_space<hbm>>
      tpu.enqueue_dma source(%dma_start3A_20 : memref<10000xi32, #tpu.memory_space<hbm>>) target(%arg8 : memref<10000xi32, #tpu.memory_space<vmem>>) target_semaphore(%run_scoped3A : memref<!tpu.dma_semaphore, #tpu.memory_space<semaphore_mem>>)
      %dma_wait3A_21 = tpu.memref_slice %arg3[%multiple_of3A] : memref<320000xi32, #tpu.memory_space<hbm>> -> memref<10000xi32, #tpu.memory_space<hbm>>
      %dma_wait3A_22 = tpu.memref_slice %arg3[%multiple_of3A] : memref<320000xi32, #tpu.memory_space<hbm>> -> memref<10000xi32, #tpu.memory_space<hbm>>
      tpu.wait_dma2 semaphore(%run_scoped3A : memref<!tpu.dma_semaphore, #tpu.memory_space<semaphore_mem>>) src(%dma_wait3A_22 : memref<10000xi32, #tpu.memory_space<hbm>>) dst(%arg8 : memref<10000xi32, #tpu.memory_space<vmem>>)
      tpu.yield
    }) : () -> ()
    "tpu.region"() ({
      %run_scoped3A = tpu.sem_alloc : memref<!tpu.dma_semaphore, #tpu.memory_space<semaphore_mem>>
      %dma_start3A_19 = tpu.memref_slice %arg4[%multiple_of3A] : memref<320000xi32, #tpu.memory_space<hbm>> -> memref<10000xi32, #tpu.memory_space<hbm>>
      %dma_start3A_20 = tpu.memref_slice %arg4[%multiple_of3A] : memref<320000xi32, #tpu.memory_space<hbm>> -> memref<10000xi32, #tpu.memory_space<hbm>>
      tpu.enqueue_dma source(%dma_start3A_20 : memref<10000xi32, #tpu.memory_space<hbm>>) target(%arg9 : memref<10000xi32, #tpu.memory_space<vmem>>) target_semaphore(%run_scoped3A : memref<!tpu.dma_semaphore, #tpu.memory_space<semaphore_mem>>)
      %dma_wait3A_21 = tpu.memref_slice %arg4[%multiple_of3A] : memref<320000xi32, #tpu.memory_space<hbm>> -> memref<10000xi32, #tpu.memory_space<hbm>>
      %dma_wait3A_22 = tpu.memref_slice %arg4[%multiple_of3A] : memref<320000xi32, #tpu.memory_space<hbm>> -> memref<10000xi32, #tpu.memory_space<hbm>>
      tpu.wait_dma2 semaphore(%run_scoped3A : memref<!tpu.dma_semaphore, #tpu.memory_space<semaphore_mem>>) src(%dma_wait3A_22 : memref<10000xi32, #tpu.memory_space<hbm>>) dst(%arg9 : memref<10000xi32, #tpu.memory_space<vmem>>)
      tpu.yield
    }) : () -> ()
    %barrier3A = arith.constant 0 : index
    tpu.barrier barrier_id(%barrier3A)
    %dma_start3A = arith.constant 0 : i32
    %dma_start3A_5 = tpu.memref_slice %arg8[%dma_start3A] : memref<10000xi32, #tpu.memory_space<vmem>> -> memref<80xi32, #tpu.memory_space<vmem>>
    %dma_start3A_6 = arith.constant 0 : i32
    %dma_start3A_7 = arith.constant 0 : i32
    %dma_start3A_8 = tpu.memref_slice %arg2[%dma_start3A_6, %dma_start3A_7] : memref<10000x128xf32, #tpu.memory_space<hbm>> -> memref<10000x128xf32, #tpu.memory_space<hbm>>
    tpu.enqueue_indirect_dma source(%dma_start3A_8 : memref<10000x128xf32, #tpu.memory_space<hbm>>) target(%arg10 : memref<80x128xf32, #tpu.memory_space<vmem>>) offsets(%dma_start3A_5 : memref<80xi32, #tpu.memory_space<vmem>>) semaphore(%arg12 : memref<!tpu.dma_semaphore, #tpu.memory_space<semaphore_mem>>)
    %scan3A = arith.constant 0 : i32
    %scan3A_9 = arith.constant 0 : i32
    %scan3A_10 = arith.constant 62 : i32
    %scan3A_11 = arith.addi %scan3A_9, %scan3A_10 : i32
    %scan3A_12 = arith.constant 1 : i32
    scf.for %scan3A_19 = %scan3A_9 to %scan3A_11 step %scan3A_12  : i32 {
      %mul3A_20 = arith.constant 2 : i32
      %mul3A_21 = arith.muli %mul3A_20, %scan3A_19 : i32
      %mul3A_22 = arith.constant 80 : i32
      %mul3A_23 = arith.muli %mul3A_21, %mul3A_22 : i32
      %dma_wait3A_24 = tpu.memref_slice %arg8[%mul3A_23] : memref<10000xi32, #tpu.memory_space<vmem>> -> memref<80xi32, #tpu.memory_space<vmem>>
      %dma_wait3A_25 = arith.constant 0 : i32
      %dma_wait3A_26 = arith.constant 0 : i32
      %dma_wait3A_27 = tpu.memref_slice %arg2[%dma_wait3A_25, %dma_wait3A_26] : memref<10000x128xf32, #tpu.memory_space<hbm>> -> memref<10000x128xf32, #tpu.memory_space<hbm>>
      tpu.wait_indirect_dma semaphore(%arg12 : memref<!tpu.dma_semaphore, #tpu.memory_space<semaphore_mem>>) src(%dma_wait3A_27 : memref<10000x128xf32, #tpu.memory_space<hbm>>) dst(%arg10 : memref<80x128xf32, #tpu.memory_space<vmem>>)
      %add3A_28 = arith.constant 1 : i32
      %add3A_29 = arith.addi %mul3A_21, %add3A_28 : i32
      %mul3A_30 = arith.constant 80 : i32
      %mul3A_31 = arith.muli %add3A_29, %mul3A_30 : i32
      %dma_start3A_32 = tpu.memref_slice %arg8[%mul3A_31] : memref<10000xi32, #tpu.memory_space<vmem>> -> memref<80xi32, #tpu.memory_space<vmem>>
      %dma_start3A_33 = arith.constant 0 : i32
      %dma_start3A_34 = arith.constant 0 : i32
      %dma_start3A_35 = tpu.memref_slice %arg2[%dma_start3A_33, %dma_start3A_34] : memref<10000x128xf32, #tpu.memory_space<hbm>> -> memref<10000x128xf32, #tpu.memory_space<hbm>>
      tpu.enqueue_indirect_dma source(%dma_start3A_35 : memref<10000x128xf32, #tpu.memory_space<hbm>>) target(%arg11 : memref<80x128xf32, #tpu.memory_space<vmem>>) offsets(%dma_start3A_32 : memref<80xi32, #tpu.memory_space<vmem>>) semaphore(%arg13 : memref<!tpu.dma_semaphore, #tpu.memory_space<semaphore_mem>>)
      %mul3A_36 = arith.constant 80 : i32
      %mul3A_37 = arith.muli %mul3A_21, %mul3A_36 : i32
      "tpu.region"() ({
        %run_scoped3A = tpu.sem_alloc : memref<!tpu.dma_semaphore, #tpu.memory_space<semaphore_mem>>
        %dma_start3A_58 = tpu.memref_slice %arg9[%mul3A_37] : memref<10000xi32, #tpu.memory_space<vmem>> -> memref<80xi32, #tpu.memory_space<vmem>>
        %dma_start3A_59 = arith.constant 0 : i32
        %dma_start3A_60 = arith.constant 0 : i32
        %dma_start3A_61 = tpu.memref_slice %arg7[%dma_start3A_59, %dma_start3A_60] : memref<10240x128xf32, #tpu.memory_space<vmem_shared>> -> memref<10240x128xf32, #tpu.memory_space<vmem_shared>>
        tpu.enqueue_indirect_dma source(%arg10 : memref<80x128xf32, #tpu.memory_space<vmem>>) target(%dma_start3A_61 : memref<10240x128xf32, #tpu.memory_space<vmem_shared>>) offsets(%dma_start3A_58 : memref<80xi32, #tpu.memory_space<vmem>>) semaphore(%run_scoped3A : memref<!tpu.dma_semaphore, #tpu.memory_space<semaphore_mem>>) {add = true}
        %dma_wait3A_62 = tpu.memref_slice %arg9[%mul3A_37] : memref<10000xi32, #tpu.memory_space<vmem>> -> memref<80xi32, #tpu.memory_space<vmem>>
        %dma_wait3A_63 = arith.constant 0 : i32
        %dma_wait3A_64 = arith.constant 0 : i32
        %dma_wait3A_65 = tpu.memref_slice %arg7[%dma_wait3A_63, %dma_wait3A_64] : memref<10240x128xf32, #tpu.memory_space<vmem_shared>> -> memref<10240x128xf32, #tpu.memory_space<vmem_shared>>
        tpu.wait_indirect_dma semaphore(%run_scoped3A : memref<!tpu.dma_semaphore, #tpu.memory_space<semaphore_mem>>) src(%arg10 : memref<80x128xf32, #tpu.memory_space<vmem>>) dst(%dma_wait3A_65 : memref<10240x128xf32, #tpu.memory_space<vmem_shared>>)
        tpu.yield
      }) : () -> ()
      %add3A_38 = arith.constant 1 : i32
      %add3A_39 = arith.addi %mul3A_21, %add3A_38 : i32
      %mul3A_40 = arith.constant 80 : i32
      %mul3A_41 = arith.muli %add3A_39, %mul3A_40 : i32
      %dma_wait3A_42 = tpu.memref_slice %arg8[%mul3A_41] : memref<10000xi32, #tpu.memory_space<vmem>> -> memref<80xi32, #tpu.memory_space<vmem>>
      %dma_wait3A_43 = arith.constant 0 : i32
      %dma_wait3A_44 = arith.constant 0 : i32
      %dma_wait3A_45 = tpu.memref_slice %arg2[%dma_wait3A_43, %dma_wait3A_44] : memref<10000x128xf32, #tpu.memory_space<hbm>> -> memref<10000x128xf32, #tpu.memory_space<hbm>>
      tpu.wait_indirect_dma semaphore(%arg13 : memref<!tpu.dma_semaphore, #tpu.memory_space<semaphore_mem>>) src(%dma_wait3A_45 : memref<10000x128xf32, #tpu.memory_space<hbm>>) dst(%arg11 : memref<80x128xf32, #tpu.memory_space<vmem>>)
      %add3A_46 = arith.constant 2 : i32
      %add3A_47 = arith.addi %mul3A_21, %add3A_46 : i32
      %mul3A_48 = arith.constant 80 : i32
      %mul3A_49 = arith.muli %add3A_47, %mul3A_48 : i32
      %dma_start3A_50 = tpu.memref_slice %arg8[%mul3A_49] : memref<10000xi32, #tpu.memory_space<vmem>> -> memref<80xi32, #tpu.memory_space<vmem>>
      %dma_start3A_51 = arith.constant 0 : i32
      %dma_start3A_52 = arith.constant 0 : i32
      %dma_start3A_53 = tpu.memref_slice %arg2[%dma_start3A_51, %dma_start3A_52] : memref<10000x128xf32, #tpu.memory_space<hbm>> -> memref<10000x128xf32, #tpu.memory_space<hbm>>
      tpu.enqueue_indirect_dma source(%dma_start3A_53 : memref<10000x128xf32, #tpu.memory_space<hbm>>) target(%arg10 : memref<80x128xf32, #tpu.memory_space<vmem>>) offsets(%dma_start3A_50 : memref<80xi32, #tpu.memory_space<vmem>>) semaphore(%arg12 : memref<!tpu.dma_semaphore, #tpu.memory_space<semaphore_mem>>)
      %add3A_54 = arith.constant 1 : i32
      %add3A_55 = arith.addi %mul3A_21, %add3A_54 : i32
      %mul3A_56 = arith.constant 80 : i32
      %mul3A_57 = arith.muli %add3A_55, %mul3A_56 : i32
      "tpu.region"() ({
        %run_scoped3A = tpu.sem_alloc : memref<!tpu.dma_semaphore, #tpu.memory_space<semaphore_mem>>
        %dma_start3A_58 = tpu.memref_slice %arg9[%mul3A_57] : memref<10000xi32, #tpu.memory_space<vmem>> -> memref<80xi32, #tpu.memory_space<vmem>>
        %dma_start3A_59 = arith.constant 0 : i32
        %dma_start3A_60 = arith.constant 0 : i32
        %dma_start3A_61 = tpu.memref_slice %arg7[%dma_start3A_59, %dma_start3A_60] : memref<10240x128xf32, #tpu.memory_space<vmem_shared>> -> memref<10240x128xf32, #tpu.memory_space<vmem_shared>>
        tpu.enqueue_indirect_dma source(%arg11 : memref<80x128xf32, #tpu.memory_space<vmem>>) target(%dma_start3A_61 : memref<10240x128xf32, #tpu.memory_space<vmem_shared>>) offsets(%dma_start3A_58 : memref<80xi32, #tpu.memory_space<vmem>>) semaphore(%run_scoped3A : memref<!tpu.dma_semaphore, #tpu.memory_space<semaphore_mem>>) {add = true}
        %dma_wait3A_62 = tpu.memref_slice %arg9[%mul3A_57] : memref<10000xi32, #tpu.memory_space<vmem>> -> memref<80xi32, #tpu.memory_space<vmem>>
        %dma_wait3A_63 = arith.constant 0 : i32
        %dma_wait3A_64 = arith.constant 0 : i32
        %dma_wait3A_65 = tpu.memref_slice %arg7[%dma_wait3A_63, %dma_wait3A_64] : memref<10240x128xf32, #tpu.memory_space<vmem_shared>> -> memref<10240x128xf32, #tpu.memory_space<vmem_shared>>
        tpu.wait_indirect_dma semaphore(%run_scoped3A : memref<!tpu.dma_semaphore, #tpu.memory_space<semaphore_mem>>) src(%arg11 : memref<80x128xf32, #tpu.memory_space<vmem>>) dst(%dma_wait3A_65 : memref<10240x128xf32, #tpu.memory_space<vmem_shared>>)
        tpu.yield
      }) : () -> ()
    }
    %scan3A_13 = arith.constant 62 : i32
    %dma_wait3A = arith.constant 9920 : i32
    %dma_wait3A_14 = tpu.memref_slice %arg8[%dma_wait3A] : memref<10000xi32, #tpu.memory_space<vmem>> -> memref<80xi32, #tpu.memory_space<vmem>>
    %dma_wait3A_15 = arith.constant 0 : i32
    %dma_wait3A_16 = arith.constant 0 : i32
    %dma_wait3A_17 = tpu.memref_slice %arg2[%dma_wait3A_15, %dma_wait3A_16] : memref<10000x128xf32, #tpu.memory_space<hbm>> -> memref<10000x128xf32, #tpu.memory_space<hbm>>
    tpu.wait_indirect_dma semaphore(%arg12 : memref<!tpu.dma_semaphore, #tpu.memory_space<semaphore_mem>>) src(%dma_wait3A_17 : memref<10000x128xf32, #tpu.memory_space<hbm>>) dst(%arg10 : memref<80x128xf32, #tpu.memory_space<vmem>>)
    "tpu.region"() ({
      %run_scoped3A = tpu.sem_alloc : memref<!tpu.dma_semaphore, #tpu.memory_space<semaphore_mem>>
      %dma_start3A_19 = arith.constant 9920 : i32
      %dma_start3A_20 = tpu.memref_slice %arg9[%dma_start3A_19] : memref<10000xi32, #tpu.memory_space<vmem>> -> memref<80xi32, #tpu.memory_space<vmem>>
      %dma_start3A_21 = arith.constant 0 : i32
      %dma_start3A_22 = arith.constant 0 : i32
      %dma_start3A_23 = tpu.memref_slice %arg7[%dma_start3A_21, %dma_start3A_22] : memref<10240x128xf32, #tpu.memory_space<vmem_shared>> -> memref<10240x128xf32, #tpu.memory_space<vmem_shared>>
      tpu.enqueue_indirect_dma source(%arg10 : memref<80x128xf32, #tpu.memory_space<vmem>>) target(%dma_start3A_23 : memref<10240x128xf32, #tpu.memory_space<vmem_shared>>) offsets(%dma_start3A_20 : memref<80xi32, #tpu.memory_space<vmem>>) semaphore(%run_scoped3A : memref<!tpu.dma_semaphore, #tpu.memory_space<semaphore_mem>>) {add = true}
      %dma_wait3A_24 = arith.constant 9920 : i32
      %dma_wait3A_25 = tpu.memref_slice %arg9[%dma_wait3A_24] : memref<10000xi32, #tpu.memory_space<vmem>> -> memref<80xi32, #tpu.memory_space<vmem>>
      %dma_wait3A_26 = arith.constant 0 : i32
      %dma_wait3A_27 = arith.constant 0 : i32
      %dma_wait3A_28 = tpu.memref_slice %arg7[%dma_wait3A_26, %dma_wait3A_27] : memref<10240x128xf32, #tpu.memory_space<vmem_shared>> -> memref<10240x128xf32, #tpu.memory_space<vmem_shared>>
      tpu.wait_indirect_dma semaphore(%run_scoped3A : memref<!tpu.dma_semaphore, #tpu.memory_space<semaphore_mem>>) src(%arg10 : memref<80x128xf32, #tpu.memory_space<vmem>>) dst(%dma_wait3A_28 : memref<10240x128xf32, #tpu.memory_space<vmem_shared>>)
      tpu.yield
    }) : () -> ()
    %barrier3A_18 = arith.constant 0 : index
    tpu.barrier barrier_id(%barrier3A_18)
    "tpu.region"() ({
      %run_scoped3A = tpu.sem_alloc : memref<!tpu.dma_semaphore, #tpu.memory_space<semaphore_mem>>
      %dma_start3A_19 = arith.constant 0 : i32
      %dma_start3A_20 = tpu.memref_slice %arg6[%arg0, %mul3A_0, %dma_start3A_19] : memref<2x10240x128xf32, #tpu.memory_space<hbm>> -> memref<1x640x128xf32, #tpu.memory_space<hbm>>
      %dma_start3A_21 = tpu.memref_squeeze %dma_start3A_20 : memref<1x640x128xf32, #tpu.memory_space<hbm>> -> memref<640x128xf32, #tpu.memory_space<hbm>>
      %dma_start3A_22 = arith.constant 0 : i32
      %dma_start3A_23 = tpu.memref_slice %arg7[%mul3A_0, %dma_start3A_22] : memref<10240x128xf32, #tpu.memory_space<vmem_shared>> -> memref<640x128xf32, #tpu.memory_space<vmem_shared>>
      tpu.enqueue_dma source(%dma_start3A_23 : memref<640x128xf32, #tpu.memory_space<vmem_shared>>) target(%dma_start3A_21 : memref<640x128xf32, #tpu.memory_space<hbm>>) target_semaphore(%run_scoped3A : memref<!tpu.dma_semaphore, #tpu.memory_space<semaphore_mem>>)
      %dma_wait3A_24 = arith.constant 0 : i32
      %dma_wait3A_25 = tpu.memref_slice %arg6[%arg0, %mul3A_0, %dma_wait3A_24] : memref<2x10240x128xf32, #tpu.memory_space<hbm>> -> memref<1x640x128xf32, #tpu.memory_space<hbm>>
      %dma_wait3A_26 = tpu.memref_squeeze %dma_wait3A_25 : memref<1x640x128xf32, #tpu.memory_space<hbm>> -> memref<640x128xf32, #tpu.memory_space<hbm>>
      %dma_wait3A_27 = arith.constant 0 : i32
      %dma_wait3A_28 = tpu.memref_slice %arg7[%mul3A_0, %dma_wait3A_27] : memref<10240x128xf32, #tpu.memory_space<vmem_shared>> -> memref<640x128xf32, #tpu.memory_space<vmem_shared>>
      tpu.wait_dma2 semaphore(%run_scoped3A : memref<!tpu.dma_semaphore, #tpu.memory_space<semaphore_mem>>) src(%dma_wait3A_28 : memref<640x128xf32, #tpu.memory_space<vmem_shared>>) dst(%dma_wait3A_26 : memref<640x128xf32, #tpu.memory_space<hbm>>)
      tpu.yield
    }) : () -> ()
    return
  }
}

#map = affine_map<(d0, d1) -> (0, 0)>
#map1 = affine_map<(d0, d1) -> (0)>
#map2 = affine_map<(d0, d1) -> (0, 0, 0)>
module attributes {stable_mosaic.version = 14 : i64} {
  func.func @spmm(%arg0: i32, %arg1: i32, %arg2: memref<10000x128xf32, #tpu.memory_space<hbm>>, %arg3: memref<320000xi32, #tpu.memory_space<hbm>>, %arg4: memref<320000xi32, #tpu.memory_space<hbm>>, %arg5: memref<640x128xf32, #tpu.memory_space<hbm>>, %arg6: memref<2x10240x128xf32, #tpu.memory_space<hbm>>, %arg7: memref<10240x128xf32, #tpu.memory_space<vmem_shared>>, %arg8: memref<10000xi32, #tpu.memory_space<vmem>>, %arg9: memref<10000xi32, #tpu.memory_space<vmem>>, %arg10: memref<80x128xf32, #tpu.memory_space<vmem>>, %arg11: memref<80x128xf32, #tpu.memory_space<vmem>>, %arg12: memref<!tpu.dma_semaphore, #tpu.memory_space<semaphore_mem>>, %arg13: memref<!tpu.dma_semaphore, #tpu.memory_space<semaphore_mem>>) attributes {dimension_semantics = [#tpu.dimension_semantics<core_parallel>, #tpu.dimension_semantics<subcore_parallel>], iteration_bounds = array<i64: 2, 16>, scalar_prefetch = 0 : i64, scratch_operands = 7 : i64, tpu.core_type = #tpu.core_type<sc_vector_subcore>, window_params = [{transform_indices = #map}, {transform_indices = #map1}, {transform_indices = #map1}, {transform_indices = #map}, {transform_indices = #map2}]} {
    %mul3A = arith.constant 640 : i32
    %mul3A_0 = arith.muli %arg1, %mul3A : i32
    "tpu.region"() ({
      %run_scoped3A = tpu.sem_alloc : memref<!tpu.dma_semaphore, #tpu.memory_space<semaphore_mem>>
      %dma_start3A_19 = arith.constant 0 : i32
      %dma_start3A_20 = tpu.memref_slice %arg7[%mul3A_0, %dma_start3A_19] : memref<10240x128xf32, #tpu.memory_space<vmem_shared>> -> memref<640x128xf32, #tpu.memory_space<vmem_shared>>
      tpu.enqueue_dma source(%arg5 : memref<640x128xf32, #tpu.memory_space<hbm>>) target(%dma_start3A_20 : memref<640x128xf32, #tpu.memory_space<vmem_shared>>) target_semaphore(%run_scoped3A : memref<!tpu.dma_semaphore, #tpu.memory_space<semaphore_mem>>)
      %dma_wait3A_21 = arith.constant 0 : i32
      %dma_wait3A_22 = tpu.memref_slice %arg7[%mul3A_0, %dma_wait3A_21] : memref<10240x128xf32, #tpu.memory_space<vmem_shared>> -> memref<640x128xf32, #tpu.memory_space<vmem_shared>>
      tpu.wait_dma2 semaphore(%run_scoped3A : memref<!tpu.dma_semaphore, #tpu.memory_space<semaphore_mem>>) src(%arg5 : memref<640x128xf32, #tpu.memory_space<hbm>>) dst(%dma_wait3A_22 : memref<640x128xf32, #tpu.memory_space<vmem_shared>>)
      tpu.yield
    }) : () -> ()
    %mul3A_1 = arith.constant 16 : i32
    %mul3A_2 = arith.muli %arg0, %mul3A_1 : i32
    %add3A = arith.addi %mul3A_2, %arg1 : i32
    %mul3A_3 = arith.constant 10000 : i32
    %mul3A_4 = arith.muli %add3A, %mul3A_3 : i32
    %multiple_of3A = tpu.assume_multiple %mul3A_4, 8 : i32
    "tpu.region"() ({
      %run_scoped3A = tpu.sem_alloc : memref<!tpu.dma_semaphore, #tpu.memory_space<semaphore_mem>>
      %dma_start3A_19 = tpu.memref_slice %arg3[%multiple_of3A] : memref<320000xi32, #tpu.memory_space<hbm>> -> memref<10000xi32, #tpu.memory_space<hbm>>
      %dma_start3A_20 = tpu.memref_slice %arg3[%multiple_of3A] : memref<320000xi32, #tpu.memory_space<hbm>> -> memref<10000xi32, #tpu.memory_space<hbm>>
      tpu.enqueue_dma source(%dma_start3A_20 : memref<10000xi32, #tpu.memory_space<hbm>>) target(%arg8 : memref<10000xi32, #tpu.memory_space<vmem>>) target_semaphore(%run_scoped3A : memref<!tpu.dma_semaphore, #tpu.memory_space<semaphore_mem>>)
      %dma_wait3A_21 = tpu.memref_slice %arg3[%multiple_of3A] : memref<320000xi32, #tpu.memory_space<hbm>> -> memref<10000xi32, #tpu.memory_space<hbm>>
      %dma_wait3A_22 = tpu.memref_slice %arg3[%multiple_of3A] : memref<320000xi32, #tpu.memory_space<hbm>> -> memref<10000xi32, #tpu.memory_space<hbm>>
      tpu.wait_dma2 semaphore(%run_scoped3A : memref<!tpu.dma_semaphore, #tpu.memory_space<semaphore_mem>>) src(%dma_wait3A_22 : memref<10000xi32, #tpu.memory_space<hbm>>) dst(%arg8 : memref<10000xi32, #tpu.memory_space<vmem>>)
      tpu.yield
    }) : () -> ()
    "tpu.region"() ({
      %run_scoped3A = tpu.sem_alloc : memref<!tpu.dma_semaphore, #tpu.memory_space<semaphore_mem>>
      %dma_start3A_19 = tpu.memref_slice %arg4[%multiple_of3A] : memref<320000xi32, #tpu.memory_space<hbm>> -> memref<10000xi32, #tpu.memory_space<hbm>>
      %dma_start3A_20 = tpu.memref_slice %arg4[%multiple_of3A] : memref<320000xi32, #tpu.memory_space<hbm>> -> memref<10000xi32, #tpu.memory_space<hbm>>
      tpu.enqueue_dma source(%dma_start3A_20 : memref<10000xi32, #tpu.memory_space<hbm>>) target(%arg9 : memref<10000xi32, #tpu.memory_space<vmem>>) target_semaphore(%run_scoped3A : memref<!tpu.dma_semaphore, #tpu.memory_space<semaphore_mem>>)
      %dma_wait3A_21 = tpu.memref_slice %arg4[%multiple_of3A] : memref<320000xi32, #tpu.memory_space<hbm>> -> memref<10000xi32, #tpu.memory_space<hbm>>
      %dma_wait3A_22 = tpu.memref_slice %arg4[%multiple_of3A] : memref<320000xi32, #tpu.memory_space<hbm>> -> memref<10000xi32, #tpu.memory_space<hbm>>
      tpu.wait_dma2 semaphore(%run_scoped3A : memref<!tpu.dma_semaphore, #tpu.memory_space<semaphore_mem>>) src(%dma_wait3A_22 : memref<10000xi32, #tpu.memory_space<hbm>>) dst(%arg9 : memref<10000xi32, #tpu.memory_space<vmem>>)
      tpu.yield
    }) : () -> ()
    %barrier3A = arith.constant 0 : index
    tpu.barrier barrier_id(%barrier3A)
    %dma_start3A = arith.constant 0 : i32
    %dma_start3A_5 = tpu.memref_slice %arg8[%dma_start3A] : memref<10000xi32, #tpu.memory_space<vmem>> -> memref<80xi32, #tpu.memory_space<vmem>>
    %dma_start3A_6 = arith.constant 0 : i32
    %dma_start3A_7 = arith.constant 0 : i32
    %dma_start3A_8 = tpu.memref_slice %arg2[%dma_start3A_6, %dma_start3A_7] : memref<10000x128xf32, #tpu.memory_space<hbm>> -> memref<10000x128xf32, #tpu.memory_space<hbm>>
    tpu.enqueue_indirect_dma source(%dma_start3A_8 : memref<10000x128xf32, #tpu.memory_space<hbm>>) target(%arg10 : memref<80x128xf32, #tpu.memory_space<vmem>>) offsets(%dma_start3A_5 : memref<80xi32, #tpu.memory_space<vmem>>) semaphore(%arg12 : memref<!tpu.dma_semaphore, #tpu.memory_space<semaphore_mem>>)
    %scan3A = arith.constant 0 : i32
    %scan3A_9 = arith.constant 0 : i32
    %scan3A_10 = arith.constant 62 : i32
    %scan3A_11 = arith.addi %scan3A_9, %scan3A_10 : i32
    %scan3A_12 = arith.constant 1 : i32
    scf.for %scan3A_19 = %scan3A_9 to %scan3A_11 step %scan3A_12  : i32 {
      %mul3A_20 = arith.constant 2 : i32
      %mul3A_21 = arith.muli %mul3A_20, %scan3A_19 : i32
      %mul3A_22 = arith.constant 80 : i32
      %mul3A_23 = arith.muli %mul3A_21, %mul3A_22 : i32
      %dma_wait3A_24 = tpu.memref_slice %arg8[%mul3A_23] : memref<10000xi32, #tpu.memory_space<vmem>> -> memref<80xi32, #tpu.memory_space<vmem>>
      %dma_wait3A_25 = arith.constant 0 : i32
      %dma_wait3A_26 = arith.constant 0 : i32
      %dma_wait3A_27 = tpu.memref_slice %arg2[%dma_wait3A_25, %dma_wait3A_26] : memref<10000x128xf32, #tpu.memory_space<hbm>> -> memref<10000x128xf32, #tpu.memory_space<hbm>>
      tpu.wait_indirect_dma semaphore(%arg12 : memref<!tpu.dma_semaphore, #tpu.memory_space<semaphore_mem>>) src(%dma_wait3A_27 : memref<10000x128xf32, #tpu.memory_space<hbm>>) dst(%arg10 : memref<80x128xf32, #tpu.memory_space<vmem>>)
      %add3A_28 = arith.constant 1 : i32
      %add3A_29 = arith.addi %mul3A_21, %add3A_28 : i32
      %mul3A_30 = arith.constant 80 : i32
      %mul3A_31 = arith.muli %add3A_29, %mul3A_30 : i32
      %dma_start3A_32 = tpu.memref_slice %arg8[%mul3A_31] : memref<10000xi32, #tpu.memory_space<vmem>> -> memref<80xi32, #tpu.memory_space<vmem>>
      %dma_start3A_33 = arith.constant 0 : i32
      %dma_start3A_34 = arith.constant 0 : i32
      %dma_start3A_35 = tpu.memref_slice %arg2[%dma_start3A_33, %dma_start3A_34] : memref<10000x128xf32, #tpu.memory_space<hbm>> -> memref<10000x128xf32, #tpu.memory_space<hbm>>
      tpu.enqueue_indirect_dma source(%dma_start3A_35 : memref<10000x128xf32, #tpu.memory_space<hbm>>) target(%arg11 : memref<80x128xf32, #tpu.memory_space<vmem>>) offsets(%dma_start3A_32 : memref<80xi32, #tpu.memory_space<vmem>>) semaphore(%arg13 : memref<!tpu.dma_semaphore, #tpu.memory_space<semaphore_mem>>)
      %mul3A_36 = arith.constant 80 : i32
      %mul3A_37 = arith.muli %mul3A_21, %mul3A_36 : i32
      "tpu.region"() ({
        %run_scoped3A = tpu.sem_alloc : memref<!tpu.dma_semaphore, #tpu.memory_space<semaphore_mem>>
        %dma_start3A_58 = tpu.memref_slice %arg9[%mul3A_37] : memref<10000xi32, #tpu.memory_space<vmem>> -> memref<80xi32, #tpu.memory_space<vmem>>
        %dma_start3A_59 = arith.constant 0 : i32
        %dma_start3A_60 = arith.constant 0 : i32
        %dma_start3A_61 = tpu.memref_slice %arg7[%dma_start3A_59, %dma_start3A_60] : memref<10240x128xf32, #tpu.memory_space<vmem_shared>> -> memref<10240x128xf32, #tpu.memory_space<vmem_shared>>
        tpu.enqueue_indirect_dma source(%arg10 : memref<80x128xf32, #tpu.memory_space<vmem>>) target(%dma_start3A_61 : memref<10240x128xf32, #tpu.memory_space<vmem_shared>>) offsets(%dma_start3A_58 : memref<80xi32, #tpu.memory_space<vmem>>) semaphore(%run_scoped3A : memref<!tpu.dma_semaphore, #tpu.memory_space<semaphore_mem>>) {add = true}
        %dma_wait3A_62 = tpu.memref_slice %arg9[%mul3A_37] : memref<10000xi32, #tpu.memory_space<vmem>> -> memref<80xi32, #tpu.memory_space<vmem>>
        %dma_wait3A_63 = arith.constant 0 : i32
        %dma_wait3A_64 = arith.constant 0 : i32
        %dma_wait3A_65 = tpu.memref_slice %arg7[%dma_wait3A_63, %dma_wait3A_64] : memref<10240x128xf32, #tpu.memory_space<vmem_shared>> -> memref<10240x128xf32, #tpu.memory_space<vmem_shared>>
        tpu.wait_indirect_dma semaphore(%run_scoped3A : memref<!tpu.dma_semaphore, #tpu.memory_space<semaphore_mem>>) src(%arg10 : memref<80x128xf32, #tpu.memory_space<vmem>>) dst(%dma_wait3A_65 : memref<10240x128xf32, #tpu.memory_space<vmem_shared>>)
        tpu.yield
      }) : () -> ()
      %add3A_38 = arith.constant 1 : i32
      %add3A_39 = arith.addi %mul3A_21, %add3A_38 : i32
      %mul3A_40 = arith.constant 80 : i32
      %mul3A_41 = arith.muli %add3A_39, %mul3A_40 : i32
      %dma_wait3A_42 = tpu.memref_slice %arg8[%mul3A_41] : memref<10000xi32, #tpu.memory_space<vmem>> -> memref<80xi32, #tpu.memory_space<vmem>>
      %dma_wait3A_43 = arith.constant 0 : i32
      %dma_wait3A_44 = arith.constant 0 : i32
      %dma_wait3A_45 = tpu.memref_slice %arg2[%dma_wait3A_43, %dma_wait3A_44] : memref<10000x128xf32, #tpu.memory_space<hbm>> -> memref<10000x128xf32, #tpu.memory_space<hbm>>
      tpu.wait_indirect_dma semaphore(%arg13 : memref<!tpu.dma_semaphore, #tpu.memory_space<semaphore_mem>>) src(%dma_wait3A_45 : memref<10000x128xf32, #tpu.memory_space<hbm>>) dst(%arg11 : memref<80x128xf32, #tpu.memory_space<vmem>>)
      %add3A_46 = arith.constant 2 : i32
      %add3A_47 = arith.addi %mul3A_21, %add3A_46 : i32
      %mul3A_48 = arith.constant 80 : i32
      %mul3A_49 = arith.muli %add3A_47, %mul3A_48 : i32
      %dma_start3A_50 = tpu.memref_slice %arg8[%mul3A_49] : memref<10000xi32, #tpu.memory_space<vmem>> -> memref<80xi32, #tpu.memory_space<vmem>>
      %dma_start3A_51 = arith.constant 0 : i32
      %dma_start3A_52 = arith.constant 0 : i32
      %dma_start3A_53 = tpu.memref_slice %arg2[%dma_start3A_51, %dma_start3A_52] : memref<10000x128xf32, #tpu.memory_space<hbm>> -> memref<10000x128xf32, #tpu.memory_space<hbm>>
      tpu.enqueue_indirect_dma source(%dma_start3A_53 : memref<10000x128xf32, #tpu.memory_space<hbm>>) target(%arg10 : memref<80x128xf32, #tpu.memory_space<vmem>>) offsets(%dma_start3A_50 : memref<80xi32, #tpu.memory_space<vmem>>) semaphore(%arg12 : memref<!tpu.dma_semaphore, #tpu.memory_space<semaphore_mem>>)
      %add3A_54 = arith.constant 1 : i32
      %add3A_55 = arith.addi %mul3A_21, %add3A_54 : i32
      %mul3A_56 = arith.constant 80 : i32
      %mul3A_57 = arith.muli %add3A_55, %mul3A_56 : i32
      "tpu.region"() ({
        %run_scoped3A = tpu.sem_alloc : memref<!tpu.dma_semaphore, #tpu.memory_space<semaphore_mem>>
        %dma_start3A_58 = tpu.memref_slice %arg9[%mul3A_57] : memref<10000xi32, #tpu.memory_space<vmem>> -> memref<80xi32, #tpu.memory_space<vmem>>
        %dma_start3A_59 = arith.constant 0 : i32
        %dma_start3A_60 = arith.constant 0 : i32
        %dma_start3A_61 = tpu.memref_slice %arg7[%dma_start3A_59, %dma_start3A_60] : memref<10240x128xf32, #tpu.memory_space<vmem_shared>> -> memref<10240x128xf32, #tpu.memory_space<vmem_shared>>
        tpu.enqueue_indirect_dma source(%arg11 : memref<80x128xf32, #tpu.memory_space<vmem>>) target(%dma_start3A_61 : memref<10240x128xf32, #tpu.memory_space<vmem_shared>>) offsets(%dma_start3A_58 : memref<80xi32, #tpu.memory_space<vmem>>) semaphore(%run_scoped3A : memref<!tpu.dma_semaphore, #tpu.memory_space<semaphore_mem>>) {add = true}
        %dma_wait3A_62 = tpu.memref_slice %arg9[%mul3A_57] : memref<10000xi32, #tpu.memory_space<vmem>> -> memref<80xi32, #tpu.memory_space<vmem>>
        %dma_wait3A_63 = arith.constant 0 : i32
        %dma_wait3A_64 = arith.constant 0 : i32
        %dma_wait3A_65 = tpu.memref_slice %arg7[%dma_wait3A_63, %dma_wait3A_64] : memref<10240x128xf32, #tpu.memory_space<vmem_shared>> -> memref<10240x128xf32, #tpu.memory_space<vmem_shared>>
        tpu.wait_indirect_dma semaphore(%run_scoped3A : memref<!tpu.dma_semaphore, #tpu.memory_space<semaphore_mem>>) src(%arg11 : memref<80x128xf32, #tpu.memory_space<vmem>>) dst(%dma_wait3A_65 : memref<10240x128xf32, #tpu.memory_space<vmem_shared>>)
        tpu.yield
      }) : () -> ()
    }
    %scan3A_13 = arith.constant 62 : i32
    %dma_wait3A = arith.constant 9920 : i32
    %dma_wait3A_14 = tpu.memref_slice %arg8[%dma_wait3A] : memref<10000xi32, #tpu.memory_space<vmem>> -> memref<80xi32, #tpu.memory_space<vmem>>
    %dma_wait3A_15 = arith.constant 0 : i32
    %dma_wait3A_16 = arith.constant 0 : i32
    %dma_wait3A_17 = tpu.memref_slice %arg2[%dma_wait3A_15, %dma_wait3A_16] : memref<10000x128xf32, #tpu.memory_space<hbm>> -> memref<10000x128xf32, #tpu.memory_space<hbm>>
    tpu.wait_indirect_dma semaphore(%arg12 : memref<!tpu.dma_semaphore, #tpu.memory_space<semaphore_mem>>) src(%dma_wait3A_17 : memref<10000x128xf32, #tpu.memory_space<hbm>>) dst(%arg10 : memref<80x128xf32, #tpu.memory_space<vmem>>)
    "tpu.region"() ({
      %run_scoped3A = tpu.sem_alloc : memref<!tpu.dma_semaphore, #tpu.memory_space<semaphore_mem>>
      %dma_start3A_19 = arith.constant 9920 : i32
      %dma_start3A_20 = tpu.memref_slice %arg9[%dma_start3A_19] : memref<10000xi32, #tpu.memory_space<vmem>> -> memref<80xi32, #tpu.memory_space<vmem>>
      %dma_start3A_21 = arith.constant 0 : i32
      %dma_start3A_22 = arith.constant 0 : i32
      %dma_start3A_23 = tpu.memref_slice %arg7[%dma_start3A_21, %dma_start3A_22] : memref<10240x128xf32, #tpu.memory_space<vmem_shared>> -> memref<10240x128xf32, #tpu.memory_space<vmem_shared>>
      tpu.enqueue_indirect_dma source(%arg10 : memref<80x128xf32, #tpu.memory_space<vmem>>) target(%dma_start3A_23 : memref<10240x128xf32, #tpu.memory_space<vmem_shared>>) offsets(%dma_start3A_20 : memref<80xi32, #tpu.memory_space<vmem>>) semaphore(%run_scoped3A : memref<!tpu.dma_semaphore, #tpu.memory_space<semaphore_mem>>) {add = true}
      %dma_wait3A_24 = arith.constant 9920 : i32
      %dma_wait3A_25 = tpu.memref_slice %arg9[%dma_wait3A_24] : memref<10000xi32, #tpu.memory_space<vmem>> -> memref<80xi32, #tpu.memory_space<vmem>>
      %dma_wait3A_26 = arith.constant 0 : i32
      %dma_wait3A_27 = arith.constant 0 : i32
      %dma_wait3A_28 = tpu.memref_slice %arg7[%dma_wait3A_26, %dma_wait3A_27] : memref<10240x128xf32, #tpu.memory_space<vmem_shared>> -> memref<10240x128xf32, #tpu.memory_space<vmem_shared>>
      tpu.wait_indirect_dma semaphore(%run_scoped3A : memref<!tpu.dma_semaphore, #tpu.memory_space<semaphore_mem>>) src(%arg10 : memref<80x128xf32, #tpu.memory_space<vmem>>) dst(%dma_wait3A_28 : memref<10240x128xf32, #tpu.memory_space<vmem_shared>>)
      tpu.yield
    }) : () -> ()
    %barrier3A_18 = arith.constant 0 : index
    tpu.barrier barrier_id(%barrier3A_18)
    "tpu.region"() ({
      %run_scoped3A = tpu.sem_alloc : memref<!tpu.dma_semaphore, #tpu.memory_space<semaphore_mem>>
      %dma_start3A_19 = arith.constant 0 : i32
      %dma_start3A_20 = tpu.memref_slice %arg6[%arg0, %mul3A_0, %dma_start3A_19] : memref<2x10240x128xf32, #tpu.memory_space<hbm>> -> memref<1x640x128xf32, #tpu.memory_space<hbm>>
      %dma_start3A_21 = tpu.memref_squeeze %dma_start3A_20 : memref<1x640x128xf32, #tpu.memory_space<hbm>> -> memref<640x128xf32, #tpu.memory_space<hbm>>
      %dma_start3A_22 = arith.constant 0 : i32
      %dma_start3A_23 = tpu.memref_slice %arg7[%mul3A_0, %dma_start3A_22] : memref<10240x128xf32, #tpu.memory_space<vmem_shared>> -> memref<640x128xf32, #tpu.memory_space<vmem_shared>>
      tpu.enqueue_dma source(%dma_start3A_23 : memref<640x128xf32, #tpu.memory_space<vmem_shared>>) target(%dma_start3A_21 : memref<640x128xf32, #tpu.memory_space<hbm>>) target_semaphore(%run_scoped3A : memref<!tpu.dma_semaphore, #tpu.memory_space<semaphore_mem>>)
      %dma_wait3A_24 = arith.constant 0 : i32
      %dma_wait3A_25 = tpu.memref_slice %arg6[%arg0, %mul3A_0, %dma_wait3A_24] : memref<2x10240x128xf32, #tpu.memory_space<hbm>> -> memref<1x640x128xf32, #tpu.memory_space<hbm>>
      %dma_wait3A_26 = tpu.memref_squeeze %dma_wait3A_25 : memref<1x640x128xf32, #tpu.memory_space<hbm>> -> memref<640x128xf32, #tpu.memory_space<hbm>>
      %dma_wait3A_27 = arith.constant 0 : i32
      %dma_wait3A_28 = tpu.memref_slice %arg7[%mul3A_0, %dma_wait3A_27] : memref<10240x128xf32, #tpu.memory_space<vmem_shared>> -> memref<640x128xf32, #tpu.memory_space<vmem_shared>>
      tpu.wait_dma2 semaphore(%run_scoped3A : memref<!tpu.dma_semaphore, #tpu.memory_space<semaphore_mem>>) src(%dma_wait3A_28 : memref<640x128xf32, #tpu.memory_space<vmem_shared>>) dst(%dma_wait3A_26 : memref<640x128xf32, #tpu.memory_space<hbm>>)
      tpu.yield
    }) : () -> ()
    return
  }
}

#map = affine_map<(d0, d1) -> (0, 0)>
#map1 = affine_map<(d0, d1) -> (0)>
#map2 = affine_map<(d0, d1) -> (0, 0, 0)>
module attributes {stable_mosaic.version = 14 : i64} {
  func.func @spmm(%arg0: i32, %arg1: i32, %arg2: memref<10000x128xf32, #tpu.memory_space<hbm>>, %arg3: memref<320000xi32, #tpu.memory_space<hbm>>, %arg4: memref<320000xi32, #tpu.memory_space<hbm>>, %arg5: memref<640x128xf32, #tpu.memory_space<hbm>>, %arg6: memref<2x10240x128xf32, #tpu.memory_space<hbm>>, %arg7: memref<10240x128xf32, #tpu.memory_space<vmem_shared>>, %arg8: memref<10000xi32, #tpu.memory_space<vmem>>, %arg9: memref<10000xi32, #tpu.memory_space<vmem>>, %arg10: memref<80x128xf32, #tpu.memory_space<vmem>>, %arg11: memref<80x128xf32, #tpu.memory_space<vmem>>, %arg12: memref<!tpu.dma_semaphore, #tpu.memory_space<semaphore_mem>>, %arg13: memref<!tpu.dma_semaphore, #tpu.memory_space<semaphore_mem>>) attributes {dimension_semantics = [#tpu.dimension_semantics<core_parallel>, #tpu.dimension_semantics<subcore_parallel>], iteration_bounds = array<i64: 2, 16>, scalar_prefetch = 0 : i64, scratch_operands = 7 : i64, tpu.core_type = #tpu.core_type<sc_vector_subcore>, window_params = [{transform_indices = #map}, {transform_indices = #map1}, {transform_indices = #map1}, {transform_indices = #map}, {transform_indices = #map2}]} {
    %mul3A = arith.constant 640 : i32
    %mul3A_0 = arith.muli %arg1, %mul3A : i32
    "tpu.region"() ({
      %run_scoped3A = tpu.sem_alloc : memref<!tpu.dma_semaphore, #tpu.memory_space<semaphore_mem>>
      %dma_start3A_19 = arith.constant 0 : i32
      %dma_start3A_20 = tpu.memref_slice %arg7[%mul3A_0, %dma_start3A_19] : memref<10240x128xf32, #tpu.memory_space<vmem_shared>> -> memref<640x128xf32, #tpu.memory_space<vmem_shared>>
      tpu.enqueue_dma source(%arg5 : memref<640x128xf32, #tpu.memory_space<hbm>>) target(%dma_start3A_20 : memref<640x128xf32, #tpu.memory_space<vmem_shared>>) target_semaphore(%run_scoped3A : memref<!tpu.dma_semaphore, #tpu.memory_space<semaphore_mem>>)
      %dma_wait3A_21 = arith.constant 0 : i32
      %dma_wait3A_22 = tpu.memref_slice %arg7[%mul3A_0, %dma_wait3A_21] : memref<10240x128xf32, #tpu.memory_space<vmem_shared>> -> memref<640x128xf32, #tpu.memory_space<vmem_shared>>
      tpu.wait_dma2 semaphore(%run_scoped3A : memref<!tpu.dma_semaphore, #tpu.memory_space<semaphore_mem>>) src(%arg5 : memref<640x128xf32, #tpu.memory_space<hbm>>) dst(%dma_wait3A_22 : memref<640x128xf32, #tpu.memory_space<vmem_shared>>)
      tpu.yield
    }) : () -> ()
    %mul3A_1 = arith.constant 16 : i32
    %mul3A_2 = arith.muli %arg0, %mul3A_1 : i32
    %add3A = arith.addi %mul3A_2, %arg1 : i32
    %mul3A_3 = arith.constant 10000 : i32
    %mul3A_4 = arith.muli %add3A, %mul3A_3 : i32
    %multiple_of3A = tpu.assume_multiple %mul3A_4, 8 : i32
    "tpu.region"() ({
      %run_scoped3A = tpu.sem_alloc : memref<!tpu.dma_semaphore, #tpu.memory_space<semaphore_mem>>
      %dma_start3A_19 = tpu.memref_slice %arg3[%multiple_of3A] : memref<320000xi32, #tpu.memory_space<hbm>> -> memref<10000xi32, #tpu.memory_space<hbm>>
      %dma_start3A_20 = tpu.memref_slice %arg3[%multiple_of3A] : memref<320000xi32, #tpu.memory_space<hbm>> -> memref<10000xi32, #tpu.memory_space<hbm>>
      tpu.enqueue_dma source(%dma_start3A_20 : memref<10000xi32, #tpu.memory_space<hbm>>) target(%arg8 : memref<10000xi32, #tpu.memory_space<vmem>>) target_semaphore(%run_scoped3A : memref<!tpu.dma_semaphore, #tpu.memory_space<semaphore_mem>>)
      %dma_wait3A_21 = tpu.memref_slice %arg3[%multiple_of3A] : memref<320000xi32, #tpu.memory_space<hbm>> -> memref<10000xi32, #tpu.memory_space<hbm>>
      %dma_wait3A_22 = tpu.memref_slice %arg3[%multiple_of3A] : memref<320000xi32, #tpu.memory_space<hbm>> -> memref<10000xi32, #tpu.memory_space<hbm>>
      tpu.wait_dma2 semaphore(%run_scoped3A : memref<!tpu.dma_semaphore, #tpu.memory_space<semaphore_mem>>) src(%dma_wait3A_22 : memref<10000xi32, #tpu.memory_space<hbm>>) dst(%arg8 : memref<10000xi32, #tpu.memory_space<vmem>>)
      tpu.yield
    }) : () -> ()
    "tpu.region"() ({
      %run_scoped3A = tpu.sem_alloc : memref<!tpu.dma_semaphore, #tpu.memory_space<semaphore_mem>>
      %dma_start3A_19 = tpu.memref_slice %arg4[%multiple_of3A] : memref<320000xi32, #tpu.memory_space<hbm>> -> memref<10000xi32, #tpu.memory_space<hbm>>
      %dma_start3A_20 = tpu.memref_slice %arg4[%multiple_of3A] : memref<320000xi32, #tpu.memory_space<hbm>> -> memref<10000xi32, #tpu.memory_space<hbm>>
      tpu.enqueue_dma source(%dma_start3A_20 : memref<10000xi32, #tpu.memory_space<hbm>>) target(%arg9 : memref<10000xi32, #tpu.memory_space<vmem>>) target_semaphore(%run_scoped3A : memref<!tpu.dma_semaphore, #tpu.memory_space<semaphore_mem>>)
      %dma_wait3A_21 = tpu.memref_slice %arg4[%multiple_of3A] : memref<320000xi32, #tpu.memory_space<hbm>> -> memref<10000xi32, #tpu.memory_space<hbm>>
      %dma_wait3A_22 = tpu.memref_slice %arg4[%multiple_of3A] : memref<320000xi32, #tpu.memory_space<hbm>> -> memref<10000xi32, #tpu.memory_space<hbm>>
      tpu.wait_dma2 semaphore(%run_scoped3A : memref<!tpu.dma_semaphore, #tpu.memory_space<semaphore_mem>>) src(%dma_wait3A_22 : memref<10000xi32, #tpu.memory_space<hbm>>) dst(%arg9 : memref<10000xi32, #tpu.memory_space<vmem>>)
      tpu.yield
    }) : () -> ()
    %barrier3A = arith.constant 0 : index
    tpu.barrier barrier_id(%barrier3A)
    %dma_start3A = arith.constant 0 : i32
    %dma_start3A_5 = tpu.memref_slice %arg8[%dma_start3A] : memref<10000xi32, #tpu.memory_space<vmem>> -> memref<80xi32, #tpu.memory_space<vmem>>
    %dma_start3A_6 = arith.constant 0 : i32
    %dma_start3A_7 = arith.constant 0 : i32
    %dma_start3A_8 = tpu.memref_slice %arg2[%dma_start3A_6, %dma_start3A_7] : memref<10000x128xf32, #tpu.memory_space<hbm>> -> memref<10000x128xf32, #tpu.memory_space<hbm>>
    tpu.enqueue_indirect_dma source(%dma_start3A_8 : memref<10000x128xf32, #tpu.memory_space<hbm>>) target(%arg10 : memref<80x128xf32, #tpu.memory_space<vmem>>) offsets(%dma_start3A_5 : memref<80xi32, #tpu.memory_space<vmem>>) semaphore(%arg12 : memref<!tpu.dma_semaphore, #tpu.memory_space<semaphore_mem>>)
    %scan3A = arith.constant 0 : i32
    %scan3A_9 = arith.constant 0 : i32
    %scan3A_10 = arith.constant 62 : i32
    %scan3A_11 = arith.addi %scan3A_9, %scan3A_10 : i32
    %scan3A_12 = arith.constant 1 : i32
    scf.for %scan3A_19 = %scan3A_9 to %scan3A_11 step %scan3A_12  : i32 {
      %mul3A_20 = arith.constant 2 : i32
      %mul3A_21 = arith.muli %mul3A_20, %scan3A_19 : i32
      %mul3A_22 = arith.constant 80 : i32
      %mul3A_23 = arith.muli %mul3A_21, %mul3A_22 : i32
      %dma_wait3A_24 = tpu.memref_slice %arg8[%mul3A_23] : memref<10000xi32, #tpu.memory_space<vmem>> -> memref<80xi32, #tpu.memory_space<vmem>>
      %dma_wait3A_25 = arith.constant 0 : i32
      %dma_wait3A_26 = arith.constant 0 : i32
      %dma_wait3A_27 = tpu.memref_slice %arg2[%dma_wait3A_25, %dma_wait3A_26] : memref<10000x128xf32, #tpu.memory_space<hbm>> -> memref<10000x128xf32, #tpu.memory_space<hbm>>
      tpu.wait_indirect_dma semaphore(%arg12 : memref<!tpu.dma_semaphore, #tpu.memory_space<semaphore_mem>>) src(%dma_wait3A_27 : memref<10000x128xf32, #tpu.memory_space<hbm>>) dst(%arg10 : memref<80x128xf32, #tpu.memory_space<vmem>>)
      %add3A_28 = arith.constant 1 : i32
      %add3A_29 = arith.addi %mul3A_21, %add3A_28 : i32
      %mul3A_30 = arith.constant 80 : i32
      %mul3A_31 = arith.muli %add3A_29, %mul3A_30 : i32
      %dma_start3A_32 = tpu.memref_slice %arg8[%mul3A_31] : memref<10000xi32, #tpu.memory_space<vmem>> -> memref<80xi32, #tpu.memory_space<vmem>>
      %dma_start3A_33 = arith.constant 0 : i32
      %dma_start3A_34 = arith.constant 0 : i32
      %dma_start3A_35 = tpu.memref_slice %arg2[%dma_start3A_33, %dma_start3A_34] : memref<10000x128xf32, #tpu.memory_space<hbm>> -> memref<10000x128xf32, #tpu.memory_space<hbm>>
      tpu.enqueue_indirect_dma source(%dma_start3A_35 : memref<10000x128xf32, #tpu.memory_space<hbm>>) target(%arg11 : memref<80x128xf32, #tpu.memory_space<vmem>>) offsets(%dma_start3A_32 : memref<80xi32, #tpu.memory_space<vmem>>) semaphore(%arg13 : memref<!tpu.dma_semaphore, #tpu.memory_space<semaphore_mem>>)
      %mul3A_36 = arith.constant 80 : i32
      %mul3A_37 = arith.muli %mul3A_21, %mul3A_36 : i32
      "tpu.region"() ({
        %run_scoped3A = tpu.sem_alloc : memref<!tpu.dma_semaphore, #tpu.memory_space<semaphore_mem>>
        %dma_start3A_58 = tpu.memref_slice %arg9[%mul3A_37] : memref<10000xi32, #tpu.memory_space<vmem>> -> memref<80xi32, #tpu.memory_space<vmem>>
        %dma_start3A_59 = arith.constant 0 : i32
        %dma_start3A_60 = arith.constant 0 : i32
        %dma_start3A_61 = tpu.memref_slice %arg7[%dma_start3A_59, %dma_start3A_60] : memref<10240x128xf32, #tpu.memory_space<vmem_shared>> -> memref<10240x128xf32, #tpu.memory_space<vmem_shared>>
        tpu.enqueue_indirect_dma source(%arg10 : memref<80x128xf32, #tpu.memory_space<vmem>>) target(%dma_start3A_61 : memref<10240x128xf32, #tpu.memory_space<vmem_shared>>) offsets(%dma_start3A_58 : memref<80xi32, #tpu.memory_space<vmem>>) semaphore(%run_scoped3A : memref<!tpu.dma_semaphore, #tpu.memory_space<semaphore_mem>>) {add = true}
        %dma_wait3A_62 = tpu.memref_slice %arg9[%mul3A_37] : memref<10000xi32, #tpu.memory_space<vmem>> -> memref<80xi32, #tpu.memory_space<vmem>>
        %dma_wait3A_63 = arith.constant 0 : i32
        %dma_wait3A_64 = arith.constant 0 : i32
        %dma_wait3A_65 = tpu.memref_slice %arg7[%dma_wait3A_63, %dma_wait3A_64] : memref<10240x128xf32, #tpu.memory_space<vmem_shared>> -> memref<10240x128xf32, #tpu.memory_space<vmem_shared>>
        tpu.wait_indirect_dma semaphore(%run_scoped3A : memref<!tpu.dma_semaphore, #tpu.memory_space<semaphore_mem>>) src(%arg10 : memref<80x128xf32, #tpu.memory_space<vmem>>) dst(%dma_wait3A_65 : memref<10240x128xf32, #tpu.memory_space<vmem_shared>>)
        tpu.yield
      }) : () -> ()
      %add3A_38 = arith.constant 1 : i32
      %add3A_39 = arith.addi %mul3A_21, %add3A_38 : i32
      %mul3A_40 = arith.constant 80 : i32
      %mul3A_41 = arith.muli %add3A_39, %mul3A_40 : i32
      %dma_wait3A_42 = tpu.memref_slice %arg8[%mul3A_41] : memref<10000xi32, #tpu.memory_space<vmem>> -> memref<80xi32, #tpu.memory_space<vmem>>
      %dma_wait3A_43 = arith.constant 0 : i32
      %dma_wait3A_44 = arith.constant 0 : i32
      %dma_wait3A_45 = tpu.memref_slice %arg2[%dma_wait3A_43, %dma_wait3A_44] : memref<10000x128xf32, #tpu.memory_space<hbm>> -> memref<10000x128xf32, #tpu.memory_space<hbm>>
      tpu.wait_indirect_dma semaphore(%arg13 : memref<!tpu.dma_semaphore, #tpu.memory_space<semaphore_mem>>) src(%dma_wait3A_45 : memref<10000x128xf32, #tpu.memory_space<hbm>>) dst(%arg11 : memref<80x128xf32, #tpu.memory_space<vmem>>)
      %add3A_46 = arith.constant 2 : i32
      %add3A_47 = arith.addi %mul3A_21, %add3A_46 : i32
      %mul3A_48 = arith.constant 80 : i32
      %mul3A_49 = arith.muli %add3A_47, %mul3A_48 : i32
      %dma_start3A_50 = tpu.memref_slice %arg8[%mul3A_49] : memref<10000xi32, #tpu.memory_space<vmem>> -> memref<80xi32, #tpu.memory_space<vmem>>
      %dma_start3A_51 = arith.constant 0 : i32
      %dma_start3A_52 = arith.constant 0 : i32
      %dma_start3A_53 = tpu.memref_slice %arg2[%dma_start3A_51, %dma_start3A_52] : memref<10000x128xf32, #tpu.memory_space<hbm>> -> memref<10000x128xf32, #tpu.memory_space<hbm>>
      tpu.enqueue_indirect_dma source(%dma_start3A_53 : memref<10000x128xf32, #tpu.memory_space<hbm>>) target(%arg10 : memref<80x128xf32, #tpu.memory_space<vmem>>) offsets(%dma_start3A_50 : memref<80xi32, #tpu.memory_space<vmem>>) semaphore(%arg12 : memref<!tpu.dma_semaphore, #tpu.memory_space<semaphore_mem>>)
      %add3A_54 = arith.constant 1 : i32
      %add3A_55 = arith.addi %mul3A_21, %add3A_54 : i32
      %mul3A_56 = arith.constant 80 : i32
      %mul3A_57 = arith.muli %add3A_55, %mul3A_56 : i32
      "tpu.region"() ({
        %run_scoped3A = tpu.sem_alloc : memref<!tpu.dma_semaphore, #tpu.memory_space<semaphore_mem>>
        %dma_start3A_58 = tpu.memref_slice %arg9[%mul3A_57] : memref<10000xi32, #tpu.memory_space<vmem>> -> memref<80xi32, #tpu.memory_space<vmem>>
        %dma_start3A_59 = arith.constant 0 : i32
        %dma_start3A_60 = arith.constant 0 : i32
        %dma_start3A_61 = tpu.memref_slice %arg7[%dma_start3A_59, %dma_start3A_60] : memref<10240x128xf32, #tpu.memory_space<vmem_shared>> -> memref<10240x128xf32, #tpu.memory_space<vmem_shared>>
        tpu.enqueue_indirect_dma source(%arg11 : memref<80x128xf32, #tpu.memory_space<vmem>>) target(%dma_start3A_61 : memref<10240x128xf32, #tpu.memory_space<vmem_shared>>) offsets(%dma_start3A_58 : memref<80xi32, #tpu.memory_space<vmem>>) semaphore(%run_scoped3A : memref<!tpu.dma_semaphore, #tpu.memory_space<semaphore_mem>>) {add = true}
        %dma_wait3A_62 = tpu.memref_slice %arg9[%mul3A_57] : memref<10000xi32, #tpu.memory_space<vmem>> -> memref<80xi32, #tpu.memory_space<vmem>>
        %dma_wait3A_63 = arith.constant 0 : i32
        %dma_wait3A_64 = arith.constant 0 : i32
        %dma_wait3A_65 = tpu.memref_slice %arg7[%dma_wait3A_63, %dma_wait3A_64] : memref<10240x128xf32, #tpu.memory_space<vmem_shared>> -> memref<10240x128xf32, #tpu.memory_space<vmem_shared>>
        tpu.wait_indirect_dma semaphore(%run_scoped3A : memref<!tpu.dma_semaphore, #tpu.memory_space<semaphore_mem>>) src(%arg11 : memref<80x128xf32, #tpu.memory_space<vmem>>) dst(%dma_wait3A_65 : memref<10240x128xf32, #tpu.memory_space<vmem_shared>>)
        tpu.yield
      }) : () -> ()
    }
    %scan3A_13 = arith.constant 62 : i32
    %dma_wait3A = arith.constant 9920 : i32
    %dma_wait3A_14 = tpu.memref_slice %arg8[%dma_wait3A] : memref<10000xi32, #tpu.memory_space<vmem>> -> memref<80xi32, #tpu.memory_space<vmem>>
    %dma_wait3A_15 = arith.constant 0 : i32
    %dma_wait3A_16 = arith.constant 0 : i32
    %dma_wait3A_17 = tpu.memref_slice %arg2[%dma_wait3A_15, %dma_wait3A_16] : memref<10000x128xf32, #tpu.memory_space<hbm>> -> memref<10000x128xf32, #tpu.memory_space<hbm>>
    tpu.wait_indirect_dma semaphore(%arg12 : memref<!tpu.dma_semaphore, #tpu.memory_space<semaphore_mem>>) src(%dma_wait3A_17 : memref<10000x128xf32, #tpu.memory_space<hbm>>) dst(%arg10 : memref<80x128xf32, #tpu.memory_space<vmem>>)
    "tpu.region"() ({
      %run_scoped3A = tpu.sem_alloc : memref<!tpu.dma_semaphore, #tpu.memory_space<semaphore_mem>>
      %dma_start3A_19 = arith.constant 9920 : i32
      %dma_start3A_20 = tpu.memref_slice %arg9[%dma_start3A_19] : memref<10000xi32, #tpu.memory_space<vmem>> -> memref<80xi32, #tpu.memory_space<vmem>>
      %dma_start3A_21 = arith.constant 0 : i32
      %dma_start3A_22 = arith.constant 0 : i32
      %dma_start3A_23 = tpu.memref_slice %arg7[%dma_start3A_21, %dma_start3A_22] : memref<10240x128xf32, #tpu.memory_space<vmem_shared>> -> memref<10240x128xf32, #tpu.memory_space<vmem_shared>>
      tpu.enqueue_indirect_dma source(%arg10 : memref<80x128xf32, #tpu.memory_space<vmem>>) target(%dma_start3A_23 : memref<10240x128xf32, #tpu.memory_space<vmem_shared>>) offsets(%dma_start3A_20 : memref<80xi32, #tpu.memory_space<vmem>>) semaphore(%run_scoped3A : memref<!tpu.dma_semaphore, #tpu.memory_space<semaphore_mem>>) {add = true}
      %dma_wait3A_24 = arith.constant 9920 : i32
      %dma_wait3A_25 = tpu.memref_slice %arg9[%dma_wait3A_24] : memref<10000xi32, #tpu.memory_space<vmem>> -> memref<80xi32, #tpu.memory_space<vmem>>
      %dma_wait3A_26 = arith.constant 0 : i32
      %dma_wait3A_27 = arith.constant 0 : i32
      %dma_wait3A_28 = tpu.memref_slice %arg7[%dma_wait3A_26, %dma_wait3A_27] : memref<10240x128xf32, #tpu.memory_space<vmem_shared>> -> memref<10240x128xf32, #tpu.memory_space<vmem_shared>>
      tpu.wait_indirect_dma semaphore(%run_scoped3A : memref<!tpu.dma_semaphore, #tpu.memory_space<semaphore_mem>>) src(%arg10 : memref<80x128xf32, #tpu.memory_space<vmem>>) dst(%dma_wait3A_28 : memref<10240x128xf32, #tpu.memory_space<vmem_shared>>)
      tpu.yield
    }) : () -> ()
    %barrier3A_18 = arith.constant 0 : index
    tpu.barrier barrier_id(%barrier3A_18)
    "tpu.region"() ({
      %run_scoped3A = tpu.sem_alloc : memref<!tpu.dma_semaphore, #tpu.memory_space<semaphore_mem>>
      %dma_start3A_19 = arith.constant 0 : i32
      %dma_start3A_20 = tpu.memref_slice %arg6[%arg0, %mul3A_0, %dma_start3A_19] : memref<2x10240x128xf32, #tpu.memory_space<hbm>> -> memref<1x640x128xf32, #tpu.memory_space<hbm>>
      %dma_start3A_21 = tpu.memref_squeeze %dma_start3A_20 : memref<1x640x128xf32, #tpu.memory_space<hbm>> -> memref<640x128xf32, #tpu.memory_space<hbm>>
      %dma_start3A_22 = arith.constant 0 : i32
      %dma_start3A_23 = tpu.memref_slice %arg7[%mul3A_0, %dma_start3A_22] : memref<10240x128xf32, #tpu.memory_space<vmem_shared>> -> memref<640x128xf32, #tpu.memory_space<vmem_shared>>
      tpu.enqueue_dma source(%dma_start3A_23 : memref<640x128xf32, #tpu.memory_space<vmem_shared>>) target(%dma_start3A_21 : memref<640x128xf32, #tpu.memory_space<hbm>>) target_semaphore(%run_scoped3A : memref<!tpu.dma_semaphore, #tpu.memory_space<semaphore_mem>>)
      %dma_wait3A_24 = arith.constant 0 : i32
      %dma_wait3A_25 = tpu.memref_slice %arg6[%arg0, %mul3A_0, %dma_wait3A_24] : memref<2x10240x128xf32, #tpu.memory_space<hbm>> -> memref<1x640x128xf32, #tpu.memory_space<hbm>>
      %dma_wait3A_26 = tpu.memref_squeeze %dma_wait3A_25 : memref<1x640x128xf32, #tpu.memory_space<hbm>> -> memref<640x128xf32, #tpu.memory_space<hbm>>
      %dma_wait3A_27 = arith.constant 0 : i32
      %dma_wait3A_28 = tpu.memref_slice %arg7[%mul3A_0, %dma_wait3A_27] : memref<10240x128xf32, #tpu.memory_space<vmem_shared>> -> memref<640x128xf32, #tpu.memory_space<vmem_shared>>
      tpu.wait_dma2 semaphore(%run_scoped3A : memref<!tpu.dma_semaphore, #tpu.memory_space<semaphore_mem>>) src(%dma_wait3A_28 : memref<640x128xf32, #tpu.memory_space<vmem_shared>>) dst(%dma_wait3A_26 : memref<640x128xf32, #tpu.memory_space<hbm>>)
      tpu.yield
    }) : () -> ()
    return
  }
}

module attributes {stable_mosaic.version = 14 : i64} {
  func.func @_views_body(%arg0: i32, %arg1: memref<2x1000x128xf32, #tpu.memory_space<vmem>>, %arg2: memref<2x1000x128xf32, #tpu.memory_space<vmem>>, %arg3: memref<3x128x128xf32, #tpu.memory_space<vmem>>, %arg4: memref<3x128xf32, #tpu.memory_space<vmem>>, %arg5: memref<1000x128xf32, #tpu.memory_space<vmem>>, %arg6: memref<1000x128xf32, #tpu.memory_space<vmem>>, %arg7: memref<1000x128xf32, #tpu.memory_space<vmem>>) attributes {dimension_semantics = [#tpu.dimension_semantics<arbitrary>], iteration_bounds = array<i64: 10>, scalar_prefetch = 0 : i64, scratch_operands = 0 : i64, tpu.core_type = #tpu.core_type<tc>, window_params = [{transform_indices = @transform_0, window_bounds = array<i64: 2, 1000, 128>}, {transform_indices = @transform_1, window_bounds = array<i64: 2, 1000, 128>}, {pipeline_mode = #tpu.pipeline_mode<synchronous>, transform_indices = @transform_2, window_bounds = array<i64: 3, 128, 128>}, {pipeline_mode = #tpu.pipeline_mode<synchronous>, transform_indices = @transform_3, window_bounds = array<i64: 3, 128>}, {transform_indices = @transform_4, window_bounds = array<i64: 1000, 128>}, {transform_indices = @transform_5, window_bounds = array<i64: 1000, 128>}, {transform_indices = @transform_6, window_bounds = array<i64: 1000, 128>}]} {
    %get3A = arith.constant 0 : index
    %get3A_0 = arith.constant 0 : index
    %get3A_1 = arith.constant 0 : index
    %get3A_2 = vector.load %arg1[%get3A, %get3A_0, %get3A_1] : memref<2x1000x128xf32, #tpu.memory_space<vmem>>, vector<1x1000x128xf32>
    %get3A_3 = vector.shape_cast %get3A_2 : vector<1x1000x128xf32> to vector<1000x128xf32>
    %get3A_4 = arith.constant 1 : index
    %get3A_5 = arith.constant 0 : index
    %get3A_6 = arith.constant 0 : index
    %get3A_7 = vector.load %arg1[%get3A_4, %get3A_5, %get3A_6] : memref<2x1000x128xf32, #tpu.memory_space<vmem>>, vector<1x1000x128xf32>
    %get3A_8 = vector.shape_cast %get3A_7 : vector<1x1000x128xf32> to vector<1000x128xf32>
    %add3A = arith.addf %get3A_3, %get3A_8 : vector<1000x128xf32>
    %get3A_9 = arith.constant 0 : index
    %get3A_10 = arith.constant 0 : index
    %get3A_11 = arith.constant 0 : index
    %get3A_12 = vector.load %arg2[%get3A_9, %get3A_10, %get3A_11] : memref<2x1000x128xf32, #tpu.memory_space<vmem>>, vector<1x1000x1xf32>
    %get3A_13 = vector.shape_cast %get3A_12 : vector<1x1000x1xf32> to vector<1000x1xf32>
    %get3A_14 = arith.constant 1 : index
    %get3A_15 = arith.constant 0 : index
    %get3A_16 = arith.constant 0 : index
    %get3A_17 = vector.load %arg2[%get3A_14, %get3A_15, %get3A_16] : memref<2x1000x128xf32, #tpu.memory_space<vmem>>, vector<1x1000x1xf32>
    %get3A_18 = vector.shape_cast %get3A_17 : vector<1x1000x1xf32> to vector<1000x1xf32>
    %add3A_19 = arith.addf %get3A_13, %get3A_18 : vector<1000x1xf32>
    %max3A = arith.constant 1.000000e+00 : f32
    %max3A_20 = vector.broadcast %max3A : f32 to vector<1000x1xf32>
    %max3A_21 = arith.maximumf %add3A_19, %max3A_20 : vector<1000x1xf32>
    %div3A = vector.broadcast %max3A_21 : vector<1000x1xf32> to vector<1000x128xf32>
    %div3A_22 = arith.divf %add3A, %div3A : vector<1000x128xf32>
    %get3A_23 = arith.constant 0 : index
    %get3A_24 = arith.constant 0 : index
    %get3A_25 = arith.constant 0 : index
    %get3A_26 = vector.load %arg3[%get3A_23, %get3A_24, %get3A_25] : memref<3x128x128xf32, #tpu.memory_space<vmem>>, vector<1x128x128xf32>
    %get3A_27 = vector.shape_cast %get3A_26 : vector<1x128x128xf32> to vector<128x128xf32>
    %dot_general3A = arith.constant dense<0.000000e+00> : vector<1000x128xf32>
    %dot_general3A_28 = tpu.matmul %div3A_22, %get3A_27, %dot_general3A {dimension_numbers = #tpu.dot_dimension_numbers<[1], [0], [0], [1], [0, 0, 1, 1], [], []>, transpose_lhs_hint = false} : vector<1000x128xf32>, vector<128x128xf32>, vector<1000x128xf32> -> vector<1000x128xf32>
    %get3A_29 = arith.constant 0 : index
    %get3A_30 = arith.constant 0 : index
    %get3A_31 = vector.load %arg4[%get3A_29, %get3A_30] : memref<3x128xf32, #tpu.memory_space<vmem>>, vector<1x128xf32>
    %add3A_32 = vector.broadcast %get3A_31 : vector<1x128xf32> to vector<1000x128xf32>
    %add3A_33 = arith.addf %dot_general3A_28, %add3A_32 : vector<1000x128xf32>
    %max3A_34 = arith.constant 0.000000e+00 : f32
    %max3A_35 = vector.broadcast %max3A_34 : f32 to vector<1000x128xf32>
    %max3A_36 = arith.maximumf %add3A_33, %max3A_35 : vector<1000x128xf32>
    %swap3A = arith.constant 0 : index
    %swap3A_37 = arith.constant 0 : index
    %swap3A_38 = vector.load %arg5[%swap3A, %swap3A_37] : memref<1000x128xf32, #tpu.memory_space<vmem>>, vector<1000x128xf32>
    tpu.vector_store %arg5[%swap3A, %swap3A_37], %max3A_36 {strides = array<i32>} : memref<1000x128xf32, #tpu.memory_space<vmem>>, vector<1000x128xf32>,
    %get3A_39 = arith.constant 1 : index
    %get3A_40 = arith.constant 0 : index
    %get3A_41 = arith.constant 0 : index
    %get3A_42 = vector.load %arg3[%get3A_39, %get3A_40, %get3A_41] : memref<3x128x128xf32, #tpu.memory_space<vmem>>, vector<1x128x128xf32>
    %get3A_43 = vector.shape_cast %get3A_42 : vector<1x128x128xf32> to vector<128x128xf32>
    %dot_general3A_44 = arith.constant dense<0.000000e+00> : vector<1000x128xf32>
    %dot_general3A_45 = tpu.matmul %div3A_22, %get3A_43, %dot_general3A_44 {dimension_numbers = #tpu.dot_dimension_numbers<[1], [0], [0], [1], [0, 0, 1, 1], [], []>, transpose_lhs_hint = false} : vector<1000x128xf32>, vector<128x128xf32>, vector<1000x128xf32> -> vector<1000x128xf32>
    %get3A_46 = arith.constant 1 : index
    %get3A_47 = arith.constant 0 : index
    %get3A_48 = vector.load %arg4[%get3A_46, %get3A_47] : memref<3x128xf32, #tpu.memory_space<vmem>>, vector<1x128xf32>
    %add3A_49 = vector.broadcast %get3A_48 : vector<1x128xf32> to vector<1000x128xf32>
    %add3A_50 = arith.addf %dot_general3A_45, %add3A_49 : vector<1000x128xf32>
    %max3A_51 = arith.constant 0.000000e+00 : f32
    %max3A_52 = vector.broadcast %max3A_51 : f32 to vector<1000x128xf32>
    %max3A_53 = arith.maximumf %add3A_50, %max3A_52 : vector<1000x128xf32>
    %swap3A_54 = arith.constant 0 : index
    %swap3A_55 = arith.constant 0 : index
    %swap3A_56 = vector.load %arg6[%swap3A_54, %swap3A_55] : memref<1000x128xf32, #tpu.memory_space<vmem>>, vector<1000x128xf32>
    tpu.vector_store %arg6[%swap3A_54, %swap3A_55], %max3A_53 {strides = array<i32>} : memref<1000x128xf32, #tpu.memory_space<vmem>>, vector<1000x128xf32>,
    %get3A_57 = arith.constant 2 : index
    %get3A_58 = arith.constant 0 : index
    %get3A_59 = arith.constant 0 : index
    %get3A_60 = vector.load %arg3[%get3A_57, %get3A_58, %get3A_59] : memref<3x128x128xf32, #tpu.memory_space<vmem>>, vector<1x128x128xf32>
    %get3A_61 = vector.shape_cast %get3A_60 : vector<1x128x128xf32> to vector<128x128xf32>
    %dot_general3A_62 = arith.constant dense<0.000000e+00> : vector<1000x128xf32>
    %dot_general3A_63 = tpu.matmul %div3A_22, %get3A_61, %dot_general3A_62 {dimension_numbers = #tpu.dot_dimension_numbers<[1], [0], [0], [1], [0, 0, 1, 1], [], []>, transpose_lhs_hint = false} : vector<1000x128xf32>, vector<128x128xf32>, vector<1000x128xf32> -> vector<1000x128xf32>
    %get3A_64 = arith.constant 2 : index
    %get3A_65 = arith.constant 0 : index
    %get3A_66 = vector.load %arg4[%get3A_64, %get3A_65] : memref<3x128xf32, #tpu.memory_space<vmem>>, vector<1x128xf32>
    %add3A_67 = vector.broadcast %get3A_66 : vector<1x128xf32> to vector<1000x128xf32>
    %add3A_68 = arith.addf %dot_general3A_63, %add3A_67 : vector<1000x128xf32>
    %max3A_69 = arith.constant 0.000000e+00 : f32
    %max3A_70 = vector.broadcast %max3A_69 : f32 to vector<1000x128xf32>
    %max3A_71 = arith.maximumf %add3A_68, %max3A_70 : vector<1000x128xf32>
    %swap3A_72 = arith.constant 0 : index
    %swap3A_73 = arith.constant 0 : index
    %swap3A_74 = vector.load %arg7[%swap3A_72, %swap3A_73] : memref<1000x128xf32, #tpu.memory_space<vmem>>, vector<1000x128xf32>
    tpu.vector_store %arg7[%swap3A_72, %swap3A_73], %max3A_71 {strides = array<i32>} : memref<1000x128xf32, #tpu.memory_space<vmem>>, vector<1000x128xf32>,
    return
  }
  func.func @transform_0(%arg0: i32) -> (i32, i32, i32) {
    %c0_i32 = arith.constant 0 : i32
    %c0_i32_0 = arith.constant 0 : i32
    %c0_i32_1 = arith.constant 0 : i32
    return %c0_i32, %arg0, %c0_i32_0 : i32, i32, i32
  }
  func.func @transform_1(%arg0: i32) -> (i32, i32, i32) {
    %c0_i32 = arith.constant 0 : i32
    %c0_i32_0 = arith.constant 0 : i32
    %c0_i32_1 = arith.constant 0 : i32
    return %c0_i32, %arg0, %c0_i32_0 : i32, i32, i32
  }
  func.func @transform_2(%arg0: i32) -> (i32, i32, i32) {
    %c0_i32 = arith.constant 0 : i32
    %c0_i32_0 = arith.constant 0 : i32
    %c0_i32_1 = arith.constant 0 : i32
    %c0_i32_2 = arith.constant 0 : i32
    return %c0_i32, %c0_i32_0, %c0_i32_1 : i32, i32, i32
  }
  func.func @transform_3(%arg0: i32) -> (i32, i32) {
    %c0_i32 = arith.constant 0 : i32
    %c0_i32_0 = arith.constant 0 : i32
    %c0_i32_1 = arith.constant 0 : i32
    return %c0_i32, %c0_i32_0 : i32, i32
  }
  func.func @transform_4(%arg0: i32) -> (i32, i32) {
    %c0_i32 = arith.constant 0 : i32
    %c0_i32_0 = arith.constant 0 : i32
    return %arg0, %c0_i32 : i32, i32
  }
  func.func @transform_5(%arg0: i32) -> (i32, i32) {
    %c0_i32 = arith.constant 0 : i32
    %c0_i32_0 = arith.constant 0 : i32
    return %arg0, %c0_i32 : i32, i32
  }
  func.func @transform_6(%arg0: i32) -> (i32, i32) {
    %c0_i32 = arith.constant 0 : i32
    %c0_i32_0 = arith.constant 0 : i32
    return %arg0, %c0_i32 : i32, i32
  }
}

module attributes {stable_mosaic.version = 14 : i64} {
  func.func @_hs_body(%arg0: i32, %arg1: memref<2x1000x128xf32, #tpu.memory_space<vmem>>, %arg2: memref<2x1000x128xf32, #tpu.memory_space<vmem>>, %arg3: memref<2x1000x128xf32, #tpu.memory_space<vmem>>, %arg4: memref<2x1000x128xf32, #tpu.memory_space<vmem>>, %arg5: memref<128x128xf32, #tpu.memory_space<vmem>>, %arg6: memref<1x128xf32, #tpu.memory_space<vmem>>, %arg7: memref<32x128xf32, #tpu.memory_space<vmem>>, %arg8: memref<1000x384xf32, #tpu.memory_space<vmem>>, %arg9: memref<1000x96xf32, #tpu.memory_space<vmem>>) attributes {dimension_semantics = [#tpu.dimension_semantics<arbitrary>], iteration_bounds = array<i64: 10>, scalar_prefetch = 0 : i64, scratch_operands = 0 : i64, tpu.core_type = #tpu.core_type<tc>, window_params = [{transform_indices = @transform_0, window_bounds = array<i64: 2, 1000, 128>}, {transform_indices = @transform_1, window_bounds = array<i64: 2, 1000, 128>}, {transform_indices = @transform_2, window_bounds = array<i64: 2, 1000, 128>}, {transform_indices = @transform_3, window_bounds = array<i64: 2, 1000, 128>}, {pipeline_mode = #tpu.pipeline_mode<synchronous>, transform_indices = @transform_4, window_bounds = array<i64: 128, 128>}, {pipeline_mode = #tpu.pipeline_mode<synchronous>, transform_indices = @transform_5, window_bounds = array<i64: 1, 128>}, {pipeline_mode = #tpu.pipeline_mode<synchronous>, transform_indices = @transform_6, window_bounds = array<i64: 32, 128>}, {transform_indices = @transform_7, window_bounds = array<i64: 1000, 384>}, {transform_indices = @transform_8, window_bounds = array<i64: 1000, 96>}]} {
    %get3A = arith.constant 0 : index
    %get3A_0 = arith.constant 0 : index
    %get3A_1 = arith.constant 0 : index
    %get3A_2 = vector.load %arg4[%get3A, %get3A_0, %get3A_1] : memref<2x1000x128xf32, #tpu.memory_space<vmem>>, vector<1x1000x1xf32>
    %get3A_3 = vector.shape_cast %get3A_2 : vector<1x1000x1xf32> to vector<1000x1xf32>
    %get3A_4 = arith.constant 1 : index
    %get3A_5 = arith.constant 0 : index
    %get3A_6 = arith.constant 0 : index
    %get3A_7 = vector.load %arg4[%get3A_4, %get3A_5, %get3A_6] : memref<2x1000x128xf32, #tpu.memory_space<vmem>>, vector<1x1000x1xf32>
    %get3A_8 = vector.shape_cast %get3A_7 : vector<1x1000x1xf32> to vector<1000x1xf32>
    %add3A = arith.addf %get3A_3, %get3A_8 : vector<1000x1xf32>
    %max3A = arith.constant 1.000000e+00 : f32
    %max3A_9 = vector.broadcast %max3A : f32 to vector<1000x1xf32>
    %max3A_10 = arith.maximumf %add3A, %max3A_9 : vector<1000x1xf32>
    %get3A_11 = arith.constant 0 : index
    %get3A_12 = arith.constant 0 : index
    %get3A_13 = arith.constant 0 : index
    %get3A_14 = vector.load %arg1[%get3A_11, %get3A_12, %get3A_13] : memref<2x1000x128xf32, #tpu.memory_space<vmem>>, vector<1x1000x128xf32>
    %get3A_15 = vector.shape_cast %get3A_14 : vector<1x1000x128xf32> to vector<1000x128xf32>
    %get3A_16 = arith.constant 1 : index
    %get3A_17 = arith.constant 0 : index
    %get3A_18 = arith.constant 0 : index
    %get3A_19 = vector.load %arg1[%get3A_16, %get3A_17, %get3A_18] : memref<2x1000x128xf32, #tpu.memory_space<vmem>>, vector<1x1000x128xf32>
    %get3A_20 = vector.shape_cast %get3A_19 : vector<1x1000x128xf32> to vector<1000x128xf32>
    %add3A_21 = arith.addf %get3A_15, %get3A_20 : vector<1000x128xf32>
    %div3A = vector.broadcast %max3A_10 : vector<1000x1xf32> to vector<1000x128xf32>
    %div3A_22 = arith.divf %add3A_21, %div3A : vector<1000x128xf32>
    %get3A_23 = arith.constant 0 : index
    %get3A_24 = arith.constant 0 : index
    %get3A_25 = vector.load %arg5[%get3A_23, %get3A_24] : memref<128x128xf32, #tpu.memory_space<vmem>>, vector<128x128xf32>
    %dot_general3A = arith.constant dense<0.000000e+00> : vector<1000x128xf32>
    %dot_general3A_26 = tpu.matmul %div3A_22, %get3A_25, %dot_general3A {dimension_numbers = #tpu.dot_dimension_numbers<[1], [0], [0], [1], [0, 0, 1, 1], [], []>, transpose_lhs_hint = false} : vector<1000x128xf32>, vector<128x128xf32>, vector<1000x128xf32> -> vector<1000x128xf32>
    %get3A_27 = arith.constant 0 : index
    %get3A_28 = arith.constant 0 : index
    %get3A_29 = vector.load %arg6[%get3A_27, %get3A_28] : memref<1x128xf32, #tpu.memory_space<vmem>>, vector<1x128xf32>
    %add3A_30 = vector.broadcast %get3A_29 : vector<1x128xf32> to vector<1000x128xf32>
    %add3A_31 = arith.addf %dot_general3A_26, %add3A_30 : vector<1000x128xf32>
    %max3A_32 = arith.constant 0.000000e+00 : f32
    %max3A_33 = vector.broadcast %max3A_32 : f32 to vector<1000x128xf32>
    %max3A_34 = arith.maximumf %add3A_31, %max3A_33 : vector<1000x128xf32>
    %get3A_35 = arith.constant 0 : index
    %get3A_36 = arith.constant 0 : index
    %get3A_37 = vector.load %arg7[%get3A_35, %get3A_36] : memref<32x128xf32, #tpu.memory_space<vmem>>, vector<32x128xf32>
    %dot_general3A_38 = arith.constant dense<0.000000e+00> : vector<1000x32xf32>
    %dot_general3A_39 = tpu.matmul %max3A_34, %get3A_37, %dot_general3A_38 {dimension_numbers = #tpu.dot_dimension_numbers<[1], [1], [0], [0], [0, 0, 1, 0], [], []>, transpose_lhs_hint = false} : vector<1000x128xf32>, vector<32x128xf32>, vector<1000x32xf32> -> vector<1000x32xf32>
    %mul3A = arith.constant 0.0883883461 : f32
    %mul3A_40 = vector.broadcast %mul3A : f32 to vector<1000x32xf32>
    %mul3A_41 = arith.mulf %dot_general3A_39, %mul3A_40 : vector<1000x32xf32>
    %get3A_42 = arith.constant 0 : index
    %get3A_43 = arith.constant 0 : index
    %get3A_44 = arith.constant 0 : index
    %get3A_45 = vector.load %arg2[%get3A_42, %get3A_43, %get3A_44] : memref<2x1000x128xf32, #tpu.memory_space<vmem>>, vector<1x1000x128xf32>
    %get3A_46 = vector.shape_cast %get3A_45 : vector<1x1000x128xf32> to vector<1000x128xf32>
    %get3A_47 = arith.constant 1 : index
    %get3A_48 = arith.constant 0 : index
    %get3A_49 = arith.constant 0 : index
    %get3A_50 = vector.load %arg2[%get3A_47, %get3A_48, %get3A_49] : memref<2x1000x128xf32, #tpu.memory_space<vmem>>, vector<1x1000x128xf32>
    %get3A_51 = vector.shape_cast %get3A_50 : vector<1x1000x128xf32> to vector<1000x128xf32>
    %add3A_52 = arith.addf %get3A_46, %get3A_51 : vector<1000x128xf32>
    %div3A_53 = vector.broadcast %max3A_10 : vector<1000x1xf32> to vector<1000x128xf32>
    %div3A_54 = arith.divf %add3A_52, %div3A_53 : vector<1000x128xf32>
    %get3A_55 = arith.constant 0 : index
    %get3A_56 = arith.constant 0 : index
    %get3A_57 = vector.load %arg5[%get3A_55, %get3A_56] : memref<128x128xf32, #tpu.memory_space<vmem>>, vector<128x128xf32>
    %dot_general3A_58 = arith.constant dense<0.000000e+00> : vector<1000x128xf32>
    %dot_general3A_59 = tpu.matmul %div3A_54, %get3A_57, %dot_general3A_58 {dimension_numbers = #tpu.dot_dimension_numbers<[1], [0], [0], [1], [0, 0, 1, 1], [], []>, transpose_lhs_hint = false} : vector<1000x128xf32>, vector<128x128xf32>, vector<1000x128xf32> -> vector<1000x128xf32>
    %get3A_60 = arith.constant 0 : index
    %get3A_61 = arith.constant 0 : index
    %get3A_62 = vector.load %arg6[%get3A_60, %get3A_61] : memref<1x128xf32, #tpu.memory_space<vmem>>, vector<1x128xf32>
    %add3A_63 = vector.broadcast %get3A_62 : vector<1x128xf32> to vector<1000x128xf32>
    %add3A_64 = arith.addf %dot_general3A_59, %add3A_63 : vector<1000x128xf32>
    %max3A_65 = arith.constant 0.000000e+00 : f32
    %max3A_66 = vector.broadcast %max3A_65 : f32 to vector<1000x128xf32>
    %max3A_67 = arith.maximumf %add3A_64, %max3A_66 : vector<1000x128xf32>
    %get3A_68 = arith.constant 0 : index
    %get3A_69 = arith.constant 0 : index
    %get3A_70 = vector.load %arg7[%get3A_68, %get3A_69] : memref<32x128xf32, #tpu.memory_space<vmem>>, vector<32x128xf32>
    %dot_general3A_71 = arith.constant dense<0.000000e+00> : vector<1000x32xf32>
    %dot_general3A_72 = tpu.matmul %max3A_67, %get3A_70, %dot_general3A_71 {dimension_numbers = #tpu.dot_dimension_numbers<[1], [1], [0], [0], [0, 0, 1, 0], [], []>, transpose_lhs_hint = false} : vector<1000x128xf32>, vector<32x128xf32>, vector<1000x32xf32> -> vector<1000x32xf32>
    %mul3A_73 = arith.constant 0.0883883461 : f32
    %mul3A_74 = vector.broadcast %mul3A_73 : f32 to vector<1000x32xf32>
    %mul3A_75 = arith.mulf %dot_general3A_72, %mul3A_74 : vector<1000x32xf32>
    %get3A_76 = arith.constant 0 : index
    %get3A_77 = arith.constant 0 : index
    %get3A_78 = arith.constant 0 : index
    %get3A_79 = vector.load %arg3[%get3A_76, %get3A_77, %get3A_78] : memref<2x1000x128xf32, #tpu.memory_space<vmem>>, vector<1x1000x128xf32>
    %get3A_80 = vector.shape_cast %get3A_79 : vector<1x1000x128xf32> to vector<1000x128xf32>
    %get3A_81 = arith.constant 1 : index
    %get3A_82 = arith.constant 0 : index
    %get3A_83 = arith.constant 0 : index
    %get3A_84 = vector.load %arg3[%get3A_81, %get3A_82, %get3A_83] : memref<2x1000x128xf32, #tpu.memory_space<vmem>>, vector<1x1000x128xf32>
    %get3A_85 = vector.shape_cast %get3A_84 : vector<1x1000x128xf32> to vector<1000x128xf32>
    %add3A_86 = arith.addf %get3A_80, %get3A_85 : vector<1000x128xf32>
    %div3A_87 = vector.broadcast %max3A_10 : vector<1000x1xf32> to vector<1000x128xf32>
    %div3A_88 = arith.divf %add3A_86, %div3A_87 : vector<1000x128xf32>
    %get3A_89 = arith.constant 0 : index
    %get3A_90 = arith.constant 0 : index
    %get3A_91 = vector.load %arg5[%get3A_89, %get3A_90] : memref<128x128xf32, #tpu.memory_space<vmem>>, vector<128x128xf32>
    %dot_general3A_92 = arith.constant dense<0.000000e+00> : vector<1000x128xf32>
    %dot_general3A_93 = tpu.matmul %div3A_88, %get3A_91, %dot_general3A_92 {dimension_numbers = #tpu.dot_dimension_numbers<[1], [0], [0], [1], [0, 0, 1, 1], [], []>, transpose_lhs_hint = false} : vector<1000x128xf32>, vector<128x128xf32>, vector<1000x128xf32> -> vector<1000x128xf32>
    %get3A_94 = arith.constant 0 : index
    %get3A_95 = arith.constant 0 : index
    %get3A_96 = vector.load %arg6[%get3A_94, %get3A_95] : memref<1x128xf32, #tpu.memory_space<vmem>>, vector<1x128xf32>
    %add3A_97 = vector.broadcast %get3A_96 : vector<1x128xf32> to vector<1000x128xf32>
    %add3A_98 = arith.addf %dot_general3A_93, %add3A_97 : vector<1000x128xf32>
    %max3A_99 = arith.constant 0.000000e+00 : f32
    %max3A_100 = vector.broadcast %max3A_99 : f32 to vector<1000x128xf32>
    %max3A_101 = arith.maximumf %add3A_98, %max3A_100 : vector<1000x128xf32>
    %get3A_102 = arith.constant 0 : index
    %get3A_103 = arith.constant 0 : index
    %get3A_104 = vector.load %arg7[%get3A_102, %get3A_103] : memref<32x128xf32, #tpu.memory_space<vmem>>, vector<32x128xf32>
    %dot_general3A_105 = arith.constant dense<0.000000e+00> : vector<1000x32xf32>
    %dot_general3A_106 = tpu.matmul %max3A_101, %get3A_104, %dot_general3A_105 {dimension_numbers = #tpu.dot_dimension_numbers<[1], [1], [0], [0], [0, 0, 1, 0], [], []>, transpose_lhs_hint = false} : vector<1000x128xf32>, vector<32x128xf32>, vector<1000x32xf32> -> vector<1000x32xf32>
    %mul3A_107 = arith.constant 0.0883883461 : f32
    %mul3A_108 = vector.broadcast %mul3A_107 : f32 to vector<1000x32xf32>
    %mul3A_109 = arith.mulf %dot_general3A_106, %mul3A_108 : vector<1000x32xf32>
    %concatenate3A = tpu.concatenate %max3A_34, %max3A_67, %max3A_101 in 1 : vector<1000x128xf32>, vector<1000x128xf32>, vector<1000x128xf32> -> vector<1000x384xf32>
    %swap3A = arith.constant 0 : index
    %swap3A_110 = arith.constant 0 : index
    %swap3A_111 = vector.load %arg8[%swap3A, %swap3A_110] : memref<1000x384xf32, #tpu.memory_space<vmem>>, vector<1000x384xf32>
    tpu.vector_store %arg8[%swap3A, %swap3A_110], %concatenate3A {strides = array<i32>} : memref<1000x384xf32, #tpu.memory_space<vmem>>, vector<1000x384xf32>,
    %concatenate3A_112 = tpu.concatenate %mul3A_41, %mul3A_75, %mul3A_109 in 1 : vector<1000x32xf32>, vector<1000x32xf32>, vector<1000x32xf32> -> vector<1000x96xf32>
    %swap3A_113 = arith.constant 0 : index
    %swap3A_114 = arith.constant 0 : index
    %swap3A_115 = vector.load %arg9[%swap3A_113, %swap3A_114] : memref<1000x96xf32, #tpu.memory_space<vmem>>, vector<1000x96xf32>
    tpu.vector_store %arg9[%swap3A_113, %swap3A_114], %concatenate3A_112 {strides = array<i32>} : memref<1000x96xf32, #tpu.memory_space<vmem>>, vector<1000x96xf32>,
    return
  }
  func.func @transform_0(%arg0: i32) -> (i32, i32, i32) {
    %c0_i32 = arith.constant 0 : i32
    %c0_i32_0 = arith.constant 0 : i32
    %c0_i32_1 = arith.constant 0 : i32
    return %c0_i32, %arg0, %c0_i32_0 : i32, i32, i32
  }
  func.func @transform_1(%arg0: i32) -> (i32, i32, i32) {
    %c0_i32 = arith.constant 0 : i32
    %c0_i32_0 = arith.constant 0 : i32
    %c0_i32_1 = arith.constant 0 : i32
    return %c0_i32, %arg0, %c0_i32_0 : i32, i32, i32
  }
  func.func @transform_2(%arg0: i32) -> (i32, i32, i32) {
    %c0_i32 = arith.constant 0 : i32
    %c0_i32_0 = arith.constant 0 : i32
    %c0_i32_1 = arith.constant 0 : i32
    return %c0_i32, %arg0, %c0_i32_0 : i32, i32, i32
  }
  func.func @transform_3(%arg0: i32) -> (i32, i32, i32) {
    %c0_i32 = arith.constant 0 : i32
    %c0_i32_0 = arith.constant 0 : i32
    %c0_i32_1 = arith.constant 0 : i32
    return %c0_i32, %arg0, %c0_i32_0 : i32, i32, i32
  }
  func.func @transform_4(%arg0: i32) -> (i32, i32) {
    %c0_i32 = arith.constant 0 : i32
    %c0_i32_0 = arith.constant 0 : i32
    %c0_i32_1 = arith.constant 0 : i32
    return %c0_i32, %c0_i32_0 : i32, i32
  }
  func.func @transform_5(%arg0: i32) -> (i32, i32) {
    %c0_i32 = arith.constant 0 : i32
    %c0_i32_0 = arith.constant 0 : i32
    %c0_i32_1 = arith.constant 0 : i32
    return %c0_i32, %c0_i32_0 : i32, i32
  }
  func.func @transform_6(%arg0: i32) -> (i32, i32) {
    %c0_i32 = arith.constant 0 : i32
    %c0_i32_0 = arith.constant 0 : i32
    %c0_i32_1 = arith.constant 0 : i32
    return %c0_i32, %c0_i32_0 : i32, i32
  }
  func.func @transform_7(%arg0: i32) -> (i32, i32) {
    %c0_i32 = arith.constant 0 : i32
    %c0_i32_0 = arith.constant 0 : i32
    return %arg0, %c0_i32 : i32, i32
  }
  func.func @transform_8(%arg0: i32) -> (i32, i32) {
    %c0_i32 = arith.constant 0 : i32
    %c0_i32_0 = arith.constant 0 : i32
    return %arg0, %c0_i32 : i32, i32
  }
}

module attributes {stable_mosaic.version = 14 : i64} {
  func.func @_smax_body(%arg0: i32, %arg1: memref<1000x96xf32, #tpu.memory_space<vmem>>, %arg2: memref<1000x1xi32, #tpu.memory_space<vmem>>, %arg3: memref<8x96xf32, #tpu.memory_space<vmem>>) attributes {dimension_semantics = [#tpu.dimension_semantics<arbitrary>], iteration_bounds = array<i64: 10>, scalar_prefetch = 0 : i64, scratch_operands = 0 : i64, tpu.core_type = #tpu.core_type<tc>, window_params = [{transform_indices = @transform_0, window_bounds = array<i64: 1000, 96>}, {transform_indices = @transform_1, window_bounds = array<i64: 1000, 1>}, {pipeline_mode = #tpu.pipeline_mode<synchronous>, transform_indices = @transform_2, window_bounds = array<i64: 8, 96>}]} {
    %get3A = arith.constant 0 : index
    %get3A_0 = arith.constant 0 : index
    %get3A_1 = vector.load %arg1[%get3A, %get3A_0] : memref<1000x96xf32, #tpu.memory_space<vmem>>, vector<1000x96xf32>
    %get3A_2 = arith.constant 0 : index
    %get3A_3 = arith.constant 0 : index
    %get3A_4 = vector.load %arg2[%get3A_2, %get3A_3] : memref<1000x1xi32, #tpu.memory_space<vmem>>, vector<1000x1xi32>
    %iota3A = tpu.iota {dimensions = array<i32: 1>} : vector<1000x8xi32>
    %eq3A = vector.broadcast %get3A_4 : vector<1000x1xi32> to vector<1000x8xi32>
    %eq3A_5 = arith.cmpi eq, %eq3A, %iota3A : vector<1000x8xi32>
    %slice3A = vector.extract_strided_slice %eq3A_5 {offsets = [0, 0], sizes = [1000, 1], strides = [1, 1]} : vector<1000x8xi1> to vector<1000x1xi1>
    %jit3A = arith.constant 0xFF800000 : f32
    %broadcast_in_dim3A = vector.shape_cast %slice3A : vector<1000x1xi1> to vector<1000x1xi1>
    %broadcast_in_dim3A_6 = vector.broadcast %broadcast_in_dim3A : vector<1000x1xi1> to vector<1000x96xi1>
    %broadcast_in_dim3A_7 = vector.broadcast %jit3A : f32 to vector<1000x96xf32>
    %select_n3A = arith.select %broadcast_in_dim3A_6, %get3A_1, %broadcast_in_dim3A_7 : vector<1000x96xi1>, vector<1000x96xf32>
    %reduce_max3A = arith.constant dense<0xFF800000> : vector<96xf32>
    %reduce_max3A_8 = vector.multi_reduction <maximumf>, %select_n3A, %reduce_max3A [0] : vector<1000x96xf32> to vector<96xf32>
    %broadcast_in_dim3A_9 = vector.shape_cast %reduce_max3A_8 : vector<96xf32> to vector<1x96xf32>
    %slice3A_10 = vector.extract_strided_slice %eq3A_5 {offsets = [0, 1], sizes = [1000, 1], strides = [1, 1]} : vector<1000x8xi1> to vector<1000x1xi1>
    %jit3A_11 = arith.constant 0xFF800000 : f32
    %broadcast_in_dim3A_12 = vector.shape_cast %slice3A_10 : vector<1000x1xi1> to vector<1000x1xi1>
    %broadcast_in_dim3A_13 = vector.broadcast %broadcast_in_dim3A_12 : vector<1000x1xi1> to vector<1000x96xi1>
    %broadcast_in_dim3A_14 = vector.broadcast %jit3A_11 : f32 to vector<1000x96xf32>
    %select_n3A_15 = arith.select %broadcast_in_dim3A_13, %get3A_1, %broadcast_in_dim3A_14 : vector<1000x96xi1>, vector<1000x96xf32>
    %reduce_max3A_16 = arith.constant dense<0xFF800000> : vector<96xf32>
    %reduce_max3A_17 = vector.multi_reduction <maximumf>, %select_n3A_15, %reduce_max3A_16 [0] : vector<1000x96xf32> to vector<96xf32>
    %broadcast_in_dim3A_18 = vector.shape_cast %reduce_max3A_17 : vector<96xf32> to vector<1x96xf32>
    %slice3A_19 = vector.extract_strided_slice %eq3A_5 {offsets = [0, 2], sizes = [1000, 1], strides = [1, 1]} : vector<1000x8xi1> to vector<1000x1xi1>
    %jit3A_20 = arith.constant 0xFF800000 : f32
    %broadcast_in_dim3A_21 = vector.shape_cast %slice3A_19 : vector<1000x1xi1> to vector<1000x1xi1>
    %broadcast_in_dim3A_22 = vector.broadcast %broadcast_in_dim3A_21 : vector<1000x1xi1> to vector<1000x96xi1>
    %broadcast_in_dim3A_23 = vector.broadcast %jit3A_20 : f32 to vector<1000x96xf32>
    %select_n3A_24 = arith.select %broadcast_in_dim3A_22, %get3A_1, %broadcast_in_dim3A_23 : vector<1000x96xi1>, vector<1000x96xf32>
    %reduce_max3A_25 = arith.constant dense<0xFF800000> : vector<96xf32>
    %reduce_max3A_26 = vector.multi_reduction <maximumf>, %select_n3A_24, %reduce_max3A_25 [0] : vector<1000x96xf32> to vector<96xf32>
    %broadcast_in_dim3A_27 = vector.shape_cast %reduce_max3A_26 : vector<96xf32> to vector<1x96xf32>
    %slice3A_28 = vector.extract_strided_slice %eq3A_5 {offsets = [0, 3], sizes = [1000, 1], strides = [1, 1]} : vector<1000x8xi1> to vector<1000x1xi1>
    %jit3A_29 = arith.constant 0xFF800000 : f32
    %broadcast_in_dim3A_30 = vector.shape_cast %slice3A_28 : vector<1000x1xi1> to vector<1000x1xi1>
    %broadcast_in_dim3A_31 = vector.broadcast %broadcast_in_dim3A_30 : vector<1000x1xi1> to vector<1000x96xi1>
    %broadcast_in_dim3A_32 = vector.broadcast %jit3A_29 : f32 to vector<1000x96xf32>
    %select_n3A_33 = arith.select %broadcast_in_dim3A_31, %get3A_1, %broadcast_in_dim3A_32 : vector<1000x96xi1>, vector<1000x96xf32>
    %reduce_max3A_34 = arith.constant dense<0xFF800000> : vector<96xf32>
    %reduce_max3A_35 = vector.multi_reduction <maximumf>, %select_n3A_33, %reduce_max3A_34 [0] : vector<1000x96xf32> to vector<96xf32>
    %broadcast_in_dim3A_36 = vector.shape_cast %reduce_max3A_35 : vector<96xf32> to vector<1x96xf32>
    %slice3A_37 = vector.extract_strided_slice %eq3A_5 {offsets = [0, 4], sizes = [1000, 1], strides = [1, 1]} : vector<1000x8xi1> to vector<1000x1xi1>
    %jit3A_38 = arith.constant 0xFF800000 : f32
    %broadcast_in_dim3A_39 = vector.shape_cast %slice3A_37 : vector<1000x1xi1> to vector<1000x1xi1>
    %broadcast_in_dim3A_40 = vector.broadcast %broadcast_in_dim3A_39 : vector<1000x1xi1> to vector<1000x96xi1>
    %broadcast_in_dim3A_41 = vector.broadcast %jit3A_38 : f32 to vector<1000x96xf32>
    %select_n3A_42 = arith.select %broadcast_in_dim3A_40, %get3A_1, %broadcast_in_dim3A_41 : vector<1000x96xi1>, vector<1000x96xf32>
    %reduce_max3A_43 = arith.constant dense<0xFF800000> : vector<96xf32>
    %reduce_max3A_44 = vector.multi_reduction <maximumf>, %select_n3A_42, %reduce_max3A_43 [0] : vector<1000x96xf32> to vector<96xf32>
    %broadcast_in_dim3A_45 = vector.shape_cast %reduce_max3A_44 : vector<96xf32> to vector<1x96xf32>
    %slice3A_46 = vector.extract_strided_slice %eq3A_5 {offsets = [0, 5], sizes = [1000, 1], strides = [1, 1]} : vector<1000x8xi1> to vector<1000x1xi1>
    %jit3A_47 = arith.constant 0xFF800000 : f32
    %broadcast_in_dim3A_48 = vector.shape_cast %slice3A_46 : vector<1000x1xi1> to vector<1000x1xi1>
    %broadcast_in_dim3A_49 = vector.broadcast %broadcast_in_dim3A_48 : vector<1000x1xi1> to vector<1000x96xi1>
    %broadcast_in_dim3A_50 = vector.broadcast %jit3A_47 : f32 to vector<1000x96xf32>
    %select_n3A_51 = arith.select %broadcast_in_dim3A_49, %get3A_1, %broadcast_in_dim3A_50 : vector<1000x96xi1>, vector<1000x96xf32>
    %reduce_max3A_52 = arith.constant dense<0xFF800000> : vector<96xf32>
    %reduce_max3A_53 = vector.multi_reduction <maximumf>, %select_n3A_51, %reduce_max3A_52 [0] : vector<1000x96xf32> to vector<96xf32>
    %broadcast_in_dim3A_54 = vector.shape_cast %reduce_max3A_53 : vector<96xf32> to vector<1x96xf32>
    %slice3A_55 = vector.extract_strided_slice %eq3A_5 {offsets = [0, 6], sizes = [1000, 1], strides = [1, 1]} : vector<1000x8xi1> to vector<1000x1xi1>
    %jit3A_56 = arith.constant 0xFF800000 : f32
    %broadcast_in_dim3A_57 = vector.shape_cast %slice3A_55 : vector<1000x1xi1> to vector<1000x1xi1>
    %broadcast_in_dim3A_58 = vector.broadcast %broadcast_in_dim3A_57 : vector<1000x1xi1> to vector<1000x96xi1>
    %broadcast_in_dim3A_59 = vector.broadcast %jit3A_56 : f32 to vector<1000x96xf32>
    %select_n3A_60 = arith.select %broadcast_in_dim3A_58, %get3A_1, %broadcast_in_dim3A_59 : vector<1000x96xi1>, vector<1000x96xf32>
    %reduce_max3A_61 = arith.constant dense<0xFF800000> : vector<96xf32>
    %reduce_max3A_62 = vector.multi_reduction <maximumf>, %select_n3A_60, %reduce_max3A_61 [0] : vector<1000x96xf32> to vector<96xf32>
    %broadcast_in_dim3A_63 = vector.shape_cast %reduce_max3A_62 : vector<96xf32> to vector<1x96xf32>
    %slice3A_64 = vector.extract_strided_slice %eq3A_5 {offsets = [0, 7], sizes = [1000, 1], strides = [1, 1]} : vector<1000x8xi1> to vector<1000x1xi1>
    %jit3A_65 = arith.constant 0xFF800000 : f32
    %broadcast_in_dim3A_66 = vector.shape_cast %slice3A_64 : vector<1000x1xi1> to vector<1000x1xi1>
    %broadcast_in_dim3A_67 = vector.broadcast %broadcast_in_dim3A_66 : vector<1000x1xi1> to vector<1000x96xi1>
    %broadcast_in_dim3A_68 = vector.broadcast %jit3A_65 : f32 to vector<1000x96xf32>
    %select_n3A_69 = arith.select %broadcast_in_dim3A_67, %get3A_1, %broadcast_in_dim3A_68 : vector<1000x96xi1>, vector<1000x96xf32>
    %reduce_max3A_70 = arith.constant dense<0xFF800000> : vector<96xf32>
    %reduce_max3A_71 = vector.multi_reduction <maximumf>, %select_n3A_69, %reduce_max3A_70 [0] : vector<1000x96xf32> to vector<96xf32>
    %broadcast_in_dim3A_72 = vector.shape_cast %reduce_max3A_71 : vector<96xf32> to vector<1x96xf32>
    %concatenate3A = tpu.concatenate %broadcast_in_dim3A_9, %broadcast_in_dim3A_18, %broadcast_in_dim3A_27, %broadcast_in_dim3A_36, %broadcast_in_dim3A_45, %broadcast_in_dim3A_54, %broadcast_in_dim3A_63, %broadcast_in_dim3A_72 in 0 : vector<1x96xf32>, vector<1x96xf32>, vector<1x96xf32>, vector<1x96xf32>, vector<1x96xf32>, vector<1x96xf32>, vector<1x96xf32>, vector<1x96xf32> -> vector<8x96xf32>
    %eq3A_73 = arith.constant 0 : i32
    %eq3A_74 = arith.cmpi eq, %arg0, %eq3A_73 : i32
    %get3A_75 = arith.constant 0 : index
    %get3A_76 = arith.constant 0 : index
    %get3A_77 = vector.load %arg3[%get3A_75, %get3A_76] : memref<8x96xf32, #tpu.memory_space<vmem>>, vector<8x96xf32>
    %jit3A_78 = arith.constant 0xFF800000 : f32
    %broadcast_in_dim3A_79 = vector.broadcast %jit3A_78 : f32 to vector<8x96xf32>
    %select_n3A_80 = arith.select %eq3A_74, %broadcast_in_dim3A_79, %get3A_77 : vector<8x96xf32>
    %max3A = arith.maximumf %select_n3A_80, %concatenate3A : vector<8x96xf32>
    %swap3A = arith.constant 0 : index
    %swap3A_81 = arith.constant 0 : index
    %swap3A_82 = vector.load %arg3[%swap3A, %swap3A_81] : memref<8x96xf32, #tpu.memory_space<vmem>>, vector<8x96xf32>
    tpu.vector_store %arg3[%swap3A, %swap3A_81], %max3A {strides = array<i32>} : memref<8x96xf32, #tpu.memory_space<vmem>>, vector<8x96xf32>,
    return
  }
  func.func @transform_0(%arg0: i32) -> (i32, i32) {
    %c0_i32 = arith.constant 0 : i32
    %c0_i32_0 = arith.constant 0 : i32
    return %arg0, %c0_i32 : i32, i32
  }
  func.func @transform_1(%arg0: i32) -> (i32, i32) {
    %c0_i32 = arith.constant 0 : i32
    %c0_i32_0 = arith.constant 0 : i32
    return %arg0, %c0_i32 : i32, i32
  }
  func.func @transform_2(%arg0: i32) -> (i32, i32) {
    %c0_i32 = arith.constant 0 : i32
    %c0_i32_0 = arith.constant 0 : i32
    %c0_i32_1 = arith.constant 0 : i32
    return %c0_i32, %c0_i32_0 : i32, i32
  }
}

module attributes {stable_mosaic.version = 14 : i64} {
  func.func @_pool_body(%arg0: i32, %arg1: memref<1000x384xf32, #tpu.memory_space<vmem>>, %arg2: memref<1000x96xf32, #tpu.memory_space<vmem>>, %arg3: memref<1000x1xi32, #tpu.memory_space<vmem>>, %arg4: memref<8x96xf32, #tpu.memory_space<vmem>>, %arg5: memref<8x32x128xf32, #tpu.memory_space<vmem>>, %arg6: memref<8x96xf32, #tpu.memory_space<vmem>>, %arg7: memref<8x96x384xf32, #tpu.memory_space<vmem>>) attributes {dimension_semantics = [#tpu.dimension_semantics<arbitrary>], iteration_bounds = array<i64: 10>, scalar_prefetch = 0 : i64, scratch_operands = 2 : i64, tpu.core_type = #tpu.core_type<tc>, window_params = [{transform_indices = @transform_0, window_bounds = array<i64: 1000, 384>}, {transform_indices = @transform_1, window_bounds = array<i64: 1000, 96>}, {transform_indices = @transform_2, window_bounds = array<i64: 1000, 1>}, {pipeline_mode = #tpu.pipeline_mode<synchronous>, transform_indices = @transform_3, window_bounds = array<i64: 8, 96>}, {pipeline_mode = #tpu.pipeline_mode<synchronous>, transform_indices = @transform_4, window_bounds = array<i64: 8, 32, 128>}]} {
    %get3A = arith.constant 0 : index
    %get3A_0 = arith.constant 0 : index
    %get3A_1 = vector.load %arg4[%get3A, %get3A_0] : memref<8x96xf32, #tpu.memory_space<vmem>>, vector<8x96xf32>
    %is_finite3A = tpu.weird %get3A_1 : vector<8x96xf32> -> vector<8x96xi1>
    %is_finite3A_2 = arith.constant dense<true> : vector<8x96xi1>
    %is_finite3A_3 = arith.xori %is_finite3A, %is_finite3A_2 : vector<8x96xi1>
    %jit3A = arith.constant 0.000000e+00 : f32
    %broadcast_in_dim3A = vector.broadcast %jit3A : f32 to vector<8x96xf32>
    %select_n3A = arith.select %is_finite3A_3, %get3A_1, %broadcast_in_dim3A : vector<8x96xi1>, vector<8x96xf32>
    %get3A_4 = arith.constant 0 : index
    %get3A_5 = arith.constant 0 : index
    %get3A_6 = vector.load %arg1[%get3A_4, %get3A_5] : memref<1000x384xf32, #tpu.memory_space<vmem>>, vector<1000x384xf32>
    %get3A_7 = arith.constant 0 : index
    %get3A_8 = arith.constant 0 : index
    %get3A_9 = vector.load %arg2[%get3A_7, %get3A_8] : memref<1000x96xf32, #tpu.memory_space<vmem>>, vector<1000x96xf32>
    %get3A_10 = arith.constant 0 : index
    %get3A_11 = arith.constant 0 : index
    %get3A_12 = vector.load %arg3[%get3A_10, %get3A_11] : memref<1000x1xi32, #tpu.memory_space<vmem>>, vector<1000x1xi32>
    %iota3A = tpu.iota {dimensions = array<i32: 1>} : vector<1000x8xi32>
    %eq3A = vector.broadcast %get3A_12 : vector<1000x1xi32> to vector<1000x8xi32>
    %eq3A_13 = arith.cmpi eq, %eq3A, %iota3A : vector<1000x8xi32>
    %convert_element_type3A = arith.extui %eq3A_13 : vector<1000x8xi1> to vector<1000x8xi32>
    %convert_element_type3A_14 = arith.sitofp %convert_element_type3A : vector<1000x8xi32> to vector<1000x8xf32>
    %dot_general3A = arith.constant dense<0.000000e+00> : vector<1000x96xf32>
    %dot_general3A_15 = tpu.matmul %convert_element_type3A_14, %select_n3A, %dot_general3A {dimension_numbers = #tpu.dot_dimension_numbers<[1], [0], [0], [1], [0, 0, 1, 1], [], []>, transpose_lhs_hint = false} : vector<1000x8xf32>, vector<8x96xf32>, vector<1000x96xf32> -> vector<1000x96xf32>
    %sub3A = arith.subf %get3A_9, %dot_general3A_15 : vector<1000x96xf32>
    %exp3A = math.exp %sub3A : vector<1000x96xf32>
    %eq3A_16 = arith.constant 0 : i32
    %eq3A_17 = arith.cmpi eq, %arg0, %eq3A_16 : i32
    %get3A_18 = arith.constant 0 : index
    %get3A_19 = arith.constant 0 : index
    %get3A_20 = vector.load %arg6[%get3A_18, %get3A_19] : memref<8x96xf32, #tpu.memory_space<vmem>>, vector<8x96xf32>
    %jit3A_21 = arith.constant 0.000000e+00 : f32
    %broadcast_in_dim3A_22 = vector.broadcast %jit3A_21 : f32 to vector<8x96xf32>
    %select_n3A_23 = arith.select %eq3A_17, %broadcast_in_dim3A_22, %get3A_20 : vector<8x96xf32>
    %dot_general3A_24 = arith.constant dense<0.000000e+00> : vector<8x96xf32>
    %dot_general3A_25 = tpu.matmul %convert_element_type3A_14, %exp3A, %dot_general3A_24 {dimension_numbers = #tpu.dot_dimension_numbers<[0], [0], [1], [1], [0, 1, 1, 1], [], []>, transpose_lhs_hint = false} : vector<1000x8xf32>, vector<1000x96xf32>, vector<8x96xf32> -> vector<8x96xf32>
    %add3A = arith.addf %select_n3A_23, %dot_general3A_25 : vector<8x96xf32>
    %swap3A = arith.constant 0 : index
    %swap3A_26 = arith.constant 0 : index
    %swap3A_27 = vector.load %arg6[%swap3A, %swap3A_26] : memref<8x96xf32, #tpu.memory_space<vmem>>, vector<8x96xf32>
    tpu.vector_store %arg6[%swap3A, %swap3A_26], %add3A {strides = array<i32>} : memref<8x96xf32, #tpu.memory_space<vmem>>, vector<8x96xf32>,
    %slice3A = vector.extract_strided_slice %convert_element_type3A_14 {offsets = [0, 0], sizes = [1000, 1], strides = [1, 1]} : vector<1000x8xf32> to vector<1000x1xf32>
    %mul3A = vector.broadcast %slice3A : vector<1000x1xf32> to vector<1000x96xf32>
    %mul3A_28 = arith.mulf %exp3A, %mul3A : vector<1000x96xf32>
    %dot_general3A_29 = arith.constant dense<0.000000e+00> : vector<96x384xf32>
    %dot_general3A_30 = tpu.matmul %mul3A_28, %get3A_6, %dot_general3A_29 {dimension_numbers = #tpu.dot_dimension_numbers<[0], [0], [1], [1], [0, 1, 1, 1], [], []>, transpose_lhs_hint = false} : vector<1000x96xf32>, vector<1000x384xf32>, vector<96x384xf32> -> vector<96x384xf32>
    %eq3A_31 = arith.constant 0 : i32
    %eq3A_32 = arith.cmpi eq, %arg0, %eq3A_31 : i32
    %get3A_33 = arith.constant 0 : index
    %get3A_34 = arith.constant 0 : index
    %get3A_35 = arith.constant 0 : index
    %get3A_36 = vector.load %arg7[%get3A_33, %get3A_34, %get3A_35] : memref<8x96x384xf32, #tpu.memory_space<vmem>>, vector<1x96x384xf32>
    %get3A_37 = vector.shape_cast %get3A_36 : vector<1x96x384xf32> to vector<96x384xf32>
    %jit3A_38 = arith.constant 0.000000e+00 : f32
    %broadcast_in_dim3A_39 = vector.broadcast %jit3A_38 : f32 to vector<96x384xf32>
    %select_n3A_40 = arith.select %eq3A_32, %broadcast_in_dim3A_39, %get3A_37 : vector<96x384xf32>
    %add3A_41 = arith.addf %select_n3A_40, %dot_general3A_30 : vector<96x384xf32>
    %swap3A_42 = arith.constant 0 : index
    %swap3A_43 = arith.constant 0 : index
    %swap3A_44 = arith.constant 0 : index
    %swap3A_45 = vector.load %arg7[%swap3A_42, %swap3A_43, %swap3A_44] : memref<8x96x384xf32, #tpu.memory_space<vmem>>, vector<1x96x384xf32>
    %swap3A_46 = vector.shape_cast %swap3A_45 : vector<1x96x384xf32> to vector<96x384xf32>
    %swap3A_47 = vector.shape_cast %add3A_41 : vector<96x384xf32> to vector<1x96x384xf32>
    tpu.vector_store %arg7[%swap3A_42, %swap3A_43, %swap3A_44], %swap3A_47 {strides = array<i32>} : memref<8x96x384xf32, #tpu.memory_space<vmem>>, vector<1x96x384xf32>,
    %slice3A_48 = vector.extract_strided_slice %convert_element_type3A_14 {offsets = [0, 1], sizes = [1000, 1], strides = [1, 1]} : vector<1000x8xf32> to vector<1000x1xf32>
    %mul3A_49 = vector.broadcast %slice3A_48 : vector<1000x1xf32> to vector<1000x96xf32>
    %mul3A_50 = arith.mulf %exp3A, %mul3A_49 : vector<1000x96xf32>
    %dot_general3A_51 = arith.constant dense<0.000000e+00> : vector<96x384xf32>
    %dot_general3A_52 = tpu.matmul %mul3A_50, %get3A_6, %dot_general3A_51 {dimension_numbers = #tpu.dot_dimension_numbers<[0], [0], [1], [1], [0, 1, 1, 1], [], []>, transpose_lhs_hint = false} : vector<1000x96xf32>, vector<1000x384xf32>, vector<96x384xf32> -> vector<96x384xf32>
    %eq3A_53 = arith.constant 0 : i32
    %eq3A_54 = arith.cmpi eq, %arg0, %eq3A_53 : i32
    %get3A_55 = arith.constant 1 : index
    %get3A_56 = arith.constant 0 : index
    %get3A_57 = arith.constant 0 : index
    %get3A_58 = vector.load %arg7[%get3A_55, %get3A_56, %get3A_57] : memref<8x96x384xf32, #tpu.memory_space<vmem>>, vector<1x96x384xf32>
    %get3A_59 = vector.shape_cast %get3A_58 : vector<1x96x384xf32> to vector<96x384xf32>
    %jit3A_60 = arith.constant 0.000000e+00 : f32
    %broadcast_in_dim3A_61 = vector.broadcast %jit3A_60 : f32 to vector<96x384xf32>
    %select_n3A_62 = arith.select %eq3A_54, %broadcast_in_dim3A_61, %get3A_59 : vector<96x384xf32>
    %add3A_63 = arith.addf %select_n3A_62, %dot_general3A_52 : vector<96x384xf32>
    %swap3A_64 = arith.constant 1 : index
    %swap3A_65 = arith.constant 0 : index
    %swap3A_66 = arith.constant 0 : index
    %swap3A_67 = vector.load %arg7[%swap3A_64, %swap3A_65, %swap3A_66] : memref<8x96x384xf32, #tpu.memory_space<vmem>>, vector<1x96x384xf32>
    %swap3A_68 = vector.shape_cast %swap3A_67 : vector<1x96x384xf32> to vector<96x384xf32>
    %swap3A_69 = vector.shape_cast %add3A_63 : vector<96x384xf32> to vector<1x96x384xf32>
    tpu.vector_store %arg7[%swap3A_64, %swap3A_65, %swap3A_66], %swap3A_69 {strides = array<i32>} : memref<8x96x384xf32, #tpu.memory_space<vmem>>, vector<1x96x384xf32>,
    %slice3A_70 = vector.extract_strided_slice %convert_element_type3A_14 {offsets = [0, 2], sizes = [1000, 1], strides = [1, 1]} : vector<1000x8xf32> to vector<1000x1xf32>
    %mul3A_71 = vector.broadcast %slice3A_70 : vector<1000x1xf32> to vector<1000x96xf32>
    %mul3A_72 = arith.mulf %exp3A, %mul3A_71 : vector<1000x96xf32>
    %dot_general3A_73 = arith.constant dense<0.000000e+00> : vector<96x384xf32>
    %dot_general3A_74 = tpu.matmul %mul3A_72, %get3A_6, %dot_general3A_73 {dimension_numbers = #tpu.dot_dimension_numbers<[0], [0], [1], [1], [0, 1, 1, 1], [], []>, transpose_lhs_hint = false} : vector<1000x96xf32>, vector<1000x384xf32>, vector<96x384xf32> -> vector<96x384xf32>
    %eq3A_75 = arith.constant 0 : i32
    %eq3A_76 = arith.cmpi eq, %arg0, %eq3A_75 : i32
    %get3A_77 = arith.constant 2 : index
    %get3A_78 = arith.constant 0 : index
    %get3A_79 = arith.constant 0 : index
    %get3A_80 = vector.load %arg7[%get3A_77, %get3A_78, %get3A_79] : memref<8x96x384xf32, #tpu.memory_space<vmem>>, vector<1x96x384xf32>
    %get3A_81 = vector.shape_cast %get3A_80 : vector<1x96x384xf32> to vector<96x384xf32>
    %jit3A_82 = arith.constant 0.000000e+00 : f32
    %broadcast_in_dim3A_83 = vector.broadcast %jit3A_82 : f32 to vector<96x384xf32>
    %select_n3A_84 = arith.select %eq3A_76, %broadcast_in_dim3A_83, %get3A_81 : vector<96x384xf32>
    %add3A_85 = arith.addf %select_n3A_84, %dot_general3A_74 : vector<96x384xf32>
    %swap3A_86 = arith.constant 2 : index
    %swap3A_87 = arith.constant 0 : index
    %swap3A_88 = arith.constant 0 : index
    %swap3A_89 = vector.load %arg7[%swap3A_86, %swap3A_87, %swap3A_88] : memref<8x96x384xf32, #tpu.memory_space<vmem>>, vector<1x96x384xf32>
    %swap3A_90 = vector.shape_cast %swap3A_89 : vector<1x96x384xf32> to vector<96x384xf32>
    %swap3A_91 = vector.shape_cast %add3A_85 : vector<96x384xf32> to vector<1x96x384xf32>
    tpu.vector_store %arg7[%swap3A_86, %swap3A_87, %swap3A_88], %swap3A_91 {strides = array<i32>} : memref<8x96x384xf32, #tpu.memory_space<vmem>>, vector<1x96x384xf32>,
    %slice3A_92 = vector.extract_strided_slice %convert_element_type3A_14 {offsets = [0, 3], sizes = [1000, 1], strides = [1, 1]} : vector<1000x8xf32> to vector<1000x1xf32>
    %mul3A_93 = vector.broadcast %slice3A_92 : vector<1000x1xf32> to vector<1000x96xf32>
    %mul3A_94 = arith.mulf %exp3A, %mul3A_93 : vector<1000x96xf32>
    %dot_general3A_95 = arith.constant dense<0.000000e+00> : vector<96x384xf32>
    %dot_general3A_96 = tpu.matmul %mul3A_94, %get3A_6, %dot_general3A_95 {dimension_numbers = #tpu.dot_dimension_numbers<[0], [0], [1], [1], [0, 1, 1, 1], [], []>, transpose_lhs_hint = false} : vector<1000x96xf32>, vector<1000x384xf32>, vector<96x384xf32> -> vector<96x384xf32>
    %eq3A_97 = arith.constant 0 : i32
    %eq3A_98 = arith.cmpi eq, %arg0, %eq3A_97 : i32
    %get3A_99 = arith.constant 3 : index
    %get3A_100 = arith.constant 0 : index
    %get3A_101 = arith.constant 0 : index
    %get3A_102 = vector.load %arg7[%get3A_99, %get3A_100, %get3A_101] : memref<8x96x384xf32, #tpu.memory_space<vmem>>, vector<1x96x384xf32>
    %get3A_103 = vector.shape_cast %get3A_102 : vector<1x96x384xf32> to vector<96x384xf32>
    %jit3A_104 = arith.constant 0.000000e+00 : f32
    %broadcast_in_dim3A_105 = vector.broadcast %jit3A_104 : f32 to vector<96x384xf32>
    %select_n3A_106 = arith.select %eq3A_98, %broadcast_in_dim3A_105, %get3A_103 : vector<96x384xf32>
    %add3A_107 = arith.addf %select_n3A_106, %dot_general3A_96 : vector<96x384xf32>
    %swap3A_108 = arith.constant 3 : index
    %swap3A_109 = arith.constant 0 : index
    %swap3A_110 = arith.constant 0 : index
    %swap3A_111 = vector.load %arg7[%swap3A_108, %swap3A_109, %swap3A_110] : memref<8x96x384xf32, #tpu.memory_space<vmem>>, vector<1x96x384xf32>
    %swap3A_112 = vector.shape_cast %swap3A_111 : vector<1x96x384xf32> to vector<96x384xf32>
    %swap3A_113 = vector.shape_cast %add3A_107 : vector<96x384xf32> to vector<1x96x384xf32>
    tpu.vector_store %arg7[%swap3A_108, %swap3A_109, %swap3A_110], %swap3A_113 {strides = array<i32>} : memref<8x96x384xf32, #tpu.memory_space<vmem>>, vector<1x96x384xf32>,
    %slice3A_114 = vector.extract_strided_slice %convert_element_type3A_14 {offsets = [0, 4], sizes = [1000, 1], strides = [1, 1]} : vector<1000x8xf32> to vector<1000x1xf32>
    %mul3A_115 = vector.broadcast %slice3A_114 : vector<1000x1xf32> to vector<1000x96xf32>
    %mul3A_116 = arith.mulf %exp3A, %mul3A_115 : vector<1000x96xf32>
    %dot_general3A_117 = arith.constant dense<0.000000e+00> : vector<96x384xf32>
    %dot_general3A_118 = tpu.matmul %mul3A_116, %get3A_6, %dot_general3A_117 {dimension_numbers = #tpu.dot_dimension_numbers<[0], [0], [1], [1], [0, 1, 1, 1], [], []>, transpose_lhs_hint = false} : vector<1000x96xf32>, vector<1000x384xf32>, vector<96x384xf32> -> vector<96x384xf32>
    %eq3A_119 = arith.constant 0 : i32
    %eq3A_120 = arith.cmpi eq, %arg0, %eq3A_119 : i32
    %get3A_121 = arith.constant 4 : index
    %get3A_122 = arith.constant 0 : index
    %get3A_123 = arith.constant 0 : index
    %get3A_124 = vector.load %arg7[%get3A_121, %get3A_122, %get3A_123] : memref<8x96x384xf32, #tpu.memory_space<vmem>>, vector<1x96x384xf32>
    %get3A_125 = vector.shape_cast %get3A_124 : vector<1x96x384xf32> to vector<96x384xf32>
    %jit3A_126 = arith.constant 0.000000e+00 : f32
    %broadcast_in_dim3A_127 = vector.broadcast %jit3A_126 : f32 to vector<96x384xf32>
    %select_n3A_128 = arith.select %eq3A_120, %broadcast_in_dim3A_127, %get3A_125 : vector<96x384xf32>
    %add3A_129 = arith.addf %select_n3A_128, %dot_general3A_118 : vector<96x384xf32>
    %swap3A_130 = arith.constant 4 : index
    %swap3A_131 = arith.constant 0 : index
    %swap3A_132 = arith.constant 0 : index
    %swap3A_133 = vector.load %arg7[%swap3A_130, %swap3A_131, %swap3A_132] : memref<8x96x384xf32, #tpu.memory_space<vmem>>, vector<1x96x384xf32>
    %swap3A_134 = vector.shape_cast %swap3A_133 : vector<1x96x384xf32> to vector<96x384xf32>
    %swap3A_135 = vector.shape_cast %add3A_129 : vector<96x384xf32> to vector<1x96x384xf32>
    tpu.vector_store %arg7[%swap3A_130, %swap3A_131, %swap3A_132], %swap3A_135 {strides = array<i32>} : memref<8x96x384xf32, #tpu.memory_space<vmem>>, vector<1x96x384xf32>,
    %slice3A_136 = vector.extract_strided_slice %convert_element_type3A_14 {offsets = [0, 5], sizes = [1000, 1], strides = [1, 1]} : vector<1000x8xf32> to vector<1000x1xf32>
    %mul3A_137 = vector.broadcast %slice3A_136 : vector<1000x1xf32> to vector<1000x96xf32>
    %mul3A_138 = arith.mulf %exp3A, %mul3A_137 : vector<1000x96xf32>
    %dot_general3A_139 = arith.constant dense<0.000000e+00> : vector<96x384xf32>
    %dot_general3A_140 = tpu.matmul %mul3A_138, %get3A_6, %dot_general3A_139 {dimension_numbers = #tpu.dot_dimension_numbers<[0], [0], [1], [1], [0, 1, 1, 1], [], []>, transpose_lhs_hint = false} : vector<1000x96xf32>, vector<1000x384xf32>, vector<96x384xf32> -> vector<96x384xf32>
    %eq3A_141 = arith.constant 0 : i32
    %eq3A_142 = arith.cmpi eq, %arg0, %eq3A_141 : i32
    %get3A_143 = arith.constant 5 : index
    %get3A_144 = arith.constant 0 : index
    %get3A_145 = arith.constant 0 : index
    %get3A_146 = vector.load %arg7[%get3A_143, %get3A_144, %get3A_145] : memref<8x96x384xf32, #tpu.memory_space<vmem>>, vector<1x96x384xf32>
    %get3A_147 = vector.shape_cast %get3A_146 : vector<1x96x384xf32> to vector<96x384xf32>
    %jit3A_148 = arith.constant 0.000000e+00 : f32
    %broadcast_in_dim3A_149 = vector.broadcast %jit3A_148 : f32 to vector<96x384xf32>
    %select_n3A_150 = arith.select %eq3A_142, %broadcast_in_dim3A_149, %get3A_147 : vector<96x384xf32>
    %add3A_151 = arith.addf %select_n3A_150, %dot_general3A_140 : vector<96x384xf32>
    %swap3A_152 = arith.constant 5 : index
    %swap3A_153 = arith.constant 0 : index
    %swap3A_154 = arith.constant 0 : index
    %swap3A_155 = vector.load %arg7[%swap3A_152, %swap3A_153, %swap3A_154] : memref<8x96x384xf32, #tpu.memory_space<vmem>>, vector<1x96x384xf32>
    %swap3A_156 = vector.shape_cast %swap3A_155 : vector<1x96x384xf32> to vector<96x384xf32>
    %swap3A_157 = vector.shape_cast %add3A_151 : vector<96x384xf32> to vector<1x96x384xf32>
    tpu.vector_store %arg7[%swap3A_152, %swap3A_153, %swap3A_154], %swap3A_157 {strides = array<i32>} : memref<8x96x384xf32, #tpu.memory_space<vmem>>, vector<1x96x384xf32>,
    %slice3A_158 = vector.extract_strided_slice %convert_element_type3A_14 {offsets = [0, 6], sizes = [1000, 1], strides = [1, 1]} : vector<1000x8xf32> to vector<1000x1xf32>
    %mul3A_159 = vector.broadcast %slice3A_158 : vector<1000x1xf32> to vector<1000x96xf32>
    %mul3A_160 = arith.mulf %exp3A, %mul3A_159 : vector<1000x96xf32>
    %dot_general3A_161 = arith.constant dense<0.000000e+00> : vector<96x384xf32>
    %dot_general3A_162 = tpu.matmul %mul3A_160, %get3A_6, %dot_general3A_161 {dimension_numbers = #tpu.dot_dimension_numbers<[0], [0], [1], [1], [0, 1, 1, 1], [], []>, transpose_lhs_hint = false} : vector<1000x96xf32>, vector<1000x384xf32>, vector<96x384xf32> -> vector<96x384xf32>
    %eq3A_163 = arith.constant 0 : i32
    %eq3A_164 = arith.cmpi eq, %arg0, %eq3A_163 : i32
    %get3A_165 = arith.constant 6 : index
    %get3A_166 = arith.constant 0 : index
    %get3A_167 = arith.constant 0 : index
    %get3A_168 = vector.load %arg7[%get3A_165, %get3A_166, %get3A_167] : memref<8x96x384xf32, #tpu.memory_space<vmem>>, vector<1x96x384xf32>
    %get3A_169 = vector.shape_cast %get3A_168 : vector<1x96x384xf32> to vector<96x384xf32>
    %jit3A_170 = arith.constant 0.000000e+00 : f32
    %broadcast_in_dim3A_171 = vector.broadcast %jit3A_170 : f32 to vector<96x384xf32>
    %select_n3A_172 = arith.select %eq3A_164, %broadcast_in_dim3A_171, %get3A_169 : vector<96x384xf32>
    %add3A_173 = arith.addf %select_n3A_172, %dot_general3A_162 : vector<96x384xf32>
    %swap3A_174 = arith.constant 6 : index
    %swap3A_175 = arith.constant 0 : index
    %swap3A_176 = arith.constant 0 : index
    %swap3A_177 = vector.load %arg7[%swap3A_174, %swap3A_175, %swap3A_176] : memref<8x96x384xf32, #tpu.memory_space<vmem>>, vector<1x96x384xf32>
    %swap3A_178 = vector.shape_cast %swap3A_177 : vector<1x96x384xf32> to vector<96x384xf32>
    %swap3A_179 = vector.shape_cast %add3A_173 : vector<96x384xf32> to vector<1x96x384xf32>
    tpu.vector_store %arg7[%swap3A_174, %swap3A_175, %swap3A_176], %swap3A_179 {strides = array<i32>} : memref<8x96x384xf32, #tpu.memory_space<vmem>>, vector<1x96x384xf32>,
    %slice3A_180 = vector.extract_strided_slice %convert_element_type3A_14 {offsets = [0, 7], sizes = [1000, 1], strides = [1, 1]} : vector<1000x8xf32> to vector<1000x1xf32>
    %mul3A_181 = vector.broadcast %slice3A_180 : vector<1000x1xf32> to vector<1000x96xf32>
    %mul3A_182 = arith.mulf %exp3A, %mul3A_181 : vector<1000x96xf32>
    %dot_general3A_183 = arith.constant dense<0.000000e+00> : vector<96x384xf32>
    %dot_general3A_184 = tpu.matmul %mul3A_182, %get3A_6, %dot_general3A_183 {dimension_numbers = #tpu.dot_dimension_numbers<[0], [0], [1], [1], [0, 1, 1, 1], [], []>, transpose_lhs_hint = false} : vector<1000x96xf32>, vector<1000x384xf32>, vector<96x384xf32> -> vector<96x384xf32>
    %eq3A_185 = arith.constant 0 : i32
    %eq3A_186 = arith.cmpi eq, %arg0, %eq3A_185 : i32
    %get3A_187 = arith.constant 7 : index
    %get3A_188 = arith.constant 0 : index
    %get3A_189 = arith.constant 0 : index
    %get3A_190 = vector.load %arg7[%get3A_187, %get3A_188, %get3A_189] : memref<8x96x384xf32, #tpu.memory_space<vmem>>, vector<1x96x384xf32>
    %get3A_191 = vector.shape_cast %get3A_190 : vector<1x96x384xf32> to vector<96x384xf32>
    %jit3A_192 = arith.constant 0.000000e+00 : f32
    %broadcast_in_dim3A_193 = vector.broadcast %jit3A_192 : f32 to vector<96x384xf32>
    %select_n3A_194 = arith.select %eq3A_186, %broadcast_in_dim3A_193, %get3A_191 : vector<96x384xf32>
    %add3A_195 = arith.addf %select_n3A_194, %dot_general3A_184 : vector<96x384xf32>
    %swap3A_196 = arith.constant 7 : index
    %swap3A_197 = arith.constant 0 : index
    %swap3A_198 = arith.constant 0 : index
    %swap3A_199 = vector.load %arg7[%swap3A_196, %swap3A_197, %swap3A_198] : memref<8x96x384xf32, #tpu.memory_space<vmem>>, vector<1x96x384xf32>
    %swap3A_200 = vector.shape_cast %swap3A_199 : vector<1x96x384xf32> to vector<96x384xf32>
    %swap3A_201 = vector.shape_cast %add3A_195 : vector<96x384xf32> to vector<1x96x384xf32>
    tpu.vector_store %arg7[%swap3A_196, %swap3A_197, %swap3A_198], %swap3A_201 {strides = array<i32>} : memref<8x96x384xf32, #tpu.memory_space<vmem>>, vector<1x96x384xf32>,
    %eq3A_202 = arith.constant 9 : i32
    %eq3A_203 = arith.cmpi eq, %arg0, %eq3A_202 : i32
    %convert_element_type3A_204 = arith.extui %eq3A_203 : i1 to i32
    %cond3A = arith.constant 0 : i32
    %cond3A_205 = arith.cmpi ne, %convert_element_type3A_204, %cond3A : i32
    scf.if %cond3A_205 {
      %get3A_206 = arith.constant 0 : index
      %get3A_207 = arith.constant 0 : index
      %get3A_208 = vector.load %arg6[%get3A_206, %get3A_207] : memref<8x96xf32, #tpu.memory_space<vmem>>, vector<8x96xf32>
      %broadcast_in_dim3A_209 = arith.constant 0.000000e+00 : f32
      %broadcast_in_dim3A_210 = vector.broadcast %broadcast_in_dim3A_209 : f32 to vector<8x32x128xf32>
      %get3A_211 = arith.constant 0 : index
      %get3A_212 = arith.constant 0 : index
      %get3A_213 = arith.constant 0 : index
      %get3A_214 = vector.load %arg7[%get3A_211, %get3A_212, %get3A_213] : memref<8x96x384xf32, #tpu.memory_space<vmem>>, vector<8x32x128xf32>
      %slice3A_215 = vector.extract_strided_slice %get3A_208 {offsets = [0, 0], sizes = [8, 32], strides = [1, 1]} : vector<8x96xf32> to vector<8x32xf32>
      %broadcast_in_dim3A_216 = vector.shape_cast %slice3A_215 : vector<8x32xf32> to vector<8x32x1xf32>
      %add3A_217 = arith.constant 9.99999971E-10 : f32
      %add3A_218 = vector.broadcast %add3A_217 : f32 to vector<8x32x1xf32>
      %add3A_219 = arith.addf %broadcast_in_dim3A_216, %add3A_218 : vector<8x32x1xf32>
      %div3A = vector.broadcast %add3A_219 : vector<8x32x1xf32> to vector<8x32x128xf32>
      %div3A_220 = arith.divf %get3A_214, %div3A : vector<8x32x128xf32>
      %add3A_221 = arith.addf %broadcast_in_dim3A_210, %div3A_220 : vector<8x32x128xf32>
      %get3A_222 = arith.constant 0 : index
      %get3A_223 = arith.constant 32 : index
      %get3A_224 = arith.constant 128 : index
      %get3A_225 = vector.load %arg7[%get3A_222, %get3A_223, %get3A_224] : memref<8x96x384xf32, #tpu.memory_space<vmem>>, vector<8x32x128xf32>
      %slice3A_226 = vector.extract_strided_slice %get3A_208 {offsets = [0, 32], sizes = [8, 32], strides = [1, 1]} : vector<8x96xf32> to vector<8x32xf32>
      %broadcast_in_dim3A_227 = vector.shape_cast %slice3A_226 : vector<8x32xf32> to vector<8x32x1xf32>
      %add3A_228 = arith.constant 9.99999971E-10 : f32
      %add3A_229 = vector.broadcast %add3A_228 : f32 to vector<8x32x1xf32>
      %add3A_230 = arith.addf %broadcast_in_dim3A_227, %add3A_229 : vector<8x32x1xf32>
      %div3A_231 = vector.broadcast %add3A_230 : vector<8x32x1xf32> to vector<8x32x128xf32>
      %div3A_232 = arith.divf %get3A_225, %div3A_231 : vector<8x32x128xf32>
      %add3A_233 = arith.addf %add3A_221, %div3A_232 : vector<8x32x128xf32>
      %get3A_234 = arith.constant 0 : index
      %get3A_235 = arith.constant 64 : index
      %get3A_236 = arith.constant 256 : index
      %get3A_237 = vector.load %arg7[%get3A_234, %get3A_235, %get3A_236] : memref<8x96x384xf32, #tpu.memory_space<vmem>>, vector<8x32x128xf32>
      %slice3A_238 = vector.extract_strided_slice %get3A_208 {offsets = [0, 64], sizes = [8, 32], strides = [1, 1]} : vector<8x96xf32> to vector<8x32xf32>
      %broadcast_in_dim3A_239 = vector.shape_cast %slice3A_238 : vector<8x32xf32> to vector<8x32x1xf32>
      %add3A_240 = arith.constant 9.99999971E-10 : f32
      %add3A_241 = vector.broadcast %add3A_240 : f32 to vector<8x32x1xf32>
      %add3A_242 = arith.addf %broadcast_in_dim3A_239, %add3A_241 : vector<8x32x1xf32>
      %div3A_243 = vector.broadcast %add3A_242 : vector<8x32x1xf32> to vector<8x32x128xf32>
      %div3A_244 = arith.divf %get3A_237, %div3A_243 : vector<8x32x128xf32>
      %add3A_245 = arith.addf %add3A_233, %div3A_244 : vector<8x32x128xf32>
      %swap3A_246 = arith.constant 0 : index
      %swap3A_247 = arith.constant 0 : index
      %swap3A_248 = arith.constant 0 : index
      %swap3A_249 = vector.load %arg5[%swap3A_246, %swap3A_247, %swap3A_248] : memref<8x32x128xf32, #tpu.memory_space<vmem>>, vector<8x32x128xf32>
      tpu.vector_store %arg5[%swap3A_246, %swap3A_247, %swap3A_248], %add3A_245 {strides = array<i32>} : memref<8x32x128xf32, #tpu.memory_space<vmem>>, vector<8x32x128xf32>,
    } else {
    }
    return
  }
  func.func @transform_0(%arg0: i32) -> (i32, i32) {
    %c0_i32 = arith.constant 0 : i32
    %c0_i32_0 = arith.constant 0 : i32
    return %arg0, %c0_i32 : i32, i32
  }
  func.func @transform_1(%arg0: i32) -> (i32, i32) {
    %c0_i32 = arith.constant 0 : i32
    %c0_i32_0 = arith.constant 0 : i32
    return %arg0, %c0_i32 : i32, i32
  }
  func.func @transform_2(%arg0: i32) -> (i32, i32) {
    %c0_i32 = arith.constant 0 : i32
    %c0_i32_0 = arith.constant 0 : i32
    return %arg0, %c0_i32 : i32, i32
  }
  func.func @transform_3(%arg0: i32) -> (i32, i32) {
    %c0_i32 = arith.constant 0 : i32
    %c0_i32_0 = arith.constant 0 : i32
    %c0_i32_1 = arith.constant 0 : i32
    return %c0_i32, %c0_i32_0 : i32, i32
  }
  func.func @transform_4(%arg0: i32) -> (i32, i32, i32) {
    %c0_i32 = arith.constant 0 : i32
    %c0_i32_0 = arith.constant 0 : i32
    %c0_i32_1 = arith.constant 0 : i32
    %c0_i32_2 = arith.constant 0 : i32
    return %c0_i32, %c0_i32_0, %c0_i32_1 : i32, i32, i32
  }
}

module attributes {stable_mosaic.version = 14 : i64} {
  func.func @_mha_body(%arg0: memref<8x32x128xf32, #tpu.memory_space<vmem>>, %arg1: memref<8x32x128xf32, #tpu.memory_space<vmem>>, %arg2: memref<128x128xf32, #tpu.memory_space<vmem>>, %arg3: memref<128x128xf32, #tpu.memory_space<vmem>>, %arg4: memref<128x128xf32, #tpu.memory_space<vmem>>, %arg5: memref<128x128xf32, #tpu.memory_space<vmem>>, %arg6: memref<8x128xf32, #tpu.memory_space<vmem>>, %arg7: memref<8x128xf32, #tpu.memory_space<vmem>>) attributes {dimension_semantics = [], scalar_prefetch = 0 : i64, scratch_operands = 0 : i64, tpu.core_type = #tpu.core_type<tc>} {
    %get3A = arith.constant 0 : index
    %get3A_0 = arith.constant 0 : index
    %get3A_1 = arith.constant 0 : index
    %get3A_2 = vector.load %arg0[%get3A, %get3A_0, %get3A_1] : memref<8x32x128xf32, #tpu.memory_space<vmem>>, vector<8x32x128xf32>
    %get3A_3 = arith.constant 0 : index
    %get3A_4 = arith.constant 0 : index
    %get3A_5 = arith.constant 0 : index
    %get3A_6 = vector.load %arg1[%get3A_3, %get3A_4, %get3A_5] : memref<8x32x128xf32, #tpu.memory_space<vmem>>, vector<8x32x128xf32>
    %reshape3A = vector.shape_cast %get3A_2 : vector<8x32x128xf32> to vector<256x128xf32>
    %reshape3A_7 = vector.shape_cast %get3A_6 : vector<8x32x128xf32> to vector<256x128xf32>
    %iota3A = tpu.iota {dimensions = array<i32: 0>} : vector<256x8xi32>
    %jit3A = arith.constant 32 : i32
    %div3A = vector.broadcast %jit3A : i32 to vector<256x8xi32>
    %div3A_8 = arith.divsi %iota3A, %div3A : vector<256x8xi32>
    %sign3A = arith.constant 0 : i32
    %sign3A_9 = vector.broadcast %sign3A : i32 to vector<256x8xi32>
    %sign3A_10 = arith.cmpi sgt, %iota3A, %sign3A_9 : vector<256x8xi32>
    %sign3A_11 = arith.extui %sign3A_10 : vector<256x8xi1> to vector<256x8xi32>
    %sign3A_12 = arith.constant 0 : i32
    %sign3A_13 = vector.broadcast %sign3A_12 : i32 to vector<256x8xi32>
    %sign3A_14 = arith.cmpi slt, %iota3A, %sign3A_13 : vector<256x8xi32>
    %sign3A_15 = arith.extui %sign3A_14 : vector<256x8xi1> to vector<256x8xi32>
    %sign3A_16 = arith.subi %sign3A_11, %sign3A_15 : vector<256x8xi32>
    %sign3A_17 = arith.constant 0 : i32
    %sign3A_18 = arith.cmpi sgt, %jit3A, %sign3A_17 : i32
    %sign3A_19 = arith.extui %sign3A_18 : i1 to i32
    %sign3A_20 = arith.constant 0 : i32
    %sign3A_21 = arith.cmpi slt, %jit3A, %sign3A_20 : i32
    %sign3A_22 = arith.extui %sign3A_21 : i1 to i32
    %sign3A_23 = arith.subi %sign3A_19, %sign3A_22 : i32
    %ne3A = vector.broadcast %sign3A_23 : i32 to vector<256x8xi32>
    %ne3A_24 = arith.cmpi ne, %sign3A_16, %ne3A : vector<256x8xi32>
    %rem3A = vector.broadcast %jit3A : i32 to vector<256x8xi32>
    %rem3A_25 = arith.remsi %iota3A, %rem3A : vector<256x8xi32>
    %ne3A_26 = arith.constant 0 : i32
    %ne3A_27 = vector.broadcast %ne3A_26 : i32 to vector<256x8xi32>
    %ne3A_28 = arith.cmpi ne, %rem3A_25, %ne3A_27 : vector<256x8xi32>
    %and3A = arith.andi %ne3A_24, %ne3A_28 : vector<256x8xi1>
    %sub3A = arith.constant 1 : i32
    %sub3A_29 = vector.broadcast %sub3A : i32 to vector<256x8xi32>
    %sub3A_30 = arith.subi %div3A_8, %sub3A_29 : vector<256x8xi32>
    %select_n3A = arith.select %and3A, %sub3A_30, %div3A_8 : vector<256x8xi1>, vector<256x8xi32>
    %iota3A_31 = tpu.iota {dimensions = array<i32: 1>} : vector<256x8xi32>
    %eq3A = arith.cmpi eq, %select_n3A, %iota3A_31 : vector<256x8xi32>
    %convert_element_type3A = arith.extui %eq3A : vector<256x8xi1> to vector<256x8xi32>
    %convert_element_type3A_32 = arith.sitofp %convert_element_type3A : vector<256x8xi32> to vector<256x8xf32>
    %iota3A_33 = tpu.iota {dimensions = array<i32: 0>} : vector<128x8xi32>
    %jit3A_34 = arith.constant 16 : i32
    %div3A_35 = vector.broadcast %jit3A_34 : i32 to vector<128x8xi32>
    %div3A_36 = arith.divsi %iota3A_33, %div3A_35 : vector<128x8xi32>
    %sign3A_37 = arith.constant 0 : i32
    %sign3A_38 = vector.broadcast %sign3A_37 : i32 to vector<128x8xi32>
    %sign3A_39 = arith.cmpi sgt, %iota3A_33, %sign3A_38 : vector<128x8xi32>
    %sign3A_40 = arith.extui %sign3A_39 : vector<128x8xi1> to vector<128x8xi32>
    %sign3A_41 = arith.constant 0 : i32
    %sign3A_42 = vector.broadcast %sign3A_41 : i32 to vector<128x8xi32>
    %sign3A_43 = arith.cmpi slt, %iota3A_33, %sign3A_42 : vector<128x8xi32>
    %sign3A_44 = arith.extui %sign3A_43 : vector<128x8xi1> to vector<128x8xi32>
    %sign3A_45 = arith.subi %sign3A_40, %sign3A_44 : vector<128x8xi32>
    %sign3A_46 = arith.constant 0 : i32
    %sign3A_47 = arith.cmpi sgt, %jit3A_34, %sign3A_46 : i32
    %sign3A_48 = arith.extui %sign3A_47 : i1 to i32
    %sign3A_49 = arith.constant 0 : i32
    %sign3A_50 = arith.cmpi slt, %jit3A_34, %sign3A_49 : i32
    %sign3A_51 = arith.extui %sign3A_50 : i1 to i32
    %sign3A_52 = arith.subi %sign3A_48, %sign3A_51 : i32
    %ne3A_53 = vector.broadcast %sign3A_52 : i32 to vector<128x8xi32>
    %ne3A_54 = arith.cmpi ne, %sign3A_45, %ne3A_53 : vector<128x8xi32>
    %rem3A_55 = vector.broadcast %jit3A_34 : i32 to vector<128x8xi32>
    %rem3A_56 = arith.remsi %iota3A_33, %rem3A_55 : vector<128x8xi32>
    %ne3A_57 = arith.constant 0 : i32
    %ne3A_58 = vector.broadcast %ne3A_57 : i32 to vector<128x8xi32>
    %ne3A_59 = arith.cmpi ne, %rem3A_56, %ne3A_58 : vector<128x8xi32>
    %and3A_60 = arith.andi %ne3A_54, %ne3A_59 : vector<128x8xi1>
    %sub3A_61 = arith.constant 1 : i32
    %sub3A_62 = vector.broadcast %sub3A_61 : i32 to vector<128x8xi32>
    %sub3A_63 = arith.subi %div3A_36, %sub3A_62 : vector<128x8xi32>
    %select_n3A_64 = arith.select %and3A_60, %sub3A_63, %div3A_36 : vector<128x8xi1>, vector<128x8xi32>
    %iota3A_65 = tpu.iota {dimensions = array<i32: 1>} : vector<128x8xi32>
    %eq3A_66 = arith.cmpi eq, %select_n3A_64, %iota3A_65 : vector<128x8xi32>
    %convert_element_type3A_67 = arith.extui %eq3A_66 : vector<128x8xi1> to vector<128x8xi32>
    %convert_element_type3A_68 = arith.sitofp %convert_element_type3A_67 : vector<128x8xi32> to vector<128x8xf32>
    %dot_general3A = arith.constant dense<0.000000e+00> : vector<8x128xf32>
    %dot_general3A_69 = tpu.matmul %convert_element_type3A_32, %reshape3A, %dot_general3A {dimension_numbers = #tpu.dot_dimension_numbers<[0], [0], [1], [1], [0, 1, 1, 1], [], []>, transpose_lhs_hint = false} : vector<256x8xf32>, vector<256x128xf32>, vector<8x128xf32> -> vector<8x128xf32>
    %dot_general3A_70 = arith.constant dense<0.000000e+00> : vector<8x128xf32>
    %dot_general3A_71 = tpu.matmul %convert_element_type3A_32, %reshape3A_7, %dot_general3A_70 {dimension_numbers = #tpu.dot_dimension_numbers<[0], [0], [1], [1], [0, 1, 1, 1], [], []>, transpose_lhs_hint = false} : vector<256x8xf32>, vector<256x128xf32>, vector<8x128xf32> -> vector<8x128xf32>
    %sub3A_72 = arith.subf %dot_general3A_69, %dot_general3A_71 : vector<8x128xf32>
    %neg3A = arith.constant 0.000000e+00 : f32
    %neg3A_73 = vector.broadcast %neg3A : f32 to vector<8x128xf32>
    %neg3A_74 = arith.subf %neg3A_73, %sub3A_72 : vector<8x128xf32>
    %get3A_75 = arith.constant 0 : index
    %get3A_76 = arith.constant 0 : index
    %get3A_77 = vector.load %arg2[%get3A_75, %get3A_76] : memref<128x128xf32, #tpu.memory_space<vmem>>, vector<128x128xf32>
    %get3A_78 = arith.constant 0 : index
    %get3A_79 = arith.constant 0 : index
    %get3A_80 = vector.load %arg3[%get3A_78, %get3A_79] : memref<128x128xf32, #tpu.memory_space<vmem>>, vector<128x128xf32>
    %get3A_81 = arith.constant 0 : index
    %get3A_82 = arith.constant 0 : index
    %get3A_83 = vector.load %arg4[%get3A_81, %get3A_82] : memref<128x128xf32, #tpu.memory_space<vmem>>, vector<128x128xf32>
    %get3A_84 = arith.constant 0 : index
    %get3A_85 = arith.constant 0 : index
    %get3A_86 = vector.load %arg5[%get3A_84, %get3A_85] : memref<128x128xf32, #tpu.memory_space<vmem>>, vector<128x128xf32>
    %dot_general3A_87 = arith.constant dense<0.000000e+00> : vector<8x128xf32>
    %dot_general3A_88 = tpu.matmul %sub3A_72, %get3A_77, %dot_general3A_87 {dimension_numbers = #tpu.dot_dimension_numbers<[1], [0], [0], [1], [0, 0, 1, 1], [], []>, transpose_lhs_hint = false} : vector<8x128xf32>, vector<128x128xf32>, vector<8x128xf32> -> vector<8x128xf32>
    %dot_general3A_89 = arith.constant dense<0.000000e+00> : vector<8x128xf32>
    %dot_general3A_90 = tpu.matmul %neg3A_74, %get3A_80, %dot_general3A_89 {dimension_numbers = #tpu.dot_dimension_numbers<[1], [0], [0], [1], [0, 0, 1, 1], [], []>, transpose_lhs_hint = false} : vector<8x128xf32>, vector<128x128xf32>, vector<8x128xf32> -> vector<8x128xf32>
    %dot_general3A_91 = arith.constant dense<0.000000e+00> : vector<8x128xf32>
    %dot_general3A_92 = tpu.matmul %neg3A_74, %get3A_83, %dot_general3A_91 {dimension_numbers = #tpu.dot_dimension_numbers<[1], [0], [0], [1], [0, 0, 1, 1], [], []>, transpose_lhs_hint = false} : vector<8x128xf32>, vector<128x128xf32>, vector<8x128xf32> -> vector<8x128xf32>
    %dot_general3A_93 = arith.constant dense<0.000000e+00> : vector<256x128xf32>
    %dot_general3A_94 = tpu.matmul %reshape3A_7, %get3A_80, %dot_general3A_93 {dimension_numbers = #tpu.dot_dimension_numbers<[1], [0], [0], [1], [0, 0, 1, 1], [], []>, transpose_lhs_hint = false} : vector<256x128xf32>, vector<128x128xf32>, vector<256x128xf32> -> vector<256x128xf32>
    %dot_general3A_95 = arith.constant dense<0.000000e+00> : vector<256x128xf32>
    %dot_general3A_96 = tpu.matmul %reshape3A_7, %get3A_83, %dot_general3A_95 {dimension_numbers = #tpu.dot_dimension_numbers<[1], [0], [0], [1], [0, 0, 1, 1], [], []>, transpose_lhs_hint = false} : vector<256x128xf32>, vector<128x128xf32>, vector<256x128xf32> -> vector<256x128xf32>
    %dot_general3A_97 = arith.constant dense<0.000000e+00> : vector<256x128xf32>
    %dot_general3A_98 = tpu.matmul %convert_element_type3A_32, %dot_general3A_88, %dot_general3A_97 {dimension_numbers = #tpu.dot_dimension_numbers<[1], [0], [0], [1], [0, 0, 1, 1], [], []>, transpose_lhs_hint = false} : vector<256x8xf32>, vector<8x128xf32>, vector<256x128xf32> -> vector<256x128xf32>
    %mul3A = arith.mulf %dot_general3A_88, %dot_general3A_90 : vector<8x128xf32>
    %dot_general3A_99 = arith.constant dense<0.000000e+00> : vector<8x8xf32>
    %dot_general3A_100 = tpu.matmul %mul3A, %convert_element_type3A_68, %dot_general3A_99 {dimension_numbers = #tpu.dot_dimension_numbers<[1], [0], [0], [1], [0, 0, 1, 1], [], []>, transpose_lhs_hint = false} : vector<8x128xf32>, vector<128x8xf32>, vector<8x8xf32> -> vector<8x8xf32>
    %mul3A_101 = arith.constant 2.500000e-01 : f32
    %mul3A_102 = vector.broadcast %mul3A_101 : f32 to vector<8x8xf32>
    %mul3A_103 = arith.mulf %dot_general3A_100, %mul3A_102 : vector<8x8xf32>
    %mul3A_104 = arith.mulf %dot_general3A_98, %dot_general3A_94 : vector<256x128xf32>
    %dot_general3A_105 = arith.constant dense<0.000000e+00> : vector<256x8xf32>
    %dot_general3A_106 = tpu.matmul %mul3A_104, %convert_element_type3A_68, %dot_general3A_105 {dimension_numbers = #tpu.dot_dimension_numbers<[1], [0], [0], [1], [0, 0, 1, 1], [], []>, transpose_lhs_hint = false} : vector<256x128xf32>, vector<128x8xf32>, vector<256x8xf32> -> vector<256x8xf32>
    %mul3A_107 = arith.constant 2.500000e-01 : f32
    %mul3A_108 = vector.broadcast %mul3A_107 : f32 to vector<256x8xf32>
    %mul3A_109 = arith.mulf %dot_general3A_106, %mul3A_108 : vector<256x8xf32>
    %slice3A = vector.extract_strided_slice %mul3A_109 {offsets = [0, 0], sizes = [32, 8], strides = [1, 1]} : vector<256x8xf32> to vector<32x8xf32>
    %reduce_max3A = arith.constant dense<0xFF800000> : vector<8xf32>
    %reduce_max3A_110 = vector.multi_reduction <maximumf>, %slice3A, %reduce_max3A [0] : vector<32x8xf32> to vector<8xf32>
    %broadcast_in_dim3A = vector.shape_cast %reduce_max3A_110 : vector<8xf32> to vector<1x8xf32>
    %slice3A_111 = vector.extract_strided_slice %mul3A_109 {offsets = [32, 0], sizes = [32, 8], strides = [1, 1]} : vector<256x8xf32> to vector<32x8xf32>
    %reduce_max3A_112 = arith.constant dense<0xFF800000> : vector<8xf32>
    %reduce_max3A_113 = vector.multi_reduction <maximumf>, %slice3A_111, %reduce_max3A_112 [0] : vector<32x8xf32> to vector<8xf32>
    %broadcast_in_dim3A_114 = vector.shape_cast %reduce_max3A_113 : vector<8xf32> to vector<1x8xf32>
    %slice3A_115 = vector.extract_strided_slice %mul3A_109 {offsets = [64, 0], sizes = [32, 8], strides = [1, 1]} : vector<256x8xf32> to vector<32x8xf32>
    %reduce_max3A_116 = arith.constant dense<0xFF800000> : vector<8xf32>
    %reduce_max3A_117 = vector.multi_reduction <maximumf>, %slice3A_115, %reduce_max3A_116 [0] : vector<32x8xf32> to vector<8xf32>
    %broadcast_in_dim3A_118 = vector.shape_cast %reduce_max3A_117 : vector<8xf32> to vector<1x8xf32>
    %slice3A_119 = vector.extract_strided_slice %mul3A_109 {offsets = [96, 0], sizes = [32, 8], strides = [1, 1]} : vector<256x8xf32> to vector<32x8xf32>
    %reduce_max3A_120 = arith.constant dense<0xFF800000> : vector<8xf32>
    %reduce_max3A_121 = vector.multi_reduction <maximumf>, %slice3A_119, %reduce_max3A_120 [0] : vector<32x8xf32> to vector<8xf32>
    %broadcast_in_dim3A_122 = vector.shape_cast %reduce_max3A_121 : vector<8xf32> to vector<1x8xf32>
    %slice3A_123 = vector.extract_strided_slice %mul3A_109 {offsets = [128, 0], sizes = [32, 8], strides = [1, 1]} : vector<256x8xf32> to vector<32x8xf32>
    %reduce_max3A_124 = arith.constant dense<0xFF800000> : vector<8xf32>
    %reduce_max3A_125 = vector.multi_reduction <maximumf>, %slice3A_123, %reduce_max3A_124 [0] : vector<32x8xf32> to vector<8xf32>
    %broadcast_in_dim3A_126 = vector.shape_cast %reduce_max3A_125 : vector<8xf32> to vector<1x8xf32>
    %slice3A_127 = vector.extract_strided_slice %mul3A_109 {offsets = [160, 0], sizes = [32, 8], strides = [1, 1]} : vector<256x8xf32> to vector<32x8xf32>
    %reduce_max3A_128 = arith.constant dense<0xFF800000> : vector<8xf32>
    %reduce_max3A_129 = vector.multi_reduction <maximumf>, %slice3A_127, %reduce_max3A_128 [0] : vector<32x8xf32> to vector<8xf32>
    %broadcast_in_dim3A_130 = vector.shape_cast %reduce_max3A_129 : vector<8xf32> to vector<1x8xf32>
    %slice3A_131 = vector.extract_strided_slice %mul3A_109 {offsets = [192, 0], sizes = [32, 8], strides = [1, 1]} : vector<256x8xf32> to vector<32x8xf32>
    %reduce_max3A_132 = arith.constant dense<0xFF800000> : vector<8xf32>
    %reduce_max3A_133 = vector.multi_reduction <maximumf>, %slice3A_131, %reduce_max3A_132 [0] : vector<32x8xf32> to vector<8xf32>
    %broadcast_in_dim3A_134 = vector.shape_cast %reduce_max3A_133 : vector<8xf32> to vector<1x8xf32>
    %slice3A_135 = vector.extract_strided_slice %mul3A_109 {offsets = [224, 0], sizes = [32, 8], strides = [1, 1]} : vector<256x8xf32> to vector<32x8xf32>
    %reduce_max3A_136 = arith.constant dense<0xFF800000> : vector<8xf32>
    %reduce_max3A_137 = vector.multi_reduction <maximumf>, %slice3A_135, %reduce_max3A_136 [0] : vector<32x8xf32> to vector<8xf32>
    %broadcast_in_dim3A_138 = vector.shape_cast %reduce_max3A_137 : vector<8xf32> to vector<1x8xf32>
    %concatenate3A = tpu.concatenate %broadcast_in_dim3A, %broadcast_in_dim3A_114, %broadcast_in_dim3A_118, %broadcast_in_dim3A_122, %broadcast_in_dim3A_126, %broadcast_in_dim3A_130, %broadcast_in_dim3A_134, %broadcast_in_dim3A_138 in 0 : vector<1x8xf32>, vector<1x8xf32>, vector<1x8xf32>, vector<1x8xf32>, vector<1x8xf32>, vector<1x8xf32>, vector<1x8xf32>, vector<1x8xf32> -> vector<8x8xf32>
    %max3A = arith.maximumf %concatenate3A, %mul3A_103 : vector<8x8xf32>
    %sub3A_139 = arith.subf %mul3A_103, %max3A : vector<8x8xf32>
    %exp3A = math.exp %sub3A_139 : vector<8x8xf32>
    %dot_general3A_140 = arith.constant dense<0.000000e+00> : vector<256x8xf32>
    %dot_general3A_141 = tpu.matmul %convert_element_type3A_32, %max3A, %dot_general3A_140 {dimension_numbers = #tpu.dot_dimension_numbers<[1], [0], [0], [1], [0, 0, 1, 1], [], []>, transpose_lhs_hint = false} : vector<256x8xf32>, vector<8x8xf32>, vector<256x8xf32> -> vector<256x8xf32>
    %sub3A_142 = arith.subf %mul3A_109, %dot_general3A_141 : vector<256x8xf32>
    %exp3A_143 = math.exp %sub3A_142 : vector<256x8xf32>
    %dot_general3A_144 = arith.constant dense<0.000000e+00> : vector<8x8xf32>
    %dot_general3A_145 = tpu.matmul %convert_element_type3A_32, %exp3A_143, %dot_general3A_144 {dimension_numbers = #tpu.dot_dimension_numbers<[0], [0], [1], [1], [0, 1, 1, 1], [], []>, transpose_lhs_hint = false} : vector<256x8xf32>, vector<256x8xf32>, vector<8x8xf32> -> vector<8x8xf32>
    %add3A = arith.addf %exp3A, %dot_general3A_145 : vector<8x8xf32>
    %transpose3A = tpu.transpose %convert_element_type3A_68, [1, 0] : vector<128x8xf32> -> vector<8x128xf32>
    %dot_general3A_146 = arith.constant dense<0.000000e+00> : vector<256x128xf32>
    %dot_general3A_147 = tpu.matmul %exp3A_143, %transpose3A, %dot_general3A_146 {dimension_numbers = #tpu.dot_dimension_numbers<[1], [0], [0], [1], [0, 0, 1, 1], [], []>, transpose_lhs_hint = false} : vector<256x8xf32>, vector<8x128xf32>, vector<256x128xf32> -> vector<256x128xf32>
    %mul3A_148 = arith.mulf %dot_general3A_147, %dot_general3A_96 : vector<256x128xf32>
    %dot_general3A_149 = arith.constant dense<0.000000e+00> : vector<8x128xf32>
    %dot_general3A_150 = tpu.matmul %convert_element_type3A_32, %mul3A_148, %dot_general3A_149 {dimension_numbers = #tpu.dot_dimension_numbers<[0], [0], [1], [1], [0, 1, 1, 1], [], []>, transpose_lhs_hint = false} : vector<256x8xf32>, vector<256x128xf32>, vector<8x128xf32> -> vector<8x128xf32>
    %transpose3A_151 = tpu.transpose %convert_element_type3A_68, [1, 0] : vector<128x8xf32> -> vector<8x128xf32>
    %dot_general3A_152 = arith.constant dense<0.000000e+00> : vector<8x128xf32>
    %dot_general3A_153 = tpu.matmul %exp3A, %transpose3A_151, %dot_general3A_152 {dimension_numbers = #tpu.dot_dimension_numbers<[1], [0], [0], [1], [0, 0, 1, 1], [], []>, transpose_lhs_hint = false} : vector<8x8xf32>, vector<8x128xf32>, vector<8x128xf32> -> vector<8x128xf32>
    %mul3A_154 = arith.mulf %dot_general3A_153, %dot_general3A_92 : vector<8x128xf32>
    %add3A_155 = arith.addf %mul3A_154, %dot_general3A_150 : vector<8x128xf32>
    %transpose3A_156 = tpu.transpose %convert_element_type3A_68, [1, 0] : vector<128x8xf32> -> vector<8x128xf32>
    %dot_general3A_157 = arith.constant dense<0.000000e+00> : vector<8x128xf32>
    %dot_general3A_158 = tpu.matmul %add3A, %transpose3A_156, %dot_general3A_157 {dimension_numbers = #tpu.dot_dimension_numbers<[1], [0], [0], [1], [0, 0, 1, 1], [], []>, transpose_lhs_hint = false} : vector<8x8xf32>, vector<8x128xf32>, vector<8x128xf32> -> vector<8x128xf32>
    %div3A_159 = arith.divf %add3A_155, %dot_general3A_158 : vector<8x128xf32>
    %dot_general3A_160 = arith.constant dense<0.000000e+00> : vector<8x128xf32>
    %dot_general3A_161 = tpu.matmul %div3A_159, %get3A_86, %dot_general3A_160 {dimension_numbers = #tpu.dot_dimension_numbers<[1], [0], [0], [1], [0, 0, 1, 1], [], []>, transpose_lhs_hint = false} : vector<8x128xf32>, vector<128x128xf32>, vector<8x128xf32> -> vector<8x128xf32>
    %swap3A = arith.constant 0 : index
    %swap3A_162 = arith.constant 0 : index
    %swap3A_163 = vector.load %arg6[%swap3A, %swap3A_162] : memref<8x128xf32, #tpu.memory_space<vmem>>, vector<8x128xf32>
    tpu.vector_store %arg6[%swap3A, %swap3A_162], %dot_general3A_161 {strides = array<i32>} : memref<8x128xf32, #tpu.memory_space<vmem>>, vector<8x128xf32>,
    %dot_general3A_164 = arith.constant dense<0.000000e+00> : vector<8x128xf32>
    %dot_general3A_165 = tpu.matmul %neg3A_74, %get3A_77, %dot_general3A_164 {dimension_numbers = #tpu.dot_dimension_numbers<[1], [0], [0], [1], [0, 0, 1, 1], [], []>, transpose_lhs_hint = false} : vector<8x128xf32>, vector<128x128xf32>, vector<8x128xf32> -> vector<8x128xf32>
    %dot_general3A_166 = arith.constant dense<0.000000e+00> : vector<8x128xf32>
    %dot_general3A_167 = tpu.matmul %sub3A_72, %get3A_80, %dot_general3A_166 {dimension_numbers = #tpu.dot_dimension_numbers<[1], [0], [0], [1], [0, 0, 1, 1], [], []>, transpose_lhs_hint = false} : vector<8x128xf32>, vector<128x128xf32>, vector<8x128xf32> -> vector<8x128xf32>
    %dot_general3A_168 = arith.constant dense<0.000000e+00> : vector<8x128xf32>
    %dot_general3A_169 = tpu.matmul %sub3A_72, %get3A_83, %dot_general3A_168 {dimension_numbers = #tpu.dot_dimension_numbers<[1], [0], [0], [1], [0, 0, 1, 1], [], []>, transpose_lhs_hint = false} : vector<8x128xf32>, vector<128x128xf32>, vector<8x128xf32> -> vector<8x128xf32>
    %dot_general3A_170 = arith.constant dense<0.000000e+00> : vector<256x128xf32>
    %dot_general3A_171 = tpu.matmul %reshape3A, %get3A_80, %dot_general3A_170 {dimension_numbers = #tpu.dot_dimension_numbers<[1], [0], [0], [1], [0, 0, 1, 1], [], []>, transpose_lhs_hint = false} : vector<256x128xf32>, vector<128x128xf32>, vector<256x128xf32> -> vector<256x128xf32>
    %dot_general3A_172 = arith.constant dense<0.000000e+00> : vector<256x128xf32>
    %dot_general3A_173 = tpu.matmul %reshape3A, %get3A_83, %dot_general3A_172 {dimension_numbers = #tpu.dot_dimension_numbers<[1], [0], [0], [1], [0, 0, 1, 1], [], []>, transpose_lhs_hint = false} : vector<256x128xf32>, vector<128x128xf32>, vector<256x128xf32> -> vector<256x128xf32>
    %dot_general3A_174 = arith.constant dense<0.000000e+00> : vector<256x128xf32>
    %dot_general3A_175 = tpu.matmul %convert_element_type3A_32, %dot_general3A_165, %dot_general3A_174 {dimension_numbers = #tpu.dot_dimension_numbers<[1], [0], [0], [1], [0, 0, 1, 1], [], []>, transpose_lhs_hint = false} : vector<256x8xf32>, vector<8x128xf32>, vector<256x128xf32> -> vector<256x128xf32>
    %mul3A_176 = arith.mulf %dot_general3A_165, %dot_general3A_167 : vector<8x128xf32>
    %dot_general3A_177 = arith.constant dense<0.000000e+00> : vector<8x8xf32>
    %dot_general3A_178 = tpu.matmul %mul3A_176, %convert_element_type3A_68, %dot_general3A_177 {dimension_numbers = #tpu.dot_dimension_numbers<[1], [0], [0], [1], [0, 0, 1, 1], [], []>, transpose_lhs_hint = false} : vector<8x128xf32>, vector<128x8xf32>, vector<8x8xf32> -> vector<8x8xf32>
    %mul3A_179 = arith.constant 2.500000e-01 : f32
    %mul3A_180 = vector.broadcast %mul3A_179 : f32 to vector<8x8xf32>
    %mul3A_181 = arith.mulf %dot_general3A_178, %mul3A_180 : vector<8x8xf32>
    %mul3A_182 = arith.mulf %dot_general3A_175, %dot_general3A_171 : vector<256x128xf32>
    %dot_general3A_183 = arith.constant dense<0.000000e+00> : vector<256x8xf32>
    %dot_general3A_184 = tpu.matmul %mul3A_182, %convert_element_type3A_68, %dot_general3A_183 {dimension_numbers = #tpu.dot_dimension_numbers<[1], [0], [0], [1], [0, 0, 1, 1], [], []>, transpose_lhs_hint = false} : vector<256x128xf32>, vector<128x8xf32>, vector<256x8xf32> -> vector<256x8xf32>
    %mul3A_185 = arith.constant 2.500000e-01 : f32
    %mul3A_186 = vector.broadcast %mul3A_185 : f32 to vector<256x8xf32>
    %mul3A_187 = arith.mulf %dot_general3A_184, %mul3A_186 : vector<256x8xf32>
    %slice3A_188 = vector.extract_strided_slice %mul3A_187 {offsets = [0, 0], sizes = [32, 8], strides = [1, 1]} : vector<256x8xf32> to vector<32x8xf32>
    %reduce_max3A_189 = arith.constant dense<0xFF800000> : vector<8xf32>
    %reduce_max3A_190 = vector.multi_reduction <maximumf>, %slice3A_188, %reduce_max3A_189 [0] : vector<32x8xf32> to vector<8xf32>
    %broadcast_in_dim3A_191 = vector.shape_cast %reduce_max3A_190 : vector<8xf32> to vector<1x8xf32>
    %slice3A_192 = vector.extract_strided_slice %mul3A_187 {offsets = [32, 0], sizes = [32, 8], strides = [1, 1]} : vector<256x8xf32> to vector<32x8xf32>
    %reduce_max3A_193 = arith.constant dense<0xFF800000> : vector<8xf32>
    %reduce_max3A_194 = vector.multi_reduction <maximumf>, %slice3A_192, %reduce_max3A_193 [0] : vector<32x8xf32> to vector<8xf32>
    %broadcast_in_dim3A_195 = vector.shape_cast %reduce_max3A_194 : vector<8xf32> to vector<1x8xf32>
    %slice3A_196 = vector.extract_strided_slice %mul3A_187 {offsets = [64, 0], sizes = [32, 8], strides = [1, 1]} : vector<256x8xf32> to vector<32x8xf32>
    %reduce_max3A_197 = arith.constant dense<0xFF800000> : vector<8xf32>
    %reduce_max3A_198 = vector.multi_reduction <maximumf>, %slice3A_196, %reduce_max3A_197 [0] : vector<32x8xf32> to vector<8xf32>
    %broadcast_in_dim3A_199 = vector.shape_cast %reduce_max3A_198 : vector<8xf32> to vector<1x8xf32>
    %slice3A_200 = vector.extract_strided_slice %mul3A_187 {offsets = [96, 0], sizes = [32, 8], strides = [1, 1]} : vector<256x8xf32> to vector<32x8xf32>
    %reduce_max3A_201 = arith.constant dense<0xFF800000> : vector<8xf32>
    %reduce_max3A_202 = vector.multi_reduction <maximumf>, %slice3A_200, %reduce_max3A_201 [0] : vector<32x8xf32> to vector<8xf32>
    %broadcast_in_dim3A_203 = vector.shape_cast %reduce_max3A_202 : vector<8xf32> to vector<1x8xf32>
    %slice3A_204 = vector.extract_strided_slice %mul3A_187 {offsets = [128, 0], sizes = [32, 8], strides = [1, 1]} : vector<256x8xf32> to vector<32x8xf32>
    %reduce_max3A_205 = arith.constant dense<0xFF800000> : vector<8xf32>
    %reduce_max3A_206 = vector.multi_reduction <maximumf>, %slice3A_204, %reduce_max3A_205 [0] : vector<32x8xf32> to vector<8xf32>
    %broadcast_in_dim3A_207 = vector.shape_cast %reduce_max3A_206 : vector<8xf32> to vector<1x8xf32>
    %slice3A_208 = vector.extract_strided_slice %mul3A_187 {offsets = [160, 0], sizes = [32, 8], strides = [1, 1]} : vector<256x8xf32> to vector<32x8xf32>
    %reduce_max3A_209 = arith.constant dense<0xFF800000> : vector<8xf32>
    %reduce_max3A_210 = vector.multi_reduction <maximumf>, %slice3A_208, %reduce_max3A_209 [0] : vector<32x8xf32> to vector<8xf32>
    %broadcast_in_dim3A_211 = vector.shape_cast %reduce_max3A_210 : vector<8xf32> to vector<1x8xf32>
    %slice3A_212 = vector.extract_strided_slice %mul3A_187 {offsets = [192, 0], sizes = [32, 8], strides = [1, 1]} : vector<256x8xf32> to vector<32x8xf32>
    %reduce_max3A_213 = arith.constant dense<0xFF800000> : vector<8xf32>
    %reduce_max3A_214 = vector.multi_reduction <maximumf>, %slice3A_212, %reduce_max3A_213 [0] : vector<32x8xf32> to vector<8xf32>
    %broadcast_in_dim3A_215 = vector.shape_cast %reduce_max3A_214 : vector<8xf32> to vector<1x8xf32>
    %slice3A_216 = vector.extract_strided_slice %mul3A_187 {offsets = [224, 0], sizes = [32, 8], strides = [1, 1]} : vector<256x8xf32> to vector<32x8xf32>
    %reduce_max3A_217 = arith.constant dense<0xFF800000> : vector<8xf32>
    %reduce_max3A_218 = vector.multi_reduction <maximumf>, %slice3A_216, %reduce_max3A_217 [0] : vector<32x8xf32> to vector<8xf32>
    %broadcast_in_dim3A_219 = vector.shape_cast %reduce_max3A_218 : vector<8xf32> to vector<1x8xf32>
    %concatenate3A_220 = tpu.concatenate %broadcast_in_dim3A_191, %broadcast_in_dim3A_195, %broadcast_in_dim3A_199, %broadcast_in_dim3A_203, %broadcast_in_dim3A_207, %broadcast_in_dim3A_211, %broadcast_in_dim3A_215, %broadcast_in_dim3A_219 in 0 : vector<1x8xf32>, vector<1x8xf32>, vector<1x8xf32>, vector<1x8xf32>, vector<1x8xf32>, vector<1x8xf32>, vector<1x8xf32>, vector<1x8xf32> -> vector<8x8xf32>
    %max3A_221 = arith.maximumf %concatenate3A_220, %mul3A_181 : vector<8x8xf32>
    %sub3A_222 = arith.subf %mul3A_181, %max3A_221 : vector<8x8xf32>
    %exp3A_223 = math.exp %sub3A_222 : vector<8x8xf32>
    %dot_general3A_224 = arith.constant dense<0.000000e+00> : vector<256x8xf32>
    %dot_general3A_225 = tpu.matmul %convert_element_type3A_32, %max3A_221, %dot_general3A_224 {dimension_numbers = #tpu.dot_dimension_numbers<[1], [0], [0], [1], [0, 0, 1, 1], [], []>, transpose_lhs_hint = false} : vector<256x8xf32>, vector<8x8xf32>, vector<256x8xf32> -> vector<256x8xf32>
    %sub3A_226 = arith.subf %mul3A_187, %dot_general3A_225 : vector<256x8xf32>
    %exp3A_227 = math.exp %sub3A_226 : vector<256x8xf32>
    %dot_general3A_228 = arith.constant dense<0.000000e+00> : vector<8x8xf32>
    %dot_general3A_229 = tpu.matmul %convert_element_type3A_32, %exp3A_227, %dot_general3A_228 {dimension_numbers = #tpu.dot_dimension_numbers<[0], [0], [1], [1], [0, 1, 1, 1], [], []>, transpose_lhs_hint = false} : vector<256x8xf32>, vector<256x8xf32>, vector<8x8xf32> -> vector<8x8xf32>
    %add3A_230 = arith.addf %exp3A_223, %dot_general3A_229 : vector<8x8xf32>
    %transpose3A_231 = tpu.transpose %convert_element_type3A_68, [1, 0] : vector<128x8xf32> -> vector<8x128xf32>
    %dot_general3A_232 = arith.constant dense<0.000000e+00> : vector<256x128xf32>
    %dot_general3A_233 = tpu.matmul %exp3A_227, %transpose3A_231, %dot_general3A_232 {dimension_numbers = #tpu.dot_dimension_numbers<[1], [0], [0], [1], [0, 0, 1, 1], [], []>, transpose_lhs_hint = false} : vector<256x8xf32>, vector<8x128xf32>, vector<256x128xf32> -> vector<256x128xf32>
    %mul3A_234 = arith.mulf %dot_general3A_233, %dot_general3A_173 : vector<256x128xf32>
    %dot_general3A_235 = arith.constant dense<0.000000e+00> : vector<8x128xf32>
    %dot_general3A_236 = tpu.matmul %convert_element_type3A_32, %mul3A_234, %dot_general3A_235 {dimension_numbers = #tpu.dot_dimension_numbers<[0], [0], [1], [1], [0, 1, 1, 1], [], []>, transpose_lhs_hint = false} : vector<256x8xf32>, vector<256x128xf32>, vector<8x128xf32> -> vector<8x128xf32>
    %transpose3A_237 = tpu.transpose %convert_element_type3A_68, [1, 0] : vector<128x8xf32> -> vector<8x128xf32>
    %dot_general3A_238 = arith.constant dense<0.000000e+00> : vector<8x128xf32>
    %dot_general3A_239 = tpu.matmul %exp3A_223, %transpose3A_237, %dot_general3A_238 {dimension_numbers = #tpu.dot_dimension_numbers<[1], [0], [0], [1], [0, 0, 1, 1], [], []>, transpose_lhs_hint = false} : vector<8x8xf32>, vector<8x128xf32>, vector<8x128xf32> -> vector<8x128xf32>
    %mul3A_240 = arith.mulf %dot_general3A_239, %dot_general3A_169 : vector<8x128xf32>
    %add3A_241 = arith.addf %mul3A_240, %dot_general3A_236 : vector<8x128xf32>
    %transpose3A_242 = tpu.transpose %convert_element_type3A_68, [1, 0] : vector<128x8xf32> -> vector<8x128xf32>
    %dot_general3A_243 = arith.constant dense<0.000000e+00> : vector<8x128xf32>
    %dot_general3A_244 = tpu.matmul %add3A_230, %transpose3A_242, %dot_general3A_243 {dimension_numbers = #tpu.dot_dimension_numbers<[1], [0], [0], [1], [0, 0, 1, 1], [], []>, transpose_lhs_hint = false} : vector<8x8xf32>, vector<8x128xf32>, vector<8x128xf32> -> vector<8x128xf32>
    %div3A_245 = arith.divf %add3A_241, %dot_general3A_244 : vector<8x128xf32>
    %dot_general3A_246 = arith.constant dense<0.000000e+00> : vector<8x128xf32>
    %dot_general3A_247 = tpu.matmul %div3A_245, %get3A_86, %dot_general3A_246 {dimension_numbers = #tpu.dot_dimension_numbers<[1], [0], [0], [1], [0, 0, 1, 1], [], []>, transpose_lhs_hint = false} : vector<8x128xf32>, vector<128x128xf32>, vector<8x128xf32> -> vector<8x128xf32>
    %swap3A_248 = arith.constant 0 : index
    %swap3A_249 = arith.constant 0 : index
    %swap3A_250 = vector.load %arg7[%swap3A_248, %swap3A_249] : memref<8x128xf32, #tpu.memory_space<vmem>>, vector<8x128xf32>
    tpu.vector_store %arg7[%swap3A_248, %swap3A_249], %dot_general3A_247 {strides = array<i32>} : memref<8x128xf32, #tpu.memory_space<vmem>>, vector<8x128xf32>,
    return
  }
}

</mosaic_0001>

<sc_bundles>
// kernel: kernel.21.cloned.1.call-start
scs
__scs_entry_jumppad:
0x0: {  	(pc) =	sbr.rel $0x88, $3  }
0x1: {  	(tag) =	ssettag $0x0;
	lr =	simm.s32 $0x1  }
0x2: {  	[smem:$0x3F8D] =	sst lr;
	_ =	strace $0xD0000000  }
0x3: {  	_ = 	snop  }
0x4: {  	_ = 	snop  }
0x5: {  	_ = 	snop  }
0x6: {  	_ = 	snop  }
0x7: {  	_ = 	snop  }
__scs_overlays_trampoline_lowered:
0x8: {  	[smem:$0x3F9C] =	sst s0  }
0x9: {  	[smem:$0x3F9D] =	sst s1  }
0xa: {  	[smem:$0x3F9E] =	sst s2  }
0xb: {  	[smem:$0x3F9F] =	sst s3  }
0xc: {  	[smem:$0x3FA0] =	sst s4  }
0xd: {  	[smem:$0x3FA1] =	sst s5  }
0xe: {  	[smem:$0x3FA2] =	sst s6  }
0xf: {  	[smem:$0x3FA3] =	sst s7  }
0x10: {  	[smem:$0x3FA4] =	sst s8  }
0x11: {  	[smem:$0x3FA5] =	sst s9;
	s0 =	simm.s32 @!p0 $0x0  }
0x12: {  	s1 =	sld [smem:$0x3F8B];
	s0 =	simm.s32 @p0 $0x1  }
0x13: {  	[smem:$0x3FA6] =	sst s0;
	s0 =	simm.s32 @!p1 $0x0  }
0x14: {  	s2 =	sld [smem:$0x3F8A];
	s0 =	simm.s32 @p1 $0x1  }
0x15: {  	[smem:$0x3FA7] =	sst s0;
	s0 =	simm.s32 @!p2 $0x0  }
0x16: {  	s3 =	sld [smem:$0x3FDB];
	s0 =	simm.s32 @p2 $0x1  }
0x17: {  	s4 =	simm.s32 $0x1BF5;
	[smem:$0x3FA9] =	sst s0  }
0x18: {  	s0 =	sld [smem:$0x3F8C];
	_ =	swait.ge [sflag:s4], $0x0  }
0x19: {  	s7 =	sld [smem:$0x3F8D]  }
0x1a: {  	s8 =	sadd.s32 $0xFFFFE003, lr  }
0x1b: {  	s9 =	sadd.s32 $0xFFFFFEF7, lr;
	s5 =	simm.s32 $0xFFFFFFFF;
	p2 =	slt.u32 s8, $0xFFFFF086  }
0x1c: {  	p1 =	slt.u32 s9, $0xF7A;
	s5 =	simm.s32 @!p2 $0x0  }
0x1d: {  	s5 =	simm.s32 @p1 $0x1;
	p0 =	seq.s32 s7, s2  }
0x1e: {  	s7 =	smul.u32 @!p0 $0xF7A, s2;
	p2 =	seq.s32 @!p0 s5, $0x0  }
0x1f: {  	s9 =	smul.u32 $0xF7A, s1;
	s8 =	simm.s32 @!p0 $0x1BF5;
	p2 =	por !p2, p0  }
0x20: {  	[sflag:s8] =	ssyncset.s32 @!p0 $0xFFFFF086;
	s6 =	sadd.s32 @!p0 s3, s7;
	s7 =	simm.s32 @!p0 $0x108  }
0x21: {  	s3 =	sadd.s32 s3, s9;
	s6 =	sadd.s32 @!p0 $0x88, s6;
	s7 =	simm.s32 @p2 $0x1082  }
0x22: {  	[simem:s7], [sflag:s8] =	dma.local @!p0 [hbm:s6], $0xF7A  }
0x23: {  	s9 =	sor.u32 $0xD0000000, s2;
	s6 =	simm.s32 $0x108;
	_ =	swait.ge @!p0 [sflag:s8], $0x0  }
0x24: {  	s3 =	sadd.s32 $0x88, s3;
	s6 =	simm.s32 @!p1 $0x1082;
	[sflag:s4] =	ssyncset.s32 $0xFFFFF086  }
0x25: {  	[simem:s6], [sflag:s4] =	dma.local [hbm:s3], $0xF7A  }
0x26: {  	[smem:$0x3F8D] =	sst s1;
	(tag) =	ssettag s2;
	_ =	strace s9  }
0x27: {  	s1 =	sld [smem:$0x3F9D]  }
0x28: {  	s2 =	sld [smem:$0x3F9E]  }
0x29: {  	s4 =	sld [smem:$0x3FA0]  }
0x2a: {  	p0 =	seq.s32 s5, $0x0;
	s5 =	sld [smem:$0x3FA1]  }
0x2b: {  	s6 =	sld [smem:$0x3FA2]  }
0x2c: {  	s7 =	sld [smem:$0x3FA3]  }
0x2d: {  	s3 =	simm.s32 $0x108;
	s8 =	sld [smem:$0x3FA4]  }
0x2e: {  	s3 =	simm.s32 @!p0 $0x1082;
	s9 =	sld [smem:$0x3FA5]  }
0x2f: {  	lr =	sadd.s32 s0, s3;
	s0 =	sld [smem:$0x3F9C]  }
0x30: {  	s3 =	sld [smem:$0x3F9F]  }
0x31: {  	[smem:$0x3FA8] =	sst s10  }
0x32: {  	s10 =	sld [smem:$0x3FA6];
	_ =	sdelay $0x3  }
0x33: {  	p0 =	seq.s32 s10, $0x1;
	s10 =	sld [smem:$0x3FA8];
	_ =	sdelay $0x3  }
0x34: {  	[smem:$0x3FA8] =	sst s10  }
0x35: {  	s10 =	sld [smem:$0x3FA7];
	_ =	sdelay $0x3  }
0x36: {  	p1 =	seq.s32 s10, $0x1;
	s10 =	sld [smem:$0x3FA8];
	_ =	sdelay $0x3  }
0x37: {  	[smem:$0x3FA8] =	sst s10  }
0x38: {  	s10 =	sld [smem:$0x3FA9]  }
0x39: {  	_ = 	snop;
	(pc) =	sbr.ind lr, $3  }
0x3a: {  	_ = 	snop  }
0x3b: {  	_ = 	snop  }
0x3c: {  	p2 =	seq.s32 s10, $0x1;
	s10 =	sld [smem:$0x3FA8]  }
0x3d: {  	_ =	shalt  }
0x3e: {  	_ =	shalt  }
0x3f: {  	_ =	shalt  }
0x40: {  	_ =	shalt  }
0x41: {  	_ =	shalt  }
0x42: {  	_ =	shalt  }
0x43: {  	_ =	shalt  }
0x44: {  	_ =	shalt  }
0x45: {  	_ =	shalt  }
0x46: {  	_ =	shalt  }
0x47: {  	_ =	shalt  }
0x48: {  	_ =	shalt  }
0x49: {  	_ =	shalt  }
0x4a: {  	_ =	shalt  }
0x4b: {  	_ =	shalt  }
0x4c: {  	_ =	shalt  }
0x4d: {  	_ =	shalt  }
0x4e: {  	_ =	shalt  }
0x4f: {  	_ =	shalt  }
0x50: {  	_ =	shalt  }
0x51: {  	_ =	shalt  }
0x52: {  	_ =	shalt  }
0x53: {  	_ =	shalt  }
0x54: {  	_ =	shalt  }
0x55: {  	_ =	shalt  }
0x56: {  	_ =	shalt  }
0x57: {  	_ =	shalt  }
0x58: {  	_ =	shalt  }
0x59: {  	_ =	shalt  }
0x5a: {  	_ =	shalt  }
0x5b: {  	_ =	shalt  }
0x5c: {  	_ =	shalt  }
0x5d: {  	_ =	shalt  }
0x5e: {  	_ =	shalt  }
0x5f: {  	_ =	shalt  }
0x60: {  	_ =	shalt  }
0x61: {  	_ =	shalt  }
0x62: {  	_ =	shalt  }
0x63: {  	_ =	shalt  }
0x64: {  	_ =	shalt  }
0x65: {  	_ =	shalt  }
0x66: {  	_ =	shalt  }
0x67: {  	_ =	shalt  }
0x68: {  	_ =	shalt  }
0x69: {  	_ =	shalt  }
0x6a: {  	_ =	shalt  }
0x6b: {  	_ =	shalt  }
0x6c: {  	_ =	shalt  }
0x6d: {  	_ =	shalt  }
0x6e: {  	_ =	shalt  }
0x6f: {  	_ =	shalt  }
0x70: {  	_ =	shalt  }
0x71: {  	_ =	shalt  }
0x72: {  	_ =	shalt  }
0x73: {  	_ =	shalt  }
0x74: {  	_ =	shalt  }
0x75: {  	_ =	shalt  }
0x76: {  	_ =	shalt  }
0x77: {  	_ =	shalt  }
0x78: {  	_ =	shalt  }
0x79: {  	_ =	shalt  }
0x7a: {  	_ =	shalt  }
0x7b: {  	_ =	shalt  }
0x7c: {  	_ =	shalt  }
0x7d: {  	_ =	shalt  }
0x7e: {  	_ =	shalt  }
0x7f: {  	_ =	shalt  }
0x80: {  	_ =	shalt  }
0x81: {  	_ =	shalt  }
0x82: {  	_ =	shalt  }
0x83: {  	_ =	shalt  }
0x84: {  	_ =	shalt  }
0x85: {  	_ =	shalt  }
0x86: {  	_ =	shalt  }
0x87: {  	_ =	shalt  }
.Lfunc_end0:
.L_simem_size_0:
called_computation_lowered:
.L_overlay_start_0:
0x88: {  	s2 =	sld [smem:$0x3FD9]  }
0x89: {  	s3 =	sld [smem:$0x3FFE];
	_ =	sdelay $0x1  }
0x8a: {  	s1 =	srdreg.scid  }
0x8b: {  	s0 =	sand.u32 $0x1, s1  }
0x8c: {  	s16 =	sshll.u32 s0, $0xA;
	s2 =	sadd.s32 s3, s2  }
0x8d: {  	s2 =	sadd.s32 s2, s16  }
0x8e: {  	[smem:$0x3FB4] =	sst s2  }
0x8f: {  	_ = 	snop  }
0x90: {  	(tm) =	ssettm $0x1  }
0x91: {  	s17 =	sld [smem:$0x3FFB];
	_ =	sdelay $0x3  }
0x92: {  	_ =	strace s17  }
0x93: {  	s2 =	sld [smem:$0x3FFC];
	_ =	sdelay $0x3  }
0x94: {  	_ =	strace s2  }
0x95: {  	s2 =	sld [smem:$0x3FFD];
	_ =	sdelay $0x3  }
0x96: {  	_ =	strace s2  }
0x97: {  	_ =	strace $0x8FFFFFFF  }
0x98: {  	s18 =	sld [smem:$0x3FDB];
	_ =	sdelay $0x1  }
0x99: {  	s19 =	simm.s32 $_scs_section_size  }
0x9a: {  	s4 =	simm.s32 $_size__tile_overlayer_lowered;
	s5 =	simm.s32 $_tile_overlayer_lowered  }
0x9b: {  	s22 =	simm.s32 $0x1BFF;
	s21 =	sshll.u32 s5, $0x1;
	s2 =	sadd.s32 s19, s18  }
0x9c: {  	s6 =	simm.s32 $0x0;
	s20 =	sshll.u32 s4, $0x1;
	s4 =	sadd.s32 s21, s2  }
0x9d: {  	[timem:s6], [sflag:s22] =	dma.local [hbm:s4], s20  }
0x9e: {  	_ =	swait.ge [sflag:s22], s20  }
0x9f: {  	s3 =	ssub.s32 $0x0, s20;
	[sflag:s22] =	ssyncset.done $0x0  }
0xa0: {  	[sflag:s22] =	ssyncadd.s32 s3;
	_ =	sdelay $0x1  }
0xa1: {  	s23 =	simm.s32 $0x1B8B  }
0xa2: {  	_ =	swait.ge [sflag:s23], $0x1  }
0xa3: {  	[sflag:s23] =	ssyncset.done $0x0  }
0xa4: {  	s25 =	simm.s32 $0x1B8E;
	s24 =	sld [smem:$0x3FFE];
	[sflag:s23] =	ssyncadd.s32 $0xFFFFFFFF  }
0xa5: {  	s26 =	simm.s32 $execute0_lowered;
	[smem:$0x3FD2] =	sst s25  }
0xa6: {  	s4 =	sshll.u32 s26, $0x1;
	_ =	strace $0x80000046;
	[dreg:$0x1] =	wrdreg $0xFFFFFFFF  }
0xa7: {  	s28 =	simm.s32 $_size_execute0_lowered;
	s2 =	sadd.s32 s2, s4;
	[dreg:$0x0] =	wrdreg $0x0  }
0xa8: {  	s4 =	sshll.u32 s28, $0x1;
	[dreg:$0x2] =	wrdreg s2  }
0xa9: {  	[dreg:$0x3] =	wrdreg s4  }
0xaa: {  	[dreg:$0x4] =	wrdreg $0xC0  }
0xab: {  	_ =	task [dreg:s6], $0x5FFFF  }
0xac: {  	[dreg:$0x1] =	wrdreg $0xFFFFFFFF  }
0xad: {  	[dreg:$0x0] =	wrdreg $0x60  }
0xae: {  	[dreg:$0x2] =	wrdreg s24  }
0xaf: {  	[dreg:$0x3] =	wrdreg $0x0  }
0xb0: {  	[dreg:$0x4] =	wrdreg $0x9  }
0xb1: {  	_ =	task.clear_ibuf [dreg:s6], $0x5FFFF;
	_ =	strace $0x90000046  }
0xb2: {  	s29 =	simm.s32 $0x9;
	_ =	strace $0x80000048  }
0xb3: {  	_ =	swait.ge [sflag:s29], $0x1  }
0xb4: {  	[sflag:s29] =	ssyncadd.s32 $0xFFFFFFFF  }
0xb5: {  	_ =	strace $0x90000048  }
0xb6: {  	_ =	sfence  }
0xb7: {  	s30 =	sld [smem:$0x0];
	_ =	sdelay $0x2  }
0xb8: {  	s31 =	sshll.u32 s1, $0xD;
	s1 =	sshrl.u32 s1, $0x2  }
0xb9: {  	s3 =	sand.u32 $0x4000, s31;
	s1 =	sadd.s32 s1, s30  }
0xba: {  	s0 =	sor.u32 s3, s0;
	s1 =	sshll.u32 s1, $0x11  }
0xbb: {  	s0 =	sor.u32 s1, s0  }
0xbc: {  	s0 =	sadd.s32 $0x8F2B, s0  }
0xbd: {  	[sflag:s0] =	ssyncadd.remote.s32 $0x1  }
0xbe: {  	_ =	sfence.sel $0xFFFF  }
0xbf: {  	[dreg:$0x0] =	wrdreg $0xFFFFFFFF;
	(pc) =	sbr.abs _section_cstart, $3  }
0xc0: {  	[dreg:$0x1] =	wrdreg $0xFFFFFFFF  }
0xc1: {  	_ =	task.clear_ibuf [dreg:s6], $0x2FFFF;
	_ =	strace $0x9FFFFFFF  }
0xc2: {  	(tm) =	ssettm $0x7FFFFFFF  }
0xc3: {  	_ =	shalt  }
tec
execute0_lowered:
.L_overlay_start_1:
0x0: {  	(tag) =	ssettag $0x1  }
0x1: {  	s7 =	rddreg [dreg:$0x0]  }
0x2: {  	s0 =	srdreg.scid;
	s2 =	rddreg [dreg:$0x1];
	s3 =	simm.s32 $0x0  }
0x3: {  	s13 =	simm.s32 $0x14000;
	s14 =	simm.s32 $0x50;
	s6 =	sand.u32 $0x1, s0  }
0x4: {  	s15 =	simm.s32 $0x0;
	s0 =	stileid.u32;
	s5 =	smul.u32 $0x140000, s6  }
0x5: {  	[smem:$0x7FF] =	sst s3;
	s1 =	sshll.u32 s6, $0x4;
	s8 =	smul.u32 $0x14000, s0  }
0x6: {  	s10 =	smul.u32 $0x50000, s0;
	s6 =	ssub.s32 $0x2, s6;
	s1 =	sor.u32 s0, s1  }
0x7: {  	s11 =	sshll.u32 s0, $0x6;
	s31 =	sshrl.u32 s6, $0x1;
	s4 =	smul.u32 $0x4E2, s1  }
0x8: {  	s1 =	rddreg [dreg:$0x2];
	_ =	strace $0x80000047;
	s5 =	sadd.s32 s8, s5  }
0x9: {  	s10 =	sshrl.u32 s10, $0x2;
	s12 =	ssub.s32 s6, s31;
	s6 =	sor.u32 $0x1C01, s11  }
0xa: {  	s11 =	simm.s32 $0x1;
	s8 =	sshrl.u32 s5, $0x3;
	s5 =	sadd.s32 $0x1BE00, s7  }
0xb: {  	s10 =	sadd.s32 s10, s2;
	s9 =	sadd.s32 s4, s7;
	s4 =	sadd.s32 $0x19600, s7  }
0xc: {  	s8 =	sadd.s32 s8, s7;
	s10 =	sshrl.u32 s10, $0x3;
	s7 =	sadd.s32 $0xF800, s9  }
0xd: {  	s8 =	sadd.s32 $0x1C400, s8;
	s9 =	smax.u32 s12, $0x1;
	s12 =	simm.s32 $0x16780  }
.LBB2_1:
0xe: {  	[spmem:s10], [sflag:s6] =	dma.local [hbm:s4], $0x2800  }
0xf: {  	_ =	swait.ge [sflag:s11], $0x2800  }
0x10: {  	[sflag:s11] =	ssyncset.done $0x0  }
0x11: {  	[sflag:s11] =	ssyncadd.s32 $0xFFFFD800  }
0x12: {  	[tilespmem:s12], [sflag:$0x1] =	stream.linear.gather [hbm4b:s5+s3], $0x2800, $0x38;
	[tilespmem:$0x18F80] =	vst v63  }
0x13: {  	_ =	swait.ge [sflag:s11], $0x2800  }
0x14: {  	[sflag:s11] =	ssyncset.done $0x0  }
0x15: {  	[sflag:s11] =	ssyncadd.s32 $0xFFFFD800  }
0x16: {  	[tilespmem:s13], [sflag:$0x1] =	stream.linear.gather [hbm4b:s7+s3], $0x2710, $0x38;
	[tilespmem:$0x18F80] =	vst v63  }
0x17: {  	_ =	swait.ge [sflag:s11], $0x2710  }
0x18: {  	[sflag:s11] =	ssyncset.done $0x0  }
0x19: {  	[sflag:s11] =	ssyncadd.s32 $0xFFFFD8F0  }
0x1a: {  	s16 =	simm.s32 $0x14000;
	[bflag:$0x0] =	sbarrier.arrive $0xFFFF  }
0x1b: {  	[spmem:s2] =	stream.indirect.scatter.add.f32 [tilespmem:s12], [sflag:$0x1], $0x80, s16, s14, $0xb8;
	[tilespmem:$0x18F80] =	vst v63  }
0x1c: {  	s16 =	simm.s32 $0x140;
	_ =	swait.ge [sflag:s11], $0x2800  }
.LBB2_2:
0x1d: {  	s17 =	sshra.s32 s16, $0x2;
	[sflag:s11] =	ssyncset.done $0x0;
	p0 =	sne.s32 s16, $0x9B00  }
.Ltmp0:
0x1e: {  	s17 =	sadd.s32 $0x14000, s17;
	[sflag:s11] =	ssyncadd.s32 $0xFFFFD800;
	(pc) =	sbr.rel @p0 .LBB2_2-.Ltmp0, $3  }
0x1f: {  	[spmem:s2] =	stream.indirect.scatter.add.f32 [tilespmem:s12], [sflag:$0x1], $0x80, s17, s14, $0xb8;
	[tilespmem:$0x18F80] =	vst v63  }
0x20: {  	s16 =	sadd.s32 $0x140, s16;
	_ =	sdelay $0x1  }
0x21: {  	_ =	swait.ge [sflag:s11], $0x2800  }
0x22: {  	[sflag:s11] =	ssyncset.done $0x0;
	s15 =	sadd.s32 $0x1, s15  }
0x23: {  	[sflag:s11] =	ssyncadd.s32 $0xFFFFD800;
	p0 =	sne.s32 s15, s9  }
.Ltmp1:
0x24: {  	[bflag:$0x0] =	sbarrier.arrive $0xFFFF;
	(pc) =	sbr.rel @p0 .LBB2_1-.Ltmp1, $4  }
0x25: {  	[hbm:s8], [sflag:s6] =	dma.local [spmem:s10], $0x2800  }
0x26: {  	_ =	swait.ge [sflag:s11], $0x2800  }
0x27: {  	[sflag:s11] =	ssyncset.done $0x0  }
0x28: {  	[sflag:s11] =	ssyncadd.s32 $0xFFFFD800  }
0x29: {  	_ =	sfence.sel $0x180000  }
0x2a: {  	[bflag:$0x0] =	sbarrier.arrive $0xFFFF  }
0x2b: {  	p0 =	sne.s32 s0, $0x0;
	_ =	strace $0x90000047  }
0x2c: {  	s0 =	sadd.s32 @!p0 $0x100000, s1;
	[bflag:$0x2] =	sbarrier.arrive $0xFFFF  }
0x2d: {  	[sflag:s0] =	ssyncadd.tile.s32 @!p0 $0x1;
	_ =	shalt  }
.Lfunc_end2:
_tile_overlayer_lowered:
.L_overlay_start_2:
0x2e: {  	(tag) =	ssettag $0x2  }
0x2f: {  	s0 =	rddreg [dreg:$0x0];
	s2 =	stileid.u32  }
0x30: {  	s1 =	rddreg [dreg:$0x1];
	p0 =	sne.s32 s2, $0x0  }
0x31: {  	s3 =	rddreg [dreg:$0x2];
	[bflag:$0x3] =	sbarrier.arrive $0xFFFF;
	s2 =	simm.s32 @!p0 $0x1C01  }
0x32: {  	[timem:s3], [sflag:s2] =	dma.local @!p0 [hbm:s0], s1  }
0x33: {  	s0 =	simm.s32 @!p0 $0x1  }
0x34: {  	_ =	swait.ge @!p0 [sflag:s0], s1  }
0x35: {  	s1 =	ssub.s32 @!p0 $0x0, s1;
	[sflag:s0] =	ssyncset.done @!p0 $0x0  }
0x36: {  	[sflag:s0] =	ssyncadd.s32 @!p0 s1  }
0x37: {  	[bflag:$0x3] =	sbarrier.arrive $0xFFFF  }
0x38: {  	_ =	shalt  }

// kernel: kernel.24.cloned.1.call-start
scs
__scs_entry_jumppad:
0x0: {  	(pc) =	sbr.rel $0x88, $3  }
0x1: {  	(tag) =	ssettag $0x0;
	lr =	simm.s32 $0x1  }
0x2: {  	[smem:$0x3F8D] =	sst lr;
	_ =	strace $0xD0000000  }
0x3: {  	_ = 	snop  }
0x4: {  	_ = 	snop  }
0x5: {  	_ = 	snop  }
0x6: {  	_ = 	snop  }
0x7: {  	_ = 	snop  }
__scs_overlays_trampoline_lowered:
0x8: {  	[smem:$0x3F9C] =	sst s0  }
0x9: {  	[smem:$0x3F9D] =	sst s1  }
0xa: {  	[smem:$0x3F9E] =	sst s2  }
0xb: {  	[smem:$0x3F9F] =	sst s3  }
0xc: {  	[smem:$0x3FA0] =	sst s4  }
0xd: {  	[smem:$0x3FA1] =	sst s5  }
0xe: {  	[smem:$0x3FA2] =	sst s6  }
0xf: {  	[smem:$0x3FA3] =	sst s7  }
0x10: {  	[smem:$0x3FA4] =	sst s8  }
0x11: {  	[smem:$0x3FA5] =	sst s9;
	s0 =	simm.s32 @!p0 $0x0  }
0x12: {  	s1 =	sld [smem:$0x3F8B];
	s0 =	simm.s32 @p0 $0x1  }
0x13: {  	[smem:$0x3FA6] =	sst s0;
	s0 =	simm.s32 @!p1 $0x0  }
0x14: {  	s2 =	sld [smem:$0x3F8A];
	s0 =	simm.s32 @p1 $0x1  }
0x15: {  	[smem:$0x3FA7] =	sst s0;
	s0 =	simm.s32 @!p2 $0x0  }
0x16: {  	s3 =	sld [smem:$0x3FDB];
	s0 =	simm.s32 @p2 $0x1  }
0x17: {  	s4 =	simm.s32 $0x1BF5;
	[smem:$0x3FA9] =	sst s0  }
0x18: {  	s0 =	sld [smem:$0x3F8C];
	_ =	swait.ge [sflag:s4], $0x0  }
0x19: {  	s7 =	sld [smem:$0x3F8D]  }
0x1a: {  	s8 =	sadd.s32 $0xFFFFE003, lr  }
0x1b: {  	s9 =	sadd.s32 $0xFFFFFEF7, lr;
	s5 =	simm.s32 $0xFFFFFFFF;
	p2 =	slt.u32 s8, $0xFFFFF086  }
0x1c: {  	p1 =	slt.u32 s9, $0xF7A;
	s5 =	simm.s32 @!p2 $0x0  }
0x1d: {  	s5 =	simm.s32 @p1 $0x1;
	p0 =	seq.s32 s7, s2  }
0x1e: {  	s7 =	smul.u32 @!p0 $0xF7A, s2;
	p2 =	seq.s32 @!p0 s5, $0x0  }
0x1f: {  	s9 =	smul.u32 $0xF7A, s1;
	s8 =	simm.s32 @!p0 $0x1BF5;
	p2 =	por !p2, p0  }
0x20: {  	[sflag:s8] =	ssyncset.s32 @!p0 $0xFFFFF086;
	s6 =	sadd.s32 @!p0 s3, s7;
	s7 =	simm.s32 @!p0 $0x108  }
0x21: {  	s3 =	sadd.s32 s3, s9;
	s6 =	sadd.s32 @!p0 $0x88, s6;
	s7 =	simm.s32 @p2 $0x1082  }
0x22: {  	[simem:s7], [sflag:s8] =	dma.local @!p0 [hbm:s6], $0xF7A  }
0x23: {  	s9 =	sor.u32 $0xD0000000, s2;
	s6 =	simm.s32 $0x108;
	_ =	swait.ge @!p0 [sflag:s8], $0x0  }
0x24: {  	s3 =	sadd.s32 $0x88, s3;
	s6 =	simm.s32 @!p1 $0x1082;
	[sflag:s4] =	ssyncset.s32 $0xFFFFF086  }
0x25: {  	[simem:s6], [sflag:s4] =	dma.local [hbm:s3], $0xF7A  }
0x26: {  	[smem:$0x3F8D] =	sst s1;
	(tag) =	ssettag s2;
	_ =	strace s9  }
0x27: {  	s1 =	sld [smem:$0x3F9D]  }
0x28: {  	s2 =	sld [smem:$0x3F9E]  }
0x29: {  	s4 =	sld [smem:$0x3FA0]  }
0x2a: {  	p0 =	seq.s32 s5, $0x0;
	s5 =	sld [smem:$0x3FA1]  }
0x2b: {  	s6 =	sld [smem:$0x3FA2]  }
0x2c: {  	s7 =	sld [smem:$0x3FA3]  }
0x2d: {  	s3 =	simm.s32 $0x108;
	s8 =	sld [smem:$0x3FA4]  }
0x2e: {  	s3 =	simm.s32 @!p0 $0x1082;
	s9 =	sld [smem:$0x3FA5]  }
0x2f: {  	lr =	sadd.s32 s0, s3;
	s0 =	sld [smem:$0x3F9C]  }
0x30: {  	s3 =	sld [smem:$0x3F9F]  }
0x31: {  	[smem:$0x3FA8] =	sst s10  }
0x32: {  	s10 =	sld [smem:$0x3FA6];
	_ =	sdelay $0x3  }
0x33: {  	p0 =	seq.s32 s10, $0x1;
	s10 =	sld [smem:$0x3FA8];
	_ =	sdelay $0x3  }
0x34: {  	[smem:$0x3FA8] =	sst s10  }
0x35: {  	s10 =	sld [smem:$0x3FA7];
	_ =	sdelay $0x3  }
0x36: {  	p1 =	seq.s32 s10, $0x1;
	s10 =	sld [smem:$0x3FA8];
	_ =	sdelay $0x3  }
0x37: {  	[smem:$0x3FA8] =	sst s10  }
0x38: {  	s10 =	sld [smem:$0x3FA9]  }
0x39: {  	_ = 	snop;
	(pc) =	sbr.ind lr, $3  }
0x3a: {  	_ = 	snop  }
0x3b: {  	_ = 	snop  }
0x3c: {  	p2 =	seq.s32 s10, $0x1;
	s10 =	sld [smem:$0x3FA8]  }
0x3d: {  	_ =	shalt  }
0x3e: {  	_ =	shalt  }
0x3f: {  	_ =	shalt  }
0x40: {  	_ =	shalt  }
0x41: {  	_ =	shalt  }
0x42: {  	_ =	shalt  }
0x43: {  	_ =	shalt  }
0x44: {  	_ =	shalt  }
0x45: {  	_ =	shalt  }
0x46: {  	_ =	shalt  }
0x47: {  	_ =	shalt  }
0x48: {  	_ =	shalt  }
0x49: {  	_ =	shalt  }
0x4a: {  	_ =	shalt  }
0x4b: {  	_ =	shalt  }
0x4c: {  	_ =	shalt  }
0x4d: {  	_ =	shalt  }
0x4e: {  	_ =	shalt  }
0x4f: {  	_ =	shalt  }
0x50: {  	_ =	shalt  }
0x51: {  	_ =	shalt  }
0x52: {  	_ =	shalt  }
0x53: {  	_ =	shalt  }
0x54: {  	_ =	shalt  }
0x55: {  	_ =	shalt  }
0x56: {  	_ =	shalt  }
0x57: {  	_ =	shalt  }
0x58: {  	_ =	shalt  }
0x59: {  	_ =	shalt  }
0x5a: {  	_ =	shalt  }
0x5b: {  	_ =	shalt  }
0x5c: {  	_ =	shalt  }
0x5d: {  	_ =	shalt  }
0x5e: {  	_ =	shalt  }
0x5f: {  	_ =	shalt  }
0x60: {  	_ =	shalt  }
0x61: {  	_ =	shalt  }
0x62: {  	_ =	shalt  }
0x63: {  	_ =	shalt  }
0x64: {  	_ =	shalt  }
0x65: {  	_ =	shalt  }
0x66: {  	_ =	shalt  }
0x67: {  	_ =	shalt  }
0x68: {  	_ =	shalt  }
0x69: {  	_ =	shalt  }
0x6a: {  	_ =	shalt  }
0x6b: {  	_ =	shalt  }
0x6c: {  	_ =	shalt  }
0x6d: {  	_ =	shalt  }
0x6e: {  	_ =	shalt  }
0x6f: {  	_ =	shalt  }
0x70: {  	_ =	shalt  }
0x71: {  	_ =	shalt  }
0x72: {  	_ =	shalt  }
0x73: {  	_ =	shalt  }
0x74: {  	_ =	shalt  }
0x75: {  	_ =	shalt  }
0x76: {  	_ =	shalt  }
0x77: {  	_ =	shalt  }
0x78: {  	_ =	shalt  }
0x79: {  	_ =	shalt  }
0x7a: {  	_ =	shalt  }
0x7b: {  	_ =	shalt  }
0x7c: {  	_ =	shalt  }
0x7d: {  	_ =	shalt  }
0x7e: {  	_ =	shalt  }
0x7f: {  	_ =	shalt  }
0x80: {  	_ =	shalt  }
0x81: {  	_ =	shalt  }
0x82: {  	_ =	shalt  }
0x83: {  	_ =	shalt  }
0x84: {  	_ =	shalt  }
0x85: {  	_ =	shalt  }
0x86: {  	_ =	shalt  }
0x87: {  	_ =	shalt  }
.Lfunc_end0:
.L_simem_size_0:
called_computation.1_lowered:
.L_overlay_start_0:
0x88: {  	s2 =	sld [smem:$0x3FD9]  }
0x89: {  	s3 =	sld [smem:$0x3FFE];
	_ =	sdelay $0x1  }
0x8a: {  	s1 =	srdreg.scid  }
0x8b: {  	s0 =	sand.u32 $0x1, s1  }
0x8c: {  	s17 =	sshll.u32 s0, $0xA;
	s2 =	sadd.s32 s3, s2  }
0x8d: {  	s2 =	sadd.s32 s2, s17  }
0x8e: {  	[smem:$0x3FB4] =	sst s2  }
0x8f: {  	_ = 	snop  }
0x90: {  	s2 =	sld [smem:$0x3FC9];
	(tm) =	ssettm $0x1  }
0x91: {  	s18 =	sld [smem:$0x3FFB];
	_ =	sdelay $0x3  }
0x92: {  	_ =	strace s18  }
0x93: {  	s3 =	sld [smem:$0x3FFC];
	_ =	sdelay $0x3  }
0x94: {  	_ =	strace s3  }
0x95: {  	s3 =	sld [smem:$0x3FFD];
	_ =	sdelay $0x3  }
0x96: {  	_ =	strace s3  }
0x97: {  	_ =	strace $0x8FFFFFFF  }
0x98: {  	s19 =	sld [smem:$0x3FDB];
	_ =	sdelay $0x1  }
0x99: {  	s4 =	simm.s32 $_scs_section_size  }
0x9a: {  	s5 =	simm.s32 $_size__tile_overlayer_lowered;
	s6 =	simm.s32 $_tile_overlayer_lowered  }
0x9b: {  	s22 =	simm.s32 $0x1BFF;
	s21 =	sshll.u32 s6, $0x1;
	s3 =	sadd.s32 s4, s19  }
0x9c: {  	s7 =	simm.s32 $0x0;
	s20 =	sshll.u32 s5, $0x1;
	s5 =	sadd.s32 s21, s3  }
0x9d: {  	[timem:s7], [sflag:s22] =	dma.local [hbm:s5], s20  }
0x9e: {  	_ =	swait.ge [sflag:s22], s20  }
0x9f: {  	s4 =	ssub.s32 $0x0, s20;
	[sflag:s22] =	ssyncset.done $0x0  }
0xa0: {  	[sflag:s22] =	ssyncadd.s32 s4;
	_ =	sdelay $0x1  }
0xa1: {  	s23 =	simm.s32 $0x1B8B  }
0xa2: {  	_ =	swait.ge [sflag:s23], $0x1  }
0xa3: {  	[sflag:s23] =	ssyncset.done $0x0  }
0xa4: {  	s25 =	simm.s32 $0x1B8E;
	s24 =	sld [smem:$0x3FFE];
	[sflag:s23] =	ssyncadd.s32 $0xFFFFFFFF  }
0xa5: {  	s26 =	simm.s32 $execute0_lowered;
	[smem:$0x3FD2] =	sst s25  }
0xa6: {  	s5 =	sshll.u32 s26, $0x1;
	_ =	strace $0x80000049;
	[dreg:$0x1] =	wrdreg $0xFFFFFFFF  }
0xa7: {  	s28 =	simm.s32 $_size_execute0_lowered;
	s3 =	sadd.s32 s3, s5;
	[dreg:$0x0] =	wrdreg $0x0  }
0xa8: {  	s5 =	sshll.u32 s28, $0x1;
	[dreg:$0x2] =	wrdreg s3  }
0xa9: {  	[dreg:$0x3] =	wrdreg s5  }
0xaa: {  	[dreg:$0x4] =	wrdreg $0xC0  }
0xab: {  	_ =	task [dreg:s7], $0x5FFFF  }
0xac: {  	[dreg:$0x1] =	wrdreg $0xFFFFFFFF  }
0xad: {  	[dreg:$0x0] =	wrdreg $0x60  }
0xae: {  	[dreg:$0x2] =	wrdreg s2  }
0xaf: {  	[dreg:$0x3] =	wrdreg s24  }
0xb0: {  	[dreg:$0x4] =	wrdreg $0x0  }
0xb1: {  	[dreg:$0x5] =	wrdreg $0x9  }
0xb2: {  	_ =	task.clear_ibuf [dreg:s7], $0x6FFFF;
	_ =	strace $0x90000049  }
0xb3: {  	s29 =	simm.s32 $0x9;
	_ =	strace $0x8000004B  }
0xb4: {  	_ =	swait.ge [sflag:s29], $0x1  }
0xb5: {  	[sflag:s29] =	ssyncadd.s32 $0xFFFFFFFF  }
0xb6: {  	_ =	strace $0x9000004B  }
0xb7: {  	_ =	sfence  }
0xb8: {  	s30 =	sld [smem:$0x0];
	_ =	sdelay $0x2  }
0xb9: {  	s31 =	sshll.u32 s1, $0xD;
	s1 =	sshrl.u32 s1, $0x2  }
0xba: {  	s3 =	sand.u32 $0x4000, s31;
	s1 =	sadd.s32 s1, s30  }
0xbb: {  	s0 =	sor.u32 s3, s0;
	s1 =	sshll.u32 s1, $0x11  }
0xbc: {  	s0 =	sor.u32 s1, s0  }
0xbd: {  	s0 =	sadd.s32 $0x8F2B, s0  }
0xbe: {  	[sflag:s0] =	ssyncadd.remote.s32 $0x1  }
0xbf: {  	_ =	sfence.sel $0xFFFF  }
0xc0: {  	[dreg:$0x0] =	wrdreg $0xFFFFFFFF;
	(pc) =	sbr.abs _section_cstart, $3  }
0xc1: {  	[dreg:$0x1] =	wrdreg $0xFFFFFFFF  }
0xc2: {  	_ =	task.clear_ibuf [dreg:s7], $0x2FFFF;
	_ =	strace $0x9FFFFFFF  }
0xc3: {  	(tm) =	ssettm $0x7FFFFFFF  }
tec
execute0_lowered:
.L_overlay_start_1:
0x0: {  	(tag) =	ssettag $0x1  }
0x1: {  	s1 =	rddreg [dreg:$0x0]  }
0x2: {  	s6 =	rddreg [dreg:$0x1]  }
0x3: {  	s3 =	rddreg [dreg:$0x2];
	s2 =	srdreg.scid  }
0x4: {  	s0 =	rddreg [dreg:$0x3];
	s4 =	simm.s32 $0x0;
	s14 =	simm.s32 $0x16780  }
0x5: {  	s15 =	simm.s32 $0x50;
	s16 =	simm.s32 $0x18F00;
	s17 =	simm.s32 $0x1  }
0x6: {  	s18 =	simm.s32 $0x1B700;
	s19 =	simm.s32 $0x2;
	s7 =	sand.u32 $0x1, s2  }
0x7: {  	s20 =	simm.s32 $0x18E40;
	s2 =	stileid.u32;
	s8 =	smul.u32 $0x140000, s7  }
0x8: {  	s21 =	simm.s32 $0x0;
	[smem:$0x7FF] =	sst s4;
	s9 =	smul.u32 $0x14000, s2  }
0x9: {  	s5 =	sshll.u32 s7, $0x4;
	_ =	strace $0x8000004A;
	s10 =	smul.u32 $0x50000, s2  }
0xa: {  	s29 =	ssub.s32 $0x2, s7;
	s31 =	sshll.u32 s2, $0x6;
	s5 =	sor.u32 s2, s5  }
0xb: {  	s7 =	sshrl.u32 s29, $0x1;
	s5 =	smul.u32 $0x4E2, s5;
	s8 =	sadd.s32 s9, s8  }
0xc: {  	s30 =	sshrl.u32 s10, $0x2;
	s12 =	ssub.s32 s29, s7;
	s8 =	sshrl.u32 s8, $0x3  }
0xd: {  	s13 =	sadd.s32 s30, s3;
	s10 =	smax.u32 s12, $0x1;
	s12 =	simm.s32 $0x3  }
0xe: {  	s28 =	sadd.s32 s5, s6;
	s5 =	sadd.s32 $0x19600, s6;
	s11 =	sadd.s32 s8, s6  }
0xf: {  	s6 =	sor.u32 $0x1C03, s31;
	s7 =	sadd.s32 $0x5A00, s28;
	s8 =	sadd.s32 $0xF800, s28  }
0x10: {  	s9 =	sadd.s32 $0x6C400, s11;
	s11 =	sshrl.u32 s13, $0x3;
	s13 =	simm.s32 $0x14000  }
.LBB2_1:
0x11: {  	[spmem:s11], [sflag:s6] =	dma.local [hbm:s5], $0x2800  }
0x12: {  	_ =	swait.ge [sflag:s12], $0x2800  }
0x13: {  	[sflag:s12] =	ssyncset.done $0x0  }
0x14: {  	[sflag:s12] =	ssyncadd.s32 $0xFFFFD800  }
0x15: {  	[tilespmem:s13], [sflag:$0x3] =	stream.linear.gather [hbm4b:s7+s4], $0x2710, $0x38;
	[tilespmem:$0x1DF00] =	vst v63  }
0x16: {  	_ =	swait.ge [sflag:s12], $0x2710  }
0x17: {  	[sflag:s12] =	ssyncset.done $0x0  }
0x18: {  	[sflag:s12] =	ssyncadd.s32 $0xFFFFD8F0  }
0x19: {  	[tilespmem:s14], [sflag:$0x3] =	stream.linear.gather [hbm4b:s8+s4], $0x2710, $0x38;
	[tilespmem:$0x1DF00] =	vst v63  }
0x1a: {  	_ =	swait.ge [sflag:s12], $0x2710  }
0x1b: {  	[sflag:s12] =	ssyncset.done $0x0  }
0x1c: {  	[sflag:s12] =	ssyncadd.s32 $0xFFFFD8F0  }
0x1d: {  	[bflag:$0x0] =	sbarrier.arrive $0xFFFF  }
0x1e: {  	[tilespmem:s16], [sflag:$0x1] =	stream.indirect.gather [hbm4b:s1+s15], $0x80, s13, s15, $0xb8;
	[tilespmem:$0x1DF00] =	vst v63  }
0x1f: {  	_ =	swait.ge [sflag:s17], $0x2800  }
0x20: {  	[sflag:s17] =	ssyncset.done $0x0  }
0x21: {  	s22 =	simm.s32 $0x14050;
	[sflag:s17] =	ssyncadd.s32 $0xFFFFD800  }
0x22: {  	[tilespmem:s18], [sflag:$0x2] =	stream.indirect.gather [hbm4b:s1+s15], $0x80, s22, s15, $0xb8;
	[tilespmem:$0x1DF00] =	vst v63  }
0x23: {  	s29 =	simm.s32 $0x16780  }
0x24: {  	[spmem:s3] =	stream.indirect.scatter.add.f32 [tilespmem:s16], [sflag:$0x3], $0x80, s29, s15, $0xb8;
	[tilespmem:$0x1DF00] =	vst v63  }
0x25: {  	_ =	swait.ge [sflag:s12], $0x2800  }
0x26: {  	[sflag:s12] =	ssyncset.done $0x0  }
0x27: {  	[sflag:s12] =	ssyncadd.s32 $0xFFFFD800  }
0x28: {  	_ =	swait.ge [sflag:s19], $0x2800  }
0x29: {  	[sflag:s19] =	ssyncset.done $0x0  }
0x2a: {  	s30 =	simm.s32 $0x140A0;
	[sflag:s19] =	ssyncadd.s32 $0xFFFFD800  }
0x2b: {  	[tilespmem:s16], [sflag:$0x1] =	stream.indirect.gather [hbm4b:s1+s15], $0x80, s30, s15, $0xb8;
	[tilespmem:$0x1DF00] =	vst v63  }
0x2c: {  	s31 =	simm.s32 $0x167D0  }
0x2d: {  	[spmem:s3] =	stream.indirect.scatter.add.f32 [tilespmem:s18], [sflag:$0x3], $0x80, s31, s15, $0xb8;
	[tilespmem:$0x1DF00] =	vst v63  }
0x2e: {  	_ =	swait.ge [sflag:s12], $0x2800  }
0x2f: {  	s22 =	simm.s32 $0x280;
	[sflag:s12] =	ssyncset.done $0x0  }
.LBB2_2:
0x30: {  	p0 =	sne.s32 s22, $0x9880  }
0x31: {  	[sflag:s12] =	ssyncadd.s32 $0xFFFFD800;
	s23 =	smov.u32 s22;
	s22 =	sadd.s32 $0x280, s22  }
0x32: {  	_ = 	snop  }
0x33: {  	_ =	swait.ge [sflag:s17], $0x2800  }
0x34: {  	s23 =	sshra.s32 s23, $0x2;
	[sflag:s17] =	ssyncset.done $0x0  }
0x35: {  	s24 =	sadd.s32 $0x14050, s23;
	[sflag:s17] =	ssyncadd.s32 $0xFFFFD800  }
0x36: {  	[tilespmem:s18], [sflag:$0x2] =	stream.indirect.gather [hbm4b:s1+s15], $0x80, s24, s15, $0xb8;
	[tilespmem:$0x1DF00] =	vst v63  }
0x37: {  	s24 =	sadd.s32 $0x16780, s23  }
0x38: {  	[spmem:s3] =	stream.indirect.scatter.add.f32 [tilespmem:s16], [sflag:$0x3], $0x80, s24, s15, $0xb8;
	[tilespmem:$0x1DF00] =	vst v63  }
0x39: {  	_ =	swait.ge [sflag:s12], $0x2800  }
0x3a: {  	[sflag:s12] =	ssyncset.done $0x0  }
0x3b: {  	[sflag:s12] =	ssyncadd.s32 $0xFFFFD800  }
0x3c: {  	_ =	swait.ge [sflag:s19], $0x2800  }
0x3d: {  	[sflag:s19] =	ssyncset.done $0x0  }
0x3e: {  	s24 =	sadd.s32 $0x140A0, s23;
	[sflag:s19] =	ssyncadd.s32 $0xFFFFD800  }
0x3f: {  	[tilespmem:s16], [sflag:$0x1] =	stream.indirect.gather [hbm4b:s1+s15], $0x80, s24, s15, $0xb8;
	[tilespmem:$0x1DF00] =	vst v63  }
.Ltmp0:
0x40: {  	_ = 	snop;
	(pc) =	sbr.rel @p0 .LBB2_2-.Ltmp0, $4  }
0x41: {  	s23 =	sadd.s32 $0x167D0, s23  }
0x42: {  	[spmem:s3] =	stream.indirect.scatter.add.f32 [tilespmem:s18], [sflag:$0x3], $0x80, s23, s15, $0xb8;
	[tilespmem:$0x1DF00] =	vst v63  }
0x43: {  	_ =	swait.ge [sflag:s12], $0x2800  }
0x44: {  	[sflag:s12] =	ssyncset.done $0x0  }
0x45: {  	[sflag:s12] =	ssyncadd.s32 $0xFFFFD800  }
0x46: {  	_ =	swait.ge [sflag:s17], $0x2800  }
0x47: {  	[sflag:s17] =	ssyncset.done $0x0  }
0x48: {  	[sflag:s17] =	ssyncadd.s32 $0xFFFFD800  }
0x49: {  	[spmem:s3] =	stream.indirect.scatter.add.f32 [tilespmem:s16], [sflag:$0x3], $0x80, s20, s15, $0xb8;
	[tilespmem:$0x1DF00] =	vst v63  }
0x4a: {  	_ =	swait.ge [sflag:s12], $0x2800  }
0x4b: {  	s21 =	sadd.s32 $0x1, s21;
	[sflag:s12] =	ssyncset.done $0x0  }
0x4c: {  	p0 =	sne.s32 s21, s10;
	[sflag:s12] =	ssyncadd.s32 $0xFFFFD800  }
.Ltmp1:
0x4d: {  	[bflag:$0x0] =	sbarrier.arrive $0xFFFF;
	(pc) =	sbr.rel @p0 .LBB2_1-.Ltmp1, $4  }
0x4e: {  	[hbm:s9], [sflag:s6] =	dma.local [spmem:s11], $0x2800  }
0x4f: {  	_ =	swait.ge [sflag:s12], $0x2800  }
0x50: {  	[sflag:s12] =	ssyncset.done $0x0  }
0x51: {  	[sflag:s12] =	ssyncadd.s32 $0xFFFFD800  }
0x52: {  	_ =	sfence.sel $0x180000  }
0x53: {  	[bflag:$0x0] =	sbarrier.arrive $0xFFFF  }
0x54: {  	p0 =	sne.s32 s2, $0x0;
	_ =	strace $0x9000004A  }
0x55: {  	s0 =	sadd.s32 @!p0 $0x100000, s0;
	[bflag:$0x2] =	sbarrier.arrive $0xFFFF  }
0x56: {  	[sflag:s0] =	ssyncadd.tile.s32 @!p0 $0x1;
	_ =	shalt  }
.Lfunc_end2:
_tile_overlayer_lowered:
.L_overlay_start_2:
0x57: {  	(tag) =	ssettag $0x2  }
0x58: {  	s0 =	rddreg [dreg:$0x0];
	s2 =	stileid.u32  }
0x59: {  	s1 =	rddreg [dreg:$0x1];
	p0 =	sne.s32 s2, $0x0  }
0x5a: {  	s3 =	rddreg [dreg:$0x2];
	[bflag:$0x3] =	sbarrier.arrive $0xFFFF;
	s2 =	simm.s32 @!p0 $0x1C03  }
0x5b: {  	[timem:s3], [sflag:s2] =	dma.local @!p0 [hbm:s0], s1  }
0x5c: {  	s0 =	simm.s32 @!p0 $0x3  }
0x5d: {  	_ =	swait.ge @!p0 [sflag:s0], s1  }
0x5e: {  	s1 =	ssub.s32 @!p0 $0x0, s1;
	[sflag:s0] =	ssyncset.done @!p0 $0x0  }
0x5f: {  	[sflag:s0] =	ssyncadd.s32 @!p0 s1  }
0x60: {  	[bflag:$0x3] =	sbarrier.arrive $0xFFFF  }
0x61: {  	_ =	shalt  }

// kernel: kernel.27.cloned.1.call-start
scs
__scs_entry_jumppad:
0x0: {  	(pc) =	sbr.rel $0x88, $3  }
0x1: {  	(tag) =	ssettag $0x0;
	lr =	simm.s32 $0x1  }
0x2: {  	[smem:$0x3F8D] =	sst lr;
	_ =	strace $0xD0000000  }
0x3: {  	_ = 	snop  }
0x4: {  	_ = 	snop  }
0x5: {  	_ = 	snop  }
0x6: {  	_ = 	snop  }
0x7: {  	_ = 	snop  }
__scs_overlays_trampoline_lowered:
0x8: {  	[smem:$0x3F9C] =	sst s0  }
0x9: {  	[smem:$0x3F9D] =	sst s1  }
0xa: {  	[smem:$0x3F9E] =	sst s2  }
0xb: {  	[smem:$0x3F9F] =	sst s3  }
0xc: {  	[smem:$0x3FA0] =	sst s4  }
0xd: {  	[smem:$0x3FA1] =	sst s5  }
0xe: {  	[smem:$0x3FA2] =	sst s6  }
0xf: {  	[smem:$0x3FA3] =	sst s7  }
0x10: {  	[smem:$0x3FA4] =	sst s8  }
0x11: {  	[smem:$0x3FA5] =	sst s9;
	s0 =	simm.s32 @!p0 $0x0  }
0x12: {  	s1 =	sld [smem:$0x3F8B];
	s0 =	simm.s32 @p0 $0x1  }
0x13: {  	[smem:$0x3FA6] =	sst s0;
	s0 =	simm.s32 @!p1 $0x0  }
0x14: {  	s2 =	sld [smem:$0x3F8A];
	s0 =	simm.s32 @p1 $0x1  }
0x15: {  	[smem:$0x3FA7] =	sst s0;
	s0 =	simm.s32 @!p2 $0x0  }
0x16: {  	s3 =	sld [smem:$0x3FDB];
	s0 =	simm.s32 @p2 $0x1  }
0x17: {  	s4 =	simm.s32 $0x1BF5;
	[smem:$0x3FA9] =	sst s0  }
0x18: {  	s0 =	sld [smem:$0x3F8C];
	_ =	swait.ge [sflag:s4], $0x0  }
0x19: {  	s7 =	sld [smem:$0x3F8D]  }
0x1a: {  	s8 =	sadd.s32 $0xFFFFE003, lr  }
0x1b: {  	s9 =	sadd.s32 $0xFFFFFEF7, lr;
	s5 =	simm.s32 $0xFFFFFFFF;
	p2 =	slt.u32 s8, $0xFFFFF086  }
0x1c: {  	p1 =	slt.u32 s9, $0xF7A;
	s5 =	simm.s32 @!p2 $0x0  }
0x1d: {  	s5 =	simm.s32 @p1 $0x1;
	p0 =	seq.s32 s7, s2  }
0x1e: {  	s7 =	smul.u32 @!p0 $0xF7A, s2;
	p2 =	seq.s32 @!p0 s5, $0x0  }
0x1f: {  	s9 =	smul.u32 $0xF7A, s1;
	s8 =	simm.s32 @!p0 $0x1BF5;
	p2 =	por !p2, p0  }
0x20: {  	[sflag:s8] =	ssyncset.s32 @!p0 $0xFFFFF086;
	s6 =	sadd.s32 @!p0 s3, s7;
	s7 =	simm.s32 @!p0 $0x108  }
0x21: {  	s3 =	sadd.s32 s3, s9;
	s6 =	sadd.s32 @!p0 $0x88, s6;
	s7 =	simm.s32 @p2 $0x1082  }
0x22: {  	[simem:s7], [sflag:s8] =	dma.local @!p0 [hbm:s6], $0xF7A  }
0x23: {  	s9 =	sor.u32 $0xD0000000, s2;
	s6 =	simm.s32 $0x108;
	_ =	swait.ge @!p0 [sflag:s8], $0x0  }
0x24: {  	s3 =	sadd.s32 $0x88, s3;
	s6 =	simm.s32 @!p1 $0x1082;
	[sflag:s4] =	ssyncset.s32 $0xFFFFF086  }
0x25: {  	[simem:s6], [sflag:s4] =	dma.local [hbm:s3], $0xF7A  }
0x26: {  	[smem:$0x3F8D] =	sst s1;
	(tag) =	ssettag s2;
	_ =	strace s9  }
0x27: {  	s1 =	sld [smem:$0x3F9D]  }
0x28: {  	s2 =	sld [smem:$0x3F9E]  }
0x29: {  	s4 =	sld [smem:$0x3FA0]  }
0x2a: {  	p0 =	seq.s32 s5, $0x0;
	s5 =	sld [smem:$0x3FA1]  }
0x2b: {  	s6 =	sld [smem:$0x3FA2]  }
0x2c: {  	s7 =	sld [smem:$0x3FA3]  }
0x2d: {  	s3 =	simm.s32 $0x108;
	s8 =	sld [smem:$0x3FA4]  }
0x2e: {  	s3 =	simm.s32 @!p0 $0x1082;
	s9 =	sld [smem:$0x3FA5]  }
0x2f: {  	lr =	sadd.s32 s0, s3;
	s0 =	sld [smem:$0x3F9C]  }
0x30: {  	s3 =	sld [smem:$0x3F9F]  }
0x31: {  	[smem:$0x3FA8] =	sst s10  }
0x32: {  	s10 =	sld [smem:$0x3FA6];
	_ =	sdelay $0x3  }
0x33: {  	p0 =	seq.s32 s10, $0x1;
	s10 =	sld [smem:$0x3FA8];
	_ =	sdelay $0x3  }
0x34: {  	[smem:$0x3FA8] =	sst s10  }
0x35: {  	s10 =	sld [smem:$0x3FA7];
	_ =	sdelay $0x3  }
0x36: {  	p1 =	seq.s32 s10, $0x1;
	s10 =	sld [smem:$0x3FA8];
	_ =	sdelay $0x3  }
0x37: {  	[smem:$0x3FA8] =	sst s10  }
0x38: {  	s10 =	sld [smem:$0x3FA9]  }
0x39: {  	_ = 	snop;
	(pc) =	sbr.ind lr, $3  }
0x3a: {  	_ = 	snop  }
0x3b: {  	_ = 	snop  }
0x3c: {  	p2 =	seq.s32 s10, $0x1;
	s10 =	sld [smem:$0x3FA8]  }
0x3d: {  	_ =	shalt  }
0x3e: {  	_ =	shalt  }
0x3f: {  	_ =	shalt  }
0x40: {  	_ =	shalt  }
0x41: {  	_ =	shalt  }
0x42: {  	_ =	shalt  }
0x43: {  	_ =	shalt  }
0x44: {  	_ =	shalt  }
0x45: {  	_ =	shalt  }
0x46: {  	_ =	shalt  }
0x47: {  	_ =	shalt  }
0x48: {  	_ =	shalt  }
0x49: {  	_ =	shalt  }
0x4a: {  	_ =	shalt  }
0x4b: {  	_ =	shalt  }
0x4c: {  	_ =	shalt  }
0x4d: {  	_ =	shalt  }
0x4e: {  	_ =	shalt  }
0x4f: {  	_ =	shalt  }
0x50: {  	_ =	shalt  }
0x51: {  	_ =	shalt  }
0x52: {  	_ =	shalt  }
0x53: {  	_ =	shalt  }
0x54: {  	_ =	shalt  }
0x55: {  	_ =	shalt  }
0x56: {  	_ =	shalt  }
0x57: {  	_ =	shalt  }
0x58: {  	_ =	shalt  }
0x59: {  	_ =	shalt  }
0x5a: {  	_ =	shalt  }
0x5b: {  	_ =	shalt  }
0x5c: {  	_ =	shalt  }
0x5d: {  	_ =	shalt  }
0x5e: {  	_ =	shalt  }
0x5f: {  	_ =	shalt  }
0x60: {  	_ =	shalt  }
0x61: {  	_ =	shalt  }
0x62: {  	_ =	shalt  }
0x63: {  	_ =	shalt  }
0x64: {  	_ =	shalt  }
0x65: {  	_ =	shalt  }
0x66: {  	_ =	shalt  }
0x67: {  	_ =	shalt  }
0x68: {  	_ =	shalt  }
0x69: {  	_ =	shalt  }
0x6a: {  	_ =	shalt  }
0x6b: {  	_ =	shalt  }
0x6c: {  	_ =	shalt  }
0x6d: {  	_ =	shalt  }
0x6e: {  	_ =	shalt  }
0x6f: {  	_ =	shalt  }
0x70: {  	_ =	shalt  }
0x71: {  	_ =	shalt  }
0x72: {  	_ =	shalt  }
0x73: {  	_ =	shalt  }
0x74: {  	_ =	shalt  }
0x75: {  	_ =	shalt  }
0x76: {  	_ =	shalt  }
0x77: {  	_ =	shalt  }
0x78: {  	_ =	shalt  }
0x79: {  	_ =	shalt  }
0x7a: {  	_ =	shalt  }
0x7b: {  	_ =	shalt  }
0x7c: {  	_ =	shalt  }
0x7d: {  	_ =	shalt  }
0x7e: {  	_ =	shalt  }
0x7f: {  	_ =	shalt  }
0x80: {  	_ =	shalt  }
0x81: {  	_ =	shalt  }
0x82: {  	_ =	shalt  }
0x83: {  	_ =	shalt  }
0x84: {  	_ =	shalt  }
0x85: {  	_ =	shalt  }
0x86: {  	_ =	shalt  }
0x87: {  	_ =	shalt  }
.Lfunc_end0:
.L_simem_size_0:
called_computation.2_lowered:
.L_overlay_start_0:
0x88: {  	s2 =	sld [smem:$0x3FD9]  }
0x89: {  	s3 =	sld [smem:$0x3FFE];
	_ =	sdelay $0x1  }
0x8a: {  	s1 =	srdreg.scid  }
0x8b: {  	s0 =	sand.u32 $0x1, s1  }
0x8c: {  	s16 =	sshll.u32 s0, $0xA;
	s2 =	sadd.s32 s3, s2  }
0x8d: {  	s2 =	sadd.s32 s2, s16  }
0x8e: {  	[smem:$0x3FB4] =	sst s2  }
0x8f: {  	_ = 	snop  }
0x90: {  	(tm) =	ssettm $0x1  }
0x91: {  	s17 =	sld [smem:$0x3FFB];
	_ =	sdelay $0x3  }
0x92: {  	_ =	strace s17  }
0x93: {  	s2 =	sld [smem:$0x3FFC];
	_ =	sdelay $0x3  }
0x94: {  	_ =	strace s2  }
0x95: {  	s2 =	sld [smem:$0x3FFD];
	_ =	sdelay $0x3  }
0x96: {  	_ =	strace s2  }
0x97: {  	_ =	strace $0x8FFFFFFF  }
0x98: {  	s18 =	sld [smem:$0x3FDB];
	_ =	sdelay $0x1  }
0x99: {  	s19 =	simm.s32 $_scs_section_size  }
0x9a: {  	s4 =	simm.s32 $_size__tile_overlayer_lowered;
	s5 =	simm.s32 $_tile_overlayer_lowered  }
0x9b: {  	s22 =	simm.s32 $0x1BFF;
	s21 =	sshll.u32 s5, $0x1;
	s2 =	sadd.s32 s19, s18  }
0x9c: {  	s6 =	simm.s32 $0x0;
	s20 =	sshll.u32 s4, $0x1;
	s4 =	sadd.s32 s21, s2  }
0x9d: {  	[timem:s6], [sflag:s22] =	dma.local [hbm:s4], s20  }
0x9e: {  	_ =	swait.ge [sflag:s22], s20  }
0x9f: {  	s3 =	ssub.s32 $0x0, s20;
	[sflag:s22] =	ssyncset.done $0x0  }
0xa0: {  	[sflag:s22] =	ssyncadd.s32 s3;
	_ =	sdelay $0x1  }
0xa1: {  	s23 =	simm.s32 $0x1B8B  }
0xa2: {  	_ =	swait.ge [sflag:s23], $0x1  }
0xa3: {  	[sflag:s23] =	ssyncset.done $0x0  }
0xa4: {  	s25 =	simm.s32 $0x1B8E;
	s24 =	sld [smem:$0x3FFE];
	[sflag:s23] =	ssyncadd.s32 $0xFFFFFFFF  }
0xa5: {  	s26 =	simm.s32 $execute0_lowered;
	[smem:$0x3FD2] =	sst s25  }
0xa6: {  	s4 =	sshll.u32 s26, $0x1;
	_ =	strace $0x8000004C;
	[dreg:$0x1] =	wrdreg $0xFFFFFFFF  }
0xa7: {  	s28 =	simm.s32 $_size_execute0_lowered;
	s2 =	sadd.s32 s2, s4;
	[dreg:$0x0] =	wrdreg $0x0  }
0xa8: {  	s4 =	sshll.u32 s28, $0x1;
	[dreg:$0x2] =	wrdreg s2  }
0xa9: {  	[dreg:$0x3] =	wrdreg s4  }
0xaa: {  	[dreg:$0x4] =	wrdreg $0xC0  }
0xab: {  	_ =	task [dreg:s6], $0x5FFFF  }
0xac: {  	[dreg:$0x1] =	wrdreg $0xFFFFFFFF  }
0xad: {  	[dreg:$0x0] =	wrdreg $0x60  }
0xae: {  	[dreg:$0x2] =	wrdreg s24  }
0xaf: {  	[dreg:$0x3] =	wrdreg $0x0  }
0xb0: {  	[dreg:$0x4] =	wrdreg $0x9  }
0xb1: {  	_ =	task.clear_ibuf [dreg:s6], $0x5FFFF;
	_ =	strace $0x9000004C  }
0xb2: {  	s29 =	simm.s32 $0x9;
	_ =	strace $0x8000004E  }
0xb3: {  	_ =	swait.ge [sflag:s29], $0x1  }
0xb4: {  	[sflag:s29] =	ssyncadd.s32 $0xFFFFFFFF  }
0xb5: {  	_ =	strace $0x9000004E  }
0xb6: {  	_ =	sfence  }
0xb7: {  	s30 =	sld [smem:$0x0];
	_ =	sdelay $0x2  }
0xb8: {  	s31 =	sshll.u32 s1, $0xD;
	s1 =	sshrl.u32 s1, $0x2  }
0xb9: {  	s3 =	sand.u32 $0x4000, s31;
	s1 =	sadd.s32 s1, s30  }
0xba: {  	s0 =	sor.u32 s3, s0;
	s1 =	sshll.u32 s1, $0x11  }
0xbb: {  	s0 =	sor.u32 s1, s0  }
0xbc: {  	s0 =	sadd.s32 $0x8F2B, s0  }
0xbd: {  	[sflag:s0] =	ssyncadd.remote.s32 $0x1  }
0xbe: {  	_ =	sfence.sel $0xFFFF  }
0xbf: {  	[dreg:$0x0] =	wrdreg $0xFFFFFFFF;
	(pc) =	sbr.abs _section_cstart, $3  }
0xc0: {  	[dreg:$0x1] =	wrdreg $0xFFFFFFFF  }
0xc1: {  	_ =	task.clear_ibuf [dreg:s6], $0x2FFFF;
	_ =	strace $0x9FFFFFFF  }
0xc2: {  	(tm) =	ssettm $0x7FFFFFFF  }
0xc3: {  	_ =	shalt  }
tec
execute0_lowered:
.L_overlay_start_1:
0x0: {  	(tag) =	ssettag $0x1  }
0x1: {  	s6 =	rddreg [dreg:$0x0]  }
0x2: {  	s2 =	rddreg [dreg:$0x1]  }
0x3: {  	s1 =	srdreg.scid;
	s0 =	rddreg [dreg:$0x2]  }
0x4: {  	s3 =	simm.s32 $0x0;
	s14 =	simm.s32 $0x16780;
	s15 =	simm.s32 $0x50  }
0x5: {  	s16 =	simm.s32 $0x18F00;
	s17 =	simm.s32 $0x1;
	s18 =	simm.s32 $0x1B700  }
0x6: {  	s19 =	simm.s32 $0x2;
	s20 =	simm.s32 $0x18E40;
	s7 =	sand.u32 $0x1, s1  }
0x7: {  	s21 =	simm.s32 $0x0;
	s1 =	stileid.u32;
	s5 =	smul.u32 $0x140000, s7  }
0x8: {  	[smem:$0x7FF] =	sst s3;
	s4 =	sshll.u32 s7, $0x4;
	s8 =	smul.u32 $0x14000, s1  }
0x9: {  	_ =	strace $0x8000004D;
	s10 =	smul.u32 $0x50000, s1;
	s31 =	ssub.s32 $0x2, s7  }
0xa: {  	s11 =	sshll.u32 s1, $0x6;
	s4 =	sor.u32 s1, s4;
	s7 =	sshrl.u32 s31, $0x1  }
0xb: {  	s9 =	smul.u32 $0x4E2, s4;
	s4 =	sadd.s32 $0x6C400, s6;
	s5 =	sadd.s32 s8, s5  }
0xc: {  	s10 =	sshrl.u32 s10, $0x2;
	s12 =	ssub.s32 s31, s7;
	s30 =	sshrl.u32 s5, $0x3  }
0xd: {  	s5 =	sadd.s32 $0x19600, s6;
	s13 =	sadd.s32 s10, s2;
	s10 =	smax.u32 s12, $0x1  }
0xe: {  	s12 =	simm.s32 $0x3;
	s29 =	sadd.s32 s9, s6;
	s9 =	sadd.s32 s30, s6  }
0xf: {  	s6 =	sor.u32 $0x1C03, s11;
	s11 =	sshrl.u32 s13, $0x3;
	s13 =	simm.s32 $0x14000  }
0x10: {  	s7 =	sadd.s32 $0x5A00, s29;
	s8 =	sadd.s32 $0xF800, s29;
	s9 =	sadd.s32 $0xE1A00, s9  }
.LBB2_1:
0x11: {  	[spmem:s11], [sflag:s6] =	dma.local [hbm:s5], $0x2800  }
0x12: {  	_ =	swait.ge [sflag:s12], $0x2800  }
0x13: {  	[sflag:s12] =	ssyncset.done $0x0  }
0x14: {  	[sflag:s12] =	ssyncadd.s32 $0xFFFFD800  }
0x15: {  	[tilespmem:s13], [sflag:$0x3] =	stream.linear.gather [hbm4b:s7+s3], $0x2710, $0x38;
	[tilespmem:$0x1DF00] =	vst v63  }
0x16: {  	_ =	swait.ge [sflag:s12], $0x2710  }
0x17: {  	[sflag:s12] =	ssyncset.done $0x0  }
0x18: {  	[sflag:s12] =	ssyncadd.s32 $0xFFFFD8F0  }
0x19: {  	[tilespmem:s14], [sflag:$0x3] =	stream.linear.gather [hbm4b:s8+s3], $0x2710, $0x38;
	[tilespmem:$0x1DF00] =	vst v63  }
0x1a: {  	_ =	swait.ge [sflag:s12], $0x2710  }
0x1b: {  	[sflag:s12] =	ssyncset.done $0x0  }
0x1c: {  	[sflag:s12] =	ssyncadd.s32 $0xFFFFD8F0  }
0x1d: {  	[bflag:$0x0] =	sbarrier.arrive $0xFFFF  }
0x1e: {  	[tilespmem:s16], [sflag:$0x1] =	stream.indirect.gather [hbm4b:s4+s15], $0x80, s13, s15, $0xb8;
	[tilespmem:$0x1DF00] =	vst v63  }
0x1f: {  	_ =	swait.ge [sflag:s17], $0x2800  }
0x20: {  	[sflag:s17] =	ssyncset.done $0x0  }
0x21: {  	s22 =	simm.s32 $0x14050;
	[sflag:s17] =	ssyncadd.s32 $0xFFFFD800  }
0x22: {  	[tilespmem:s18], [sflag:$0x2] =	stream.indirect.gather [hbm4b:s4+s15], $0x80, s22, s15, $0xb8;
	[tilespmem:$0x1DF00] =	vst v63  }
0x23: {  	s29 =	simm.s32 $0x16780  }
0x24: {  	[spmem:s2] =	stream.indirect.scatter.add.f32 [tilespmem:s16], [sflag:$0x3], $0x80, s29, s15, $0xb8;
	[tilespmem:$0x1DF00] =	vst v63  }
0x25: {  	_ =	swait.ge [sflag:s12], $0x2800  }
0x26: {  	[sflag:s12] =	ssyncset.done $0x0  }
0x27: {  	[sflag:s12] =	ssyncadd.s32 $0xFFFFD800  }
0x28: {  	_ =	swait.ge [sflag:s19], $0x2800  }
0x29: {  	[sflag:s19] =	ssyncset.done $0x0  }
0x2a: {  	s30 =	simm.s32 $0x140A0;
	[sflag:s19] =	ssyncadd.s32 $0xFFFFD800  }
0x2b: {  	[tilespmem:s16], [sflag:$0x1] =	stream.indirect.gather [hbm4b:s4+s15], $0x80, s30, s15, $0xb8;
	[tilespmem:$0x1DF00] =	vst v63  }
0x2c: {  	s31 =	simm.s32 $0x167D0  }
0x2d: {  	[spmem:s2] =	stream.indirect.scatter.add.f32 [tilespmem:s18], [sflag:$0x3], $0x80, s31, s15, $0xb8;
	[tilespmem:$0x1DF00] =	vst v63  }
0x2e: {  	_ =	swait.ge [sflag:s12], $0x2800  }
0x2f: {  	s22 =	simm.s32 $0x280;
	[sflag:s12] =	ssyncset.done $0x0  }
.LBB2_2:
0x30: {  	p0 =	sne.s32 s22, $0x9880  }
0x31: {  	[sflag:s12] =	ssyncadd.s32 $0xFFFFD800;
	s23 =	smov.u32 s22;
	s22 =	sadd.s32 $0x280, s22  }
0x32: {  	_ = 	snop  }
0x33: {  	_ =	swait.ge [sflag:s17], $0x2800  }
0x34: {  	s23 =	sshra.s32 s23, $0x2;
	[sflag:s17] =	ssyncset.done $0x0  }
0x35: {  	s24 =	sadd.s32 $0x14050, s23;
	[sflag:s17] =	ssyncadd.s32 $0xFFFFD800  }
0x36: {  	[tilespmem:s18], [sflag:$0x2] =	stream.indirect.gather [hbm4b:s4+s15], $0x80, s24, s15, $0xb8;
	[tilespmem:$0x1DF00] =	vst v63  }
0x37: {  	s24 =	sadd.s32 $0x16780, s23  }
0x38: {  	[spmem:s2] =	stream.indirect.scatter.add.f32 [tilespmem:s16], [sflag:$0x3], $0x80, s24, s15, $0xb8;
	[tilespmem:$0x1DF00] =	vst v63  }
0x39: {  	_ =	swait.ge [sflag:s12], $0x2800  }
0x3a: {  	[sflag:s12] =	ssyncset.done $0x0  }
0x3b: {  	[sflag:s12] =	ssyncadd.s32 $0xFFFFD800  }
0x3c: {  	_ =	swait.ge [sflag:s19], $0x2800  }
0x3d: {  	[sflag:s19] =	ssyncset.done $0x0  }
0x3e: {  	s24 =	sadd.s32 $0x140A0, s23;
	[sflag:s19] =	ssyncadd.s32 $0xFFFFD800  }
0x3f: {  	[tilespmem:s16], [sflag:$0x1] =	stream.indirect.gather [hbm4b:s4+s15], $0x80, s24, s15, $0xb8;
	[tilespmem:$0x1DF00] =	vst v63  }
.Ltmp0:
0x40: {  	_ = 	snop;
	(pc) =	sbr.rel @p0 .LBB2_2-.Ltmp0, $4  }
0x41: {  	s23 =	sadd.s32 $0x167D0, s23  }
0x42: {  	[spmem:s2] =	stream.indirect.scatter.add.f32 [tilespmem:s18], [sflag:$0x3], $0x80, s23, s15, $0xb8;
	[tilespmem:$0x1DF00] =	vst v63  }
0x43: {  	_ =	swait.ge [sflag:s12], $0x2800  }
0x44: {  	[sflag:s12] =	ssyncset.done $0x0  }
0x45: {  	[sflag:s12] =	ssyncadd.s32 $0xFFFFD800  }
0x46: {  	_ =	swait.ge [sflag:s17], $0x2800  }
0x47: {  	[sflag:s17] =	ssyncset.done $0x0  }
0x48: {  	[sflag:s17] =	ssyncadd.s32 $0xFFFFD800  }
0x49: {  	[spmem:s2] =	stream.indirect.scatter.add.f32 [tilespmem:s16], [sflag:$0x3], $0x80, s20, s15, $0xb8;
	[tilespmem:$0x1DF00] =	vst v63  }
0x4a: {  	_ =	swait.ge [sflag:s12], $0x2800  }
0x4b: {  	s21 =	sadd.s32 $0x1, s21;
	[sflag:s12] =	ssyncset.done $0x0  }
0x4c: {  	p0 =	sne.s32 s21, s10;
	[sflag:s12] =	ssyncadd.s32 $0xFFFFD800  }
.Ltmp1:
0x4d: {  	[bflag:$0x0] =	sbarrier.arrive $0xFFFF;
	(pc) =	sbr.rel @p0 .LBB2_1-.Ltmp1, $4  }
0x4e: {  	[hbm:s9], [sflag:s6] =	dma.local [spmem:s11], $0x2800  }
0x4f: {  	_ =	swait.ge [sflag:s12], $0x2800  }
0x50: {  	[sflag:s12] =	ssyncset.done $0x0  }
0x51: {  	[sflag:s12] =	ssyncadd.s32 $0xFFFFD800  }
0x52: {  	_ =	sfence.sel $0x180000  }
0x53: {  	[bflag:$0x0] =	sbarrier.arrive $0xFFFF  }
0x54: {  	p0 =	sne.s32 s1, $0x0;
	_ =	strace $0x9000004D  }
0x55: {  	s0 =	sadd.s32 @!p0 $0x100000, s0;
	[bflag:$0x2] =	sbarrier.arrive $0xFFFF  }
0x56: {  	[sflag:s0] =	ssyncadd.tile.s32 @!p0 $0x1;
	_ =	shalt  }
.Lfunc_end2:
_tile_overlayer_lowered:
.L_overlay_start_2:
0x57: {  	(tag) =	ssettag $0x2  }
0x58: {  	s0 =	rddreg [dreg:$0x0];
	s2 =	stileid.u32  }
0x59: {  	s1 =	rddreg [dreg:$0x1];
	p0 =	sne.s32 s2, $0x0  }
0x5a: {  	s3 =	rddreg [dreg:$0x2];
	[bflag:$0x3] =	sbarrier.arrive $0xFFFF;
	s2 =	simm.s32 @!p0 $0x1C03  }
0x5b: {  	[timem:s3], [sflag:s2] =	dma.local @!p0 [hbm:s0], s1  }
0x5c: {  	s0 =	simm.s32 @!p0 $0x3  }
0x5d: {  	_ =	swait.ge @!p0 [sflag:s0], s1  }
0x5e: {  	s1 =	ssub.s32 @!p0 $0x0, s1;
	[sflag:s0] =	ssyncset.done @!p0 $0x0  }
0x5f: {  	[sflag:s0] =	ssyncadd.s32 @!p0 s1  }
0x60: {  	[bflag:$0x3] =	sbarrier.arrive $0xFFFF  }
0x61: {  	_ =	shalt  }

// kernel: kernel.30.cloned.1.call-start
scs
__scs_entry_jumppad:
0x0: {  	(pc) =	sbr.rel $0x88, $3  }
0x1: {  	(tag) =	ssettag $0x0;
	lr =	simm.s32 $0x1  }
0x2: {  	[smem:$0x3F8D] =	sst lr;
	_ =	strace $0xD0000000  }
0x3: {  	_ = 	snop  }
0x4: {  	_ = 	snop  }
0x5: {  	_ = 	snop  }
0x6: {  	_ = 	snop  }
0x7: {  	_ = 	snop  }
__scs_overlays_trampoline_lowered:
0x8: {  	[smem:$0x3F9C] =	sst s0  }
0x9: {  	[smem:$0x3F9D] =	sst s1  }
0xa: {  	[smem:$0x3F9E] =	sst s2  }
0xb: {  	[smem:$0x3F9F] =	sst s3  }
0xc: {  	[smem:$0x3FA0] =	sst s4  }
0xd: {  	[smem:$0x3FA1] =	sst s5  }
0xe: {  	[smem:$0x3FA2] =	sst s6  }
0xf: {  	[smem:$0x3FA3] =	sst s7  }
0x10: {  	[smem:$0x3FA4] =	sst s8  }
0x11: {  	[smem:$0x3FA5] =	sst s9;
	s0 =	simm.s32 @!p0 $0x0  }
0x12: {  	s1 =	sld [smem:$0x3F8B];
	s0 =	simm.s32 @p0 $0x1  }
0x13: {  	[smem:$0x3FA6] =	sst s0;
	s0 =	simm.s32 @!p1 $0x0  }
0x14: {  	s2 =	sld [smem:$0x3F8A];
	s0 =	simm.s32 @p1 $0x1  }
0x15: {  	[smem:$0x3FA7] =	sst s0;
	s0 =	simm.s32 @!p2 $0x0  }
0x16: {  	s3 =	sld [smem:$0x3FDB];
	s0 =	simm.s32 @p2 $0x1  }
0x17: {  	s4 =	simm.s32 $0x1BF5;
	[smem:$0x3FA9] =	sst s0  }
0x18: {  	s0 =	sld [smem:$0x3F8C];
	_ =	swait.ge [sflag:s4], $0x0  }
0x19: {  	s7 =	sld [smem:$0x3F8D]  }
0x1a: {  	s8 =	sadd.s32 $0xFFFFE003, lr  }
0x1b: {  	s9 =	sadd.s32 $0xFFFFFEF7, lr;
	s5 =	simm.s32 $0xFFFFFFFF;
	p2 =	slt.u32 s8, $0xFFFFF086  }
0x1c: {  	p1 =	slt.u32 s9, $0xF7A;
	s5 =	simm.s32 @!p2 $0x0  }
0x1d: {  	s5 =	simm.s32 @p1 $0x1;
	p0 =	seq.s32 s7, s2  }
0x1e: {  	s7 =	smul.u32 @!p0 $0xF7A, s2;
	p2 =	seq.s32 @!p0 s5, $0x0  }
0x1f: {  	s9 =	smul.u32 $0xF7A, s1;
	s8 =	simm.s32 @!p0 $0x1BF5;
	p2 =	por !p2, p0  }
0x20: {  	[sflag:s8] =	ssyncset.s32 @!p0 $0xFFFFF086;
	s6 =	sadd.s32 @!p0 s3, s7;
	s7 =	simm.s32 @!p0 $0x108  }
0x21: {  	s3 =	sadd.s32 s3, s9;
	s6 =	sadd.s32 @!p0 $0x88, s6;
	s7 =	simm.s32 @p2 $0x1082  }
0x22: {  	[simem:s7], [sflag:s8] =	dma.local @!p0 [hbm:s6], $0xF7A  }
0x23: {  	s9 =	sor.u32 $0xD0000000, s2;
	s6 =	simm.s32 $0x108;
	_ =	swait.ge @!p0 [sflag:s8], $0x0  }
0x24: {  	s3 =	sadd.s32 $0x88, s3;
	s6 =	simm.s32 @!p1 $0x1082;
	[sflag:s4] =	ssyncset.s32 $0xFFFFF086  }
0x25: {  	[simem:s6], [sflag:s4] =	dma.local [hbm:s3], $0xF7A  }
0x26: {  	[smem:$0x3F8D] =	sst s1;
	(tag) =	ssettag s2;
	_ =	strace s9  }
0x27: {  	s1 =	sld [smem:$0x3F9D]  }
0x28: {  	s2 =	sld [smem:$0x3F9E]  }
0x29: {  	s4 =	sld [smem:$0x3FA0]  }
0x2a: {  	p0 =	seq.s32 s5, $0x0;
	s5 =	sld [smem:$0x3FA1]  }
0x2b: {  	s6 =	sld [smem:$0x3FA2]  }
0x2c: {  	s7 =	sld [smem:$0x3FA3]  }
0x2d: {  	s3 =	simm.s32 $0x108;
	s8 =	sld [smem:$0x3FA4]  }
0x2e: {  	s3 =	simm.s32 @!p0 $0x1082;
	s9 =	sld [smem:$0x3FA5]  }
0x2f: {  	lr =	sadd.s32 s0, s3;
	s0 =	sld [smem:$0x3F9C]  }
0x30: {  	s3 =	sld [smem:$0x3F9F]  }
0x31: {  	[smem:$0x3FA8] =	sst s10  }
0x32: {  	s10 =	sld [smem:$0x3FA6];
	_ =	sdelay $0x3  }
0x33: {  	p0 =	seq.s32 s10, $0x1;
	s10 =	sld [smem:$0x3FA8];
	_ =	sdelay $0x3  }
0x34: {  	[smem:$0x3FA8] =	sst s10  }
0x35: {  	s10 =	sld [smem:$0x3FA7];
	_ =	sdelay $0x3  }
0x36: {  	p1 =	seq.s32 s10, $0x1;
	s10 =	sld [smem:$0x3FA8];
	_ =	sdelay $0x3  }
0x37: {  	[smem:$0x3FA8] =	sst s10  }
0x38: {  	s10 =	sld [smem:$0x3FA9]  }
0x39: {  	_ = 	snop;
	(pc) =	sbr.ind lr, $3  }
0x3a: {  	_ = 	snop  }
0x3b: {  	_ = 	snop  }
0x3c: {  	p2 =	seq.s32 s10, $0x1;
	s10 =	sld [smem:$0x3FA8]  }
0x3d: {  	_ =	shalt  }
0x3e: {  	_ =	shalt  }
0x3f: {  	_ =	shalt  }
0x40: {  	_ =	shalt  }
0x41: {  	_ =	shalt  }
0x42: {  	_ =	shalt  }
0x43: {  	_ =	shalt  }
0x44: {  	_ =	shalt  }
0x45: {  	_ =	shalt  }
0x46: {  	_ =	shalt  }
0x47: {  	_ =	shalt  }
0x48: {  	_ =	shalt  }
0x49: {  	_ =	shalt  }
0x4a: {  	_ =	shalt  }
0x4b: {  	_ =	shalt  }
0x4c: {  	_ =	shalt  }
0x4d: {  	_ =	shalt  }
0x4e: {  	_ =	shalt  }
0x4f: {  	_ =	shalt  }
0x50: {  	_ =	shalt  }
0x51: {  	_ =	shalt  }
0x52: {  	_ =	shalt  }
0x53: {  	_ =	shalt  }
0x54: {  	_ =	shalt  }
0x55: {  	_ =	shalt  }
0x56: {  	_ =	shalt  }
0x57: {  	_ =	shalt  }
0x58: {  	_ =	shalt  }
0x59: {  	_ =	shalt  }
0x5a: {  	_ =	shalt  }
0x5b: {  	_ =	shalt  }
0x5c: {  	_ =	shalt  }
0x5d: {  	_ =	shalt  }
0x5e: {  	_ =	shalt  }
0x5f: {  	_ =	shalt  }
0x60: {  	_ =	shalt  }
0x61: {  	_ =	shalt  }
0x62: {  	_ =	shalt  }
0x63: {  	_ =	shalt  }
0x64: {  	_ =	shalt  }
0x65: {  	_ =	shalt  }
0x66: {  	_ =	shalt  }
0x67: {  	_ =	shalt  }
0x68: {  	_ =	shalt  }
0x69: {  	_ =	shalt  }
0x6a: {  	_ =	shalt  }
0x6b: {  	_ =	shalt  }
0x6c: {  	_ =	shalt  }
0x6d: {  	_ =	shalt  }
0x6e: {  	_ =	shalt  }
0x6f: {  	_ =	shalt  }
0x70: {  	_ =	shalt  }
0x71: {  	_ =	shalt  }
0x72: {  	_ =	shalt  }
0x73: {  	_ =	shalt  }
0x74: {  	_ =	shalt  }
0x75: {  	_ =	shalt  }
0x76: {  	_ =	shalt  }
0x77: {  	_ =	shalt  }
0x78: {  	_ =	shalt  }
0x79: {  	_ =	shalt  }
0x7a: {  	_ =	shalt  }
0x7b: {  	_ =	shalt  }
0x7c: {  	_ =	shalt  }
0x7d: {  	_ =	shalt  }
0x7e: {  	_ =	shalt  }
0x7f: {  	_ =	shalt  }
0x80: {  	_ =	shalt  }
0x81: {  	_ =	shalt  }
0x82: {  	_ =	shalt  }
0x83: {  	_ =	shalt  }
0x84: {  	_ =	shalt  }
0x85: {  	_ =	shalt  }
0x86: {  	_ =	shalt  }
0x87: {  	_ =	shalt  }
.Lfunc_end0:
.L_simem_size_0:
called_computation.3_lowered:
.L_overlay_start_0:
0x88: {  	s2 =	sld [smem:$0x3FD9]  }
0x89: {  	s3 =	sld [smem:$0x3FFE];
	_ =	sdelay $0x1  }
0x8a: {  	s1 =	srdreg.scid  }
0x8b: {  	s0 =	sand.u32 $0x1, s1  }
0x8c: {  	s16 =	sshll.u32 s0, $0xA;
	s2 =	sadd.s32 s3, s2  }
0x8d: {  	s2 =	sadd.s32 s2, s16  }
0x8e: {  	[smem:$0x3FB4] =	sst s2  }
0x8f: {  	_ = 	snop  }
0x90: {  	(tm) =	ssettm $0x1  }
0x91: {  	s17 =	sld [smem:$0x3FFB];
	_ =	sdelay $0x3  }
0x92: {  	_ =	strace s17  }
0x93: {  	s2 =	sld [smem:$0x3FFC];
	_ =	sdelay $0x3  }
0x94: {  	_ =	strace s2  }
0x95: {  	s2 =	sld [smem:$0x3FFD];
	_ =	sdelay $0x3  }
0x96: {  	_ =	strace s2  }
0x97: {  	_ =	strace $0x8FFFFFFF  }
0x98: {  	s18 =	sld [smem:$0x3FDB];
	_ =	sdelay $0x1  }
0x99: {  	s19 =	simm.s32 $_scs_section_size  }
0x9a: {  	s4 =	simm.s32 $_size__tile_overlayer_lowered;
	s5 =	simm.s32 $_tile_overlayer_lowered  }
0x9b: {  	s22 =	simm.s32 $0x1BFF;
	s21 =	sshll.u32 s5, $0x1;
	s2 =	sadd.s32 s19, s18  }
0x9c: {  	s6 =	simm.s32 $0x0;
	s20 =	sshll.u32 s4, $0x1;
	s4 =	sadd.s32 s21, s2  }
0x9d: {  	[timem:s6], [sflag:s22] =	dma.local [hbm:s4], s20  }
0x9e: {  	_ =	swait.ge [sflag:s22], s20  }
0x9f: {  	s3 =	ssub.s32 $0x0, s20;
	[sflag:s22] =	ssyncset.done $0x0  }
0xa0: {  	[sflag:s22] =	ssyncadd.s32 s3;
	_ =	sdelay $0x1  }
0xa1: {  	s23 =	simm.s32 $0x1B8B  }
0xa2: {  	_ =	swait.ge [sflag:s23], $0x1  }
0xa3: {  	[sflag:s23] =	ssyncset.done $0x0  }
0xa4: {  	s25 =	simm.s32 $0x1B8E;
	s24 =	sld [smem:$0x3FFE];
	[sflag:s23] =	ssyncadd.s32 $0xFFFFFFFF  }
0xa5: {  	s26 =	simm.s32 $execute0_lowered;
	[smem:$0x3FD2] =	sst s25  }
0xa6: {  	s4 =	sshll.u32 s26, $0x1;
	_ =	strace $0x8000004F;
	[dreg:$0x1] =	wrdreg $0xFFFFFFFF  }
0xa7: {  	s28 =	simm.s32 $_size_execute0_lowered;
	s2 =	sadd.s32 s2, s4;
	[dreg:$0x0] =	wrdreg $0x0  }
0xa8: {  	s4 =	sshll.u32 s28, $0x1;
	[dreg:$0x2] =	wrdreg s2  }
0xa9: {  	[dreg:$0x3] =	wrdreg s4  }
0xaa: {  	[dreg:$0x4] =	wrdreg $0xC0  }
0xab: {  	_ =	task [dreg:s6], $0x5FFFF  }
0xac: {  	[dreg:$0x1] =	wrdreg $0xFFFFFFFF  }
0xad: {  	[dreg:$0x0] =	wrdreg $0x60  }
0xae: {  	[dreg:$0x2] =	wrdreg s24  }
0xaf: {  	[dreg:$0x3] =	wrdreg $0x0  }
0xb0: {  	[dreg:$0x4] =	wrdreg $0x9  }
0xb1: {  	_ =	task.clear_ibuf [dreg:s6], $0x5FFFF;
	_ =	strace $0x9000004F  }
0xb2: {  	s29 =	simm.s32 $0x9;
	_ =	strace $0x80000051  }
0xb3: {  	_ =	swait.ge [sflag:s29], $0x1  }
0xb4: {  	[sflag:s29] =	ssyncadd.s32 $0xFFFFFFFF  }
0xb5: {  	_ =	strace $0x90000051  }
0xb6: {  	_ =	sfence  }
0xb7: {  	s30 =	sld [smem:$0x0];
	_ =	sdelay $0x2  }
0xb8: {  	s31 =	sshll.u32 s1, $0xD;
	s1 =	sshrl.u32 s1, $0x2  }
0xb9: {  	s3 =	sand.u32 $0x4000, s31;
	s1 =	sadd.s32 s1, s30  }
0xba: {  	s0 =	sor.u32 s3, s0;
	s1 =	sshll.u32 s1, $0x11  }
0xbb: {  	s0 =	sor.u32 s1, s0  }
0xbc: {  	s0 =	sadd.s32 $0x8F2B, s0  }
0xbd: {  	[sflag:s0] =	ssyncadd.remote.s32 $0x1  }
0xbe: {  	_ =	sfence.sel $0xFFFF  }
0xbf: {  	[dreg:$0x0] =	wrdreg $0xFFFFFFFF;
	(pc) =	sbr.abs _section_cstart, $3  }
0xc0: {  	[dreg:$0x1] =	wrdreg $0xFFFFFFFF  }
0xc1: {  	_ =	task.clear_ibuf [dreg:s6], $0x2FFFF;
	_ =	strace $0x9FFFFFFF  }
0xc2: {  	(tm) =	ssettm $0x7FFFFFFF  }
0xc3: {  	_ =	shalt  }
tec
execute0_lowered:
.L_overlay_start_1:
0x0: {  	(tag) =	ssettag $0x1  }
0x1: {  	s6 =	rddreg [dreg:$0x0]  }
0x2: {  	s2 =	rddreg [dreg:$0x1]  }
0x3: {  	s1 =	srdreg.scid;
	s0 =	rddreg [dreg:$0x2]  }
0x4: {  	s3 =	simm.s32 $0x0;
	s14 =	simm.s32 $0x16780;
	s15 =	simm.s32 $0x50  }
0x5: {  	s16 =	simm.s32 $0x18F00;
	s17 =	simm.s32 $0x1;
	s18 =	simm.s32 $0x1B700  }
0x6: {  	s19 =	simm.s32 $0x2;
	s20 =	simm.s32 $0x18E40;
	s7 =	sand.u32 $0x1, s1  }
0x7: {  	s21 =	simm.s32 $0x0;
	s1 =	stileid.u32;
	s5 =	smul.u32 $0x140000, s7  }
0x8: {  	[smem:$0x7FF] =	sst s3;
	s4 =	sshll.u32 s7, $0x4;
	s8 =	smul.u32 $0x14000, s1  }
0x9: {  	_ =	strace $0x80000050;
	s10 =	smul.u32 $0x50000, s1;
	s31 =	ssub.s32 $0x2, s7  }
0xa: {  	s11 =	sshll.u32 s1, $0x6;
	s4 =	sor.u32 s1, s4;
	s7 =	sshrl.u32 s31, $0x1  }
0xb: {  	s9 =	smul.u32 $0x4E2, s4;
	s4 =	sadd.s32 $0xBA800, s6;
	s5 =	sadd.s32 s8, s5  }
0xc: {  	s10 =	sshrl.u32 s10, $0x2;
	s12 =	ssub.s32 s31, s7;
	s30 =	sshrl.u32 s5, $0x3  }
0xd: {  	s5 =	sadd.s32 $0x19600, s6;
	s13 =	sadd.s32 s10, s2;
	s10 =	smax.u32 s12, $0x1  }
0xe: {  	s12 =	simm.s32 $0x3;
	s29 =	sadd.s32 s9, s6;
	s9 =	sadd.s32 s30, s6  }
0xf: {  	s6 =	sor.u32 $0x1C03, s11;
	s11 =	sshrl.u32 s13, $0x3;
	s13 =	simm.s32 $0x14000  }
0x10: {  	s7 =	sadd.s32 $0x5A00, s29;
	s8 =	sadd.s32 $0xF800, s29;
	s9 =	sadd.s32 $0x131A00, s9  }
.LBB2_1:
0x11: {  	[spmem:s11], [sflag:s6] =	dma.local [hbm:s5], $0x2800  }
0x12: {  	_ =	swait.ge [sflag:s12], $0x2800  }
0x13: {  	[sflag:s12] =	ssyncset.done $0x0  }
0x14: {  	[sflag:s12] =	ssyncadd.s32 $0xFFFFD800  }
0x15: {  	[tilespmem:s13], [sflag:$0x3] =	stream.linear.gather [hbm4b:s7+s3], $0x2710, $0x38;
	[tilespmem:$0x1DF00] =	vst v63  }
0x16: {  	_ =	swait.ge [sflag:s12], $0x2710  }
0x17: {  	[sflag:s12] =	ssyncset.done $0x0  }
0x18: {  	[sflag:s12] =	ssyncadd.s32 $0xFFFFD8F0  }
0x19: {  	[tilespmem:s14], [sflag:$0x3] =	stream.linear.gather [hbm4b:s8+s3], $0x2710, $0x38;
	[tilespmem:$0x1DF00] =	vst v63  }
0x1a: {  	_ =	swait.ge [sflag:s12], $0x2710  }
0x1b: {  	[sflag:s12] =	ssyncset.done $0x0  }
0x1c: {  	[sflag:s12] =	ssyncadd.s32 $0xFFFFD8F0  }
0x1d: {  	[bflag:$0x0] =	sbarrier.arrive $0xFFFF  }
0x1e: {  	[tilespmem:s16], [sflag:$0x1] =	stream.indirect.gather [hbm4b:s4+s15], $0x80, s13, s15, $0xb8;
	[tilespmem:$0x1DF00] =	vst v63  }
0x1f: {  	_ =	swait.ge [sflag:s17], $0x2800  }
0x20: {  	[sflag:s17] =	ssyncset.done $0x0  }
0x21: {  	s22 =	simm.s32 $0x14050;
	[sflag:s17] =	ssyncadd.s32 $0xFFFFD800  }
0x22: {  	[tilespmem:s18], [sflag:$0x2] =	stream.indirect.gather [hbm4b:s4+s15], $0x80, s22, s15, $0xb8;
	[tilespmem:$0x1DF00] =	vst v63  }
0x23: {  	s29 =	simm.s32 $0x16780  }
0x24: {  	[spmem:s2] =	stream.indirect.scatter.add.f32 [tilespmem:s16], [sflag:$0x3], $0x80, s29, s15, $0xb8;
	[tilespmem:$0x1DF00] =	vst v63  }
0x25: {  	_ =	swait.ge [sflag:s12], $0x2800  }
0x26: {  	[sflag:s12] =	ssyncset.done $0x0  }
0x27: {  	[sflag:s12] =	ssyncadd.s32 $0xFFFFD800  }
0x28: {  	_ =	swait.ge [sflag:s19], $0x2800  }
0x29: {  	[sflag:s19] =	ssyncset.done $0x0  }
0x2a: {  	s30 =	simm.s32 $0x140A0;
	[sflag:s19] =	ssyncadd.s32 $0xFFFFD800  }
0x2b: {  	[tilespmem:s16], [sflag:$0x1] =	stream.indirect.gather [hbm4b:s4+s15], $0x80, s30, s15, $0xb8;
	[tilespmem:$0x1DF00] =	vst v63  }
0x2c: {  	s31 =	simm.s32 $0x167D0  }
0x2d: {  	[spmem:s2] =	stream.indirect.scatter.add.f32 [tilespmem:s18], [sflag:$0x3], $0x80, s31, s15, $0xb8;
	[tilespmem:$0x1DF00] =	vst v63  }
0x2e: {  	_ =	swait.ge [sflag:s12], $0x2800  }
0x2f: {  	s22 =	simm.s32 $0x280;
	[sflag:s12] =	ssyncset.done $0x0  }
.LBB2_2:
0x30: {  	p0 =	sne.s32 s22, $0x9880  }
0x31: {  	[sflag:s12] =	ssyncadd.s32 $0xFFFFD800;
	s23 =	smov.u32 s22;
	s22 =	sadd.s32 $0x280, s22  }
0x32: {  	_ = 	snop  }
0x33: {  	_ =	swait.ge [sflag:s17], $0x2800  }
0x34: {  	s23 =	sshra.s32 s23, $0x2;
	[sflag:s17] =	ssyncset.done $0x0  }
0x35: {  	s24 =	sadd.s32 $0x14050, s23;
	[sflag:s17] =	ssyncadd.s32 $0xFFFFD800  }
0x36: {  	[tilespmem:s18], [sflag:$0x2] =	stream.indirect.gather [hbm4b:s4+s15], $0x80, s24, s15, $0xb8;
	[tilespmem:$0x1DF00] =	vst v63  }
0x37: {  	s24 =	sadd.s32 $0x16780, s23  }
0x38: {  	[spmem:s2] =	stream.indirect.scatter.add.f32 [tilespmem:s16], [sflag:$0x3], $0x80, s24, s15, $0xb8;
	[tilespmem:$0x1DF00] =	vst v63  }
0x39: {  	_ =	swait.ge [sflag:s12], $0x2800  }
0x3a: {  	[sflag:s12] =	ssyncset.done $0x0  }
0x3b: {  	[sflag:s12] =	ssyncadd.s32 $0xFFFFD800  }
0x3c: {  	_ =	swait.ge [sflag:s19], $0x2800  }
0x3d: {  	[sflag:s19] =	ssyncset.done $0x0  }
0x3e: {  	s24 =	sadd.s32 $0x140A0, s23;
	[sflag:s19] =	ssyncadd.s32 $0xFFFFD800  }
0x3f: {  	[tilespmem:s16], [sflag:$0x1] =	stream.indirect.gather [hbm4b:s4+s15], $0x80, s24, s15, $0xb8;
	[tilespmem:$0x1DF00] =	vst v63  }
.Ltmp0:
0x40: {  	_ = 	snop;
	(pc) =	sbr.rel @p0 .LBB2_2-.Ltmp0, $4  }
0x41: {  	s23 =	sadd.s32 $0x167D0, s23  }
0x42: {  	[spmem:s2] =	stream.indirect.scatter.add.f32 [tilespmem:s18], [sflag:$0x3], $0x80, s23, s15, $0xb8;
	[tilespmem:$0x1DF00] =	vst v63  }
0x43: {  	_ =	swait.ge [sflag:s12], $0x2800  }
0x44: {  	[sflag:s12] =	ssyncset.done $0x0  }
0x45: {  	[sflag:s12] =	ssyncadd.s32 $0xFFFFD800  }
0x46: {  	_ =	swait.ge [sflag:s17], $0x2800  }
0x47: {  	[sflag:s17] =	ssyncset.done $0x0  }
0x48: {  	[sflag:s17] =	ssyncadd.s32 $0xFFFFD800  }
0x49: {  	[spmem:s2] =	stream.indirect.scatter.add.f32 [tilespmem:s16], [sflag:$0x3], $0x80, s20, s15, $0xb8;
	[tilespmem:$0x1DF00] =	vst v63  }
0x4a: {  	_ =	swait.ge [sflag:s12], $0x2800  }
0x4b: {  	s21 =	sadd.s32 $0x1, s21;
	[sflag:s12] =	ssyncset.done $0x0  }
0x4c: {  	p0 =	sne.s32 s21, s10;
	[sflag:s12] =	ssyncadd.s32 $0xFFFFD800  }
.Ltmp1:
0x4d: {  	[bflag:$0x0] =	sbarrier.arrive $0xFFFF;
	(pc) =	sbr.rel @p0 .LBB2_1-.Ltmp1, $4  }
0x4e: {  	[hbm:s9], [sflag:s6] =	dma.local [spmem:s11], $0x2800  }
0x4f: {  	_ =	swait.ge [sflag:s12], $0x2800  }
0x50: {  	[sflag:s12] =	ssyncset.done $0x0  }
0x51: {  	[sflag:s12] =	ssyncadd.s32 $0xFFFFD800  }
0x52: {  	_ =	sfence.sel $0x180000  }
0x53: {  	[bflag:$0x0] =	sbarrier.arrive $0xFFFF  }
0x54: {  	p0 =	sne.s32 s1, $0x0;
	_ =	strace $0x90000050  }
0x55: {  	s0 =	sadd.s32 @!p0 $0x100000, s0;
	[bflag:$0x2] =	sbarrier.arrive $0xFFFF  }
0x56: {  	[sflag:s0] =	ssyncadd.tile.s32 @!p0 $0x1;
	_ =	shalt  }
.Lfunc_end2:
_tile_overlayer_lowered:
.L_overlay_start_2:
0x57: {  	(tag) =	ssettag $0x2  }
0x58: {  	s0 =	rddreg [dreg:$0x0];
	s2 =	stileid.u32  }
0x59: {  	s1 =	rddreg [dreg:$0x1];
	p0 =	sne.s32 s2, $0x0  }
0x5a: {  	s3 =	rddreg [dreg:$0x2];
	[bflag:$0x3] =	sbarrier.arrive $0xFFFF;
	s2 =	simm.s32 @!p0 $0x1C03  }
0x5b: {  	[timem:s3], [sflag:s2] =	dma.local @!p0 [hbm:s0], s1  }
0x5c: {  	s0 =	simm.s32 @!p0 $0x3  }
0x5d: {  	_ =	swait.ge @!p0 [sflag:s0], s1  }
0x5e: {  	s1 =	ssub.s32 @!p0 $0x0, s1;
	[sflag:s0] =	ssyncset.done @!p0 $0x0  }
0x5f: {  	[sflag:s0] =	ssyncadd.s32 @!p0 s1  }
0x60: {  	[bflag:$0x3] =	sbarrier.arrive $0xFFFF  }
0x61: {  	_ =	shalt  }

// kernel: kernel.33.cloned.1.call-start
scs
__scs_entry_jumppad:
0x0: {  	(pc) =	sbr.rel $0x88, $3  }
0x1: {  	(tag) =	ssettag $0x0;
	lr =	simm.s32 $0x1  }
0x2: {  	[smem:$0x3F8D] =	sst lr;
	_ =	strace $0xD0000000  }
0x3: {  	_ = 	snop  }
0x4: {  	_ = 	snop  }
0x5: {  	_ = 	snop  }
0x6: {  	_ = 	snop  }
0x7: {  	_ = 	snop  }
__scs_overlays_trampoline_lowered:
0x8: {  	[smem:$0x3F9C] =	sst s0  }
0x9: {  	[smem:$0x3F9D] =	sst s1  }
0xa: {  	[smem:$0x3F9E] =	sst s2  }
0xb: {  	[smem:$0x3F9F] =	sst s3  }
0xc: {  	[smem:$0x3FA0] =	sst s4  }
0xd: {  	[smem:$0x3FA1] =	sst s5  }
0xe: {  	[smem:$0x3FA2] =	sst s6  }
0xf: {  	[smem:$0x3FA3] =	sst s7  }
0x10: {  	[smem:$0x3FA4] =	sst s8  }
0x11: {  	[smem:$0x3FA5] =	sst s9;
	s0 =	simm.s32 @!p0 $0x0  }
0x12: {  	s1 =	sld [smem:$0x3F8B];
	s0 =	simm.s32 @p0 $0x1  }
0x13: {  	[smem:$0x3FA6] =	sst s0;
	s0 =	simm.s32 @!p1 $0x0  }
0x14: {  	s2 =	sld [smem:$0x3F8A];
	s0 =	simm.s32 @p1 $0x1  }
0x15: {  	[smem:$0x3FA7] =	sst s0;
	s0 =	simm.s32 @!p2 $0x0  }
0x16: {  	s3 =	sld [smem:$0x3FDB];
	s0 =	simm.s32 @p2 $0x1  }
0x17: {  	s4 =	simm.s32 $0x1BF5;
	[smem:$0x3FA9] =	sst s0  }
0x18: {  	s0 =	sld [smem:$0x3F8C];
	_ =	swait.ge [sflag:s4], $0x0  }
0x19: {  	s7 =	sld [smem:$0x3F8D]  }
0x1a: {  	s8 =	sadd.s32 $0xFFFFE003, lr  }
0x1b: {  	s9 =	sadd.s32 $0xFFFFFEF7, lr;
	s5 =	simm.s32 $0xFFFFFFFF;
	p2 =	slt.u32 s8, $0xFFFFF086  }
0x1c: {  	p1 =	slt.u32 s9, $0xF7A;
	s5 =	simm.s32 @!p2 $0x0  }
0x1d: {  	s5 =	simm.s32 @p1 $0x1;
	p0 =	seq.s32 s7, s2  }
0x1e: {  	s7 =	smul.u32 @!p0 $0xF7A, s2;
	p2 =	seq.s32 @!p0 s5, $0x0  }
0x1f: {  	s9 =	smul.u32 $0xF7A, s1;
	s8 =	simm.s32 @!p0 $0x1BF5;
	p2 =	por !p2, p0  }
0x20: {  	[sflag:s8] =	ssyncset.s32 @!p0 $0xFFFFF086;
	s6 =	sadd.s32 @!p0 s3, s7;
	s7 =	simm.s32 @!p0 $0x108  }
0x21: {  	s3 =	sadd.s32 s3, s9;
	s6 =	sadd.s32 @!p0 $0x88, s6;
	s7 =	simm.s32 @p2 $0x1082  }
0x22: {  	[simem:s7], [sflag:s8] =	dma.local @!p0 [hbm:s6], $0xF7A  }
0x23: {  	s9 =	sor.u32 $0xD0000000, s2;
	s6 =	simm.s32 $0x108;
	_ =	swait.ge @!p0 [sflag:s8], $0x0  }
0x24: {  	s3 =	sadd.s32 $0x88, s3;
	s6 =	simm.s32 @!p1 $0x1082;
	[sflag:s4] =	ssyncset.s32 $0xFFFFF086  }
0x25: {  	[simem:s6], [sflag:s4] =	dma.local [hbm:s3], $0xF7A  }
0x26: {  	[smem:$0x3F8D] =	sst s1;
	(tag) =	ssettag s2;
	_ =	strace s9  }
0x27: {  	s1 =	sld [smem:$0x3F9D]  }
0x28: {  	s2 =	sld [smem:$0x3F9E]  }
0x29: {  	s4 =	sld [smem:$0x3FA0]  }
0x2a: {  	p0 =	seq.s32 s5, $0x0;
	s5 =	sld [smem:$0x3FA1]  }
0x2b: {  	s6 =	sld [smem:$0x3FA2]  }
0x2c: {  	s7 =	sld [smem:$0x3FA3]  }
0x2d: {  	s3 =	simm.s32 $0x108;
	s8 =	sld [smem:$0x3FA4]  }
0x2e: {  	s3 =	simm.s32 @!p0 $0x1082;
	s9 =	sld [smem:$0x3FA5]  }
0x2f: {  	lr =	sadd.s32 s0, s3;
	s0 =	sld [smem:$0x3F9C]  }
0x30: {  	s3 =	sld [smem:$0x3F9F]  }
0x31: {  	[smem:$0x3FA8] =	sst s10  }
0x32: {  	s10 =	sld [smem:$0x3FA6];
	_ =	sdelay $0x3  }
0x33: {  	p0 =	seq.s32 s10, $0x1;
	s10 =	sld [smem:$0x3FA8];
	_ =	sdelay $0x3  }
0x34: {  	[smem:$0x3FA8] =	sst s10  }
0x35: {  	s10 =	sld [smem:$0x3FA7];
	_ =	sdelay $0x3  }
0x36: {  	p1 =	seq.s32 s10, $0x1;
	s10 =	sld [smem:$0x3FA8];
	_ =	sdelay $0x3  }
0x37: {  	[smem:$0x3FA8] =	sst s10  }
0x38: {  	s10 =	sld [smem:$0x3FA9]  }
0x39: {  	_ = 	snop;
	(pc) =	sbr.ind lr, $3  }
0x3a: {  	_ = 	snop  }
0x3b: {  	_ = 	snop  }
0x3c: {  	p2 =	seq.s32 s10, $0x1;
	s10 =	sld [smem:$0x3FA8]  }
0x3d: {  	_ =	shalt  }
0x3e: {  	_ =	shalt  }
0x3f: {  	_ =	shalt  }
0x40: {  	_ =	shalt  }
0x41: {  	_ =	shalt  }
0x42: {  	_ =	shalt  }
0x43: {  	_ =	shalt  }
0x44: {  	_ =	shalt  }
0x45: {  	_ =	shalt  }
0x46: {  	_ =	shalt  }
0x47: {  	_ =	shalt  }
0x48: {  	_ =	shalt  }
0x49: {  	_ =	shalt  }
0x4a: {  	_ =	shalt  }
0x4b: {  	_ =	shalt  }
0x4c: {  	_ =	shalt  }
0x4d: {  	_ =	shalt  }
0x4e: {  	_ =	shalt  }
0x4f: {  	_ =	shalt  }
0x50: {  	_ =	shalt  }
0x51: {  	_ =	shalt  }
0x52: {  	_ =	shalt  }
0x53: {  	_ =	shalt  }
0x54: {  	_ =	shalt  }
0x55: {  	_ =	shalt  }
0x56: {  	_ =	shalt  }
0x57: {  	_ =	shalt  }
0x58: {  	_ =	shalt  }
0x59: {  	_ =	shalt  }
0x5a: {  	_ =	shalt  }
0x5b: {  	_ =	shalt  }
0x5c: {  	_ =	shalt  }
0x5d: {  	_ =	shalt  }
0x5e: {  	_ =	shalt  }
0x5f: {  	_ =	shalt  }
0x60: {  	_ =	shalt  }
0x61: {  	_ =	shalt  }
0x62: {  	_ =	shalt  }
0x63: {  	_ =	shalt  }
0x64: {  	_ =	shalt  }
0x65: {  	_ =	shalt  }
0x66: {  	_ =	shalt  }
0x67: {  	_ =	shalt  }
0x68: {  	_ =	shalt  }
0x69: {  	_ =	shalt  }
0x6a: {  	_ =	shalt  }
0x6b: {  	_ =	shalt  }
0x6c: {  	_ =	shalt  }
0x6d: {  	_ =	shalt  }
0x6e: {  	_ =	shalt  }
0x6f: {  	_ =	shalt  }
0x70: {  	_ =	shalt  }
0x71: {  	_ =	shalt  }
0x72: {  	_ =	shalt  }
0x73: {  	_ =	shalt  }
0x74: {  	_ =	shalt  }
0x75: {  	_ =	shalt  }
0x76: {  	_ =	shalt  }
0x77: {  	_ =	shalt  }
0x78: {  	_ =	shalt  }
0x79: {  	_ =	shalt  }
0x7a: {  	_ =	shalt  }
0x7b: {  	_ =	shalt  }
0x7c: {  	_ =	shalt  }
0x7d: {  	_ =	shalt  }
0x7e: {  	_ =	shalt  }
0x7f: {  	_ =	shalt  }
0x80: {  	_ =	shalt  }
0x81: {  	_ =	shalt  }
0x82: {  	_ =	shalt  }
0x83: {  	_ =	shalt  }
0x84: {  	_ =	shalt  }
0x85: {  	_ =	shalt  }
0x86: {  	_ =	shalt  }
0x87: {  	_ =	shalt  }
.Lfunc_end0:
.L_simem_size_0:
called_computation.4_lowered:
.L_overlay_start_0:
0x88: {  	s2 =	sld [smem:$0x3FD9]  }
0x89: {  	s3 =	sld [smem:$0x3FFE];
	_ =	sdelay $0x1  }
0x8a: {  	s1 =	srdreg.scid  }
0x8b: {  	s0 =	sand.u32 $0x1, s1  }
0x8c: {  	s16 =	sshll.u32 s0, $0xA;
	s2 =	sadd.s32 s3, s2  }
0x8d: {  	s2 =	sadd.s32 s2, s16  }
0x8e: {  	[smem:$0x3FB4] =	sst s2  }
0x8f: {  	_ = 	snop  }
0x90: {  	(tm) =	ssettm $0x1  }
0x91: {  	s17 =	sld [smem:$0x3FFB];
	_ =	sdelay $0x3  }
0x92: {  	_ =	strace s17  }
0x93: {  	s2 =	sld [smem:$0x3FFC];
	_ =	sdelay $0x3  }
0x94: {  	_ =	strace s2  }
0x95: {  	s2 =	sld [smem:$0x3FFD];
	_ =	sdelay $0x3  }
0x96: {  	_ =	strace s2  }
0x97: {  	_ =	strace $0x8FFFFFFF  }
0x98: {  	s18 =	sld [smem:$0x3FDB];
	_ =	sdelay $0x1  }
0x99: {  	s19 =	simm.s32 $_scs_section_size  }
0x9a: {  	s4 =	simm.s32 $_size__tile_overlayer_lowered;
	s5 =	simm.s32 $_tile_overlayer_lowered  }
0x9b: {  	s22 =	simm.s32 $0x1BFF;
	s21 =	sshll.u32 s5, $0x1;
	s2 =	sadd.s32 s19, s18  }
0x9c: {  	s6 =	simm.s32 $0x0;
	s20 =	sshll.u32 s4, $0x1;
	s4 =	sadd.s32 s21, s2  }
0x9d: {  	[timem:s6], [sflag:s22] =	dma.local [hbm:s4], s20  }
0x9e: {  	_ =	swait.ge [sflag:s22], s20  }
0x9f: {  	s3 =	ssub.s32 $0x0, s20;
	[sflag:s22] =	ssyncset.done $0x0  }
0xa0: {  	[sflag:s22] =	ssyncadd.s32 s3;
	_ =	sdelay $0x1  }
0xa1: {  	s23 =	simm.s32 $0x1B8B  }
0xa2: {  	_ =	swait.ge [sflag:s23], $0x1  }
0xa3: {  	[sflag:s23] =	ssyncset.done $0x0  }
0xa4: {  	s25 =	simm.s32 $0x1B8E;
	s24 =	sld [smem:$0x3FFE];
	[sflag:s23] =	ssyncadd.s32 $0xFFFFFFFF  }
0xa5: {  	s26 =	simm.s32 $execute0_lowered;
	[smem:$0x3FD2] =	sst s25  }
0xa6: {  	s4 =	sshll.u32 s26, $0x1;
	_ =	strace $0x80000052;
	[dreg:$0x1] =	wrdreg $0xFFFFFFFF  }
0xa7: {  	s28 =	simm.s32 $_size_execute0_lowered;
	s2 =	sadd.s32 s2, s4;
	[dreg:$0x0] =	wrdreg $0x0  }
0xa8: {  	s4 =	sshll.u32 s28, $0x1;
	[dreg:$0x2] =	wrdreg s2  }
0xa9: {  	[dreg:$0x3] =	wrdreg s4  }
0xaa: {  	[dreg:$0x4] =	wrdreg $0xC0  }
0xab: {  	_ =	task [dreg:s6], $0x5FFFF  }
0xac: {  	[dreg:$0x1] =	wrdreg $0xFFFFFFFF  }
0xad: {  	[dreg:$0x0] =	wrdreg $0x60  }
0xae: {  	[dreg:$0x2] =	wrdreg s24  }
0xaf: {  	[dreg:$0x3] =	wrdreg $0x0  }
0xb0: {  	[dreg:$0x4] =	wrdreg $0x9  }
0xb1: {  	_ =	task.clear_ibuf [dreg:s6], $0x5FFFF;
	_ =	strace $0x90000052  }
0xb2: {  	s29 =	simm.s32 $0x9;
	_ =	strace $0x80000054  }
0xb3: {  	_ =	swait.ge [sflag:s29], $0x1  }
0xb4: {  	[sflag:s29] =	ssyncadd.s32 $0xFFFFFFFF  }
0xb5: {  	_ =	strace $0x90000054  }
0xb6: {  	_ =	sfence  }
0xb7: {  	s30 =	sld [smem:$0x0];
	_ =	sdelay $0x2  }
0xb8: {  	s31 =	sshll.u32 s1, $0xD;
	s1 =	sshrl.u32 s1, $0x2  }
0xb9: {  	s3 =	sand.u32 $0x4000, s31;
	s1 =	sadd.s32 s1, s30  }
0xba: {  	s0 =	sor.u32 s3, s0;
	s1 =	sshll.u32 s1, $0x11  }
0xbb: {  	s0 =	sor.u32 s1, s0  }
0xbc: {  	s0 =	sadd.s32 $0x8F2B, s0  }
0xbd: {  	[sflag:s0] =	ssyncadd.remote.s32 $0x1  }
0xbe: {  	_ =	sfence.sel $0xFFFF  }
0xbf: {  	[dreg:$0x0] =	wrdreg $0xFFFFFFFF;
	(pc) =	sbr.abs _section_cstart, $3  }
0xc0: {  	[dreg:$0x1] =	wrdreg $0xFFFFFFFF  }
0xc1: {  	_ =	task.clear_ibuf [dreg:s6], $0x2FFFF;
	_ =	strace $0x9FFFFFFF  }
0xc2: {  	(tm) =	ssettm $0x7FFFFFFF  }
0xc3: {  	_ =	shalt  }
tec
execute0_lowered:
.L_overlay_start_1:
0x0: {  	(tag) =	ssettag $0x1  }
0x1: {  	s6 =	rddreg [dreg:$0x0]  }
0x2: {  	s2 =	rddreg [dreg:$0x1]  }
0x3: {  	s1 =	srdreg.scid;
	s0 =	rddreg [dreg:$0x2]  }
0x4: {  	s3 =	simm.s32 $0x0;
	s14 =	simm.s32 $0x16780;
	s15 =	simm.s32 $0x50  }
0x5: {  	s16 =	simm.s32 $0x18F00;
	s17 =	simm.s32 $0x1;
	s18 =	simm.s32 $0x1B700  }
0x6: {  	s19 =	simm.s32 $0x2;
	s20 =	simm.s32 $0x18E40;
	s7 =	sand.u32 $0x1, s1  }
0x7: {  	s21 =	simm.s32 $0x0;
	s1 =	stileid.u32;
	s5 =	smul.u32 $0x140000, s7  }
0x8: {  	[smem:$0x7FF] =	sst s3;
	s4 =	sshll.u32 s7, $0x4;
	s8 =	smul.u32 $0x14000, s1  }
0x9: {  	_ =	strace $0x80000053;
	s10 =	smul.u32 $0x50000, s1;
	s31 =	ssub.s32 $0x2, s7  }
0xa: {  	s11 =	sshll.u32 s1, $0x6;
	s4 =	sor.u32 s1, s4;
	s7 =	sshrl.u32 s31, $0x1  }
0xb: {  	s9 =	smul.u32 $0x4E2, s4;
	s4 =	sadd.s32 $0x93600, s6;
	s5 =	sadd.s32 s8, s5  }
0xc: {  	s10 =	sshrl.u32 s10, $0x2;
	s12 =	ssub.s32 s31, s7;
	s30 =	sshrl.u32 s5, $0x3  }
0xd: {  	s5 =	sadd.s32 $0x19600, s6;
	s13 =	sadd.s32 s10, s2;
	s10 =	smax.u32 s12, $0x1  }
0xe: {  	s12 =	simm.s32 $0x3;
	s29 =	sadd.s32 s9, s6;
	s9 =	sadd.s32 s30, s6  }
0xf: {  	s6 =	sor.u32 $0x1C03, s11;
	s11 =	sshrl.u32 s13, $0x3;
	s13 =	simm.s32 $0x14000  }
0x10: {  	s7 =	sadd.s32 $0x5A00, s29;
	s8 =	sadd.s32 $0xF800, s29;
	s9 =	sadd.s32 $0x181A00, s9  }
.LBB2_1:
0x11: {  	[spmem:s11], [sflag:s6] =	dma.local [hbm:s5], $0x2800  }
0x12: {  	_ =	swait.ge [sflag:s12], $0x2800  }
0x13: {  	[sflag:s12] =	ssyncset.done $0x0  }
0x14: {  	[sflag:s12] =	ssyncadd.s32 $0xFFFFD800  }
0x15: {  	[tilespmem:s13], [sflag:$0x3] =	stream.linear.gather [hbm4b:s7+s3], $0x2710, $0x38;
	[tilespmem:$0x1DF00] =	vst v63  }
0x16: {  	_ =	swait.ge [sflag:s12], $0x2710  }
0x17: {  	[sflag:s12] =	ssyncset.done $0x0  }
0x18: {  	[sflag:s12] =	ssyncadd.s32 $0xFFFFD8F0  }
0x19: {  	[tilespmem:s14], [sflag:$0x3] =	stream.linear.gather [hbm4b:s8+s3], $0x2710, $0x38;
	[tilespmem:$0x1DF00] =	vst v63  }
0x1a: {  	_ =	swait.ge [sflag:s12], $0x2710  }
0x1b: {  	[sflag:s12] =	ssyncset.done $0x0  }
0x1c: {  	[sflag:s12] =	ssyncadd.s32 $0xFFFFD8F0  }
0x1d: {  	[bflag:$0x0] =	sbarrier.arrive $0xFFFF  }
0x1e: {  	[tilespmem:s16], [sflag:$0x1] =	stream.indirect.gather [hbm4b:s4+s15], $0x80, s13, s15, $0xb8;
	[tilespmem:$0x1DF00] =	vst v63  }
0x1f: {  	_ =	swait.ge [sflag:s17], $0x2800  }
0x20: {  	[sflag:s17] =	ssyncset.done $0x0  }
0x21: {  	s22 =	simm.s32 $0x14050;
	[sflag:s17] =	ssyncadd.s32 $0xFFFFD800  }
0x22: {  	[tilespmem:s18], [sflag:$0x2] =	stream.indirect.gather [hbm4b:s4+s15], $0x80, s22, s15, $0xb8;
	[tilespmem:$0x1DF00] =	vst v63  }
0x23: {  	s29 =	simm.s32 $0x16780  }
0x24: {  	[spmem:s2] =	stream.indirect.scatter.add.f32 [tilespmem:s16], [sflag:$0x3], $0x80, s29, s15, $0xb8;
	[tilespmem:$0x1DF00] =	vst v63  }
0x25: {  	_ =	swait.ge [sflag:s12], $0x2800  }
0x26: {  	[sflag:s12] =	ssyncset.done $0x0  }
0x27: {  	[sflag:s12] =	ssyncadd.s32 $0xFFFFD800  }
0x28: {  	_ =	swait.ge [sflag:s19], $0x2800  }
0x29: {  	[sflag:s19] =	ssyncset.done $0x0  }
0x2a: {  	s30 =	simm.s32 $0x140A0;
	[sflag:s19] =	ssyncadd.s32 $0xFFFFD800  }
0x2b: {  	[tilespmem:s16], [sflag:$0x1] =	stream.indirect.gather [hbm4b:s4+s15], $0x80, s30, s15, $0xb8;
	[tilespmem:$0x1DF00] =	vst v63  }
0x2c: {  	s31 =	simm.s32 $0x167D0  }
0x2d: {  	[spmem:s2] =	stream.indirect.scatter.add.f32 [tilespmem:s18], [sflag:$0x3], $0x80, s31, s15, $0xb8;
	[tilespmem:$0x1DF00] =	vst v63  }
0x2e: {  	_ =	swait.ge [sflag:s12], $0x2800  }
0x2f: {  	s22 =	simm.s32 $0x280;
	[sflag:s12] =	ssyncset.done $0x0  }
.LBB2_2:
0x30: {  	p0 =	sne.s32 s22, $0x9880  }
0x31: {  	[sflag:s12] =	ssyncadd.s32 $0xFFFFD800;
	s23 =	smov.u32 s22;
	s22 =	sadd.s32 $0x280, s22  }
0x32: {  	_ = 	snop  }
0x33: {  	_ =	swait.ge [sflag:s17], $0x2800  }
0x34: {  	s23 =	sshra.s32 s23, $0x2;
	[sflag:s17] =	ssyncset.done $0x0  }
0x35: {  	s24 =	sadd.s32 $0x14050, s23;
	[sflag:s17] =	ssyncadd.s32 $0xFFFFD800  }
0x36: {  	[tilespmem:s18], [sflag:$0x2] =	stream.indirect.gather [hbm4b:s4+s15], $0x80, s24, s15, $0xb8;
	[tilespmem:$0x1DF00] =	vst v63  }
0x37: {  	s24 =	sadd.s32 $0x16780, s23  }
0x38: {  	[spmem:s2] =	stream.indirect.scatter.add.f32 [tilespmem:s16], [sflag:$0x3], $0x80, s24, s15, $0xb8;
	[tilespmem:$0x1DF00] =	vst v63  }
0x39: {  	_ =	swait.ge [sflag:s12], $0x2800  }
0x3a: {  	[sflag:s12] =	ssyncset.done $0x0  }
0x3b: {  	[sflag:s12] =	ssyncadd.s32 $0xFFFFD800  }
0x3c: {  	_ =	swait.ge [sflag:s19], $0x2800  }
0x3d: {  	[sflag:s19] =	ssyncset.done $0x0  }
0x3e: {  	s24 =	sadd.s32 $0x140A0, s23;
	[sflag:s19] =	ssyncadd.s32 $0xFFFFD800  }
0x3f: {  	[tilespmem:s16], [sflag:$0x1] =	stream.indirect.gather [hbm4b:s4+s15], $0x80, s24, s15, $0xb8;
	[tilespmem:$0x1DF00] =	vst v63  }
.Ltmp0:
0x40: {  	_ = 	snop;
	(pc) =	sbr.rel @p0 .LBB2_2-.Ltmp0, $4  }
0x41: {  	s23 =	sadd.s32 $0x167D0, s23  }
0x42: {  	[spmem:s2] =	stream.indirect.scatter.add.f32 [tilespmem:s18], [sflag:$0x3], $0x80, s23, s15, $0xb8;
	[tilespmem:$0x1DF00] =	vst v63  }
0x43: {  	_ =	swait.ge [sflag:s12], $0x2800  }
0x44: {  	[sflag:s12] =	ssyncset.done $0x0  }
0x45: {  	[sflag:s12] =	ssyncadd.s32 $0xFFFFD800  }
0x46: {  	_ =	swait.ge [sflag:s17], $0x2800  }
0x47: {  	[sflag:s17] =	ssyncset.done $0x0  }
0x48: {  	[sflag:s17] =	ssyncadd.s32 $0xFFFFD800  }
0x49: {  	[spmem:s2] =	stream.indirect.scatter.add.f32 [tilespmem:s16], [sflag:$0x3], $0x80, s20, s15, $0xb8;
	[tilespmem:$0x1DF00] =	vst v63  }
0x4a: {  	_ =	swait.ge [sflag:s12], $0x2800  }
0x4b: {  	s21 =	sadd.s32 $0x1, s21;
	[sflag:s12] =	ssyncset.done $0x0  }
0x4c: {  	p0 =	sne.s32 s21, s10;
	[sflag:s12] =	ssyncadd.s32 $0xFFFFD800  }
.Ltmp1:
0x4d: {  	[bflag:$0x0] =	sbarrier.arrive $0xFFFF;
	(pc) =	sbr.rel @p0 .LBB2_1-.Ltmp1, $4  }
0x4e: {  	[hbm:s9], [sflag:s6] =	dma.local [spmem:s11], $0x2800  }
0x4f: {  	_ =	swait.ge [sflag:s12], $0x2800  }
0x50: {  	[sflag:s12] =	ssyncset.done $0x0  }
0x51: {  	[sflag:s12] =	ssyncadd.s32 $0xFFFFD800  }
0x52: {  	_ =	sfence.sel $0x180000  }
0x53: {  	[bflag:$0x0] =	sbarrier.arrive $0xFFFF  }
0x54: {  	p0 =	sne.s32 s1, $0x0;
	_ =	strace $0x90000053  }
0x55: {  	s0 =	sadd.s32 @!p0 $0x100000, s0;
	[bflag:$0x2] =	sbarrier.arrive $0xFFFF  }
0x56: {  	[sflag:s0] =	ssyncadd.tile.s32 @!p0 $0x1;
	_ =	shalt  }
.Lfunc_end2:
_tile_overlayer_lowered:
.L_overlay_start_2:
0x57: {  	(tag) =	ssettag $0x2  }
0x58: {  	s0 =	rddreg [dreg:$0x0];
	s2 =	stileid.u32  }
0x59: {  	s1 =	rddreg [dreg:$0x1];
	p0 =	sne.s32 s2, $0x0  }
0x5a: {  	s3 =	rddreg [dreg:$0x2];
	[bflag:$0x3] =	sbarrier.arrive $0xFFFF;
	s2 =	simm.s32 @!p0 $0x1C03  }
0x5b: {  	[timem:s3], [sflag:s2] =	dma.local @!p0 [hbm:s0], s1  }
0x5c: {  	s0 =	simm.s32 @!p0 $0x3  }
0x5d: {  	_ =	swait.ge @!p0 [sflag:s0], s1  }
0x5e: {  	s1 =	ssub.s32 @!p0 $0x0, s1;
	[sflag:s0] =	ssyncset.done @!p0 $0x0  }
0x5f: {  	[sflag:s0] =	ssyncadd.s32 @!p0 s1  }
0x60: {  	[bflag:$0x3] =	sbarrier.arrive $0xFFFF  }
0x61: {  	_ =	shalt  }

// kernel: kernel.36.cloned.1.call-start
scs
__scs_entry_jumppad:
0x0: {  	(pc) =	sbr.rel $0x88, $3  }
0x1: {  	(tag) =	ssettag $0x0;
	lr =	simm.s32 $0x1  }
0x2: {  	[smem:$0x3F8D] =	sst lr;
	_ =	strace $0xD0000000  }
0x3: {  	_ = 	snop  }
0x4: {  	_ = 	snop  }
0x5: {  	_ = 	snop  }
0x6: {  	_ = 	snop  }
0x7: {  	_ = 	snop  }
__scs_overlays_trampoline_lowered:
0x8: {  	[smem:$0x3F9C] =	sst s0  }
0x9: {  	[smem:$0x3F9D] =	sst s1  }
0xa: {  	[smem:$0x3F9E] =	sst s2  }
0xb: {  	[smem:$0x3F9F] =	sst s3  }
0xc: {  	[smem:$0x3FA0] =	sst s4  }
0xd: {  	[smem:$0x3FA1] =	sst s5  }
0xe: {  	[smem:$0x3FA2] =	sst s6  }
0xf: {  	[smem:$0x3FA3] =	sst s7  }
0x10: {  	[smem:$0x3FA4] =	sst s8  }
0x11: {  	[smem:$0x3FA5] =	sst s9;
	s0 =	simm.s32 @!p0 $0x0  }
0x12: {  	s1 =	sld [smem:$0x3F8B];
	s0 =	simm.s32 @p0 $0x1  }
0x13: {  	[smem:$0x3FA6] =	sst s0;
	s0 =	simm.s32 @!p1 $0x0  }
0x14: {  	s2 =	sld [smem:$0x3F8A];
	s0 =	simm.s32 @p1 $0x1  }
0x15: {  	[smem:$0x3FA7] =	sst s0;
	s0 =	simm.s32 @!p2 $0x0  }
0x16: {  	s3 =	sld [smem:$0x3FDB];
	s0 =	simm.s32 @p2 $0x1  }
0x17: {  	s4 =	simm.s32 $0x1BF5;
	[smem:$0x3FA9] =	sst s0  }
0x18: {  	s0 =	sld [smem:$0x3F8C];
	_ =	swait.ge [sflag:s4], $0x0  }
0x19: {  	s7 =	sld [smem:$0x3F8D]  }
0x1a: {  	s8 =	sadd.s32 $0xFFFFE003, lr  }
0x1b: {  	s9 =	sadd.s32 $0xFFFFFEF7, lr;
	s5 =	simm.s32 $0xFFFFFFFF;
	p2 =	slt.u32 s8, $0xFFFFF086  }
0x1c: {  	p1 =	slt.u32 s9, $0xF7A;
	s5 =	simm.s32 @!p2 $0x0  }
0x1d: {  	s5 =	simm.s32 @p1 $0x1;
	p0 =	seq.s32 s7, s2  }
0x1e: {  	s7 =	smul.u32 @!p0 $0xF7A, s2;
	p2 =	seq.s32 @!p0 s5, $0x0  }
0x1f: {  	s9 =	smul.u32 $0xF7A, s1;
	s8 =	simm.s32 @!p0 $0x1BF5;
	p2 =	por !p2, p0  }
0x20: {  	[sflag:s8] =	ssyncset.s32 @!p0 $0xFFFFF086;
	s6 =	sadd.s32 @!p0 s3, s7;
	s7 =	simm.s32 @!p0 $0x108  }
0x21: {  	s3 =	sadd.s32 s3, s9;
	s6 =	sadd.s32 @!p0 $0x88, s6;
	s7 =	simm.s32 @p2 $0x1082  }
0x22: {  	[simem:s7], [sflag:s8] =	dma.local @!p0 [hbm:s6], $0xF7A  }
0x23: {  	s9 =	sor.u32 $0xD0000000, s2;
	s6 =	simm.s32 $0x108;
	_ =	swait.ge @!p0 [sflag:s8], $0x0  }
0x24: {  	s3 =	sadd.s32 $0x88, s3;
	s6 =	simm.s32 @!p1 $0x1082;
	[sflag:s4] =	ssyncset.s32 $0xFFFFF086  }
0x25: {  	[simem:s6], [sflag:s4] =	dma.local [hbm:s3], $0xF7A  }
0x26: {  	[smem:$0x3F8D] =	sst s1;
	(tag) =	ssettag s2;
	_ =	strace s9  }
0x27: {  	s1 =	sld [smem:$0x3F9D]  }
0x28: {  	s2 =	sld [smem:$0x3F9E]  }
0x29: {  	s4 =	sld [smem:$0x3FA0]  }
0x2a: {  	p0 =	seq.s32 s5, $0x0;
	s5 =	sld [smem:$0x3FA1]  }
0x2b: {  	s6 =	sld [smem:$0x3FA2]  }
0x2c: {  	s7 =	sld [smem:$0x3FA3]  }
0x2d: {  	s3 =	simm.s32 $0x108;
	s8 =	sld [smem:$0x3FA4]  }
0x2e: {  	s3 =	simm.s32 @!p0 $0x1082;
	s9 =	sld [smem:$0x3FA5]  }
0x2f: {  	lr =	sadd.s32 s0, s3;
	s0 =	sld [smem:$0x3F9C]  }
0x30: {  	s3 =	sld [smem:$0x3F9F]  }
0x31: {  	[smem:$0x3FA8] =	sst s10  }
0x32: {  	s10 =	sld [smem:$0x3FA6];
	_ =	sdelay $0x3  }
0x33: {  	p0 =	seq.s32 s10, $0x1;
	s10 =	sld [smem:$0x3FA8];
	_ =	sdelay $0x3  }
0x34: {  	[smem:$0x3FA8] =	sst s10  }
0x35: {  	s10 =	sld [smem:$0x3FA7];
	_ =	sdelay $0x3  }
0x36: {  	p1 =	seq.s32 s10, $0x1;
	s10 =	sld [smem:$0x3FA8];
	_ =	sdelay $0x3  }
0x37: {  	[smem:$0x3FA8] =	sst s10  }
0x38: {  	s10 =	sld [smem:$0x3FA9]  }
0x39: {  	_ = 	snop;
	(pc) =	sbr.ind lr, $3  }
0x3a: {  	_ = 	snop  }
0x3b: {  	_ = 	snop  }
0x3c: {  	p2 =	seq.s32 s10, $0x1;
	s10 =	sld [smem:$0x3FA8]  }
0x3d: {  	_ =	shalt  }
0x3e: {  	_ =	shalt  }
0x3f: {  	_ =	shalt  }
0x40: {  	_ =	shalt  }
0x41: {  	_ =	shalt  }
0x42: {  	_ =	shalt  }
0x43: {  	_ =	shalt  }
0x44: {  	_ =	shalt  }
0x45: {  	_ =	shalt  }
0x46: {  	_ =	shalt  }
0x47: {  	_ =	shalt  }
0x48: {  	_ =	shalt  }
0x49: {  	_ =	shalt  }
0x4a: {  	_ =	shalt  }
0x4b: {  	_ =	shalt  }
0x4c: {  	_ =	shalt  }
0x4d: {  	_ =	shalt  }
0x4e: {  	_ =	shalt  }
0x4f: {  	_ =	shalt  }
0x50: {  	_ =	shalt  }
0x51: {  	_ =	shalt  }
0x52: {  	_ =	shalt  }
0x53: {  	_ =	shalt  }
0x54: {  	_ =	shalt  }
0x55: {  	_ =	shalt  }
0x56: {  	_ =	shalt  }
0x57: {  	_ =	shalt  }
0x58: {  	_ =	shalt  }
0x59: {  	_ =	shalt  }
0x5a: {  	_ =	shalt  }
0x5b: {  	_ =	shalt  }
0x5c: {  	_ =	shalt  }
0x5d: {  	_ =	shalt  }
0x5e: {  	_ =	shalt  }
0x5f: {  	_ =	shalt  }
0x60: {  	_ =	shalt  }
0x61: {  	_ =	shalt  }
0x62: {  	_ =	shalt  }
0x63: {  	_ =	shalt  }
0x64: {  	_ =	shalt  }
0x65: {  	_ =	shalt  }
0x66: {  	_ =	shalt  }
0x67: {  	_ =	shalt  }
0x68: {  	_ =	shalt  }
0x69: {  	_ =	shalt  }
0x6a: {  	_ =	shalt  }
0x6b: {  	_ =	shalt  }
0x6c: {  	_ =	shalt  }
0x6d: {  	_ =	shalt  }
0x6e: {  	_ =	shalt  }
0x6f: {  	_ =	shalt  }
0x70: {  	_ =	shalt  }
0x71: {  	_ =	shalt  }
0x72: {  	_ =	shalt  }
0x73: {  	_ =	shalt  }
0x74: {  	_ =	shalt  }
0x75: {  	_ =	shalt  }
0x76: {  	_ =	shalt  }
0x77: {  	_ =	shalt  }
0x78: {  	_ =	shalt  }
0x79: {  	_ =	shalt  }
0x7a: {  	_ =	shalt  }
0x7b: {  	_ =	shalt  }
0x7c: {  	_ =	shalt  }
0x7d: {  	_ =	shalt  }
0x7e: {  	_ =	shalt  }
0x7f: {  	_ =	shalt  }
0x80: {  	_ =	shalt  }
0x81: {  	_ =	shalt  }
0x82: {  	_ =	shalt  }
0x83: {  	_ =	shalt  }
0x84: {  	_ =	shalt  }
0x85: {  	_ =	shalt  }
0x86: {  	_ =	shalt  }
0x87: {  	_ =	shalt  }
.Lfunc_end0:
.L_simem_size_0:
called_computation.5_lowered:
.L_overlay_start_0:
0x88: {  	s2 =	sld [smem:$0x3FD9]  }
0x89: {  	s3 =	sld [smem:$0x3FFE];
	_ =	sdelay $0x1  }
0x8a: {  	s1 =	srdreg.scid  }
0x8b: {  	s0 =	sand.u32 $0x1, s1  }
0x8c: {  	s16 =	sshll.u32 s0, $0xA;
	s2 =	sadd.s32 s3, s2  }
0x8d: {  	s2 =	sadd.s32 s2, s16  }
0x8e: {  	[smem:$0x3FB4] =	sst s2  }
0x8f: {  	_ = 	snop  }
0x90: {  	(tm) =	ssettm $0x1  }
0x91: {  	s17 =	sld [smem:$0x3FFB];
	_ =	sdelay $0x3  }
0x92: {  	_ =	strace s17  }
0x93: {  	s2 =	sld [smem:$0x3FFC];
	_ =	sdelay $0x3  }
0x94: {  	_ =	strace s2  }
0x95: {  	s2 =	sld [smem:$0x3FFD];
	_ =	sdelay $0x3  }
0x96: {  	_ =	strace s2  }
0x97: {  	_ =	strace $0x8FFFFFFF  }
0x98: {  	s18 =	sld [smem:$0x3FDB];
	_ =	sdelay $0x1  }
0x99: {  	s19 =	simm.s32 $_scs_section_size  }
0x9a: {  	s4 =	simm.s32 $_size__tile_overlayer_lowered;
	s5 =	simm.s32 $_tile_overlayer_lowered  }
0x9b: {  	s22 =	simm.s32 $0x1BFF;
	s21 =	sshll.u32 s5, $0x1;
	s2 =	sadd.s32 s19, s18  }
0x9c: {  	s6 =	simm.s32 $0x0;
	s20 =	sshll.u32 s4, $0x1;
	s4 =	sadd.s32 s21, s2  }
0x9d: {  	[timem:s6], [sflag:s22] =	dma.local [hbm:s4], s20  }
0x9e: {  	_ =	swait.ge [sflag:s22], s20  }
0x9f: {  	s3 =	ssub.s32 $0x0, s20;
	[sflag:s22] =	ssyncset.done $0x0  }
0xa0: {  	[sflag:s22] =	ssyncadd.s32 s3;
	_ =	sdelay $0x1  }
0xa1: {  	s23 =	simm.s32 $0x1B8B  }
0xa2: {  	_ =	swait.ge [sflag:s23], $0x1  }
0xa3: {  	[sflag:s23] =	ssyncset.done $0x0  }
0xa4: {  	s25 =	simm.s32 $0x1B8E;
	s24 =	sld [smem:$0x3FFE];
	[sflag:s23] =	ssyncadd.s32 $0xFFFFFFFF  }
0xa5: {  	s26 =	simm.s32 $execute0_lowered;
	[smem:$0x3FD2] =	sst s25  }
0xa6: {  	s4 =	sshll.u32 s26, $0x1;
	_ =	strace $0x80000055;
	[dreg:$0x1] =	wrdreg $0xFFFFFFFF  }
0xa7: {  	s28 =	simm.s32 $_size_execute0_lowered;
	s2 =	sadd.s32 s2, s4;
	[dreg:$0x0] =	wrdreg $0x0  }
0xa8: {  	s4 =	sshll.u32 s28, $0x1;
	[dreg:$0x2] =	wrdreg s2  }
0xa9: {  	[dreg:$0x3] =	wrdreg s4  }
0xaa: {  	[dreg:$0x4] =	wrdreg $0xC0  }
0xab: {  	_ =	task [dreg:s6], $0x5FFFF  }
0xac: {  	[dreg:$0x1] =	wrdreg $0xFFFFFFFF  }
0xad: {  	[dreg:$0x0] =	wrdreg $0x60  }
0xae: {  	[dreg:$0x2] =	wrdreg s24  }
0xaf: {  	[dreg:$0x3] =	wrdreg $0x0  }
0xb0: {  	[dreg:$0x4] =	wrdreg $0x9  }
0xb1: {  	_ =	task.clear_ibuf [dreg:s6], $0x5FFFF;
	_ =	strace $0x90000055  }
0xb2: {  	s29 =	simm.s32 $0x9;
	_ =	strace $0x80000057  }
0xb3: {  	_ =	swait.ge [sflag:s29], $0x1  }
0xb4: {  	[sflag:s29] =	ssyncadd.s32 $0xFFFFFFFF  }
0xb5: {  	_ =	strace $0x90000057  }
0xb6: {  	_ =	sfence  }
0xb7: {  	s30 =	sld [smem:$0x0];
	_ =	sdelay $0x2  }
0xb8: {  	s31 =	sshll.u32 s1, $0xD;
	s1 =	sshrl.u32 s1, $0x2  }
0xb9: {  	s3 =	sand.u32 $0x4000, s31;
	s1 =	sadd.s32 s1, s30  }
0xba: {  	s0 =	sor.u32 s3, s0;
	s1 =	sshll.u32 s1, $0x11  }
0xbb: {  	s0 =	sor.u32 s1, s0  }
0xbc: {  	s0 =	sadd.s32 $0x8F2B, s0  }
0xbd: {  	[sflag:s0] =	ssyncadd.remote.s32 $0x1  }
0xbe: {  	_ =	sfence.sel $0xFFFF  }
0xbf: {  	[dreg:$0x0] =	wrdreg $0xFFFFFFFF;
	(pc) =	sbr.abs _section_cstart, $3  }
0xc0: {  	[dreg:$0x1] =	wrdreg $0xFFFFFFFF  }
0xc1: {  	_ =	task.clear_ibuf [dreg:s6], $0x2FFFF;
	_ =	strace $0x9FFFFFFF  }
0xc2: {  	(tm) =	ssettm $0x7FFFFFFF  }
0xc3: {  	_ =	shalt  }
tec
execute0_lowered:
.L_overlay_start_1:
0x0: {  	(tag) =	ssettag $0x1  }
0x1: {  	s7 =	rddreg [dreg:$0x0]  }
0x2: {  	s0 =	srdreg.scid;
	s2 =	rddreg [dreg:$0x1];
	s3 =	simm.s32 $0x0  }
0x3: {  	s13 =	simm.s32 $0x14000;
	s14 =	simm.s32 $0x50;
	s6 =	sand.u32 $0x1, s0  }
0x4: {  	s15 =	simm.s32 $0x0;
	s0 =	stileid.u32;
	s5 =	smul.u32 $0x140000, s6  }
0x5: {  	[smem:$0x7FF] =	sst s3;
	s1 =	sshll.u32 s6, $0x4;
	s8 =	smul.u32 $0x14000, s0  }
0x6: {  	s10 =	smul.u32 $0x50000, s0;
	s6 =	ssub.s32 $0x2, s6;
	s1 =	sor.u32 s0, s1  }
0x7: {  	s11 =	sshll.u32 s0, $0x6;
	s31 =	sshrl.u32 s6, $0x1;
	s4 =	smul.u32 $0x4E2, s1  }
0x8: {  	s1 =	rddreg [dreg:$0x2];
	_ =	strace $0x80000056;
	s5 =	sadd.s32 s8, s5  }
0x9: {  	s10 =	sshrl.u32 s10, $0x2;
	s12 =	ssub.s32 s6, s31;
	s6 =	sor.u32 $0x1C01, s11  }
0xa: {  	s11 =	simm.s32 $0x1;
	s8 =	sshrl.u32 s5, $0x3;
	s5 =	sadd.s32 $0x1BE00, s7  }
0xb: {  	s10 =	sadd.s32 s10, s2;
	s9 =	sadd.s32 s4, s7;
	s4 =	sadd.s32 $0x19600, s7  }
0xc: {  	s8 =	sadd.s32 s8, s7;
	s10 =	sshrl.u32 s10, $0x3;
	s7 =	sadd.s32 $0x76200, s9  }
0xd: {  	s8 =	sadd.s32 $0x80000, s8;
	s9 =	smax.u32 s12, $0x1;
	s12 =	simm.s32 $0x16780  }
.LBB2_1:
0xe: {  	[spmem:s10], [sflag:s6] =	dma.local [hbm:s4], $0x2800  }
0xf: {  	_ =	swait.ge [sflag:s11], $0x2800  }
0x10: {  	[sflag:s11] =	ssyncset.done $0x0  }
0x11: {  	[sflag:s11] =	ssyncadd.s32 $0xFFFFD800  }
0x12: {  	[tilespmem:s12], [sflag:$0x1] =	stream.linear.gather [hbm4b:s5+s3], $0x2800, $0x38;
	[tilespmem:$0x18F80] =	vst v63  }
0x13: {  	_ =	swait.ge [sflag:s11], $0x2800  }
0x14: {  	[sflag:s11] =	ssyncset.done $0x0  }
0x15: {  	[sflag:s11] =	ssyncadd.s32 $0xFFFFD800  }
0x16: {  	[tilespmem:s13], [sflag:$0x1] =	stream.linear.gather [hbm4b:s7+s3], $0x2710, $0x38;
	[tilespmem:$0x18F80] =	vst v63  }
0x17: {  	_ =	swait.ge [sflag:s11], $0x2710  }
0x18: {  	[sflag:s11] =	ssyncset.done $0x0  }
0x19: {  	[sflag:s11] =	ssyncadd.s32 $0xFFFFD8F0  }
0x1a: {  	s16 =	simm.s32 $0x14000;
	[bflag:$0x0] =	sbarrier.arrive $0xFFFF  }
0x1b: {  	[spmem:s2] =	stream.indirect.scatter.add.f32 [tilespmem:s12], [sflag:$0x1], $0x80, s16, s14, $0xb8;
	[tilespmem:$0x18F80] =	vst v63  }
0x1c: {  	s16 =	simm.s32 $0x140;
	_ =	swait.ge [sflag:s11], $0x2800  }
.LBB2_2:
0x1d: {  	s17 =	sshra.s32 s16, $0x2;
	[sflag:s11] =	ssyncset.done $0x0;
	p0 =	sne.s32 s16, $0x9B00  }
.Ltmp0:
0x1e: {  	s17 =	sadd.s32 $0x14000, s17;
	[sflag:s11] =	ssyncadd.s32 $0xFFFFD800;
	(pc) =	sbr.rel @p0 .LBB2_2-.Ltmp0, $3  }
0x1f: {  	[spmem:s2] =	stream.indirect.scatter.add.f32 [tilespmem:s12], [sflag:$0x1], $0x80, s17, s14, $0xb8;
	[tilespmem:$0x18F80] =	vst v63  }
0x20: {  	s16 =	sadd.s32 $0x140, s16;
	_ =	sdelay $0x1  }
0x21: {  	_ =	swait.ge [sflag:s11], $0x2800  }
0x22: {  	[sflag:s11] =	ssyncset.done $0x0;
	s15 =	sadd.s32 $0x1, s15  }
0x23: {  	[sflag:s11] =	ssyncadd.s32 $0xFFFFD800;
	p0 =	sne.s32 s15, s9  }
.Ltmp1:
0x24: {  	[bflag:$0x0] =	sbarrier.arrive $0xFFFF;
	(pc) =	sbr.rel @p0 .LBB2_1-.Ltmp1, $4  }
0x25: {  	[hbm:s8], [sflag:s6] =	dma.local [spmem:s10], $0x2800  }
0x26: {  	_ =	swait.ge [sflag:s11], $0x2800  }
0x27: {  	[sflag:s11] =	ssyncset.done $0x0  }
0x28: {  	[sflag:s11] =	ssyncadd.s32 $0xFFFFD800  }
0x29: {  	_ =	sfence.sel $0x180000  }
0x2a: {  	[bflag:$0x0] =	sbarrier.arrive $0xFFFF  }
0x2b: {  	p0 =	sne.s32 s0, $0x0;
	_ =	strace $0x90000056  }
0x2c: {  	s0 =	sadd.s32 @!p0 $0x100000, s1;
	[bflag:$0x2] =	sbarrier.arrive $0xFFFF  }
0x2d: {  	[sflag:s0] =	ssyncadd.tile.s32 @!p0 $0x1;
	_ =	shalt  }
.Lfunc_end2:
_tile_overlayer_lowered:
.L_overlay_start_2:
0x2e: {  	(tag) =	ssettag $0x2  }
0x2f: {  	s0 =	rddreg [dreg:$0x0];
	s2 =	stileid.u32  }
0x30: {  	s1 =	rddreg [dreg:$0x1];
	p0 =	sne.s32 s2, $0x0  }
0x31: {  	s3 =	rddreg [dreg:$0x2];
	[bflag:$0x3] =	sbarrier.arrive $0xFFFF;
	s2 =	simm.s32 @!p0 $0x1C01  }
0x32: {  	[timem:s3], [sflag:s2] =	dma.local @!p0 [hbm:s0], s1  }
0x33: {  	s0 =	simm.s32 @!p0 $0x1  }
0x34: {  	_ =	swait.ge @!p0 [sflag:s0], s1  }
0x35: {  	s1 =	ssub.s32 @!p0 $0x0, s1;
	[sflag:s0] =	ssyncset.done @!p0 $0x0  }
0x36: {  	[sflag:s0] =	ssyncadd.s32 @!p0 s1  }
0x37: {  	[bflag:$0x3] =	sbarrier.arrive $0xFFFF  }
0x38: {  	_ =	shalt  }

// kernel: kernel.39.cloned.1.call-start
scs
__scs_entry_jumppad:
0x0: {  	(pc) =	sbr.rel $0x88, $3  }
0x1: {  	(tag) =	ssettag $0x0;
	lr =	simm.s32 $0x1  }
0x2: {  	[smem:$0x3F8D] =	sst lr;
	_ =	strace $0xD0000000  }
0x3: {  	_ = 	snop  }
0x4: {  	_ = 	snop  }
0x5: {  	_ = 	snop  }
0x6: {  	_ = 	snop  }
0x7: {  	_ = 	snop  }
__scs_overlays_trampoline_lowered:
0x8: {  	[smem:$0x3F9C] =	sst s0  }
0x9: {  	[smem:$0x3F9D] =	sst s1  }
0xa: {  	[smem:$0x3F9E] =	sst s2  }
0xb: {  	[smem:$0x3F9F] =	sst s3  }
0xc: {  	[smem:$0x3FA0] =	sst s4  }
0xd: {  	[smem:$0x3FA1] =	sst s5  }
0xe: {  	[smem:$0x3FA2] =	sst s6  }
0xf: {  	[smem:$0x3FA3] =	sst s7  }
0x10: {  	[smem:$0x3FA4] =	sst s8  }
0x11: {  	[smem:$0x3FA5] =	sst s9;
	s0 =	simm.s32 @!p0 $0x0  }
0x12: {  	s1 =	sld [smem:$0x3F8B];
	s0 =	simm.s32 @p0 $0x1  }
0x13: {  	[smem:$0x3FA6] =	sst s0;
	s0 =	simm.s32 @!p1 $0x0  }
0x14: {  	s2 =	sld [smem:$0x3F8A];
	s0 =	simm.s32 @p1 $0x1  }
0x15: {  	[smem:$0x3FA7] =	sst s0;
	s0 =	simm.s32 @!p2 $0x0  }
0x16: {  	s3 =	sld [smem:$0x3FDB];
	s0 =	simm.s32 @p2 $0x1  }
0x17: {  	s4 =	simm.s32 $0x1BF5;
	[smem:$0x3FA9] =	sst s0  }
0x18: {  	s0 =	sld [smem:$0x3F8C];
	_ =	swait.ge [sflag:s4], $0x0  }
0x19: {  	s7 =	sld [smem:$0x3F8D]  }
0x1a: {  	s8 =	sadd.s32 $0xFFFFE003, lr  }
0x1b: {  	s9 =	sadd.s32 $0xFFFFFEF7, lr;
	s5 =	simm.s32 $0xFFFFFFFF;
	p2 =	slt.u32 s8, $0xFFFFF086  }
0x1c: {  	p1 =	slt.u32 s9, $0xF7A;
	s5 =	simm.s32 @!p2 $0x0  }
0x1d: {  	s5 =	simm.s32 @p1 $0x1;
	p0 =	seq.s32 s7, s2  }
0x1e: {  	s7 =	smul.u32 @!p0 $0xF7A, s2;
	p2 =	seq.s32 @!p0 s5, $0x0  }
0x1f: {  	s9 =	smul.u32 $0xF7A, s1;
	s8 =	simm.s32 @!p0 $0x1BF5;
	p2 =	por !p2, p0  }
0x20: {  	[sflag:s8] =	ssyncset.s32 @!p0 $0xFFFFF086;
	s6 =	sadd.s32 @!p0 s3, s7;
	s7 =	simm.s32 @!p0 $0x108  }
0x21: {  	s3 =	sadd.s32 s3, s9;
	s6 =	sadd.s32 @!p0 $0x88, s6;
	s7 =	simm.s32 @p2 $0x1082  }
0x22: {  	[simem:s7], [sflag:s8] =	dma.local @!p0 [hbm:s6], $0xF7A  }
0x23: {  	s9 =	sor.u32 $0xD0000000, s2;
	s6 =	simm.s32 $0x108;
	_ =	swait.ge @!p0 [sflag:s8], $0x0  }
0x24: {  	s3 =	sadd.s32 $0x88, s3;
	s6 =	simm.s32 @!p1 $0x1082;
	[sflag:s4] =	ssyncset.s32 $0xFFFFF086  }
0x25: {  	[simem:s6], [sflag:s4] =	dma.local [hbm:s3], $0xF7A  }
0x26: {  	[smem:$0x3F8D] =	sst s1;
	(tag) =	ssettag s2;
	_ =	strace s9  }
0x27: {  	s1 =	sld [smem:$0x3F9D]  }
0x28: {  	s2 =	sld [smem:$0x3F9E]  }
0x29: {  	s4 =	sld [smem:$0x3FA0]  }
0x2a: {  	p0 =	seq.s32 s5, $0x0;
	s5 =	sld [smem:$0x3FA1]  }
0x2b: {  	s6 =	sld [smem:$0x3FA2]  }
0x2c: {  	s7 =	sld [smem:$0x3FA3]  }
0x2d: {  	s3 =	simm.s32 $0x108;
	s8 =	sld [smem:$0x3FA4]  }
0x2e: {  	s3 =	simm.s32 @!p0 $0x1082;
	s9 =	sld [smem:$0x3FA5]  }
0x2f: {  	lr =	sadd.s32 s0, s3;
	s0 =	sld [smem:$0x3F9C]  }
0x30: {  	s3 =	sld [smem:$0x3F9F]  }
0x31: {  	[smem:$0x3FA8] =	sst s10  }
0x32: {  	s10 =	sld [smem:$0x3FA6];
	_ =	sdelay $0x3  }
0x33: {  	p0 =	seq.s32 s10, $0x1;
	s10 =	sld [smem:$0x3FA8];
	_ =	sdelay $0x3  }
0x34: {  	[smem:$0x3FA8] =	sst s10  }
0x35: {  	s10 =	sld [smem:$0x3FA7];
	_ =	sdelay $0x3  }
0x36: {  	p1 =	seq.s32 s10, $0x1;
	s10 =	sld [smem:$0x3FA8];
	_ =	sdelay $0x3  }
0x37: {  	[smem:$0x3FA8] =	sst s10  }
0x38: {  	s10 =	sld [smem:$0x3FA9]  }
0x39: {  	_ = 	snop;
	(pc) =	sbr.ind lr, $3  }
0x3a: {  	_ = 	snop  }
0x3b: {  	_ = 	snop  }
0x3c: {  	p2 =	seq.s32 s10, $0x1;
	s10 =	sld [smem:$0x3FA8]  }
0x3d: {  	_ =	shalt  }
0x3e: {  	_ =	shalt  }
0x3f: {  	_ =	shalt  }
0x40: {  	_ =	shalt  }
0x41: {  	_ =	shalt  }
0x42: {  	_ =	shalt  }
0x43: {  	_ =	shalt  }
0x44: {  	_ =	shalt  }
0x45: {  	_ =	shalt  }
0x46: {  	_ =	shalt  }
0x47: {  	_ =	shalt  }
0x48: {  	_ =	shalt  }
0x49: {  	_ =	shalt  }
0x4a: {  	_ =	shalt  }
0x4b: {  	_ =	shalt  }
0x4c: {  	_ =	shalt  }
0x4d: {  	_ =	shalt  }
0x4e: {  	_ =	shalt  }
0x4f: {  	_ =	shalt  }
0x50: {  	_ =	shalt  }
0x51: {  	_ =	shalt  }
0x52: {  	_ =	shalt  }
0x53: {  	_ =	shalt  }
0x54: {  	_ =	shalt  }
0x55: {  	_ =	shalt  }
0x56: {  	_ =	shalt  }
0x57: {  	_ =	shalt  }
0x58: {  	_ =	shalt  }
0x59: {  	_ =	shalt  }
0x5a: {  	_ =	shalt  }
0x5b: {  	_ =	shalt  }
0x5c: {  	_ =	shalt  }
0x5d: {  	_ =	shalt  }
0x5e: {  	_ =	shalt  }
0x5f: {  	_ =	shalt  }
0x60: {  	_ =	shalt  }
0x61: {  	_ =	shalt  }
0x62: {  	_ =	shalt  }
0x63: {  	_ =	shalt  }
0x64: {  	_ =	shalt  }
0x65: {  	_ =	shalt  }
0x66: {  	_ =	shalt  }
0x67: {  	_ =	shalt  }
0x68: {  	_ =	shalt  }
0x69: {  	_ =	shalt  }
0x6a: {  	_ =	shalt  }
0x6b: {  	_ =	shalt  }
0x6c: {  	_ =	shalt  }
0x6d: {  	_ =	shalt  }
0x6e: {  	_ =	shalt  }
0x6f: {  	_ =	shalt  }
0x70: {  	_ =	shalt  }
0x71: {  	_ =	shalt  }
0x72: {  	_ =	shalt  }
0x73: {  	_ =	shalt  }
0x74: {  	_ =	shalt  }
0x75: {  	_ =	shalt  }
0x76: {  	_ =	shalt  }
0x77: {  	_ =	shalt  }
0x78: {  	_ =	shalt  }
0x79: {  	_ =	shalt  }
0x7a: {  	_ =	shalt  }
0x7b: {  	_ =	shalt  }
0x7c: {  	_ =	shalt  }
0x7d: {  	_ =	shalt  }
0x7e: {  	_ =	shalt  }
0x7f: {  	_ =	shalt  }
0x80: {  	_ =	shalt  }
0x81: {  	_ =	shalt  }
0x82: {  	_ =	shalt  }
0x83: {  	_ =	shalt  }
0x84: {  	_ =	shalt  }
0x85: {  	_ =	shalt  }
0x86: {  	_ =	shalt  }
0x87: {  	_ =	shalt  }
.Lfunc_end0:
.L_simem_size_0:
called_computation.6_lowered:
.L_overlay_start_0:
0x88: {  	s2 =	sld [smem:$0x3FD9]  }
0x89: {  	s3 =	sld [smem:$0x3FFE];
	_ =	sdelay $0x1  }
0x8a: {  	s1 =	srdreg.scid  }
0x8b: {  	s0 =	sand.u32 $0x1, s1  }
0x8c: {  	s17 =	sshll.u32 s0, $0xA;
	s2 =	sadd.s32 s3, s2  }
0x8d: {  	s2 =	sadd.s32 s2, s17  }
0x8e: {  	[smem:$0x3FB4] =	sst s2  }
0x8f: {  	_ = 	snop  }
0x90: {  	s2 =	sld [smem:$0x3FC6];
	(tm) =	ssettm $0x1  }
0x91: {  	s18 =	sld [smem:$0x3FFB];
	_ =	sdelay $0x3  }
0x92: {  	_ =	strace s18  }
0x93: {  	s3 =	sld [smem:$0x3FFC];
	_ =	sdelay $0x3  }
0x94: {  	_ =	strace s3  }
0x95: {  	s3 =	sld [smem:$0x3FFD];
	_ =	sdelay $0x3  }
0x96: {  	_ =	strace s3  }
0x97: {  	_ =	strace $0x8FFFFFFF  }
0x98: {  	s19 =	sld [smem:$0x3FDB];
	_ =	sdelay $0x1  }
0x99: {  	s4 =	simm.s32 $_scs_section_size  }
0x9a: {  	s5 =	simm.s32 $_size__tile_overlayer_lowered;
	s6 =	simm.s32 $_tile_overlayer_lowered  }
0x9b: {  	s22 =	simm.s32 $0x1BFF;
	s21 =	sshll.u32 s6, $0x1;
	s3 =	sadd.s32 s4, s19  }
0x9c: {  	s7 =	simm.s32 $0x0;
	s20 =	sshll.u32 s5, $0x1;
	s5 =	sadd.s32 s21, s3  }
0x9d: {  	[timem:s7], [sflag:s22] =	dma.local [hbm:s5], s20  }
0x9e: {  	_ =	swait.ge [sflag:s22], s20  }
0x9f: {  	s4 =	ssub.s32 $0x0, s20;
	[sflag:s22] =	ssyncset.done $0x0  }
0xa0: {  	[sflag:s22] =	ssyncadd.s32 s4;
	_ =	sdelay $0x1  }
0xa1: {  	s23 =	simm.s32 $0x1B8B  }
0xa2: {  	_ =	swait.ge [sflag:s23], $0x1  }
0xa3: {  	[sflag:s23] =	ssyncset.done $0x0  }
0xa4: {  	s25 =	simm.s32 $0x1B8E;
	s24 =	sld [smem:$0x3FFE];
	[sflag:s23] =	ssyncadd.s32 $0xFFFFFFFF  }
0xa5: {  	s26 =	simm.s32 $execute0_lowered;
	[smem:$0x3FD2] =	sst s25  }
0xa6: {  	s5 =	sshll.u32 s26, $0x1;
	_ =	strace $0x80000058;
	[dreg:$0x1] =	wrdreg $0xFFFFFFFF  }
0xa7: {  	s28 =	simm.s32 $_size_execute0_lowered;
	s3 =	sadd.s32 s3, s5;
	[dreg:$0x0] =	wrdreg $0x0  }
0xa8: {  	s5 =	sshll.u32 s28, $0x1;
	[dreg:$0x2] =	wrdreg s3  }
0xa9: {  	[dreg:$0x3] =	wrdreg s5  }
0xaa: {  	[dreg:$0x4] =	wrdreg $0xC0  }
0xab: {  	_ =	task [dreg:s7], $0x5FFFF  }
0xac: {  	[dreg:$0x1] =	wrdreg $0xFFFFFFFF  }
0xad: {  	[dreg:$0x0] =	wrdreg $0x60  }
0xae: {  	[dreg:$0x2] =	wrdreg s2  }
0xaf: {  	[dreg:$0x3] =	wrdreg s24  }
0xb0: {  	[dreg:$0x4] =	wrdreg $0x0  }
0xb1: {  	[dreg:$0x5] =	wrdreg $0x9  }
0xb2: {  	_ =	task.clear_ibuf [dreg:s7], $0x6FFFF;
	_ =	strace $0x90000058  }
0xb3: {  	s29 =	simm.s32 $0x9;
	_ =	strace $0x8000005A  }
0xb4: {  	_ =	swait.ge [sflag:s29], $0x1  }
0xb5: {  	[sflag:s29] =	ssyncadd.s32 $0xFFFFFFFF  }
0xb6: {  	_ =	strace $0x9000005A  }
0xb7: {  	_ =	sfence  }
0xb8: {  	s30 =	sld [smem:$0x0];
	_ =	sdelay $0x2  }
0xb9: {  	s31 =	sshll.u32 s1, $0xD;
	s1 =	sshrl.u32 s1, $0x2  }
0xba: {  	s3 =	sand.u32 $0x4000, s31;
	s1 =	sadd.s32 s1, s30  }
0xbb: {  	s0 =	sor.u32 s3, s0;
	s1 =	sshll.u32 s1, $0x11  }
0xbc: {  	s0 =	sor.u32 s1, s0  }
0xbd: {  	s0 =	sadd.s32 $0x8F2B, s0  }
0xbe: {  	[sflag:s0] =	ssyncadd.remote.s32 $0x1  }
0xbf: {  	_ =	sfence.sel $0xFFFF  }
0xc0: {  	[dreg:$0x0] =	wrdreg $0xFFFFFFFF;
	(pc) =	sbr.abs _section_cstart, $3  }
0xc1: {  	[dreg:$0x1] =	wrdreg $0xFFFFFFFF  }
0xc2: {  	_ =	task.clear_ibuf [dreg:s7], $0x2FFFF;
	_ =	strace $0x9FFFFFFF  }
0xc3: {  	(tm) =	ssettm $0x7FFFFFFF  }
tec
execute0_lowered:
.L_overlay_start_1:
0x0: {  	(tag) =	ssettag $0x1  }
0x1: {  	s1 =	rddreg [dreg:$0x0]  }
0x2: {  	s6 =	rddreg [dreg:$0x1]  }
0x3: {  	s3 =	rddreg [dreg:$0x2];
	s2 =	srdreg.scid  }
0x4: {  	s0 =	rddreg [dreg:$0x3];
	s4 =	simm.s32 $0x0;
	s14 =	simm.s32 $0x16780  }
0x5: {  	s15 =	simm.s32 $0x50;
	s16 =	simm.s32 $0x18F00;
	s17 =	simm.s32 $0x1  }
0x6: {  	s18 =	simm.s32 $0x1B700;
	s19 =	simm.s32 $0x2;
	s7 =	sand.u32 $0x1, s2  }
0x7: {  	s20 =	simm.s32 $0x18E40;
	s2 =	stileid.u32;
	s8 =	smul.u32 $0x140000, s7  }
0x8: {  	s21 =	simm.s32 $0x0;
	[smem:$0x7FF] =	sst s4;
	s9 =	smul.u32 $0x14000, s2  }
0x9: {  	s5 =	sshll.u32 s7, $0x4;
	_ =	strace $0x80000059;
	s10 =	smul.u32 $0x50000, s2  }
0xa: {  	s29 =	ssub.s32 $0x2, s7;
	s31 =	sshll.u32 s2, $0x6;
	s5 =	sor.u32 s2, s5  }
0xb: {  	s7 =	sshrl.u32 s29, $0x1;
	s5 =	smul.u32 $0x4E2, s5;
	s8 =	sadd.s32 s9, s8  }
0xc: {  	s30 =	sshrl.u32 s10, $0x2;
	s12 =	ssub.s32 s29, s7;
	s8 =	sshrl.u32 s8, $0x3  }
0xd: {  	s13 =	sadd.s32 s30, s3;
	s10 =	smax.u32 s12, $0x1;
	s12 =	simm.s32 $0x3  }
0xe: {  	s28 =	sadd.s32 s5, s6;
	s5 =	sadd.s32 $0x19600, s6;
	s11 =	sadd.s32 s8, s6  }
0xf: {  	s6 =	sor.u32 $0x1C03, s31;
	s7 =	sadd.s32 $0x6C400, s28;
	s8 =	sadd.s32 $0x76200, s28  }
0x10: {  	s9 =	sadd.s32 $0x1D1A00, s11;
	s11 =	sshrl.u32 s13, $0x3;
	s13 =	simm.s32 $0x14000  }
.LBB2_1:
0x11: {  	[spmem:s11], [sflag:s6] =	dma.local [hbm:s5], $0x2800  }
0x12: {  	_ =	swait.ge [sflag:s12], $0x2800  }
0x13: {  	[sflag:s12] =	ssyncset.done $0x0  }
0x14: {  	[sflag:s12] =	ssyncadd.s32 $0xFFFFD800  }
0x15: {  	[tilespmem:s13], [sflag:$0x3] =	stream.linear.gather [hbm4b:s7+s4], $0x2710, $0x38;
	[tilespmem:$0x1DF00] =	vst v63  }
0x16: {  	_ =	swait.ge [sflag:s12], $0x2710  }
0x17: {  	[sflag:s12] =	ssyncset.done $0x0  }
0x18: {  	[sflag:s12] =	ssyncadd.s32 $0xFFFFD8F0  }
0x19: {  	[tilespmem:s14], [sflag:$0x3] =	stream.linear.gather [hbm4b:s8+s4], $0x2710, $0x38;
	[tilespmem:$0x1DF00] =	vst v63  }
0x1a: {  	_ =	swait.ge [sflag:s12], $0x2710  }
0x1b: {  	[sflag:s12] =	ssyncset.done $0x0  }
0x1c: {  	[sflag:s12] =	ssyncadd.s32 $0xFFFFD8F0  }
0x1d: {  	[bflag:$0x0] =	sbarrier.arrive $0xFFFF  }
0x1e: {  	[tilespmem:s16], [sflag:$0x1] =	stream.indirect.gather [hbm4b:s1+s15], $0x80, s13, s15, $0xb8;
	[tilespmem:$0x1DF00] =	vst v63  }
0x1f: {  	_ =	swait.ge [sflag:s17], $0x2800  }
0x20: {  	[sflag:s17] =	ssyncset.done $0x0  }
0x21: {  	s22 =	simm.s32 $0x14050;
	[sflag:s17] =	ssyncadd.s32 $0xFFFFD800  }
0x22: {  	[tilespmem:s18], [sflag:$0x2] =	stream.indirect.gather [hbm4b:s1+s15], $0x80, s22, s15, $0xb8;
	[tilespmem:$0x1DF00] =	vst v63  }
0x23: {  	s29 =	simm.s32 $0x16780  }
0x24: {  	[spmem:s3] =	stream.indirect.scatter.add.f32 [tilespmem:s16], [sflag:$0x3], $0x80, s29, s15, $0xb8;
	[tilespmem:$0x1DF00] =	vst v63  }
0x25: {  	_ =	swait.ge [sflag:s12], $0x2800  }
0x26: {  	[sflag:s12] =	ssyncset.done $0x0  }
0x27: {  	[sflag:s12] =	ssyncadd.s32 $0xFFFFD800  }
0x28: {  	_ =	swait.ge [sflag:s19], $0x2800  }
0x29: {  	[sflag:s19] =	ssyncset.done $0x0  }
0x2a: {  	s30 =	simm.s32 $0x140A0;
	[sflag:s19] =	ssyncadd.s32 $0xFFFFD800  }
0x2b: {  	[tilespmem:s16], [sflag:$0x1] =	stream.indirect.gather [hbm4b:s1+s15], $0x80, s30, s15, $0xb8;
	[tilespmem:$0x1DF00] =	vst v63  }
0x2c: {  	s31 =	simm.s32 $0x167D0  }
0x2d: {  	[spmem:s3] =	stream.indirect.scatter.add.f32 [tilespmem:s18], [sflag:$0x3], $0x80, s31, s15, $0xb8;
	[tilespmem:$0x1DF00] =	vst v63  }
0x2e: {  	_ =	swait.ge [sflag:s12], $0x2800  }
0x2f: {  	s22 =	simm.s32 $0x280;
	[sflag:s12] =	ssyncset.done $0x0  }
.LBB2_2:
0x30: {  	p0 =	sne.s32 s22, $0x9880  }
0x31: {  	[sflag:s12] =	ssyncadd.s32 $0xFFFFD800;
	s23 =	smov.u32 s22;
	s22 =	sadd.s32 $0x280, s22  }
0x32: {  	_ = 	snop  }
0x33: {  	_ =	swait.ge [sflag:s17], $0x2800  }
0x34: {  	s23 =	sshra.s32 s23, $0x2;
	[sflag:s17] =	ssyncset.done $0x0  }
0x35: {  	s24 =	sadd.s32 $0x14050, s23;
	[sflag:s17] =	ssyncadd.s32 $0xFFFFD800  }
0x36: {  	[tilespmem:s18], [sflag:$0x2] =	stream.indirect.gather [hbm4b:s1+s15], $0x80, s24, s15, $0xb8;
	[tilespmem:$0x1DF00] =	vst v63  }
0x37: {  	s24 =	sadd.s32 $0x16780, s23  }
0x38: {  	[spmem:s3] =	stream.indirect.scatter.add.f32 [tilespmem:s16], [sflag:$0x3], $0x80, s24, s15, $0xb8;
	[tilespmem:$0x1DF00] =	vst v63  }
0x39: {  	_ =	swait.ge [sflag:s12], $0x2800  }
0x3a: {  	[sflag:s12] =	ssyncset.done $0x0  }
0x3b: {  	[sflag:s12] =	ssyncadd.s32 $0xFFFFD800  }
0x3c: {  	_ =	swait.ge [sflag:s19], $0x2800  }
0x3d: {  	[sflag:s19] =	ssyncset.done $0x0  }
0x3e: {  	s24 =	sadd.s32 $0x140A0, s23;
	[sflag:s19] =	ssyncadd.s32 $0xFFFFD800  }
0x3f: {  	[tilespmem:s16], [sflag:$0x1] =	stream.indirect.gather [hbm4b:s1+s15], $0x80, s24, s15, $0xb8;
	[tilespmem:$0x1DF00] =	vst v63  }
.Ltmp0:
0x40: {  	_ = 	snop;
	(pc) =	sbr.rel @p0 .LBB2_2-.Ltmp0, $4  }
0x41: {  	s23 =	sadd.s32 $0x167D0, s23  }
0x42: {  	[spmem:s3] =	stream.indirect.scatter.add.f32 [tilespmem:s18], [sflag:$0x3], $0x80, s23, s15, $0xb8;
	[tilespmem:$0x1DF00] =	vst v63  }
0x43: {  	_ =	swait.ge [sflag:s12], $0x2800  }
0x44: {  	[sflag:s12] =	ssyncset.done $0x0  }
0x45: {  	[sflag:s12] =	ssyncadd.s32 $0xFFFFD800  }
0x46: {  	_ =	swait.ge [sflag:s17], $0x2800  }
0x47: {  	[sflag:s17] =	ssyncset.done $0x0  }
0x48: {  	[sflag:s17] =	ssyncadd.s32 $0xFFFFD800  }
0x49: {  	[spmem:s3] =	stream.indirect.scatter.add.f32 [tilespmem:s16], [sflag:$0x3], $0x80, s20, s15, $0xb8;
	[tilespmem:$0x1DF00] =	vst v63  }
0x4a: {  	_ =	swait.ge [sflag:s12], $0x2800  }
0x4b: {  	s21 =	sadd.s32 $0x1, s21;
	[sflag:s12] =	ssyncset.done $0x0  }
0x4c: {  	p0 =	sne.s32 s21, s10;
	[sflag:s12] =	ssyncadd.s32 $0xFFFFD800  }
.Ltmp1:
0x4d: {  	[bflag:$0x0] =	sbarrier.arrive $0xFFFF;
	(pc) =	sbr.rel @p0 .LBB2_1-.Ltmp1, $4  }
0x4e: {  	[hbm:s9], [sflag:s6] =	dma.local [spmem:s11], $0x2800  }
0x4f: {  	_ =	swait.ge [sflag:s12], $0x2800  }
0x50: {  	[sflag:s12] =	ssyncset.done $0x0  }
0x51: {  	[sflag:s12] =	ssyncadd.s32 $0xFFFFD800  }
0x52: {  	_ =	sfence.sel $0x180000  }
0x53: {  	[bflag:$0x0] =	sbarrier.arrive $0xFFFF  }
0x54: {  	p0 =	sne.s32 s2, $0x0;
	_ =	strace $0x90000059  }
0x55: {  	s0 =	sadd.s32 @!p0 $0x100000, s0;
	[bflag:$0x2] =	sbarrier.arrive $0xFFFF  }
0x56: {  	[sflag:s0] =	ssyncadd.tile.s32 @!p0 $0x1;
	_ =	shalt  }
.Lfunc_end2:
_tile_overlayer_lowered:
.L_overlay_start_2:
0x57: {  	(tag) =	ssettag $0x2  }
0x58: {  	s0 =	rddreg [dreg:$0x0];
	s2 =	stileid.u32  }
0x59: {  	s1 =	rddreg [dreg:$0x1];
	p0 =	sne.s32 s2, $0x0  }
0x5a: {  	s3 =	rddreg [dreg:$0x2];
	[bflag:$0x3] =	sbarrier.arrive $0xFFFF;
	s2 =	simm.s32 @!p0 $0x1C03  }
0x5b: {  	[timem:s3], [sflag:s2] =	dma.local @!p0 [hbm:s0], s1  }
0x5c: {  	s0 =	simm.s32 @!p0 $0x3  }
0x5d: {  	_ =	swait.ge @!p0 [sflag:s0], s1  }
0x5e: {  	s1 =	ssub.s32 @!p0 $0x0, s1;
	[sflag:s0] =	ssyncset.done @!p0 $0x0  }
0x5f: {  	[sflag:s0] =	ssyncadd.s32 @!p0 s1  }
0x60: {  	[bflag:$0x3] =	sbarrier.arrive $0xFFFF  }
0x61: {  	_ =	shalt  }

// kernel: kernel.42.cloned.1.call-start
scs
__scs_entry_jumppad:
0x0: {  	(pc) =	sbr.rel $0x88, $3  }
0x1: {  	(tag) =	ssettag $0x0;
	lr =	simm.s32 $0x1  }
0x2: {  	[smem:$0x3F8D] =	sst lr;
	_ =	strace $0xD0000000  }
0x3: {  	_ = 	snop  }
0x4: {  	_ = 	snop  }
0x5: {  	_ = 	snop  }
0x6: {  	_ = 	snop  }
0x7: {  	_ = 	snop  }
__scs_overlays_trampoline_lowered:
0x8: {  	[smem:$0x3F9C] =	sst s0  }
0x9: {  	[smem:$0x3F9D] =	sst s1  }
0xa: {  	[smem:$0x3F9E] =	sst s2  }
0xb: {  	[smem:$0x3F9F] =	sst s3  }
0xc: {  	[smem:$0x3FA0] =	sst s4  }
0xd: {  	[smem:$0x3FA1] =	sst s5  }
0xe: {  	[smem:$0x3FA2] =	sst s6  }
0xf: {  	[smem:$0x3FA3] =	sst s7  }
0x10: {  	[smem:$0x3FA4] =	sst s8  }
0x11: {  	[smem:$0x3FA5] =	sst s9;
	s0 =	simm.s32 @!p0 $0x0  }
0x12: {  	s1 =	sld [smem:$0x3F8B];
	s0 =	simm.s32 @p0 $0x1  }
0x13: {  	[smem:$0x3FA6] =	sst s0;
	s0 =	simm.s32 @!p1 $0x0  }
0x14: {  	s2 =	sld [smem:$0x3F8A];
	s0 =	simm.s32 @p1 $0x1  }
0x15: {  	[smem:$0x3FA7] =	sst s0;
	s0 =	simm.s32 @!p2 $0x0  }
0x16: {  	s3 =	sld [smem:$0x3FDB];
	s0 =	simm.s32 @p2 $0x1  }
0x17: {  	s4 =	simm.s32 $0x1BF5;
	[smem:$0x3FA9] =	sst s0  }
0x18: {  	s0 =	sld [smem:$0x3F8C];
	_ =	swait.ge [sflag:s4], $0x0  }
0x19: {  	s7 =	sld [smem:$0x3F8D]  }
0x1a: {  	s8 =	sadd.s32 $0xFFFFE003, lr  }
0x1b: {  	s9 =	sadd.s32 $0xFFFFFEF7, lr;
	s5 =	simm.s32 $0xFFFFFFFF;
	p2 =	slt.u32 s8, $0xFFFFF086  }
0x1c: {  	p1 =	slt.u32 s9, $0xF7A;
	s5 =	simm.s32 @!p2 $0x0  }
0x1d: {  	s5 =	simm.s32 @p1 $0x1;
	p0 =	seq.s32 s7, s2  }
0x1e: {  	s7 =	smul.u32 @!p0 $0xF7A, s2;
	p2 =	seq.s32 @!p0 s5, $0x0  }
0x1f: {  	s9 =	smul.u32 $0xF7A, s1;
	s8 =	simm.s32 @!p0 $0x1BF5;
	p2 =	por !p2, p0  }
0x20: {  	[sflag:s8] =	ssyncset.s32 @!p0 $0xFFFFF086;
	s6 =	sadd.s32 @!p0 s3, s7;
	s7 =	simm.s32 @!p0 $0x108  }
0x21: {  	s3 =	sadd.s32 s3, s9;
	s6 =	sadd.s32 @!p0 $0x88, s6;
	s7 =	simm.s32 @p2 $0x1082  }
0x22: {  	[simem:s7], [sflag:s8] =	dma.local @!p0 [hbm:s6], $0xF7A  }
0x23: {  	s9 =	sor.u32 $0xD0000000, s2;
	s6 =	simm.s32 $0x108;
	_ =	swait.ge @!p0 [sflag:s8], $0x0  }
0x24: {  	s3 =	sadd.s32 $0x88, s3;
	s6 =	simm.s32 @!p1 $0x1082;
	[sflag:s4] =	ssyncset.s32 $0xFFFFF086  }
0x25: {  	[simem:s6], [sflag:s4] =	dma.local [hbm:s3], $0xF7A  }
0x26: {  	[smem:$0x3F8D] =	sst s1;
	(tag) =	ssettag s2;
	_ =	strace s9  }
0x27: {  	s1 =	sld [smem:$0x3F9D]  }
0x28: {  	s2 =	sld [smem:$0x3F9E]  }
0x29: {  	s4 =	sld [smem:$0x3FA0]  }
0x2a: {  	p0 =	seq.s32 s5, $0x0;
	s5 =	sld [smem:$0x3FA1]  }
0x2b: {  	s6 =	sld [smem:$0x3FA2]  }
0x2c: {  	s7 =	sld [smem:$0x3FA3]  }
0x2d: {  	s3 =	simm.s32 $0x108;
	s8 =	sld [smem:$0x3FA4]  }
0x2e: {  	s3 =	simm.s32 @!p0 $0x1082;
	s9 =	sld [smem:$0x3FA5]  }
0x2f: {  	lr =	sadd.s32 s0, s3;
	s0 =	sld [smem:$0x3F9C]  }
0x30: {  	s3 =	sld [smem:$0x3F9F]  }
0x31: {  	[smem:$0x3FA8] =	sst s10  }
0x32: {  	s10 =	sld [smem:$0x3FA6];
	_ =	sdelay $0x3  }
0x33: {  	p0 =	seq.s32 s10, $0x1;
	s10 =	sld [smem:$0x3FA8];
	_ =	sdelay $0x3  }
0x34: {  	[smem:$0x3FA8] =	sst s10  }
0x35: {  	s10 =	sld [smem:$0x3FA7];
	_ =	sdelay $0x3  }
0x36: {  	p1 =	seq.s32 s10, $0x1;
	s10 =	sld [smem:$0x3FA8];
	_ =	sdelay $0x3  }
0x37: {  	[smem:$0x3FA8] =	sst s10  }
0x38: {  	s10 =	sld [smem:$0x3FA9]  }
0x39: {  	_ = 	snop;
	(pc) =	sbr.ind lr, $3  }
0x3a: {  	_ = 	snop  }
0x3b: {  	_ = 	snop  }
0x3c: {  	p2 =	seq.s32 s10, $0x1;
	s10 =	sld [smem:$0x3FA8]  }
0x3d: {  	_ =	shalt  }
0x3e: {  	_ =	shalt  }
0x3f: {  	_ =	shalt  }
0x40: {  	_ =	shalt  }
0x41: {  	_ =	shalt  }
0x42: {  	_ =	shalt  }
0x43: {  	_ =	shalt  }
0x44: {  	_ =	shalt  }
0x45: {  	_ =	shalt  }
0x46: {  	_ =	shalt  }
0x47: {  	_ =	shalt  }
0x48: {  	_ =	shalt  }
0x49: {  	_ =	shalt  }
0x4a: {  	_ =	shalt  }
0x4b: {  	_ =	shalt  }
0x4c: {  	_ =	shalt  }
0x4d: {  	_ =	shalt  }
0x4e: {  	_ =	shalt  }
0x4f: {  	_ =	shalt  }
0x50: {  	_ =	shalt  }
0x51: {  	_ =	shalt  }
0x52: {  	_ =	shalt  }
0x53: {  	_ =	shalt  }
0x54: {  	_ =	shalt  }
0x55: {  	_ =	shalt  }
0x56: {  	_ =	shalt  }
0x57: {  	_ =	shalt  }
0x58: {  	_ =	shalt  }
0x59: {  	_ =	shalt  }
0x5a: {  	_ =	shalt  }
0x5b: {  	_ =	shalt  }
0x5c: {  	_ =	shalt  }
0x5d: {  	_ =	shalt  }
0x5e: {  	_ =	shalt  }
0x5f: {  	_ =	shalt  }
0x60: {  	_ =	shalt  }
0x61: {  	_ =	shalt  }
0x62: {  	_ =	shalt  }
0x63: {  	_ =	shalt  }
0x64: {  	_ =	shalt  }
0x65: {  	_ =	shalt  }
0x66: {  	_ =	shalt  }
0x67: {  	_ =	shalt  }
0x68: {  	_ =	shalt  }
0x69: {  	_ =	shalt  }
0x6a: {  	_ =	shalt  }
0x6b: {  	_ =	shalt  }
0x6c: {  	_ =	shalt  }
0x6d: {  	_ =	shalt  }
0x6e: {  	_ =	shalt  }
0x6f: {  	_ =	shalt  }
0x70: {  	_ =	shalt  }
0x71: {  	_ =	shalt  }
0x72: {  	_ =	shalt  }
0x73: {  	_ =	shalt  }
0x74: {  	_ =	shalt  }
0x75: {  	_ =	shalt  }
0x76: {  	_ =	shalt  }
0x77: {  	_ =	shalt  }
0x78: {  	_ =	shalt  }
0x79: {  	_ =	shalt  }
0x7a: {  	_ =	shalt  }
0x7b: {  	_ =	shalt  }
0x7c: {  	_ =	shalt  }
0x7d: {  	_ =	shalt  }
0x7e: {  	_ =	shalt  }
0x7f: {  	_ =	shalt  }
0x80: {  	_ =	shalt  }
0x81: {  	_ =	shalt  }
0x82: {  	_ =	shalt  }
0x83: {  	_ =	shalt  }
0x84: {  	_ =	shalt  }
0x85: {  	_ =	shalt  }
0x86: {  	_ =	shalt  }
0x87: {  	_ =	shalt  }
.Lfunc_end0:
.L_simem_size_0:
called_computation.7_lowered:
.L_overlay_start_0:
0x88: {  	s2 =	sld [smem:$0x3FD9]  }
0x89: {  	s3 =	sld [smem:$0x3FFE];
	_ =	sdelay $0x1  }
0x8a: {  	s1 =	srdreg.scid  }
0x8b: {  	s0 =	sand.u32 $0x1, s1  }
0x8c: {  	s16 =	sshll.u32 s0, $0xA;
	s2 =	sadd.s32 s3, s2  }
0x8d: {  	s2 =	sadd.s32 s2, s16  }
0x8e: {  	[smem:$0x3FB4] =	sst s2  }
0x8f: {  	_ = 	snop  }
0x90: {  	(tm) =	ssettm $0x1  }
0x91: {  	s17 =	sld [smem:$0x3FFB];
	_ =	sdelay $0x3  }
0x92: {  	_ =	strace s17  }
0x93: {  	s2 =	sld [smem:$0x3FFC];
	_ =	sdelay $0x3  }
0x94: {  	_ =	strace s2  }
0x95: {  	s2 =	sld [smem:$0x3FFD];
	_ =	sdelay $0x3  }
0x96: {  	_ =	strace s2  }
0x97: {  	_ =	strace $0x8FFFFFFF  }
0x98: {  	s18 =	sld [smem:$0x3FDB];
	_ =	sdelay $0x1  }
0x99: {  	s19 =	simm.s32 $_scs_section_size  }
0x9a: {  	s4 =	simm.s32 $_size__tile_overlayer_lowered;
	s5 =	simm.s32 $_tile_overlayer_lowered  }
0x9b: {  	s22 =	simm.s32 $0x1BFF;
	s21 =	sshll.u32 s5, $0x1;
	s2 =	sadd.s32 s19, s18  }
0x9c: {  	s6 =	simm.s32 $0x0;
	s20 =	sshll.u32 s4, $0x1;
	s4 =	sadd.s32 s21, s2  }
0x9d: {  	[timem:s6], [sflag:s22] =	dma.local [hbm:s4], s20  }
0x9e: {  	_ =	swait.ge [sflag:s22], s20  }
0x9f: {  	s3 =	ssub.s32 $0x0, s20;
	[sflag:s22] =	ssyncset.done $0x0  }
0xa0: {  	[sflag:s22] =	ssyncadd.s32 s3;
	_ =	sdelay $0x1  }
0xa1: {  	s23 =	simm.s32 $0x1B8B  }
0xa2: {  	_ =	swait.ge [sflag:s23], $0x1  }
0xa3: {  	[sflag:s23] =	ssyncset.done $0x0  }
0xa4: {  	s25 =	simm.s32 $0x1B8E;
	s24 =	sld [smem:$0x3FFE];
	[sflag:s23] =	ssyncadd.s32 $0xFFFFFFFF  }
0xa5: {  	s26 =	simm.s32 $execute0_lowered;
	[smem:$0x3FD2] =	sst s25  }
0xa6: {  	s4 =	sshll.u32 s26, $0x1;
	_ =	strace $0x8000005B;
	[dreg:$0x1] =	wrdreg $0xFFFFFFFF  }
0xa7: {  	s28 =	simm.s32 $_size_execute0_lowered;
	s2 =	sadd.s32 s2, s4;
	[dreg:$0x0] =	wrdreg $0x0  }
0xa8: {  	s4 =	sshll.u32 s28, $0x1;
	[dreg:$0x2] =	wrdreg s2  }
0xa9: {  	[dreg:$0x3] =	wrdreg s4  }
0xaa: {  	[dreg:$0x4] =	wrdreg $0xC0  }
0xab: {  	_ =	task [dreg:s6], $0x5FFFF  }
0xac: {  	[dreg:$0x1] =	wrdreg $0xFFFFFFFF  }
0xad: {  	[dreg:$0x0] =	wrdreg $0x60  }
0xae: {  	[dreg:$0x2] =	wrdreg s24  }
0xaf: {  	[dreg:$0x3] =	wrdreg $0x0  }
0xb0: {  	[dreg:$0x4] =	wrdreg $0x9  }
0xb1: {  	_ =	task.clear_ibuf [dreg:s6], $0x5FFFF;
	_ =	strace $0x9000005B  }
0xb2: {  	s29 =	simm.s32 $0x9;
	_ =	strace $0x8000005D  }
0xb3: {  	_ =	swait.ge [sflag:s29], $0x1  }
0xb4: {  	[sflag:s29] =	ssyncadd.s32 $0xFFFFFFFF  }
0xb5: {  	_ =	strace $0x9000005D  }
0xb6: {  	_ =	sfence  }
0xb7: {  	s30 =	sld [smem:$0x0];
	_ =	sdelay $0x2  }
0xb8: {  	s31 =	sshll.u32 s1, $0xD;
	s1 =	sshrl.u32 s1, $0x2  }
0xb9: {  	s3 =	sand.u32 $0x4000, s31;
	s1 =	sadd.s32 s1, s30  }
0xba: {  	s0 =	sor.u32 s3, s0;
	s1 =	sshll.u32 s1, $0x11  }
0xbb: {  	s0 =	sor.u32 s1, s0  }
0xbc: {  	s0 =	sadd.s32 $0x8F2B, s0  }
0xbd: {  	[sflag:s0] =	ssyncadd.remote.s32 $0x1  }
0xbe: {  	_ =	sfence.sel $0xFFFF  }
0xbf: {  	[dreg:$0x0] =	wrdreg $0xFFFFFFFF;
	(pc) =	sbr.abs _section_cstart, $3  }
0xc0: {  	[dreg:$0x1] =	wrdreg $0xFFFFFFFF  }
0xc1: {  	_ =	task.clear_ibuf [dreg:s6], $0x2FFFF;
	_ =	strace $0x9FFFFFFF  }
0xc2: {  	(tm) =	ssettm $0x7FFFFFFF  }
0xc3: {  	_ =	shalt  }
tec
execute0_lowered:
.L_overlay_start_1:
0x0: {  	(tag) =	ssettag $0x1  }
0x1: {  	s6 =	rddreg [dreg:$0x0]  }
0x2: {  	s2 =	rddreg [dreg:$0x1]  }
0x3: {  	s1 =	srdreg.scid;
	s0 =	rddreg [dreg:$0x2]  }
0x4: {  	s3 =	simm.s32 $0x0;
	s14 =	simm.s32 $0x16780;
	s15 =	simm.s32 $0x50  }
0x5: {  	s16 =	simm.s32 $0x18F00;
	s17 =	simm.s32 $0x1;
	s18 =	simm.s32 $0x1B700  }
0x6: {  	s19 =	simm.s32 $0x2;
	s20 =	simm.s32 $0x18E40;
	s7 =	sand.u32 $0x1, s1  }
0x7: {  	s21 =	simm.s32 $0x0;
	s1 =	stileid.u32;
	s5 =	smul.u32 $0x140000, s7  }
0x8: {  	[smem:$0x7FF] =	sst s3;
	s4 =	sshll.u32 s7, $0x4;
	s8 =	smul.u32 $0x14000, s1  }
0x9: {  	_ =	strace $0x8000005C;
	s10 =	smul.u32 $0x50000, s1;
	s31 =	ssub.s32 $0x2, s7  }
0xa: {  	s11 =	sshll.u32 s1, $0x6;
	s4 =	sor.u32 s1, s4;
	s7 =	sshrl.u32 s31, $0x1  }
0xb: {  	s9 =	smul.u32 $0x4E2, s4;
	s4 =	sadd.s32 $0x1D1A00, s6;
	s5 =	sadd.s32 s8, s5  }
0xc: {  	s10 =	sshrl.u32 s10, $0x2;
	s12 =	ssub.s32 s31, s7;
	s30 =	sshrl.u32 s5, $0x3  }
0xd: {  	s5 =	sadd.s32 $0x19600, s6;
	s13 =	sadd.s32 s10, s2;
	s10 =	smax.u32 s12, $0x1  }
0xe: {  	s12 =	simm.s32 $0x3;
	s29 =	sadd.s32 s9, s6;
	s9 =	sadd.s32 s30, s6  }
0xf: {  	s6 =	sor.u32 $0x1C03, s11;
	s11 =	sshrl.u32 s13, $0x3;
	s13 =	simm.s32 $0x14000  }
0x10: {  	s7 =	sadd.s32 $0x6C400, s29;
	s8 =	sadd.s32 $0x76200, s29;
	s9 =	sadd.s32 $0x247000, s9  }
.LBB2_1:
0x11: {  	[spmem:s11], [sflag:s6] =	dma.local [hbm:s5], $0x2800  }
0x12: {  	_ =	swait.ge [sflag:s12], $0x2800  }
0x13: {  	[sflag:s12] =	ssyncset.done $0x0  }
0x14: {  	[sflag:s12] =	ssyncadd.s32 $0xFFFFD800  }
0x15: {  	[tilespmem:s13], [sflag:$0x3] =	stream.linear.gather [hbm4b:s7+s3], $0x2710, $0x38;
	[tilespmem:$0x1DF00] =	vst v63  }
0x16: {  	_ =	swait.ge [sflag:s12], $0x2710  }
0x17: {  	[sflag:s12] =	ssyncset.done $0x0  }
0x18: {  	[sflag:s12] =	ssyncadd.s32 $0xFFFFD8F0  }
0x19: {  	[tilespmem:s14], [sflag:$0x3] =	stream.linear.gather [hbm4b:s8+s3], $0x2710, $0x38;
	[tilespmem:$0x1DF00] =	vst v63  }
0x1a: {  	_ =	swait.ge [sflag:s12], $0x2710  }
0x1b: {  	[sflag:s12] =	ssyncset.done $0x0  }
0x1c: {  	[sflag:s12] =	ssyncadd.s32 $0xFFFFD8F0  }
0x1d: {  	[bflag:$0x0] =	sbarrier.arrive $0xFFFF  }
0x1e: {  	[tilespmem:s16], [sflag:$0x1] =	stream.indirect.gather [hbm4b:s4+s15], $0x80, s13, s15, $0xb8;
	[tilespmem:$0x1DF00] =	vst v63  }
0x1f: {  	_ =	swait.ge [sflag:s17], $0x2800  }
0x20: {  	[sflag:s17] =	ssyncset.done $0x0  }
0x21: {  	s22 =	simm.s32 $0x14050;
	[sflag:s17] =	ssyncadd.s32 $0xFFFFD800  }
0x22: {  	[tilespmem:s18], [sflag:$0x2] =	stream.indirect.gather [hbm4b:s4+s15], $0x80, s22, s15, $0xb8;
	[tilespmem:$0x1DF00] =	vst v63  }
0x23: {  	s29 =	simm.s32 $0x16780  }
0x24: {  	[spmem:s2] =	stream.indirect.scatter.add.f32 [tilespmem:s16], [sflag:$0x3], $0x80, s29, s15, $0xb8;
	[tilespmem:$0x1DF00] =	vst v63  }
0x25: {  	_ =	swait.ge [sflag:s12], $0x2800  }
0x26: {  	[sflag:s12] =	ssyncset.done $0x0  }
0x27: {  	[sflag:s12] =	ssyncadd.s32 $0xFFFFD800  }
0x28: {  	_ =	swait.ge [sflag:s19], $0x2800  }
0x29: {  	[sflag:s19] =	ssyncset.done $0x0  }
0x2a: {  	s30 =	simm.s32 $0x140A0;
	[sflag:s19] =	ssyncadd.s32 $0xFFFFD800  }
0x2b: {  	[tilespmem:s16], [sflag:$0x1] =	stream.indirect.gather [hbm4b:s4+s15], $0x80, s30, s15, $0xb8;
	[tilespmem:$0x1DF00] =	vst v63  }
0x2c: {  	s31 =	simm.s32 $0x167D0  }
0x2d: {  	[spmem:s2] =	stream.indirect.scatter.add.f32 [tilespmem:s18], [sflag:$0x3], $0x80, s31, s15, $0xb8;
	[tilespmem:$0x1DF00] =	vst v63  }
0x2e: {  	_ =	swait.ge [sflag:s12], $0x2800  }
0x2f: {  	s22 =	simm.s32 $0x280;
	[sflag:s12] =	ssyncset.done $0x0  }
.LBB2_2:
0x30: {  	p0 =	sne.s32 s22, $0x9880  }
0x31: {  	[sflag:s12] =	ssyncadd.s32 $0xFFFFD800;
	s23 =	smov.u32 s22;
	s22 =	sadd.s32 $0x280, s22  }
0x32: {  	_ = 	snop  }
0x33: {  	_ =	swait.ge [sflag:s17], $0x2800  }
0x34: {  	s23 =	sshra.s32 s23, $0x2;
	[sflag:s17] =	ssyncset.done $0x0  }
0x35: {  	s24 =	sadd.s32 $0x14050, s23;
	[sflag:s17] =	ssyncadd.s32 $0xFFFFD800  }
0x36: {  	[tilespmem:s18], [sflag:$0x2] =	stream.indirect.gather [hbm4b:s4+s15], $0x80, s24, s15, $0xb8;
	[tilespmem:$0x1DF00] =	vst v63  }
0x37: {  	s24 =	sadd.s32 $0x16780, s23  }
0x38: {  	[spmem:s2] =	stream.indirect.scatter.add.f32 [tilespmem:s16], [sflag:$0x3], $0x80, s24, s15, $0xb8;
	[tilespmem:$0x1DF00] =	vst v63  }
0x39: {  	_ =	swait.ge [sflag:s12], $0x2800  }
0x3a: {  	[sflag:s12] =	ssyncset.done $0x0  }
0x3b: {  	[sflag:s12] =	ssyncadd.s32 $0xFFFFD800  }
0x3c: {  	_ =	swait.ge [sflag:s19], $0x2800  }
0x3d: {  	[sflag:s19] =	ssyncset.done $0x0  }
0x3e: {  	s24 =	sadd.s32 $0x140A0, s23;
	[sflag:s19] =	ssyncadd.s32 $0xFFFFD800  }
0x3f: {  	[tilespmem:s16], [sflag:$0x1] =	stream.indirect.gather [hbm4b:s4+s15], $0x80, s24, s15, $0xb8;
	[tilespmem:$0x1DF00] =	vst v63  }
.Ltmp0:
0x40: {  	_ = 	snop;
	(pc) =	sbr.rel @p0 .LBB2_2-.Ltmp0, $4  }
0x41: {  	s23 =	sadd.s32 $0x167D0, s23  }
0x42: {  	[spmem:s2] =	stream.indirect.scatter.add.f32 [tilespmem:s18], [sflag:$0x3], $0x80, s23, s15, $0xb8;
	[tilespmem:$0x1DF00] =	vst v63  }
0x43: {  	_ =	swait.ge [sflag:s12], $0x2800  }
0x44: {  	[sflag:s12] =	ssyncset.done $0x0  }
0x45: {  	[sflag:s12] =	ssyncadd.s32 $0xFFFFD800  }
0x46: {  	_ =	swait.ge [sflag:s17], $0x2800  }
0x47: {  	[sflag:s17] =	ssyncset.done $0x0  }
0x48: {  	[sflag:s17] =	ssyncadd.s32 $0xFFFFD800  }
0x49: {  	[spmem:s2] =	stream.indirect.scatter.add.f32 [tilespmem:s16], [sflag:$0x3], $0x80, s20, s15, $0xb8;
	[tilespmem:$0x1DF00] =	vst v63  }
0x4a: {  	_ =	swait.ge [sflag:s12], $0x2800  }
0x4b: {  	s21 =	sadd.s32 $0x1, s21;
	[sflag:s12] =	ssyncset.done $0x0  }
0x4c: {  	p0 =	sne.s32 s21, s10;
	[sflag:s12] =	ssyncadd.s32 $0xFFFFD800  }
.Ltmp1:
0x4d: {  	[bflag:$0x0] =	sbarrier.arrive $0xFFFF;
	(pc) =	sbr.rel @p0 .LBB2_1-.Ltmp1, $4  }
0x4e: {  	[hbm:s9], [sflag:s6] =	dma.local [spmem:s11], $0x2800  }
0x4f: {  	_ =	swait.ge [sflag:s12], $0x2800  }
0x50: {  	[sflag:s12] =	ssyncset.done $0x0  }
0x51: {  	[sflag:s12] =	ssyncadd.s32 $0xFFFFD800  }
0x52: {  	_ =	sfence.sel $0x180000  }
0x53: {  	[bflag:$0x0] =	sbarrier.arrive $0xFFFF  }
0x54: {  	p0 =	sne.s32 s1, $0x0;
	_ =	strace $0x9000005C  }
0x55: {  	s0 =	sadd.s32 @!p0 $0x100000, s0;
	[bflag:$0x2] =	sbarrier.arrive $0xFFFF  }
0x56: {  	[sflag:s0] =	ssyncadd.tile.s32 @!p0 $0x1;
	_ =	shalt  }
.Lfunc_end2:
_tile_overlayer_lowered:
.L_overlay_start_2:
0x57: {  	(tag) =	ssettag $0x2  }
0x58: {  	s0 =	rddreg [dreg:$0x0];
	s2 =	stileid.u32  }
0x59: {  	s1 =	rddreg [dreg:$0x1];
	p0 =	sne.s32 s2, $0x0  }
0x5a: {  	s3 =	rddreg [dreg:$0x2];
	[bflag:$0x3] =	sbarrier.arrive $0xFFFF;
	s2 =	simm.s32 @!p0 $0x1C03  }
0x5b: {  	[timem:s3], [sflag:s2] =	dma.local @!p0 [hbm:s0], s1  }
0x5c: {  	s0 =	simm.s32 @!p0 $0x3  }
0x5d: {  	_ =	swait.ge @!p0 [sflag:s0], s1  }
0x5e: {  	s1 =	ssub.s32 @!p0 $0x0, s1;
	[sflag:s0] =	ssyncset.done @!p0 $0x0  }
0x5f: {  	[sflag:s0] =	ssyncadd.s32 @!p0 s1  }
0x60: {  	[bflag:$0x3] =	sbarrier.arrive $0xFFFF  }
0x61: {  	_ =	shalt  }

// kernel: kernel.45.cloned.1.call-start
scs
__scs_entry_jumppad:
0x0: {  	(pc) =	sbr.rel $0x88, $3  }
0x1: {  	(tag) =	ssettag $0x0;
	lr =	simm.s32 $0x1  }
0x2: {  	[smem:$0x3F8D] =	sst lr;
	_ =	strace $0xD0000000  }
0x3: {  	_ = 	snop  }
0x4: {  	_ = 	snop  }
0x5: {  	_ = 	snop  }
0x6: {  	_ = 	snop  }
0x7: {  	_ = 	snop  }
__scs_overlays_trampoline_lowered:
0x8: {  	[smem:$0x3F9C] =	sst s0  }
0x9: {  	[smem:$0x3F9D] =	sst s1  }
0xa: {  	[smem:$0x3F9E] =	sst s2  }
0xb: {  	[smem:$0x3F9F] =	sst s3  }
0xc: {  	[smem:$0x3FA0] =	sst s4  }
0xd: {  	[smem:$0x3FA1] =	sst s5  }
0xe: {  	[smem:$0x3FA2] =	sst s6  }
0xf: {  	[smem:$0x3FA3] =	sst s7  }
0x10: {  	[smem:$0x3FA4] =	sst s8  }
0x11: {  	[smem:$0x3FA5] =	sst s9;
	s0 =	simm.s32 @!p0 $0x0  }
0x12: {  	s1 =	sld [smem:$0x3F8B];
	s0 =	simm.s32 @p0 $0x1  }
0x13: {  	[smem:$0x3FA6] =	sst s0;
	s0 =	simm.s32 @!p1 $0x0  }
0x14: {  	s2 =	sld [smem:$0x3F8A];
	s0 =	simm.s32 @p1 $0x1  }
0x15: {  	[smem:$0x3FA7] =	sst s0;
	s0 =	simm.s32 @!p2 $0x0  }
0x16: {  	s3 =	sld [smem:$0x3FDB];
	s0 =	simm.s32 @p2 $0x1  }
0x17: {  	s4 =	simm.s32 $0x1BF5;
	[smem:$0x3FA9] =	sst s0  }
0x18: {  	s0 =	sld [smem:$0x3F8C];
	_ =	swait.ge [sflag:s4], $0x0  }
0x19: {  	s7 =	sld [smem:$0x3F8D]  }
0x1a: {  	s8 =	sadd.s32 $0xFFFFE003, lr  }
0x1b: {  	s9 =	sadd.s32 $0xFFFFFEF7, lr;
	s5 =	simm.s32 $0xFFFFFFFF;
	p2 =	slt.u32 s8, $0xFFFFF086  }
0x1c: {  	p1 =	slt.u32 s9, $0xF7A;
	s5 =	simm.s32 @!p2 $0x0  }
0x1d: {  	s5 =	simm.s32 @p1 $0x1;
	p0 =	seq.s32 s7, s2  }
0x1e: {  	s7 =	smul.u32 @!p0 $0xF7A, s2;
	p2 =	seq.s32 @!p0 s5, $0x0  }
0x1f: {  	s9 =	smul.u32 $0xF7A, s1;
	s8 =	simm.s32 @!p0 $0x1BF5;
	p2 =	por !p2, p0  }
0x20: {  	[sflag:s8] =	ssyncset.s32 @!p0 $0xFFFFF086;
	s6 =	sadd.s32 @!p0 s3, s7;
	s7 =	simm.s32 @!p0 $0x108  }
0x21: {  	s3 =	sadd.s32 s3, s9;
	s6 =	sadd.s32 @!p0 $0x88, s6;
	s7 =	simm.s32 @p2 $0x1082  }
0x22: {  	[simem:s7], [sflag:s8] =	dma.local @!p0 [hbm:s6], $0xF7A  }
0x23: {  	s9 =	sor.u32 $0xD0000000, s2;
	s6 =	simm.s32 $0x108;
	_ =	swait.ge @!p0 [sflag:s8], $0x0  }
0x24: {  	s3 =	sadd.s32 $0x88, s3;
	s6 =	simm.s32 @!p1 $0x1082;
	[sflag:s4] =	ssyncset.s32 $0xFFFFF086  }
0x25: {  	[simem:s6], [sflag:s4] =	dma.local [hbm:s3], $0xF7A  }
0x26: {  	[smem:$0x3F8D] =	sst s1;
	(tag) =	ssettag s2;
	_ =	strace s9  }
0x27: {  	s1 =	sld [smem:$0x3F9D]  }
0x28: {  	s2 =	sld [smem:$0x3F9E]  }
0x29: {  	s4 =	sld [smem:$0x3FA0]  }
0x2a: {  	p0 =	seq.s32 s5, $0x0;
	s5 =	sld [smem:$0x3FA1]  }
0x2b: {  	s6 =	sld [smem:$0x3FA2]  }
0x2c: {  	s7 =	sld [smem:$0x3FA3]  }
0x2d: {  	s3 =	simm.s32 $0x108;
	s8 =	sld [smem:$0x3FA4]  }
0x2e: {  	s3 =	simm.s32 @!p0 $0x1082;
	s9 =	sld [smem:$0x3FA5]  }
0x2f: {  	lr =	sadd.s32 s0, s3;
	s0 =	sld [smem:$0x3F9C]  }
0x30: {  	s3 =	sld [smem:$0x3F9F]  }
0x31: {  	[smem:$0x3FA8] =	sst s10  }
0x32: {  	s10 =	sld [smem:$0x3FA6];
	_ =	sdelay $0x3  }
0x33: {  	p0 =	seq.s32 s10, $0x1;
	s10 =	sld [smem:$0x3FA8];
	_ =	sdelay $0x3  }
0x34: {  	[smem:$0x3FA8] =	sst s10  }
0x35: {  	s10 =	sld [smem:$0x3FA7];
	_ =	sdelay $0x3  }
0x36: {  	p1 =	seq.s32 s10, $0x1;
	s10 =	sld [smem:$0x3FA8];
	_ =	sdelay $0x3  }
0x37: {  	[smem:$0x3FA8] =	sst s10  }
0x38: {  	s10 =	sld [smem:$0x3FA9]  }
0x39: {  	_ = 	snop;
	(pc) =	sbr.ind lr, $3  }
0x3a: {  	_ = 	snop  }
0x3b: {  	_ = 	snop  }
0x3c: {  	p2 =	seq.s32 s10, $0x1;
	s10 =	sld [smem:$0x3FA8]  }
0x3d: {  	_ =	shalt  }
0x3e: {  	_ =	shalt  }
0x3f: {  	_ =	shalt  }
0x40: {  	_ =	shalt  }
0x41: {  	_ =	shalt  }
0x42: {  	_ =	shalt  }
0x43: {  	_ =	shalt  }
0x44: {  	_ =	shalt  }
0x45: {  	_ =	shalt  }
0x46: {  	_ =	shalt  }
0x47: {  	_ =	shalt  }
0x48: {  	_ =	shalt  }
0x49: {  	_ =	shalt  }
0x4a: {  	_ =	shalt  }
0x4b: {  	_ =	shalt  }
0x4c: {  	_ =	shalt  }
0x4d: {  	_ =	shalt  }
0x4e: {  	_ =	shalt  }
0x4f: {  	_ =	shalt  }
0x50: {  	_ =	shalt  }
0x51: {  	_ =	shalt  }
0x52: {  	_ =	shalt  }
0x53: {  	_ =	shalt  }
0x54: {  	_ =	shalt  }
0x55: {  	_ =	shalt  }
0x56: {  	_ =	shalt  }
0x57: {  	_ =	shalt  }
0x58: {  	_ =	shalt  }
0x59: {  	_ =	shalt  }
0x5a: {  	_ =	shalt  }
0x5b: {  	_ =	shalt  }
0x5c: {  	_ =	shalt  }
0x5d: {  	_ =	shalt  }
0x5e: {  	_ =	shalt  }
0x5f: {  	_ =	shalt  }
0x60: {  	_ =	shalt  }
0x61: {  	_ =	shalt  }
0x62: {  	_ =	shalt  }
0x63: {  	_ =	shalt  }
0x64: {  	_ =	shalt  }
0x65: {  	_ =	shalt  }
0x66: {  	_ =	shalt  }
0x67: {  	_ =	shalt  }
0x68: {  	_ =	shalt  }
0x69: {  	_ =	shalt  }
0x6a: {  	_ =	shalt  }
0x6b: {  	_ =	shalt  }
0x6c: {  	_ =	shalt  }
0x6d: {  	_ =	shalt  }
0x6e: {  	_ =	shalt  }
0x6f: {  	_ =	shalt  }
0x70: {  	_ =	shalt  }
0x71: {  	_ =	shalt  }
0x72: {  	_ =	shalt  }
0x73: {  	_ =	shalt  }
0x74: {  	_ =	shalt  }
0x75: {  	_ =	shalt  }
0x76: {  	_ =	shalt  }
0x77: {  	_ =	shalt  }
0x78: {  	_ =	shalt  }
0x79: {  	_ =	shalt  }
0x7a: {  	_ =	shalt  }
0x7b: {  	_ =	shalt  }
0x7c: {  	_ =	shalt  }
0x7d: {  	_ =	shalt  }
0x7e: {  	_ =	shalt  }
0x7f: {  	_ =	shalt  }
0x80: {  	_ =	shalt  }
0x81: {  	_ =	shalt  }
0x82: {  	_ =	shalt  }
0x83: {  	_ =	shalt  }
0x84: {  	_ =	shalt  }
0x85: {  	_ =	shalt  }
0x86: {  	_ =	shalt  }
0x87: {  	_ =	shalt  }
.Lfunc_end0:
.L_simem_size_0:
called_computation.8_lowered:
.L_overlay_start_0:
0x88: {  	s2 =	sld [smem:$0x3FD9]  }
0x89: {  	s3 =	sld [smem:$0x3FFE];
	_ =	sdelay $0x1  }
0x8a: {  	s1 =	srdreg.scid  }
0x8b: {  	s0 =	sand.u32 $0x1, s1  }
0x8c: {  	s16 =	sshll.u32 s0, $0xA;
	s2 =	sadd.s32 s3, s2  }
0x8d: {  	s2 =	sadd.s32 s2, s16  }
0x8e: {  	[smem:$0x3FB4] =	sst s2  }
0x8f: {  	_ = 	snop  }
0x90: {  	(tm) =	ssettm $0x1  }
0x91: {  	s17 =	sld [smem:$0x3FFB];
	_ =	sdelay $0x3  }
0x92: {  	_ =	strace s17  }
0x93: {  	s2 =	sld [smem:$0x3FFC];
	_ =	sdelay $0x3  }
0x94: {  	_ =	strace s2  }
0x95: {  	s2 =	sld [smem:$0x3FFD];
	_ =	sdelay $0x3  }
0x96: {  	_ =	strace s2  }
0x97: {  	_ =	strace $0x8FFFFFFF  }
0x98: {  	s18 =	sld [smem:$0x3FDB];
	_ =	sdelay $0x1  }
0x99: {  	s19 =	simm.s32 $_scs_section_size  }
0x9a: {  	s4 =	simm.s32 $_size__tile_overlayer_lowered;
	s5 =	simm.s32 $_tile_overlayer_lowered  }
0x9b: {  	s22 =	simm.s32 $0x1BFF;
	s21 =	sshll.u32 s5, $0x1;
	s2 =	sadd.s32 s19, s18  }
0x9c: {  	s6 =	simm.s32 $0x0;
	s20 =	sshll.u32 s4, $0x1;
	s4 =	sadd.s32 s21, s2  }
0x9d: {  	[timem:s6], [sflag:s22] =	dma.local [hbm:s4], s20  }
0x9e: {  	_ =	swait.ge [sflag:s22], s20  }
0x9f: {  	s3 =	ssub.s32 $0x0, s20;
	[sflag:s22] =	ssyncset.done $0x0  }
0xa0: {  	[sflag:s22] =	ssyncadd.s32 s3;
	_ =	sdelay $0x1  }
0xa1: {  	s23 =	simm.s32 $0x1B8B  }
0xa2: {  	_ =	swait.ge [sflag:s23], $0x1  }
0xa3: {  	[sflag:s23] =	ssyncset.done $0x0  }
0xa4: {  	s25 =	simm.s32 $0x1B8E;
	s24 =	sld [smem:$0x3FFE];
	[sflag:s23] =	ssyncadd.s32 $0xFFFFFFFF  }
0xa5: {  	s26 =	simm.s32 $execute0_lowered;
	[smem:$0x3FD2] =	sst s25  }
0xa6: {  	s4 =	sshll.u32 s26, $0x1;
	_ =	strace $0x8000005E;
	[dreg:$0x1] =	wrdreg $0xFFFFFFFF  }
0xa7: {  	s28 =	simm.s32 $_size_execute0_lowered;
	s2 =	sadd.s32 s2, s4;
	[dreg:$0x0] =	wrdreg $0x0  }
0xa8: {  	s4 =	sshll.u32 s28, $0x1;
	[dreg:$0x2] =	wrdreg s2  }
0xa9: {  	[dreg:$0x3] =	wrdreg s4  }
0xaa: {  	[dreg:$0x4] =	wrdreg $0xC0  }
0xab: {  	_ =	task [dreg:s6], $0x5FFFF  }
0xac: {  	[dreg:$0x1] =	wrdreg $0xFFFFFFFF  }
0xad: {  	[dreg:$0x0] =	wrdreg $0x60  }
0xae: {  	[dreg:$0x2] =	wrdreg s24  }
0xaf: {  	[dreg:$0x3] =	wrdreg $0x0  }
0xb0: {  	[dreg:$0x4] =	wrdreg $0x9  }
0xb1: {  	_ =	task.clear_ibuf [dreg:s6], $0x5FFFF;
	_ =	strace $0x9000005E  }
0xb2: {  	s29 =	simm.s32 $0x9;
	_ =	strace $0x80000060  }
0xb3: {  	_ =	swait.ge [sflag:s29], $0x1  }
0xb4: {  	[sflag:s29] =	ssyncadd.s32 $0xFFFFFFFF  }
0xb5: {  	_ =	strace $0x90000060  }
0xb6: {  	_ =	sfence  }
0xb7: {  	s30 =	sld [smem:$0x0];
	_ =	sdelay $0x2  }
0xb8: {  	s31 =	sshll.u32 s1, $0xD;
	s1 =	sshrl.u32 s1, $0x2  }
0xb9: {  	s3 =	sand.u32 $0x4000, s31;
	s1 =	sadd.s32 s1, s30  }
0xba: {  	s0 =	sor.u32 s3, s0;
	s1 =	sshll.u32 s1, $0x11  }
0xbb: {  	s0 =	sor.u32 s1, s0  }
0xbc: {  	s0 =	sadd.s32 $0x8F2B, s0  }
0xbd: {  	[sflag:s0] =	ssyncadd.remote.s32 $0x1  }
0xbe: {  	_ =	sfence.sel $0xFFFF  }
0xbf: {  	[dreg:$0x0] =	wrdreg $0xFFFFFFFF;
	(pc) =	sbr.abs _section_cstart, $3  }
0xc0: {  	[dreg:$0x1] =	wrdreg $0xFFFFFFFF  }
0xc1: {  	_ =	task.clear_ibuf [dreg:s6], $0x2FFFF;
	_ =	strace $0x9FFFFFFF  }
0xc2: {  	(tm) =	ssettm $0x7FFFFFFF  }
0xc3: {  	_ =	shalt  }
tec
execute0_lowered:
.L_overlay_start_1:
0x0: {  	(tag) =	ssettag $0x1  }
0x1: {  	s6 =	rddreg [dreg:$0x0]  }
0x2: {  	s2 =	rddreg [dreg:$0x1]  }
0x3: {  	s1 =	srdreg.scid;
	s0 =	rddreg [dreg:$0x2]  }
0x4: {  	s3 =	simm.s32 $0x0;
	s14 =	simm.s32 $0x16780;
	s15 =	simm.s32 $0x50  }
0x5: {  	s16 =	simm.s32 $0x18F00;
	s17 =	simm.s32 $0x1;
	s18 =	simm.s32 $0x1B700  }
0x6: {  	s19 =	simm.s32 $0x2;
	s20 =	simm.s32 $0x18E40;
	s7 =	sand.u32 $0x1, s1  }
0x7: {  	s21 =	simm.s32 $0x0;
	s1 =	stileid.u32;
	s5 =	smul.u32 $0x140000, s7  }
0x8: {  	[smem:$0x7FF] =	sst s3;
	s4 =	sshll.u32 s7, $0x4;
	s8 =	smul.u32 $0x14000, s1  }
0x9: {  	_ =	strace $0x8000005F;
	s10 =	smul.u32 $0x50000, s1;
	s31 =	ssub.s32 $0x2, s7  }
0xa: {  	s11 =	sshll.u32 s1, $0x6;
	s4 =	sor.u32 s1, s4;
	s7 =	sshrl.u32 s31, $0x1  }
0xb: {  	s9 =	smul.u32 $0x4E2, s4;
	s4 =	sadd.s32 $0x21FE00, s6;
	s5 =	sadd.s32 s8, s5  }
0xc: {  	s10 =	sshrl.u32 s10, $0x2;
	s12 =	ssub.s32 s31, s7;
	s30 =	sshrl.u32 s5, $0x3  }
0xd: {  	s5 =	sadd.s32 $0x19600, s6;
	s13 =	sadd.s32 s10, s2;
	s10 =	smax.u32 s12, $0x1  }
0xe: {  	s12 =	simm.s32 $0x3;
	s29 =	sadd.s32 s9, s6;
	s9 =	sadd.s32 s30, s6  }
0xf: {  	s6 =	sor.u32 $0x1C03, s11;
	s11 =	sshrl.u32 s13, $0x3;
	s13 =	simm.s32 $0x14000  }
0x10: {  	s7 =	sadd.s32 $0x6C400, s29;
	s8 =	sadd.s32 $0x76200, s29;
	s9 =	sadd.s32 $0x297000, s9  }
.LBB2_1:
0x11: {  	[spmem:s11], [sflag:s6] =	dma.local [hbm:s5], $0x2800  }
0x12: {  	_ =	swait.ge [sflag:s12], $0x2800  }
0x13: {  	[sflag:s12] =	ssyncset.done $0x0  }
0x14: {  	[sflag:s12] =	ssyncadd.s32 $0xFFFFD800  }
0x15: {  	[tilespmem:s13], [sflag:$0x3] =	stream.linear.gather [hbm4b:s7+s3], $0x2710, $0x38;
	[tilespmem:$0x1DF00] =	vst v63  }
0x16: {  	_ =	swait.ge [sflag:s12], $0x2710  }
0x17: {  	[sflag:s12] =	ssyncset.done $0x0  }
0x18: {  	[sflag:s12] =	ssyncadd.s32 $0xFFFFD8F0  }
0x19: {  	[tilespmem:s14], [sflag:$0x3] =	stream.linear.gather [hbm4b:s8+s3], $0x2710, $0x38;
	[tilespmem:$0x1DF00] =	vst v63  }
0x1a: {  	_ =	swait.ge [sflag:s12], $0x2710  }
0x1b: {  	[sflag:s12] =	ssyncset.done $0x0  }
0x1c: {  	[sflag:s12] =	ssyncadd.s32 $0xFFFFD8F0  }
0x1d: {  	[bflag:$0x0] =	sbarrier.arrive $0xFFFF  }
0x1e: {  	[tilespmem:s16], [sflag:$0x1] =	stream.indirect.gather [hbm4b:s4+s15], $0x80, s13, s15, $0xb8;
	[tilespmem:$0x1DF00] =	vst v63  }
0x1f: {  	_ =	swait.ge [sflag:s17], $0x2800  }
0x20: {  	[sflag:s17] =	ssyncset.done $0x0  }
0x21: {  	s22 =	simm.s32 $0x14050;
	[sflag:s17] =	ssyncadd.s32 $0xFFFFD800  }
0x22: {  	[tilespmem:s18], [sflag:$0x2] =	stream.indirect.gather [hbm4b:s4+s15], $0x80, s22, s15, $0xb8;
	[tilespmem:$0x1DF00] =	vst v63  }
0x23: {  	s29 =	simm.s32 $0x16780  }
0x24: {  	[spmem:s2] =	stream.indirect.scatter.add.f32 [tilespmem:s16], [sflag:$0x3], $0x80, s29, s15, $0xb8;
	[tilespmem:$0x1DF00] =	vst v63  }
0x25: {  	_ =	swait.ge [sflag:s12], $0x2800  }
0x26: {  	[sflag:s12] =	ssyncset.done $0x0  }
0x27: {  	[sflag:s12] =	ssyncadd.s32 $0xFFFFD800  }
0x28: {  	_ =	swait.ge [sflag:s19], $0x2800  }
0x29: {  	[sflag:s19] =	ssyncset.done $0x0  }
0x2a: {  	s30 =	simm.s32 $0x140A0;
	[sflag:s19] =	ssyncadd.s32 $0xFFFFD800  }
0x2b: {  	[tilespmem:s16], [sflag:$0x1] =	stream.indirect.gather [hbm4b:s4+s15], $0x80, s30, s15, $0xb8;
	[tilespmem:$0x1DF00] =	vst v63  }
0x2c: {  	s31 =	simm.s32 $0x167D0  }
0x2d: {  	[spmem:s2] =	stream.indirect.scatter.add.f32 [tilespmem:s18], [sflag:$0x3], $0x80, s31, s15, $0xb8;
	[tilespmem:$0x1DF00] =	vst v63  }
0x2e: {  	_ =	swait.ge [sflag:s12], $0x2800  }
0x2f: {  	s22 =	simm.s32 $0x280;
	[sflag:s12] =	ssyncset.done $0x0  }
.LBB2_2:
0x30: {  	p0 =	sne.s32 s22, $0x9880  }
0x31: {  	[sflag:s12] =	ssyncadd.s32 $0xFFFFD800;
	s23 =	smov.u32 s22;
	s22 =	sadd.s32 $0x280, s22  }
0x32: {  	_ = 	snop  }
0x33: {  	_ =	swait.ge [sflag:s17], $0x2800  }
0x34: {  	s23 =	sshra.s32 s23, $0x2;
	[sflag:s17] =	ssyncset.done $0x0  }
0x35: {  	s24 =	sadd.s32 $0x14050, s23;
	[sflag:s17] =	ssyncadd.s32 $0xFFFFD800  }
0x36: {  	[tilespmem:s18], [sflag:$0x2] =	stream.indirect.gather [hbm4b:s4+s15], $0x80, s24, s15, $0xb8;
	[tilespmem:$0x1DF00] =	vst v63  }
0x37: {  	s24 =	sadd.s32 $0x16780, s23  }
0x38: {  	[spmem:s2] =	stream.indirect.scatter.add.f32 [tilespmem:s16], [sflag:$0x3], $0x80, s24, s15, $0xb8;
	[tilespmem:$0x1DF00] =	vst v63  }
0x39: {  	_ =	swait.ge [sflag:s12], $0x2800  }
0x3a: {  	[sflag:s12] =	ssyncset.done $0x0  }
0x3b: {  	[sflag:s12] =	ssyncadd.s32 $0xFFFFD800  }
0x3c: {  	_ =	swait.ge [sflag:s19], $0x2800  }
0x3d: {  	[sflag:s19] =	ssyncset.done $0x0  }
0x3e: {  	s24 =	sadd.s32 $0x140A0, s23;
	[sflag:s19] =	ssyncadd.s32 $0xFFFFD800  }
0x3f: {  	[tilespmem:s16], [sflag:$0x1] =	stream.indirect.gather [hbm4b:s4+s15], $0x80, s24, s15, $0xb8;
	[tilespmem:$0x1DF00] =	vst v63  }
.Ltmp0:
0x40: {  	_ = 	snop;
	(pc) =	sbr.rel @p0 .LBB2_2-.Ltmp0, $4  }
0x41: {  	s23 =	sadd.s32 $0x167D0, s23  }
0x42: {  	[spmem:s2] =	stream.indirect.scatter.add.f32 [tilespmem:s18], [sflag:$0x3], $0x80, s23, s15, $0xb8;
	[tilespmem:$0x1DF00] =	vst v63  }
0x43: {  	_ =	swait.ge [sflag:s12], $0x2800  }
0x44: {  	[sflag:s12] =	ssyncset.done $0x0  }
0x45: {  	[sflag:s12] =	ssyncadd.s32 $0xFFFFD800  }
0x46: {  	_ =	swait.ge [sflag:s17], $0x2800  }
0x47: {  	[sflag:s17] =	ssyncset.done $0x0  }
0x48: {  	[sflag:s17] =	ssyncadd.s32 $0xFFFFD800  }
0x49: {  	[spmem:s2] =	stream.indirect.scatter.add.f32 [tilespmem:s16], [sflag:$0x3], $0x80, s20, s15, $0xb8;
	[tilespmem:$0x1DF00] =	vst v63  }
0x4a: {  	_ =	swait.ge [sflag:s12], $0x2800  }
0x4b: {  	s21 =	sadd.s32 $0x1, s21;
	[sflag:s12] =	ssyncset.done $0x0  }
0x4c: {  	p0 =	sne.s32 s21, s10;
	[sflag:s12] =	ssyncadd.s32 $0xFFFFD800  }
.Ltmp1:
0x4d: {  	[bflag:$0x0] =	sbarrier.arrive $0xFFFF;
	(pc) =	sbr.rel @p0 .LBB2_1-.Ltmp1, $4  }
0x4e: {  	[hbm:s9], [sflag:s6] =	dma.local [spmem:s11], $0x2800  }
0x4f: {  	_ =	swait.ge [sflag:s12], $0x2800  }
0x50: {  	[sflag:s12] =	ssyncset.done $0x0  }
0x51: {  	[sflag:s12] =	ssyncadd.s32 $0xFFFFD800  }
0x52: {  	_ =	sfence.sel $0x180000  }
0x53: {  	[bflag:$0x0] =	sbarrier.arrive $0xFFFF  }
0x54: {  	p0 =	sne.s32 s1, $0x0;
	_ =	strace $0x9000005F  }
0x55: {  	s0 =	sadd.s32 @!p0 $0x100000, s0;
	[bflag:$0x2] =	sbarrier.arrive $0xFFFF  }
0x56: {  	[sflag:s0] =	ssyncadd.tile.s32 @!p0 $0x1;
	_ =	shalt  }
.Lfunc_end2:
_tile_overlayer_lowered:
.L_overlay_start_2:
0x57: {  	(tag) =	ssettag $0x2  }
0x58: {  	s0 =	rddreg [dreg:$0x0];
	s2 =	stileid.u32  }
0x59: {  	s1 =	rddreg [dreg:$0x1];
	p0 =	sne.s32 s2, $0x0  }
0x5a: {  	s3 =	rddreg [dreg:$0x2];
	[bflag:$0x3] =	sbarrier.arrive $0xFFFF;
	s2 =	simm.s32 @!p0 $0x1C03  }
0x5b: {  	[timem:s3], [sflag:s2] =	dma.local @!p0 [hbm:s0], s1  }
0x5c: {  	s0 =	simm.s32 @!p0 $0x3  }
0x5d: {  	_ =	swait.ge @!p0 [sflag:s0], s1  }
0x5e: {  	s1 =	ssub.s32 @!p0 $0x0, s1;
	[sflag:s0] =	ssyncset.done @!p0 $0x0  }
0x5f: {  	[sflag:s0] =	ssyncadd.s32 @!p0 s1  }
0x60: {  	[bflag:$0x3] =	sbarrier.arrive $0xFFFF  }
0x61: {  	_ =	shalt  }

// kernel: kernel.48.cloned.1.call-start
scs
__scs_entry_jumppad:
0x0: {  	(pc) =	sbr.rel $0x88, $3  }
0x1: {  	(tag) =	ssettag $0x0;
	lr =	simm.s32 $0x1  }
0x2: {  	[smem:$0x3F8D] =	sst lr;
	_ =	strace $0xD0000000  }
0x3: {  	_ = 	snop  }
0x4: {  	_ = 	snop  }
0x5: {  	_ = 	snop  }
0x6: {  	_ = 	snop  }
0x7: {  	_ = 	snop  }
__scs_overlays_trampoline_lowered:
0x8: {  	[smem:$0x3F9C] =	sst s0  }
0x9: {  	[smem:$0x3F9D] =	sst s1  }
0xa: {  	[smem:$0x3F9E] =	sst s2  }
0xb: {  	[smem:$0x3F9F] =	sst s3  }
0xc: {  	[smem:$0x3FA0] =	sst s4  }
0xd: {  	[smem:$0x3FA1] =	sst s5  }
0xe: {  	[smem:$0x3FA2] =	sst s6  }
0xf: {  	[smem:$0x3FA3] =	sst s7  }
0x10: {  	[smem:$0x3FA4] =	sst s8  }
0x11: {  	[smem:$0x3FA5] =	sst s9;
	s0 =	simm.s32 @!p0 $0x0  }
0x12: {  	s1 =	sld [smem:$0x3F8B];
	s0 =	simm.s32 @p0 $0x1  }
0x13: {  	[smem:$0x3FA6] =	sst s0;
	s0 =	simm.s32 @!p1 $0x0  }
0x14: {  	s2 =	sld [smem:$0x3F8A];
	s0 =	simm.s32 @p1 $0x1  }
0x15: {  	[smem:$0x3FA7] =	sst s0;
	s0 =	simm.s32 @!p2 $0x0  }
0x16: {  	s3 =	sld [smem:$0x3FDB];
	s0 =	simm.s32 @p2 $0x1  }
0x17: {  	s4 =	simm.s32 $0x1BF5;
	[smem:$0x3FA9] =	sst s0  }
0x18: {  	s0 =	sld [smem:$0x3F8C];
	_ =	swait.ge [sflag:s4], $0x0  }
0x19: {  	s7 =	sld [smem:$0x3F8D]  }
0x1a: {  	s8 =	sadd.s32 $0xFFFFE003, lr  }
0x1b: {  	s9 =	sadd.s32 $0xFFFFFEF7, lr;
	s5 =	simm.s32 $0xFFFFFFFF;
	p2 =	slt.u32 s8, $0xFFFFF086  }
0x1c: {  	p1 =	slt.u32 s9, $0xF7A;
	s5 =	simm.s32 @!p2 $0x0  }
0x1d: {  	s5 =	simm.s32 @p1 $0x1;
	p0 =	seq.s32 s7, s2  }
0x1e: {  	s7 =	smul.u32 @!p0 $0xF7A, s2;
	p2 =	seq.s32 @!p0 s5, $0x0  }
0x1f: {  	s9 =	smul.u32 $0xF7A, s1;
	s8 =	simm.s32 @!p0 $0x1BF5;
	p2 =	por !p2, p0  }
0x20: {  	[sflag:s8] =	ssyncset.s32 @!p0 $0xFFFFF086;
	s6 =	sadd.s32 @!p0 s3, s7;
	s7 =	simm.s32 @!p0 $0x108  }
0x21: {  	s3 =	sadd.s32 s3, s9;
	s6 =	sadd.s32 @!p0 $0x88, s6;
	s7 =	simm.s32 @p2 $0x1082  }
0x22: {  	[simem:s7], [sflag:s8] =	dma.local @!p0 [hbm:s6], $0xF7A  }
0x23: {  	s9 =	sor.u32 $0xD0000000, s2;
	s6 =	simm.s32 $0x108;
	_ =	swait.ge @!p0 [sflag:s8], $0x0  }
0x24: {  	s3 =	sadd.s32 $0x88, s3;
	s6 =	simm.s32 @!p1 $0x1082;
	[sflag:s4] =	ssyncset.s32 $0xFFFFF086  }
0x25: {  	[simem:s6], [sflag:s4] =	dma.local [hbm:s3], $0xF7A  }
0x26: {  	[smem:$0x3F8D] =	sst s1;
	(tag) =	ssettag s2;
	_ =	strace s9  }
0x27: {  	s1 =	sld [smem:$0x3F9D]  }
0x28: {  	s2 =	sld [smem:$0x3F9E]  }
0x29: {  	s4 =	sld [smem:$0x3FA0]  }
0x2a: {  	p0 =	seq.s32 s5, $0x0;
	s5 =	sld [smem:$0x3FA1]  }
0x2b: {  	s6 =	sld [smem:$0x3FA2]  }
0x2c: {  	s7 =	sld [smem:$0x3FA3]  }
0x2d: {  	s3 =	simm.s32 $0x108;
	s8 =	sld [smem:$0x3FA4]  }
0x2e: {  	s3 =	simm.s32 @!p0 $0x1082;
	s9 =	sld [smem:$0x3FA5]  }
0x2f: {  	lr =	sadd.s32 s0, s3;
	s0 =	sld [smem:$0x3F9C]  }
0x30: {  	s3 =	sld [smem:$0x3F9F]  }
0x31: {  	[smem:$0x3FA8] =	sst s10  }
0x32: {  	s10 =	sld [smem:$0x3FA6];
	_ =	sdelay $0x3  }
0x33: {  	p0 =	seq.s32 s10, $0x1;
	s10 =	sld [smem:$0x3FA8];
	_ =	sdelay $0x3  }
0x34: {  	[smem:$0x3FA8] =	sst s10  }
0x35: {  	s10 =	sld [smem:$0x3FA7];
	_ =	sdelay $0x3  }
0x36: {  	p1 =	seq.s32 s10, $0x1;
	s10 =	sld [smem:$0x3FA8];
	_ =	sdelay $0x3  }
0x37: {  	[smem:$0x3FA8] =	sst s10  }
0x38: {  	s10 =	sld [smem:$0x3FA9]  }
0x39: {  	_ = 	snop;
	(pc) =	sbr.ind lr, $3  }
0x3a: {  	_ = 	snop  }
0x3b: {  	_ = 	snop  }
0x3c: {  	p2 =	seq.s32 s10, $0x1;
	s10 =	sld [smem:$0x3FA8]  }
0x3d: {  	_ =	shalt  }
0x3e: {  	_ =	shalt  }
0x3f: {  	_ =	shalt  }
0x40: {  	_ =	shalt  }
0x41: {  	_ =	shalt  }
0x42: {  	_ =	shalt  }
0x43: {  	_ =	shalt  }
0x44: {  	_ =	shalt  }
0x45: {  	_ =	shalt  }
0x46: {  	_ =	shalt  }
0x47: {  	_ =	shalt  }
0x48: {  	_ =	shalt  }
0x49: {  	_ =	shalt  }
0x4a: {  	_ =	shalt  }
0x4b: {  	_ =	shalt  }
0x4c: {  	_ =	shalt  }
0x4d: {  	_ =	shalt  }
0x4e: {  	_ =	shalt  }
0x4f: {  	_ =	shalt  }
0x50: {  	_ =	shalt  }
0x51: {  	_ =	shalt  }
0x52: {  	_ =	shalt  }
0x53: {  	_ =	shalt  }
0x54: {  	_ =	shalt  }
0x55: {  	_ =	shalt  }
0x56: {  	_ =	shalt  }
0x57: {  	_ =	shalt  }
0x58: {  	_ =	shalt  }
0x59: {  	_ =	shalt  }
0x5a: {  	_ =	shalt  }
0x5b: {  	_ =	shalt  }
0x5c: {  	_ =	shalt  }
0x5d: {  	_ =	shalt  }
0x5e: {  	_ =	shalt  }
0x5f: {  	_ =	shalt  }
0x60: {  	_ =	shalt  }
0x61: {  	_ =	shalt  }
0x62: {  	_ =	shalt  }
0x63: {  	_ =	shalt  }
0x64: {  	_ =	shalt  }
0x65: {  	_ =	shalt  }
0x66: {  	_ =	shalt  }
0x67: {  	_ =	shalt  }
0x68: {  	_ =	shalt  }
0x69: {  	_ =	shalt  }
0x6a: {  	_ =	shalt  }
0x6b: {  	_ =	shalt  }
0x6c: {  	_ =	shalt  }
0x6d: {  	_ =	shalt  }
0x6e: {  	_ =	shalt  }
0x6f: {  	_ =	shalt  }
0x70: {  	_ =	shalt  }
0x71: {  	_ =	shalt  }
0x72: {  	_ =	shalt  }
0x73: {  	_ =	shalt  }
0x74: {  	_ =	shalt  }
0x75: {  	_ =	shalt  }
0x76: {  	_ =	shalt  }
0x77: {  	_ =	shalt  }
0x78: {  	_ =	shalt  }
0x79: {  	_ =	shalt  }
0x7a: {  	_ =	shalt  }
0x7b: {  	_ =	shalt  }
0x7c: {  	_ =	shalt  }
0x7d: {  	_ =	shalt  }
0x7e: {  	_ =	shalt  }
0x7f: {  	_ =	shalt  }
0x80: {  	_ =	shalt  }
0x81: {  	_ =	shalt  }
0x82: {  	_ =	shalt  }
0x83: {  	_ =	shalt  }
0x84: {  	_ =	shalt  }
0x85: {  	_ =	shalt  }
0x86: {  	_ =	shalt  }
0x87: {  	_ =	shalt  }
.Lfunc_end0:
.L_simem_size_0:
called_computation.9_lowered:
.L_overlay_start_0:
0x88: {  	s2 =	sld [smem:$0x3FD9]  }
0x89: {  	s3 =	sld [smem:$0x3FFE];
	_ =	sdelay $0x1  }
0x8a: {  	s1 =	srdreg.scid  }
0x8b: {  	s0 =	sand.u32 $0x1, s1  }
0x8c: {  	s16 =	sshll.u32 s0, $0xA;
	s2 =	sadd.s32 s3, s2  }
0x8d: {  	s2 =	sadd.s32 s2, s16  }
0x8e: {  	[smem:$0x3FB4] =	sst s2  }
0x8f: {  	_ = 	snop  }
0x90: {  	(tm) =	ssettm $0x1  }
0x91: {  	s17 =	sld [smem:$0x3FFB];
	_ =	sdelay $0x3  }
0x92: {  	_ =	strace s17  }
0x93: {  	s2 =	sld [smem:$0x3FFC];
	_ =	sdelay $0x3  }
0x94: {  	_ =	strace s2  }
0x95: {  	s2 =	sld [smem:$0x3FFD];
	_ =	sdelay $0x3  }
0x96: {  	_ =	strace s2  }
0x97: {  	_ =	strace $0x8FFFFFFF  }
0x98: {  	s18 =	sld [smem:$0x3FDB];
	_ =	sdelay $0x1  }
0x99: {  	s19 =	simm.s32 $_scs_section_size  }
0x9a: {  	s4 =	simm.s32 $_size__tile_overlayer_lowered;
	s5 =	simm.s32 $_tile_overlayer_lowered  }
0x9b: {  	s22 =	simm.s32 $0x1BFF;
	s21 =	sshll.u32 s5, $0x1;
	s2 =	sadd.s32 s19, s18  }
0x9c: {  	s6 =	simm.s32 $0x0;
	s20 =	sshll.u32 s4, $0x1;
	s4 =	sadd.s32 s21, s2  }
0x9d: {  	[timem:s6], [sflag:s22] =	dma.local [hbm:s4], s20  }
0x9e: {  	_ =	swait.ge [sflag:s22], s20  }
0x9f: {  	s3 =	ssub.s32 $0x0, s20;
	[sflag:s22] =	ssyncset.done $0x0  }
0xa0: {  	[sflag:s22] =	ssyncadd.s32 s3;
	_ =	sdelay $0x1  }
0xa1: {  	s23 =	simm.s32 $0x1B8B  }
0xa2: {  	_ =	swait.ge [sflag:s23], $0x1  }
0xa3: {  	[sflag:s23] =	ssyncset.done $0x0  }
0xa4: {  	s25 =	simm.s32 $0x1B8E;
	s24 =	sld [smem:$0x3FFE];
	[sflag:s23] =	ssyncadd.s32 $0xFFFFFFFF  }
0xa5: {  	s26 =	simm.s32 $execute0_lowered;
	[smem:$0x3FD2] =	sst s25  }
0xa6: {  	s4 =	sshll.u32 s26, $0x1;
	_ =	strace $0x80000061;
	[dreg:$0x1] =	wrdreg $0xFFFFFFFF  }
0xa7: {  	s28 =	simm.s32 $_size_execute0_lowered;
	s2 =	sadd.s32 s2, s4;
	[dreg:$0x0] =	wrdreg $0x0  }
0xa8: {  	s4 =	sshll.u32 s28, $0x1;
	[dreg:$0x2] =	wrdreg s2  }
0xa9: {  	[dreg:$0x3] =	wrdreg s4  }
0xaa: {  	[dreg:$0x4] =	wrdreg $0xC0  }
0xab: {  	_ =	task [dreg:s6], $0x5FFFF  }
0xac: {  	[dreg:$0x1] =	wrdreg $0xFFFFFFFF  }
0xad: {  	[dreg:$0x0] =	wrdreg $0x60  }
0xae: {  	[dreg:$0x2] =	wrdreg s24  }
0xaf: {  	[dreg:$0x3] =	wrdreg $0x0  }
0xb0: {  	[dreg:$0x4] =	wrdreg $0x9  }
0xb1: {  	_ =	task.clear_ibuf [dreg:s6], $0x5FFFF;
	_ =	strace $0x90000061  }
0xb2: {  	s29 =	simm.s32 $0x9;
	_ =	strace $0x80000063  }
0xb3: {  	_ =	swait.ge [sflag:s29], $0x1  }
0xb4: {  	[sflag:s29] =	ssyncadd.s32 $0xFFFFFFFF  }
0xb5: {  	_ =	strace $0x90000063  }
0xb6: {  	_ =	sfence  }
0xb7: {  	s30 =	sld [smem:$0x0];
	_ =	sdelay $0x2  }
0xb8: {  	s31 =	sshll.u32 s1, $0xD;
	s1 =	sshrl.u32 s1, $0x2  }
0xb9: {  	s3 =	sand.u32 $0x4000, s31;
	s1 =	sadd.s32 s1, s30  }
0xba: {  	s0 =	sor.u32 s3, s0;
	s1 =	sshll.u32 s1, $0x11  }
0xbb: {  	s0 =	sor.u32 s1, s0  }
0xbc: {  	s0 =	sadd.s32 $0x8F2B, s0  }
0xbd: {  	[sflag:s0] =	ssyncadd.remote.s32 $0x1  }
0xbe: {  	_ =	sfence.sel $0xFFFF  }
0xbf: {  	[dreg:$0x0] =	wrdreg $0xFFFFFFFF;
	(pc) =	sbr.abs _section_cstart, $3  }
0xc0: {  	[dreg:$0x1] =	wrdreg $0xFFFFFFFF  }
0xc1: {  	_ =	task.clear_ibuf [dreg:s6], $0x2FFFF;
	_ =	strace $0x9FFFFFFF  }
0xc2: {  	(tm) =	ssettm $0x7FFFFFFF  }
0xc3: {  	_ =	shalt  }
tec
execute0_lowered:
.L_overlay_start_1:
0x0: {  	(tag) =	ssettag $0x1  }
0x1: {  	s6 =	rddreg [dreg:$0x0]  }
0x2: {  	s2 =	rddreg [dreg:$0x1]  }
0x3: {  	s1 =	srdreg.scid;
	s0 =	rddreg [dreg:$0x2]  }
0x4: {  	s3 =	simm.s32 $0x0;
	s14 =	simm.s32 $0x16780;
	s15 =	simm.s32 $0x50  }
0x5: {  	s16 =	simm.s32 $0x18F00;
	s17 =	simm.s32 $0x1;
	s18 =	simm.s32 $0x1B700  }
0x6: {  	s19 =	simm.s32 $0x2;
	s20 =	simm.s32 $0x18E40;
	s7 =	sand.u32 $0x1, s1  }
0x7: {  	s21 =	simm.s32 $0x0;
	s1 =	stileid.u32;
	s5 =	smul.u32 $0x140000, s7  }
0x8: {  	[smem:$0x7FF] =	sst s3;
	s4 =	sshll.u32 s7, $0x4;
	s8 =	smul.u32 $0x14000, s1  }
0x9: {  	_ =	strace $0x80000062;
	s10 =	smul.u32 $0x50000, s1;
	s31 =	ssub.s32 $0x2, s7  }
0xa: {  	s11 =	sshll.u32 s1, $0x6;
	s4 =	sor.u32 s1, s4;
	s7 =	sshrl.u32 s31, $0x1  }
0xb: {  	s9 =	smul.u32 $0x4E2, s4;
	s4 =	sadd.s32 $0x1F8C00, s6;
	s5 =	sadd.s32 s8, s5  }
0xc: {  	s10 =	sshrl.u32 s10, $0x2;
	s12 =	ssub.s32 s31, s7;
	s30 =	sshrl.u32 s5, $0x3  }
0xd: {  	s5 =	sadd.s32 $0x19600, s6;
	s13 =	sadd.s32 s10, s2;
	s10 =	smax.u32 s12, $0x1  }
0xe: {  	s12 =	simm.s32 $0x3;
	s29 =	sadd.s32 s9, s6;
	s9 =	sadd.s32 s30, s6  }
0xf: {  	s6 =	sor.u32 $0x1C03, s11;
	s11 =	sshrl.u32 s13, $0x3;
	s13 =	simm.s32 $0x14000  }
0x10: {  	s7 =	sadd.s32 $0x6C400, s29;
	s8 =	sadd.s32 $0x76200, s29;
	s9 =	sadd.s32 $0x2E7000, s9  }
.LBB2_1:
0x11: {  	[spmem:s11], [sflag:s6] =	dma.local [hbm:s5], $0x2800  }
0x12: {  	_ =	swait.ge [sflag:s12], $0x2800  }
0x13: {  	[sflag:s12] =	ssyncset.done $0x0  }
0x14: {  	[sflag:s12] =	ssyncadd.s32 $0xFFFFD800  }
0x15: {  	[tilespmem:s13], [sflag:$0x3] =	stream.linear.gather [hbm4b:s7+s3], $0x2710, $0x38;
	[tilespmem:$0x1DF00] =	vst v63  }
0x16: {  	_ =	swait.ge [sflag:s12], $0x2710  }
0x17: {  	[sflag:s12] =	ssyncset.done $0x0  }
0x18: {  	[sflag:s12] =	ssyncadd.s32 $0xFFFFD8F0  }
0x19: {  	[tilespmem:s14], [sflag:$0x3] =	stream.linear.gather [hbm4b:s8+s3], $0x2710, $0x38;
	[tilespmem:$0x1DF00] =	vst v63  }
0x1a: {  	_ =	swait.ge [sflag:s12], $0x2710  }
0x1b: {  	[sflag:s12] =	ssyncset.done $0x0  }
0x1c: {  	[sflag:s12] =	ssyncadd.s32 $0xFFFFD8F0  }
0x1d: {  	[bflag:$0x0] =	sbarrier.arrive $0xFFFF  }
0x1e: {  	[tilespmem:s16], [sflag:$0x1] =	stream.indirect.gather [hbm4b:s4+s15], $0x80, s13, s15, $0xb8;
	[tilespmem:$0x1DF00] =	vst v63  }
0x1f: {  	_ =	swait.ge [sflag:s17], $0x2800  }
0x20: {  	[sflag:s17] =	ssyncset.done $0x0  }
0x21: {  	s22 =	simm.s32 $0x14050;
	[sflag:s17] =	ssyncadd.s32 $0xFFFFD800  }
0x22: {  	[tilespmem:s18], [sflag:$0x2] =	stream.indirect.gather [hbm4b:s4+s15], $0x80, s22, s15, $0xb8;
	[tilespmem:$0x1DF00] =	vst v63  }
0x23: {  	s29 =	simm.s32 $0x16780  }
0x24: {  	[spmem:s2] =	stream.indirect.scatter.add.f32 [tilespmem:s16], [sflag:$0x3], $0x80, s29, s15, $0xb8;
	[tilespmem:$0x1DF00] =	vst v63  }
0x25: {  	_ =	swait.ge [sflag:s12], $0x2800  }
0x26: {  	[sflag:s12] =	ssyncset.done $0x0  }
0x27: {  	[sflag:s12] =	ssyncadd.s32 $0xFFFFD800  }
0x28: {  	_ =	swait.ge [sflag:s19], $0x2800  }
0x29: {  	[sflag:s19] =	ssyncset.done $0x0  }
0x2a: {  	s30 =	simm.s32 $0x140A0;
	[sflag:s19] =	ssyncadd.s32 $0xFFFFD800  }
0x2b: {  	[tilespmem:s16], [sflag:$0x1] =	stream.indirect.gather [hbm4b:s4+s15], $0x80, s30, s15, $0xb8;
	[tilespmem:$0x1DF00] =	vst v63  }
0x2c: {  	s31 =	simm.s32 $0x167D0  }
0x2d: {  	[spmem:s2] =	stream.indirect.scatter.add.f32 [tilespmem:s18], [sflag:$0x3], $0x80, s31, s15, $0xb8;
	[tilespmem:$0x1DF00] =	vst v63  }
0x2e: {  	_ =	swait.ge [sflag:s12], $0x2800  }
0x2f: {  	s22 =	simm.s32 $0x280;
	[sflag:s12] =	ssyncset.done $0x0  }
.LBB2_2:
0x30: {  	p0 =	sne.s32 s22, $0x9880  }
0x31: {  	[sflag:s12] =	ssyncadd.s32 $0xFFFFD800;
	s23 =	smov.u32 s22;
	s22 =	sadd.s32 $0x280, s22  }
0x32: {  	_ = 	snop  }
0x33: {  	_ =	swait.ge [sflag:s17], $0x2800  }
0x34: {  	s23 =	sshra.s32 s23, $0x2;
	[sflag:s17] =	ssyncset.done $0x0  }
0x35: {  	s24 =	sadd.s32 $0x14050, s23;
	[sflag:s17] =	ssyncadd.s32 $0xFFFFD800  }
0x36: {  	[tilespmem:s18], [sflag:$0x2] =	stream.indirect.gather [hbm4b:s4+s15], $0x80, s24, s15, $0xb8;
	[tilespmem:$0x1DF00] =	vst v63  }
0x37: {  	s24 =	sadd.s32 $0x16780, s23  }
0x38: {  	[spmem:s2] =	stream.indirect.scatter.add.f32 [tilespmem:s16], [sflag:$0x3], $0x80, s24, s15, $0xb8;
	[tilespmem:$0x1DF00] =	vst v63  }
0x39: {  	_ =	swait.ge [sflag:s12], $0x2800  }
0x3a: {  	[sflag:s12] =	ssyncset.done $0x0  }
0x3b: {  	[sflag:s12] =	ssyncadd.s32 $0xFFFFD800  }
0x3c: {  	_ =	swait.ge [sflag:s19], $0x2800  }
0x3d: {  	[sflag:s19] =	ssyncset.done $0x0  }
0x3e: {  	s24 =	sadd.s32 $0x140A0, s23;
	[sflag:s19] =	ssyncadd.s32 $0xFFFFD800  }
0x3f: {  	[tilespmem:s16], [sflag:$0x1] =	stream.indirect.gather [hbm4b:s4+s15], $0x80, s24, s15, $0xb8;
	[tilespmem:$0x1DF00] =	vst v63  }
.Ltmp0:
0x40: {  	_ = 	snop;
	(pc) =	sbr.rel @p0 .LBB2_2-.Ltmp0, $4  }
0x41: {  	s23 =	sadd.s32 $0x167D0, s23  }
0x42: {  	[spmem:s2] =	stream.indirect.scatter.add.f32 [tilespmem:s18], [sflag:$0x3], $0x80, s23, s15, $0xb8;
	[tilespmem:$0x1DF00] =	vst v63  }
0x43: {  	_ =	swait.ge [sflag:s12], $0x2800  }
0x44: {  	[sflag:s12] =	ssyncset.done $0x0  }
0x45: {  	[sflag:s12] =	ssyncadd.s32 $0xFFFFD800  }
0x46: {  	_ =	swait.ge [sflag:s17], $0x2800  }
0x47: {  	[sflag:s17] =	ssyncset.done $0x0  }
0x48: {  	[sflag:s17] =	ssyncadd.s32 $0xFFFFD800  }
0x49: {  	[spmem:s2] =	stream.indirect.scatter.add.f32 [tilespmem:s16], [sflag:$0x3], $0x80, s20, s15, $0xb8;
	[tilespmem:$0x1DF00] =	vst v63  }
0x4a: {  	_ =	swait.ge [sflag:s12], $0x2800  }
0x4b: {  	s21 =	sadd.s32 $0x1, s21;
	[sflag:s12] =	ssyncset.done $0x0  }
0x4c: {  	p0 =	sne.s32 s21, s10;
	[sflag:s12] =	ssyncadd.s32 $0xFFFFD800  }
.Ltmp1:
0x4d: {  	[bflag:$0x0] =	sbarrier.arrive $0xFFFF;
	(pc) =	sbr.rel @p0 .LBB2_1-.Ltmp1, $4  }
0x4e: {  	[hbm:s9], [sflag:s6] =	dma.local [spmem:s11], $0x2800  }
0x4f: {  	_ =	swait.ge [sflag:s12], $0x2800  }
0x50: {  	[sflag:s12] =	ssyncset.done $0x0  }
0x51: {  	[sflag:s12] =	ssyncadd.s32 $0xFFFFD800  }
0x52: {  	_ =	sfence.sel $0x180000  }
0x53: {  	[bflag:$0x0] =	sbarrier.arrive $0xFFFF  }
0x54: {  	p0 =	sne.s32 s1, $0x0;
	_ =	strace $0x90000062  }
0x55: {  	s0 =	sadd.s32 @!p0 $0x100000, s0;
	[bflag:$0x2] =	sbarrier.arrive $0xFFFF  }
0x56: {  	[sflag:s0] =	ssyncadd.tile.s32 @!p0 $0x1;
	_ =	shalt  }
.Lfunc_end2:
_tile_overlayer_lowered:
.L_overlay_start_2:
0x57: {  	(tag) =	ssettag $0x2  }
0x58: {  	s0 =	rddreg [dreg:$0x0];
	s2 =	stileid.u32  }
0x59: {  	s1 =	rddreg [dreg:$0x1];
	p0 =	sne.s32 s2, $0x0  }
0x5a: {  	s3 =	rddreg [dreg:$0x2];
	[bflag:$0x3] =	sbarrier.arrive $0xFFFF;
	s2 =	simm.s32 @!p0 $0x1C03  }
0x5b: {  	[timem:s3], [sflag:s2] =	dma.local @!p0 [hbm:s0], s1  }
0x5c: {  	s0 =	simm.s32 @!p0 $0x3  }
0x5d: {  	_ =	swait.ge @!p0 [sflag:s0], s1  }
0x5e: {  	s1 =	ssub.s32 @!p0 $0x0, s1;
	[sflag:s0] =	ssyncset.done @!p0 $0x0  }
0x5f: {  	[sflag:s0] =	ssyncadd.s32 @!p0 s1  }
0x60: {  	[bflag:$0x3] =	sbarrier.arrive $0xFFFF  }
0x61: {  	_ =	shalt  }

</sc_bundles>
